<compile_context>
chip_gen: v7x
topology: tpu7x:2x2x1
jax: 0.10.2.dev20260603
libtpu: 0.0.44.dev20260713+nightly
codegen_flags: <defaults>
</compile_context>

<pallas_src>
import functools

import jax
import jax.numpy as jnp
from jax import lax
from jax.experimental import pallas as pl
from jax.experimental.pallas import tpu as pltpu
from jax.experimental.pallas import tpu_sc as plsc

N = 10000
D_IN = 256
D_OUT = 256
HALF = 128
NT = 16
CHUNK = 128
CH = 80
CH2 = CH // 2
E_PAD = NT * CH * CHUNK
ROWS_PER_TILE = 624



def _mm_body(x_ref, w_ref, out_ref):
    y = jnp.dot(x_ref[...], w_ref[...], preferred_element_type=jnp.float32)
    out_ref[...] = jnp.where(y >= 0.0, y, 0.2 * y)


def _support_blocked(features, W):
    bn = 2000
    grid = (N // bn,)
    return pl.pallas_call(
        _mm_body,
        grid=grid,
        in_specs=[
            pl.BlockSpec((bn, D_IN), lambda i: (i, 0)),
            pl.BlockSpec((D_IN, D_OUT), lambda i: (0, 0)),
        ],
        out_specs=pl.BlockSpec((bn, D_OUT), lambda i: (i, 0)),
        out_shape=jax.ShapeDtypeStruct((N, D_OUT), jnp.float32),
    )(features, W)



def _bcast_lane(vec, lane):
    idx = jnp.full((16, 1), lane, jnp.int32)
    return lax.gather(
        vec,
        idx,
        lax.GatherDimensionNumbers(
            offset_dims=(), collapsed_slice_dims=(0,), start_index_map=(0,)
        ),
        (1,),
        mode=lax.GatherScatterMode.PROMISE_IN_BOUNDS,
    )

def _sc_body(
    sup, eis, ws, out,
    src_v, dst_v, w_v, rows_a, rows_b, acc, gsem, ssem,
):
    srcs = eis.at[1]
    dsts = eis.at[0]
    c = lax.axis_index("c")
    s = lax.axis_index("s")
    rows_v = rows_a
    sup_c = sup.at[:, pl.ds(c * HALF, HALF)]

    pltpu.sync_copy(srcs.at[s].at[pl.ds(0, CH2)], src_v)
    pltpu.sync_copy(dsts.at[s].at[pl.ds(0, CH2)], dst_v)
    pltpu.sync_copy(ws.at[s].at[pl.ds(0, CH2 * CHUNK)], w_v)

    z16 = jnp.zeros((16,), jnp.float32)

    def zrow(i, carry):
        for cb in range(8):
            rows_v[i, pl.ds(cb * 16, 16)] = z16
        return carry

    lax.fori_loop(0, CHUNK, zrow, 0)
    for k in range(6):
        pltpu.sync_copy(
            rows_v.at[pl.ds(0, 104)],
            acc.at[pl.ds(s * ROWS_PER_TILE + k * 104, 104)],
        )

    @pl.when(s == 0)
    def _zero_tail():
        pltpu.sync_copy(rows_v.at[pl.ds(0, 16)], acc.at[pl.ds(9984, 16)])

    plsc.subcore_barrier()

    rows = (rows_a, rows_b)

    def scale_rows(buf, jr):
        def group_body(g, gcarry):
            w16 = w_v[pl.ds(jr * CHUNK + g * 16, 16)]
            for l in range(16):
                wvec = _bcast_lane(w16, l)
                e = g * 16 + l
                for cb in range(8):
                    buf[e, pl.ds(cb * 16, 16)] = (
                        buf[e, pl.ds(cb * 16, 16)] * wvec
                    )
            return gcarry

        lax.fori_loop(0, CHUNK // 16, group_body, 0)

    def start_gather(jrow, buf):
        pltpu.async_copy(sup_c.at[src_v.at[jrow]], buf, gsem)

    def wait_gather(jrow, buf):
        pltpu.make_async_copy(sup_c.at[src_v.at[jrow]], buf, gsem).wait()

    start_gather(0, rows_a)

    def j2_body(j2, carry):
        for b in range(2):
            j = j2 * 2 + b
            jr = lax.rem(j, CH2)
            jr1 = lax.rem(j + 1, CH2)
            cur = rows[b]
            oth = rows[1 - b]
            wait_gather(jr, cur)
            if b == 0:
                @pl.when(j2 > 0)
                def _wait_prev_scatter():
                    pltpu.make_async_copy(
                        oth, acc.at[dst_v.at[jr]], ssem
                    ).wait()

                @pl.when(j2 == CH2 // 2)
                def _restage_dst_w():
                    pltpu.sync_copy(dsts.at[s].at[pl.ds(CH2, CH2)], dst_v)
                    pltpu.sync_copy(
                        ws.at[s].at[pl.ds(CH2 * CHUNK, CH2 * CHUNK)], w_v
                    )

                start_gather(jr1, oth)
            else:
                pltpu.make_async_copy(oth, acc.at[dst_v.at[jr]], ssem).wait()

                @pl.when(j2 == CH2 // 2 - 1)
                def _restage_src():
                    pltpu.sync_copy(srcs.at[s].at[pl.ds(CH2, CH2)], src_v)

                @pl.when(j2 < CH // 2 - 1)
                def _next_gather():
                    start_gather(jr1, oth)

            scale_rows(cur, jr)
            pltpu.async_copy(cur, acc.at[dst_v.at[jr]], ssem, add=True)
        return carry

    lax.fori_loop(0, CH // 2, j2_body, 0)
    pltpu.make_async_copy(rows_b, acc.at[dst_v.at[CH2 - 1]], ssem).wait()
    plsc.subcore_barrier()

    pltpu.sync_copy(
        acc.at[pl.ds(s * ROWS_PER_TILE, ROWS_PER_TILE)],
        out.at[pl.ds(s * ROWS_PER_TILE, ROWS_PER_TILE), pl.ds(c * HALF, HALF)],
    )

    @pl.when(s == 0)
    def _write_tail():
        pltpu.sync_copy(
            acc.at[pl.ds(9984, 16)],
            out.at[pl.ds(9984, 16), pl.ds(c * HALF, HALF)],
        )


def _spmm(sup_blocked, ei_p, w_p):
    mesh = plsc.VectorSubcoreMesh(core_axis_name="c", subcore_axis_name="s")
    f = pl.kernel(
        _sc_body,
        out_type=jax.ShapeDtypeStruct((N, D_OUT), jnp.float32),
        mesh=mesh,
        scratch_types=[
            pltpu.VMEM((CH2, CHUNK), jnp.int32),
            pltpu.VMEM((CH2, CHUNK), jnp.int32),
            pltpu.VMEM((CH2 * CHUNK,), jnp.float32),
            pltpu.VMEM((CHUNK, HALF), jnp.float32),
            pltpu.VMEM((CHUNK, HALF), jnp.float32),
            pltpu.VMEM_SHARED((N, HALF), jnp.float32),
            pltpu.SemaphoreType.DMA,
            pltpu.SemaphoreType.DMA,
        ],
    )
    return f(sup_blocked, ei_p, w_p)



@jax.jit
def kernel(features, edge_index, edge_weight, W):
    sup = _support_blocked(features, W)

    e = edge_index.shape[1]
    pad = E_PAD - e
    spread = (jnp.arange(pad, dtype=jnp.int32) * 61) % N
    ei_p = jnp.concatenate(
        [edge_index.astype(jnp.int32), jnp.tile(spread, (2, 1))], axis=1
    ).reshape(2, NT, CH, CHUNK)
    w_p = jnp.pad(edge_weight, (0, pad)).reshape(NT, CH * CHUNK)

    return _spmm(sup, ei_p, w_p)

# --- scband reference (transcript-rebuilt; emitter-appended) ---
"""Pipeline reference for scband-gnnlayer-75840532512941 (READ-ONLY COPY).

The authoritative reference and input builder live on the scoring server;
editing this copy changes nothing except your own understanding.
"""

import jax, jax.numpy as jnp
import numpy as np

N = 10000
E = 160000
D_IN = 256
D_OUT = 256


def setup_inputs(seed: int = 0) -> dict:
    key = jax.random.key(seed)
    k1, k2, k3, k4 = jax.random.split(key, 4)
    features = jax.random.normal(k1, (N, D_IN), dtype=jnp.float32)
    edge_index = jax.random.randint(k2, (2, E), 0, N)
    edge_weight = jax.random.uniform(k3, (E,), dtype=jnp.float32)
    # xavier_uniform init for weight [in_features, out_features]
    limit = float(np.sqrt(6.0 / (D_IN + D_OUT)))
    W = jax.random.uniform(k4, (D_IN, D_OUT), dtype=jnp.float32, minval=-limit, maxval=limit)
    return {"features": features, "edge_index": edge_index, "edge_weight": edge_weight, "W": W}


def reference(features, edge_index, edge_weight, W):
    # support = LeakyReLU(features @ W, 0.2)  (active=True path)
    support = jax.nn.leaky_relu(jnp.dot(features, W), negative_slope=0.2)
    # spmm(adj, support): adj in COO form, edge_index[0]=row (dst), edge_index[1]=col (src)
    src = edge_index[1]
    dst = edge_index[0]
    msgs = support[src] * edge_weight[:, None]
    output = jax.ops.segment_sum(msgs, dst, num_segments=N)
    return output

if __name__ == "__main__":
    import jax
    _d = setup_inputs()
    print(jax.jit(kernel)(*tuple(_d.values())))

</pallas_src>

<mosaic_0001>
#map = affine_map<(d0, d1) -> (0, 0)>
#map1 = affine_map<(d0, d1) -> (0, 0, 0, 0)>
module attributes {stable_mosaic.version = 14 : i64} {
  func.func @_sc_body(%arg0: i32, %arg1: i32, %arg2: memref<10000x256xf32, #tpu.memory_space<hbm>>, %arg3: memref<2x16x80x128xi32, #tpu.memory_space<hbm>>, %arg4: memref<16x10240xf32, #tpu.memory_space<hbm>>, %arg5: memref<10000x256xf32, #tpu.memory_space<hbm>>, %arg6: memref<40x128xi32, #tpu.memory_space<vmem>>, %arg7: memref<40x128xi32, #tpu.memory_space<vmem>>, %arg8: memref<5120xf32, #tpu.memory_space<vmem>>, %arg9: memref<128x128xf32, #tpu.memory_space<vmem>>, %arg10: memref<128x128xf32, #tpu.memory_space<vmem>>, %arg11: memref<10000x128xf32, #tpu.memory_space<vmem_shared>>, %arg12: memref<!tpu.dma_semaphore, #tpu.memory_space<semaphore_mem>>, %arg13: memref<!tpu.dma_semaphore, #tpu.memory_space<semaphore_mem>>) attributes {dimension_semantics = [#tpu.dimension_semantics<core_parallel>, #tpu.dimension_semantics<subcore_parallel>], iteration_bounds = array<i64: 2, 16>, scalar_prefetch = 0 : i64, scratch_operands = 8 : i64, tpu.core_type = #tpu.core_type<sc_vector_subcore>, window_params = [{transform_indices = #map}, {transform_indices = #map1}, {transform_indices = #map}, {transform_indices = #map}]} {
    %mul3A = arith.constant 128 : i32
    %mul3A_0 = arith.muli %arg0, %mul3A : i32
    %run_scoped3A = arith.constant 1 : i32
    "tpu.region"() ({
      %run_scoped3A_67 = tpu.sem_alloc : memref<!tpu.dma_semaphore, #tpu.memory_space<semaphore_mem>>
      %dma_start3A_68 = arith.constant 0 : i32
      %dma_start3A_69 = arith.constant 0 : i32
      %dma_start3A_70 = arith.constant 0 : i32
      %dma_start3A_71 = tpu.memref_slice %arg3[%run_scoped3A, %dma_start3A_68, %dma_start3A_69, %dma_start3A_70] : memref<2x16x80x128xi32, #tpu.memory_space<hbm>> -> memref<1x16x80x128xi32, #tpu.memory_space<hbm>>
      %dma_start3A_72 = tpu.memref_squeeze %dma_start3A_71 : memref<1x16x80x128xi32, #tpu.memory_space<hbm>> -> memref<16x80x128xi32, #tpu.memory_space<hbm>>
      %dma_start3A_73 = arith.constant 0 : i32
      %dma_start3A_74 = arith.constant 0 : i32
      %dma_start3A_75 = tpu.memref_slice %dma_start3A_72[%arg1, %dma_start3A_73, %dma_start3A_74] : memref<16x80x128xi32, #tpu.memory_space<hbm>> -> memref<1x80x128xi32, #tpu.memory_space<hbm>>
      %dma_start3A_76 = tpu.memref_squeeze %dma_start3A_75 : memref<1x80x128xi32, #tpu.memory_space<hbm>> -> memref<80x128xi32, #tpu.memory_space<hbm>>
      %dma_start3A_77 = arith.constant 0 : i32
      %dma_start3A_78 = arith.constant 0 : i32
      %dma_start3A_79 = tpu.memref_slice %dma_start3A_76[%dma_start3A_77, %dma_start3A_78] : memref<80x128xi32, #tpu.memory_space<hbm>> -> memref<40x128xi32, #tpu.memory_space<hbm>>
      %dma_start3A_80 = arith.constant 0 : i32
      %dma_start3A_81 = arith.constant 0 : i32
      %dma_start3A_82 = arith.constant 0 : i32
      %dma_start3A_83 = tpu.memref_slice %arg3[%run_scoped3A, %dma_start3A_80, %dma_start3A_81, %dma_start3A_82] : memref<2x16x80x128xi32, #tpu.memory_space<hbm>> -> memref<1x16x80x128xi32, #tpu.memory_space<hbm>>
      %dma_start3A_84 = tpu.memref_squeeze %dma_start3A_83 : memref<1x16x80x128xi32, #tpu.memory_space<hbm>> -> memref<16x80x128xi32, #tpu.memory_space<hbm>>
      %dma_start3A_85 = arith.constant 0 : i32
      %dma_start3A_86 = arith.constant 0 : i32
      %dma_start3A_87 = tpu.memref_slice %dma_start3A_84[%arg1, %dma_start3A_85, %dma_start3A_86] : memref<16x80x128xi32, #tpu.memory_space<hbm>> -> memref<1x80x128xi32, #tpu.memory_space<hbm>>
      %dma_start3A_88 = tpu.memref_squeeze %dma_start3A_87 : memref<1x80x128xi32, #tpu.memory_space<hbm>> -> memref<80x128xi32, #tpu.memory_space<hbm>>
      %dma_start3A_89 = arith.constant 0 : i32
      %dma_start3A_90 = arith.constant 0 : i32
      %dma_start3A_91 = tpu.memref_slice %dma_start3A_88[%dma_start3A_89, %dma_start3A_90] : memref<80x128xi32, #tpu.memory_space<hbm>> -> memref<40x128xi32, #tpu.memory_space<hbm>>
      tpu.enqueue_dma source(%dma_start3A_91 : memref<40x128xi32, #tpu.memory_space<hbm>>) target(%arg6 : memref<40x128xi32, #tpu.memory_space<vmem>>) target_semaphore(%run_scoped3A_67 : memref<!tpu.dma_semaphore, #tpu.memory_space<semaphore_mem>>)
      %dma_wait3A_92 = arith.constant 0 : i32
      %dma_wait3A_93 = arith.constant 0 : i32
      %dma_wait3A_94 = arith.constant 0 : i32
      %dma_wait3A_95 = tpu.memref_slice %arg3[%run_scoped3A, %dma_wait3A_92, %dma_wait3A_93, %dma_wait3A_94] : memref<2x16x80x128xi32, #tpu.memory_space<hbm>> -> memref<1x16x80x128xi32, #tpu.memory_space<hbm>>
      %dma_wait3A_96 = tpu.memref_squeeze %dma_wait3A_95 : memref<1x16x80x128xi32, #tpu.memory_space<hbm>> -> memref<16x80x128xi32, #tpu.memory_space<hbm>>
      %dma_wait3A_97 = arith.constant 0 : i32
      %dma_wait3A_98 = arith.constant 0 : i32
      %dma_wait3A_99 = tpu.memref_slice %dma_wait3A_96[%arg1, %dma_wait3A_97, %dma_wait3A_98] : memref<16x80x128xi32, #tpu.memory_space<hbm>> -> memref<1x80x128xi32, #tpu.memory_space<hbm>>
      %dma_wait3A_100 = tpu.memref_squeeze %dma_wait3A_99 : memref<1x80x128xi32, #tpu.memory_space<hbm>> -> memref<80x128xi32, #tpu.memory_space<hbm>>
      %dma_wait3A_101 = arith.constant 0 : i32
      %dma_wait3A_102 = arith.constant 0 : i32
      %dma_wait3A_103 = tpu.memref_slice %dma_wait3A_100[%dma_wait3A_101, %dma_wait3A_102] : memref<80x128xi32, #tpu.memory_space<hbm>> -> memref<40x128xi32, #tpu.memory_space<hbm>>
      %dma_wait3A_104 = arith.constant 0 : i32
      %dma_wait3A_105 = arith.constant 0 : i32
      %dma_wait3A_106 = arith.constant 0 : i32
      %dma_wait3A_107 = tpu.memref_slice %arg3[%run_scoped3A, %dma_wait3A_104, %dma_wait3A_105, %dma_wait3A_106] : memref<2x16x80x128xi32, #tpu.memory_space<hbm>> -> memref<1x16x80x128xi32, #tpu.memory_space<hbm>>
      %dma_wait3A_108 = tpu.memref_squeeze %dma_wait3A_107 : memref<1x16x80x128xi32, #tpu.memory_space<hbm>> -> memref<16x80x128xi32, #tpu.memory_space<hbm>>
      %dma_wait3A_109 = arith.constant 0 : i32
      %dma_wait3A_110 = arith.constant 0 : i32
      %dma_wait3A_111 = tpu.memref_slice %dma_wait3A_108[%arg1, %dma_wait3A_109, %dma_wait3A_110] : memref<16x80x128xi32, #tpu.memory_space<hbm>> -> memref<1x80x128xi32, #tpu.memory_space<hbm>>
      %dma_wait3A_112 = tpu.memref_squeeze %dma_wait3A_111 : memref<1x80x128xi32, #tpu.memory_space<hbm>> -> memref<80x128xi32, #tpu.memory_space<hbm>>
      %dma_wait3A_113 = arith.constant 0 : i32
      %dma_wait3A_114 = arith.constant 0 : i32
      %dma_wait3A_115 = tpu.memref_slice %dma_wait3A_112[%dma_wait3A_113, %dma_wait3A_114] : memref<80x128xi32, #tpu.memory_space<hbm>> -> memref<40x128xi32, #tpu.memory_space<hbm>>
      tpu.wait_dma2 semaphore(%run_scoped3A_67 : memref<!tpu.dma_semaphore, #tpu.memory_space<semaphore_mem>>) src(%dma_wait3A_115 : memref<40x128xi32, #tpu.memory_space<hbm>>) dst(%arg6 : memref<40x128xi32, #tpu.memory_space<vmem>>)
      tpu.yield
    }) : () -> ()
    %run_scoped3A_1 = arith.constant 0 : i32
    "tpu.region"() ({
      %run_scoped3A_67 = tpu.sem_alloc : memref<!tpu.dma_semaphore, #tpu.memory_space<semaphore_mem>>
      %dma_start3A_68 = arith.constant 0 : i32
      %dma_start3A_69 = arith.constant 0 : i32
      %dma_start3A_70 = arith.constant 0 : i32
      %dma_start3A_71 = tpu.memref_slice %arg3[%run_scoped3A_1, %dma_start3A_68, %dma_start3A_69, %dma_start3A_70] : memref<2x16x80x128xi32, #tpu.memory_space<hbm>> -> memref<1x16x80x128xi32, #tpu.memory_space<hbm>>
      %dma_start3A_72 = tpu.memref_squeeze %dma_start3A_71 : memref<1x16x80x128xi32, #tpu.memory_space<hbm>> -> memref<16x80x128xi32, #tpu.memory_space<hbm>>
      %dma_start3A_73 = arith.constant 0 : i32
      %dma_start3A_74 = arith.constant 0 : i32
      %dma_start3A_75 = tpu.memref_slice %dma_start3A_72[%arg1, %dma_start3A_73, %dma_start3A_74] : memref<16x80x128xi32, #tpu.memory_space<hbm>> -> memref<1x80x128xi32, #tpu.memory_space<hbm>>
      %dma_start3A_76 = tpu.memref_squeeze %dma_start3A_75 : memref<1x80x128xi32, #tpu.memory_space<hbm>> -> memref<80x128xi32, #tpu.memory_space<hbm>>
      %dma_start3A_77 = arith.constant 0 : i32
      %dma_start3A_78 = arith.constant 0 : i32
      %dma_start3A_79 = tpu.memref_slice %dma_start3A_76[%dma_start3A_77, %dma_start3A_78] : memref<80x128xi32, #tpu.memory_space<hbm>> -> memref<40x128xi32, #tpu.memory_space<hbm>>
      %dma_start3A_80 = arith.constant 0 : i32
      %dma_start3A_81 = arith.constant 0 : i32
      %dma_start3A_82 = arith.constant 0 : i32
      %dma_start3A_83 = tpu.memref_slice %arg3[%run_scoped3A_1, %dma_start3A_80, %dma_start3A_81, %dma_start3A_82] : memref<2x16x80x128xi32, #tpu.memory_space<hbm>> -> memref<1x16x80x128xi32, #tpu.memory_space<hbm>>
      %dma_start3A_84 = tpu.memref_squeeze %dma_start3A_83 : memref<1x16x80x128xi32, #tpu.memory_space<hbm>> -> memref<16x80x128xi32, #tpu.memory_space<hbm>>
      %dma_start3A_85 = arith.constant 0 : i32
      %dma_start3A_86 = arith.constant 0 : i32
      %dma_start3A_87 = tpu.memref_slice %dma_start3A_84[%arg1, %dma_start3A_85, %dma_start3A_86] : memref<16x80x128xi32, #tpu.memory_space<hbm>> -> memref<1x80x128xi32, #tpu.memory_space<hbm>>
      %dma_start3A_88 = tpu.memref_squeeze %dma_start3A_87 : memref<1x80x128xi32, #tpu.memory_space<hbm>> -> memref<80x128xi32, #tpu.memory_space<hbm>>
      %dma_start3A_89 = arith.constant 0 : i32
      %dma_start3A_90 = arith.constant 0 : i32
      %dma_start3A_91 = tpu.memref_slice %dma_start3A_88[%dma_start3A_89, %dma_start3A_90] : memref<80x128xi32, #tpu.memory_space<hbm>> -> memref<40x128xi32, #tpu.memory_space<hbm>>
      tpu.enqueue_dma source(%dma_start3A_91 : memref<40x128xi32, #tpu.memory_space<hbm>>) target(%arg7 : memref<40x128xi32, #tpu.memory_space<vmem>>) target_semaphore(%run_scoped3A_67 : memref<!tpu.dma_semaphore, #tpu.memory_space<semaphore_mem>>)
      %dma_wait3A_92 = arith.constant 0 : i32
      %dma_wait3A_93 = arith.constant 0 : i32
      %dma_wait3A_94 = arith.constant 0 : i32
      %dma_wait3A_95 = tpu.memref_slice %arg3[%run_scoped3A_1, %dma_wait3A_92, %dma_wait3A_93, %dma_wait3A_94] : memref<2x16x80x128xi32, #tpu.memory_space<hbm>> -> memref<1x16x80x128xi32, #tpu.memory_space<hbm>>
      %dma_wait3A_96 = tpu.memref_squeeze %dma_wait3A_95 : memref<1x16x80x128xi32, #tpu.memory_space<hbm>> -> memref<16x80x128xi32, #tpu.memory_space<hbm>>
      %dma_wait3A_97 = arith.constant 0 : i32
      %dma_wait3A_98 = arith.constant 0 : i32
      %dma_wait3A_99 = tpu.memref_slice %dma_wait3A_96[%arg1, %dma_wait3A_97, %dma_wait3A_98] : memref<16x80x128xi32, #tpu.memory_space<hbm>> -> memref<1x80x128xi32, #tpu.memory_space<hbm>>
      %dma_wait3A_100 = tpu.memref_squeeze %dma_wait3A_99 : memref<1x80x128xi32, #tpu.memory_space<hbm>> -> memref<80x128xi32, #tpu.memory_space<hbm>>
      %dma_wait3A_101 = arith.constant 0 : i32
      %dma_wait3A_102 = arith.constant 0 : i32
      %dma_wait3A_103 = tpu.memref_slice %dma_wait3A_100[%dma_wait3A_101, %dma_wait3A_102] : memref<80x128xi32, #tpu.memory_space<hbm>> -> memref<40x128xi32, #tpu.memory_space<hbm>>
      %dma_wait3A_104 = arith.constant 0 : i32
      %dma_wait3A_105 = arith.constant 0 : i32
      %dma_wait3A_106 = arith.constant 0 : i32
      %dma_wait3A_107 = tpu.memref_slice %arg3[%run_scoped3A_1, %dma_wait3A_104, %dma_wait3A_105, %dma_wait3A_106] : memref<2x16x80x128xi32, #tpu.memory_space<hbm>> -> memref<1x16x80x128xi32, #tpu.memory_space<hbm>>
      %dma_wait3A_108 = tpu.memref_squeeze %dma_wait3A_107 : memref<1x16x80x128xi32, #tpu.memory_space<hbm>> -> memref<16x80x128xi32, #tpu.memory_space<hbm>>
      %dma_wait3A_109 = arith.constant 0 : i32
      %dma_wait3A_110 = arith.constant 0 : i32
      %dma_wait3A_111 = tpu.memref_slice %dma_wait3A_108[%arg1, %dma_wait3A_109, %dma_wait3A_110] : memref<16x80x128xi32, #tpu.memory_space<hbm>> -> memref<1x80x128xi32, #tpu.memory_space<hbm>>
      %dma_wait3A_112 = tpu.memref_squeeze %dma_wait3A_111 : memref<1x80x128xi32, #tpu.memory_space<hbm>> -> memref<80x128xi32, #tpu.memory_space<hbm>>
      %dma_wait3A_113 = arith.constant 0 : i32
      %dma_wait3A_114 = arith.constant 0 : i32
      %dma_wait3A_115 = tpu.memref_slice %dma_wait3A_112[%dma_wait3A_113, %dma_wait3A_114] : memref<80x128xi32, #tpu.memory_space<hbm>> -> memref<40x128xi32, #tpu.memory_space<hbm>>
      tpu.wait_dma2 semaphore(%run_scoped3A_67 : memref<!tpu.dma_semaphore, #tpu.memory_space<semaphore_mem>>) src(%dma_wait3A_115 : memref<40x128xi32, #tpu.memory_space<hbm>>) dst(%arg7 : memref<40x128xi32, #tpu.memory_space<vmem>>)
      tpu.yield
    }) : () -> ()
    "tpu.region"() ({
      %run_scoped3A_67 = tpu.sem_alloc : memref<!tpu.dma_semaphore, #tpu.memory_space<semaphore_mem>>
      %dma_start3A_68 = arith.constant 0 : i32
      %dma_start3A_69 = tpu.memref_slice %arg4[%arg1, %dma_start3A_68] : memref<16x10240xf32, #tpu.memory_space<hbm>> -> memref<1x10240xf32, #tpu.memory_space<hbm>>
      %dma_start3A_70 = tpu.memref_squeeze %dma_start3A_69 : memref<1x10240xf32, #tpu.memory_space<hbm>> -> memref<10240xf32, #tpu.memory_space<hbm>>
      %dma_start3A_71 = arith.constant 0 : i32
      %dma_start3A_72 = tpu.memref_slice %dma_start3A_70[%dma_start3A_71] : memref<10240xf32, #tpu.memory_space<hbm>> -> memref<5120xf32, #tpu.memory_space<hbm>>
      %dma_start3A_73 = arith.constant 0 : i32
      %dma_start3A_74 = tpu.memref_slice %arg4[%arg1, %dma_start3A_73] : memref<16x10240xf32, #tpu.memory_space<hbm>> -> memref<1x10240xf32, #tpu.memory_space<hbm>>
      %dma_start3A_75 = tpu.memref_squeeze %dma_start3A_74 : memref<1x10240xf32, #tpu.memory_space<hbm>> -> memref<10240xf32, #tpu.memory_space<hbm>>
      %dma_start3A_76 = arith.constant 0 : i32
      %dma_start3A_77 = tpu.memref_slice %dma_start3A_75[%dma_start3A_76] : memref<10240xf32, #tpu.memory_space<hbm>> -> memref<5120xf32, #tpu.memory_space<hbm>>
      tpu.enqueue_dma source(%dma_start3A_77 : memref<5120xf32, #tpu.memory_space<hbm>>) target(%arg8 : memref<5120xf32, #tpu.memory_space<vmem>>) target_semaphore(%run_scoped3A_67 : memref<!tpu.dma_semaphore, #tpu.memory_space<semaphore_mem>>)
      %dma_wait3A_78 = arith.constant 0 : i32
      %dma_wait3A_79 = tpu.memref_slice %arg4[%arg1, %dma_wait3A_78] : memref<16x10240xf32, #tpu.memory_space<hbm>> -> memref<1x10240xf32, #tpu.memory_space<hbm>>
      %dma_wait3A_80 = tpu.memref_squeeze %dma_wait3A_79 : memref<1x10240xf32, #tpu.memory_space<hbm>> -> memref<10240xf32, #tpu.memory_space<hbm>>
      %dma_wait3A_81 = arith.constant 0 : i32
      %dma_wait3A_82 = tpu.memref_slice %dma_wait3A_80[%dma_wait3A_81] : memref<10240xf32, #tpu.memory_space<hbm>> -> memref<5120xf32, #tpu.memory_space<hbm>>
      %dma_wait3A_83 = arith.constant 0 : i32
      %dma_wait3A_84 = tpu.memref_slice %arg4[%arg1, %dma_wait3A_83] : memref<16x10240xf32, #tpu.memory_space<hbm>> -> memref<1x10240xf32, #tpu.memory_space<hbm>>
      %dma_wait3A_85 = tpu.memref_squeeze %dma_wait3A_84 : memref<1x10240xf32, #tpu.memory_space<hbm>> -> memref<10240xf32, #tpu.memory_space<hbm>>
      %dma_wait3A_86 = arith.constant 0 : i32
      %dma_wait3A_87 = tpu.memref_slice %dma_wait3A_85[%dma_wait3A_86] : memref<10240xf32, #tpu.memory_space<hbm>> -> memref<5120xf32, #tpu.memory_space<hbm>>
      tpu.wait_dma2 semaphore(%run_scoped3A_67 : memref<!tpu.dma_semaphore, #tpu.memory_space<semaphore_mem>>) src(%dma_wait3A_87 : memref<5120xf32, #tpu.memory_space<hbm>>) dst(%arg8 : memref<5120xf32, #tpu.memory_space<vmem>>)
      tpu.yield
    }) : () -> ()
    %broadcast_in_dim3A = arith.constant 0.000000e+00 : f32
    %broadcast_in_dim3A_2 = vector.broadcast %broadcast_in_dim3A : f32 to vector<16xf32>
    %scan3A = arith.constant 0 : i32
    %scan3A_3 = arith.constant 0 : i32
    %scan3A_4 = arith.constant 128 : i32
    %scan3A_5 = arith.addi %scan3A_3, %scan3A_4 : i32
    %scan3A_6 = arith.constant 1 : i32
    scf.for %scan3A_67 = %scan3A_3 to %scan3A_5 step %scan3A_6  : i32 {
      %swap3A = arith.index_cast %scan3A_67 : i32 to index
      %swap3A_68 = arith.constant 0 : index
      %swap3A_69 = tpu.vector_load %arg9[%swap3A, %swap3A_68] {strides = array<i32>} : memref<128x128xf32, #tpu.memory_space<vmem>>, vector<1x16xf32>,
      %swap3A_70 = vector.shape_cast %swap3A_69 : vector<1x16xf32> to vector<16xf32>
      %swap3A_71 = vector.shape_cast %broadcast_in_dim3A_2 : vector<16xf32> to vector<1x16xf32>
      tpu.vector_store %arg9[%swap3A, %swap3A_68], %swap3A_71 {strides = array<i32>} : memref<128x128xf32, #tpu.memory_space<vmem>>, vector<1x16xf32>,
      %swap3A_72 = arith.index_cast %scan3A_67 : i32 to index
      %swap3A_73 = arith.constant 16 : index
      %swap3A_74 = tpu.vector_load %arg9[%swap3A_72, %swap3A_73] {strides = array<i32>} : memref<128x128xf32, #tpu.memory_space<vmem>>, vector<1x16xf32>,
      %swap3A_75 = vector.shape_cast %swap3A_74 : vector<1x16xf32> to vector<16xf32>
      %swap3A_76 = vector.shape_cast %broadcast_in_dim3A_2 : vector<16xf32> to vector<1x16xf32>
      tpu.vector_store %arg9[%swap3A_72, %swap3A_73], %swap3A_76 {strides = array<i32>} : memref<128x128xf32, #tpu.memory_space<vmem>>, vector<1x16xf32>,
      %swap3A_77 = arith.index_cast %scan3A_67 : i32 to index
      %swap3A_78 = arith.constant 32 : index
      %swap3A_79 = tpu.vector_load %arg9[%swap3A_77, %swap3A_78] {strides = array<i32>} : memref<128x128xf32, #tpu.memory_space<vmem>>, vector<1x16xf32>,
      %swap3A_80 = vector.shape_cast %swap3A_79 : vector<1x16xf32> to vector<16xf32>
      %swap3A_81 = vector.shape_cast %broadcast_in_dim3A_2 : vector<16xf32> to vector<1x16xf32>
      tpu.vector_store %arg9[%swap3A_77, %swap3A_78], %swap3A_81 {strides = array<i32>} : memref<128x128xf32, #tpu.memory_space<vmem>>, vector<1x16xf32>,
      %swap3A_82 = arith.index_cast %scan3A_67 : i32 to index
      %swap3A_83 = arith.constant 48 : index
      %swap3A_84 = tpu.vector_load %arg9[%swap3A_82, %swap3A_83] {strides = array<i32>} : memref<128x128xf32, #tpu.memory_space<vmem>>, vector<1x16xf32>,
      %swap3A_85 = vector.shape_cast %swap3A_84 : vector<1x16xf32> to vector<16xf32>
      %swap3A_86 = vector.shape_cast %broadcast_in_dim3A_2 : vector<16xf32> to vector<1x16xf32>
      tpu.vector_store %arg9[%swap3A_82, %swap3A_83], %swap3A_86 {strides = array<i32>} : memref<128x128xf32, #tpu.memory_space<vmem>>, vector<1x16xf32>,
      %swap3A_87 = arith.index_cast %scan3A_67 : i32 to index
      %swap3A_88 = arith.constant 64 : index
      %swap3A_89 = tpu.vector_load %arg9[%swap3A_87, %swap3A_88] {strides = array<i32>} : memref<128x128xf32, #tpu.memory_space<vmem>>, vector<1x16xf32>,
      %swap3A_90 = vector.shape_cast %swap3A_89 : vector<1x16xf32> to vector<16xf32>
      %swap3A_91 = vector.shape_cast %broadcast_in_dim3A_2 : vector<16xf32> to vector<1x16xf32>
      tpu.vector_store %arg9[%swap3A_87, %swap3A_88], %swap3A_91 {strides = array<i32>} : memref<128x128xf32, #tpu.memory_space<vmem>>, vector<1x16xf32>,
      %swap3A_92 = arith.index_cast %scan3A_67 : i32 to index
      %swap3A_93 = arith.constant 80 : index
      %swap3A_94 = tpu.vector_load %arg9[%swap3A_92, %swap3A_93] {strides = array<i32>} : memref<128x128xf32, #tpu.memory_space<vmem>>, vector<1x16xf32>,
      %swap3A_95 = vector.shape_cast %swap3A_94 : vector<1x16xf32> to vector<16xf32>
      %swap3A_96 = vector.shape_cast %broadcast_in_dim3A_2 : vector<16xf32> to vector<1x16xf32>
      tpu.vector_store %arg9[%swap3A_92, %swap3A_93], %swap3A_96 {strides = array<i32>} : memref<128x128xf32, #tpu.memory_space<vmem>>, vector<1x16xf32>,
      %swap3A_97 = arith.index_cast %scan3A_67 : i32 to index
      %swap3A_98 = arith.constant 96 : index
      %swap3A_99 = tpu.vector_load %arg9[%swap3A_97, %swap3A_98] {strides = array<i32>} : memref<128x128xf32, #tpu.memory_space<vmem>>, vector<1x16xf32>,
      %swap3A_100 = vector.shape_cast %swap3A_99 : vector<1x16xf32> to vector<16xf32>
      %swap3A_101 = vector.shape_cast %broadcast_in_dim3A_2 : vector<16xf32> to vector<1x16xf32>
      tpu.vector_store %arg9[%swap3A_97, %swap3A_98], %swap3A_101 {strides = array<i32>} : memref<128x128xf32, #tpu.memory_space<vmem>>, vector<1x16xf32>,
      %swap3A_102 = arith.index_cast %scan3A_67 : i32 to index
      %swap3A_103 = arith.constant 112 : index
      %swap3A_104 = tpu.vector_load %arg9[%swap3A_102, %swap3A_103] {strides = array<i32>} : memref<128x128xf32, #tpu.memory_space<vmem>>, vector<1x16xf32>,
      %swap3A_105 = vector.shape_cast %swap3A_104 : vector<1x16xf32> to vector<16xf32>
      %swap3A_106 = vector.shape_cast %broadcast_in_dim3A_2 : vector<16xf32> to vector<1x16xf32>
      tpu.vector_store %arg9[%swap3A_102, %swap3A_103], %swap3A_106 {strides = array<i32>} : memref<128x128xf32, #tpu.memory_space<vmem>>, vector<1x16xf32>,
    }
    %scan3A_7 = arith.constant 128 : i32
    %mul3A_8 = arith.constant 624 : i32
    %mul3A_9 = arith.muli %arg1, %mul3A_8 : i32
    %add3A = arith.constant 0 : i32
    %add3A_10 = arith.addi %mul3A_9, %add3A : i32
    "tpu.region"() ({
      %run_scoped3A_67 = tpu.sem_alloc : memref<!tpu.dma_semaphore, #tpu.memory_space<semaphore_mem>>
      %dma_start3A_68 = arith.constant 0 : i32
      %dma_start3A_69 = arith.constant 0 : i32
      %dma_start3A_70 = tpu.memref_slice %arg9[%dma_start3A_68, %dma_start3A_69] : memref<128x128xf32, #tpu.memory_space<vmem>> -> memref<104x128xf32, #tpu.memory_space<vmem>>
      %dma_start3A_71 = arith.constant 0 : i32
      %dma_start3A_72 = tpu.memref_slice %arg11[%add3A_10, %dma_start3A_71] : memref<10000x128xf32, #tpu.memory_space<vmem_shared>> -> memref<104x128xf32, #tpu.memory_space<vmem_shared>>
      %dma_start3A_73 = arith.constant 0 : i32
      %dma_start3A_74 = tpu.memref_slice %arg11[%add3A_10, %dma_start3A_73] : memref<10000x128xf32, #tpu.memory_space<vmem_shared>> -> memref<104x128xf32, #tpu.memory_space<vmem_shared>>
      %dma_start3A_75 = arith.constant 0 : i32
      %dma_start3A_76 = arith.constant 0 : i32
      %dma_start3A_77 = tpu.memref_slice %arg9[%dma_start3A_75, %dma_start3A_76] : memref<128x128xf32, #tpu.memory_space<vmem>> -> memref<104x128xf32, #tpu.memory_space<vmem>>
      tpu.enqueue_dma source(%dma_start3A_77 : memref<104x128xf32, #tpu.memory_space<vmem>>) target(%dma_start3A_74 : memref<104x128xf32, #tpu.memory_space<vmem_shared>>) target_semaphore(%run_scoped3A_67 : memref<!tpu.dma_semaphore, #tpu.memory_space<semaphore_mem>>)
      %dma_wait3A_78 = arith.constant 0 : i32
      %dma_wait3A_79 = arith.constant 0 : i32
      %dma_wait3A_80 = tpu.memref_slice %arg9[%dma_wait3A_78, %dma_wait3A_79] : memref<128x128xf32, #tpu.memory_space<vmem>> -> memref<104x128xf32, #tpu.memory_space<vmem>>
      %dma_wait3A_81 = arith.constant 0 : i32
      %dma_wait3A_82 = tpu.memref_slice %arg11[%add3A_10, %dma_wait3A_81] : memref<10000x128xf32, #tpu.memory_space<vmem_shared>> -> memref<104x128xf32, #tpu.memory_space<vmem_shared>>
      %dma_wait3A_83 = arith.constant 0 : i32
      %dma_wait3A_84 = tpu.memref_slice %arg11[%add3A_10, %dma_wait3A_83] : memref<10000x128xf32, #tpu.memory_space<vmem_shared>> -> memref<104x128xf32, #tpu.memory_space<vmem_shared>>
      %dma_wait3A_85 = arith.constant 0 : i32
      %dma_wait3A_86 = arith.constant 0 : i32
      %dma_wait3A_87 = tpu.memref_slice %arg9[%dma_wait3A_85, %dma_wait3A_86] : memref<128x128xf32, #tpu.memory_space<vmem>> -> memref<104x128xf32, #tpu.memory_space<vmem>>
      tpu.wait_dma2 semaphore(%run_scoped3A_67 : memref<!tpu.dma_semaphore, #tpu.memory_space<semaphore_mem>>) src(%dma_wait3A_87 : memref<104x128xf32, #tpu.memory_space<vmem>>) dst(%dma_wait3A_84 : memref<104x128xf32, #tpu.memory_space<vmem_shared>>)
      tpu.yield
    }) : () -> ()
    %mul3A_11 = arith.constant 624 : i32
    %mul3A_12 = arith.muli %arg1, %mul3A_11 : i32
    %add3A_13 = arith.constant 104 : i32
    %add3A_14 = arith.addi %mul3A_12, %add3A_13 : i32
    "tpu.region"() ({
      %run_scoped3A_67 = tpu.sem_alloc : memref<!tpu.dma_semaphore, #tpu.memory_space<semaphore_mem>>
      %dma_start3A_68 = arith.constant 0 : i32
      %dma_start3A_69 = arith.constant 0 : i32
      %dma_start3A_70 = tpu.memref_slice %arg9[%dma_start3A_68, %dma_start3A_69] : memref<128x128xf32, #tpu.memory_space<vmem>> -> memref<104x128xf32, #tpu.memory_space<vmem>>
      %dma_start3A_71 = arith.constant 0 : i32
      %dma_start3A_72 = tpu.memref_slice %arg11[%add3A_14, %dma_start3A_71] : memref<10000x128xf32, #tpu.memory_space<vmem_shared>> -> memref<104x128xf32, #tpu.memory_space<vmem_shared>>
      %dma_start3A_73 = arith.constant 0 : i32
      %dma_start3A_74 = tpu.memref_slice %arg11[%add3A_14, %dma_start3A_73] : memref<10000x128xf32, #tpu.memory_space<vmem_shared>> -> memref<104x128xf32, #tpu.memory_space<vmem_shared>>
      %dma_start3A_75 = arith.constant 0 : i32
      %dma_start3A_76 = arith.constant 0 : i32
      %dma_start3A_77 = tpu.memref_slice %arg9[%dma_start3A_75, %dma_start3A_76] : memref<128x128xf32, #tpu.memory_space<vmem>> -> memref<104x128xf32, #tpu.memory_space<vmem>>
      tpu.enqueue_dma source(%dma_start3A_77 : memref<104x128xf32, #tpu.memory_space<vmem>>) target(%dma_start3A_74 : memref<104x128xf32, #tpu.memory_space<vmem_shared>>) target_semaphore(%run_scoped3A_67 : memref<!tpu.dma_semaphore, #tpu.memory_space<semaphore_mem>>)
      %dma_wait3A_78 = arith.constant 0 : i32
      %dma_wait3A_79 = arith.constant 0 : i32
      %dma_wait3A_80 = tpu.memref_slice %arg9[%dma_wait3A_78, %dma_wait3A_79] : memref<128x128xf32, #tpu.memory_space<vmem>> -> memref<104x128xf32, #tpu.memory_space<vmem>>
      %dma_wait3A_81 = arith.constant 0 : i32
      %dma_wait3A_82 = tpu.memref_slice %arg11[%add3A_14, %dma_wait3A_81] : memref<10000x128xf32, #tpu.memory_space<vmem_shared>> -> memref<104x128xf32, #tpu.memory_space<vmem_shared>>
      %dma_wait3A_83 = arith.constant 0 : i32
      %dma_wait3A_84 = tpu.memref_slice %arg11[%add3A_14, %dma_wait3A_83] : memref<10000x128xf32, #tpu.memory_space<vmem_shared>> -> memref<104x128xf32, #tpu.memory_space<vmem_shared>>
      %dma_wait3A_85 = arith.constant 0 : i32
      %dma_wait3A_86 = arith.constant 0 : i32
      %dma_wait3A_87 = tpu.memref_slice %arg9[%dma_wait3A_85, %dma_wait3A_86] : memref<128x128xf32, #tpu.memory_space<vmem>> -> memref<104x128xf32, #tpu.memory_space<vmem>>
      tpu.wait_dma2 semaphore(%run_scoped3A_67 : memref<!tpu.dma_semaphore, #tpu.memory_space<semaphore_mem>>) src(%dma_wait3A_87 : memref<104x128xf32, #tpu.memory_space<vmem>>) dst(%dma_wait3A_84 : memref<104x128xf32, #tpu.memory_space<vmem_shared>>)
      tpu.yield
    }) : () -> ()
    %mul3A_15 = arith.constant 624 : i32
    %mul3A_16 = arith.muli %arg1, %mul3A_15 : i32
    %add3A_17 = arith.constant 208 : i32
    %add3A_18 = arith.addi %mul3A_16, %add3A_17 : i32
    "tpu.region"() ({
      %run_scoped3A_67 = tpu.sem_alloc : memref<!tpu.dma_semaphore, #tpu.memory_space<semaphore_mem>>
      %dma_start3A_68 = arith.constant 0 : i32
      %dma_start3A_69 = arith.constant 0 : i32
      %dma_start3A_70 = tpu.memref_slice %arg9[%dma_start3A_68, %dma_start3A_69] : memref<128x128xf32, #tpu.memory_space<vmem>> -> memref<104x128xf32, #tpu.memory_space<vmem>>
      %dma_start3A_71 = arith.constant 0 : i32
      %dma_start3A_72 = tpu.memref_slice %arg11[%add3A_18, %dma_start3A_71] : memref<10000x128xf32, #tpu.memory_space<vmem_shared>> -> memref<104x128xf32, #tpu.memory_space<vmem_shared>>
      %dma_start3A_73 = arith.constant 0 : i32
      %dma_start3A_74 = tpu.memref_slice %arg11[%add3A_18, %dma_start3A_73] : memref<10000x128xf32, #tpu.memory_space<vmem_shared>> -> memref<104x128xf32, #tpu.memory_space<vmem_shared>>
      %dma_start3A_75 = arith.constant 0 : i32
      %dma_start3A_76 = arith.constant 0 : i32
      %dma_start3A_77 = tpu.memref_slice %arg9[%dma_start3A_75, %dma_start3A_76] : memref<128x128xf32, #tpu.memory_space<vmem>> -> memref<104x128xf32, #tpu.memory_space<vmem>>
      tpu.enqueue_dma source(%dma_start3A_77 : memref<104x128xf32, #tpu.memory_space<vmem>>) target(%dma_start3A_74 : memref<104x128xf32, #tpu.memory_space<vmem_shared>>) target_semaphore(%run_scoped3A_67 : memref<!tpu.dma_semaphore, #tpu.memory_space<semaphore_mem>>)
      %dma_wait3A_78 = arith.constant 0 : i32
      %dma_wait3A_79 = arith.constant 0 : i32
      %dma_wait3A_80 = tpu.memref_slice %arg9[%dma_wait3A_78, %dma_wait3A_79] : memref<128x128xf32, #tpu.memory_space<vmem>> -> memref<104x128xf32, #tpu.memory_space<vmem>>
      %dma_wait3A_81 = arith.constant 0 : i32
      %dma_wait3A_82 = tpu.memref_slice %arg11[%add3A_18, %dma_wait3A_81] : memref<10000x128xf32, #tpu.memory_space<vmem_shared>> -> memref<104x128xf32, #tpu.memory_space<vmem_shared>>
      %dma_wait3A_83 = arith.constant 0 : i32
      %dma_wait3A_84 = tpu.memref_slice %arg11[%add3A_18, %dma_wait3A_83] : memref<10000x128xf32, #tpu.memory_space<vmem_shared>> -> memref<104x128xf32, #tpu.memory_space<vmem_shared>>
      %dma_wait3A_85 = arith.constant 0 : i32
      %dma_wait3A_86 = arith.constant 0 : i32
      %dma_wait3A_87 = tpu.memref_slice %arg9[%dma_wait3A_85, %dma_wait3A_86] : memref<128x128xf32, #tpu.memory_space<vmem>> -> memref<104x128xf32, #tpu.memory_space<vmem>>
      tpu.wait_dma2 semaphore(%run_scoped3A_67 : memref<!tpu.dma_semaphore, #tpu.memory_space<semaphore_mem>>) src(%dma_wait3A_87 : memref<104x128xf32, #tpu.memory_space<vmem>>) dst(%dma_wait3A_84 : memref<104x128xf32, #tpu.memory_space<vmem_shared>>)
      tpu.yield
    }) : () -> ()
    %mul3A_19 = arith.constant 624 : i32
    %mul3A_20 = arith.muli %arg1, %mul3A_19 : i32
    %add3A_21 = arith.constant 312 : i32
    %add3A_22 = arith.addi %mul3A_20, %add3A_21 : i32
    "tpu.region"() ({
      %run_scoped3A_67 = tpu.sem_alloc : memref<!tpu.dma_semaphore, #tpu.memory_space<semaphore_mem>>
      %dma_start3A_68 = arith.constant 0 : i32
      %dma_start3A_69 = arith.constant 0 : i32
      %dma_start3A_70 = tpu.memref_slice %arg9[%dma_start3A_68, %dma_start3A_69] : memref<128x128xf32, #tpu.memory_space<vmem>> -> memref<104x128xf32, #tpu.memory_space<vmem>>
      %dma_start3A_71 = arith.constant 0 : i32
      %dma_start3A_72 = tpu.memref_slice %arg11[%add3A_22, %dma_start3A_71] : memref<10000x128xf32, #tpu.memory_space<vmem_shared>> -> memref<104x128xf32, #tpu.memory_space<vmem_shared>>
      %dma_start3A_73 = arith.constant 0 : i32
      %dma_start3A_74 = tpu.memref_slice %arg11[%add3A_22, %dma_start3A_73] : memref<10000x128xf32, #tpu.memory_space<vmem_shared>> -> memref<104x128xf32, #tpu.memory_space<vmem_shared>>
      %dma_start3A_75 = arith.constant 0 : i32
      %dma_start3A_76 = arith.constant 0 : i32
      %dma_start3A_77 = tpu.memref_slice %arg9[%dma_start3A_75, %dma_start3A_76] : memref<128x128xf32, #tpu.memory_space<vmem>> -> memref<104x128xf32, #tpu.memory_space<vmem>>
      tpu.enqueue_dma source(%dma_start3A_77 : memref<104x128xf32, #tpu.memory_space<vmem>>) target(%dma_start3A_74 : memref<104x128xf32, #tpu.memory_space<vmem_shared>>) target_semaphore(%run_scoped3A_67 : memref<!tpu.dma_semaphore, #tpu.memory_space<semaphore_mem>>)
      %dma_wait3A_78 = arith.constant 0 : i32
      %dma_wait3A_79 = arith.constant 0 : i32
      %dma_wait3A_80 = tpu.memref_slice %arg9[%dma_wait3A_78, %dma_wait3A_79] : memref<128x128xf32, #tpu.memory_space<vmem>> -> memref<104x128xf32, #tpu.memory_space<vmem>>
      %dma_wait3A_81 = arith.constant 0 : i32
      %dma_wait3A_82 = tpu.memref_slice %arg11[%add3A_22, %dma_wait3A_81] : memref<10000x128xf32, #tpu.memory_space<vmem_shared>> -> memref<104x128xf32, #tpu.memory_space<vmem_shared>>
      %dma_wait3A_83 = arith.constant 0 : i32
      %dma_wait3A_84 = tpu.memref_slice %arg11[%add3A_22, %dma_wait3A_83] : memref<10000x128xf32, #tpu.memory_space<vmem_shared>> -> memref<104x128xf32, #tpu.memory_space<vmem_shared>>
      %dma_wait3A_85 = arith.constant 0 : i32
      %dma_wait3A_86 = arith.constant 0 : i32
      %dma_wait3A_87 = tpu.memref_slice %arg9[%dma_wait3A_85, %dma_wait3A_86] : memref<128x128xf32, #tpu.memory_space<vmem>> -> memref<104x128xf32, #tpu.memory_space<vmem>>
      tpu.wait_dma2 semaphore(%run_scoped3A_67 : memref<!tpu.dma_semaphore, #tpu.memory_space<semaphore_mem>>) src(%dma_wait3A_87 : memref<104x128xf32, #tpu.memory_space<vmem>>) dst(%dma_wait3A_84 : memref<104x128xf32, #tpu.memory_space<vmem_shared>>)
      tpu.yield
    }) : () -> ()
    %mul3A_23 = arith.constant 624 : i32
    %mul3A_24 = arith.muli %arg1, %mul3A_23 : i32
    %add3A_25 = arith.constant 416 : i32
    %add3A_26 = arith.addi %mul3A_24, %add3A_25 : i32
    "tpu.region"() ({
      %run_scoped3A_67 = tpu.sem_alloc : memref<!tpu.dma_semaphore, #tpu.memory_space<semaphore_mem>>
      %dma_start3A_68 = arith.constant 0 : i32
      %dma_start3A_69 = arith.constant 0 : i32
      %dma_start3A_70 = tpu.memref_slice %arg9[%dma_start3A_68, %dma_start3A_69] : memref<128x128xf32, #tpu.memory_space<vmem>> -> memref<104x128xf32, #tpu.memory_space<vmem>>
      %dma_start3A_71 = arith.constant 0 : i32
      %dma_start3A_72 = tpu.memref_slice %arg11[%add3A_26, %dma_start3A_71] : memref<10000x128xf32, #tpu.memory_space<vmem_shared>> -> memref<104x128xf32, #tpu.memory_space<vmem_shared>>
      %dma_start3A_73 = arith.constant 0 : i32
      %dma_start3A_74 = tpu.memref_slice %arg11[%add3A_26, %dma_start3A_73] : memref<10000x128xf32, #tpu.memory_space<vmem_shared>> -> memref<104x128xf32, #tpu.memory_space<vmem_shared>>
      %dma_start3A_75 = arith.constant 0 : i32
      %dma_start3A_76 = arith.constant 0 : i32
      %dma_start3A_77 = tpu.memref_slice %arg9[%dma_start3A_75, %dma_start3A_76] : memref<128x128xf32, #tpu.memory_space<vmem>> -> memref<104x128xf32, #tpu.memory_space<vmem>>
      tpu.enqueue_dma source(%dma_start3A_77 : memref<104x128xf32, #tpu.memory_space<vmem>>) target(%dma_start3A_74 : memref<104x128xf32, #tpu.memory_space<vmem_shared>>) target_semaphore(%run_scoped3A_67 : memref<!tpu.dma_semaphore, #tpu.memory_space<semaphore_mem>>)
      %dma_wait3A_78 = arith.constant 0 : i32
      %dma_wait3A_79 = arith.constant 0 : i32
      %dma_wait3A_80 = tpu.memref_slice %arg9[%dma_wait3A_78, %dma_wait3A_79] : memref<128x128xf32, #tpu.memory_space<vmem>> -> memref<104x128xf32, #tpu.memory_space<vmem>>
      %dma_wait3A_81 = arith.constant 0 : i32
      %dma_wait3A_82 = tpu.memref_slice %arg11[%add3A_26, %dma_wait3A_81] : memref<10000x128xf32, #tpu.memory_space<vmem_shared>> -> memref<104x128xf32, #tpu.memory_space<vmem_shared>>
      %dma_wait3A_83 = arith.constant 0 : i32
      %dma_wait3A_84 = tpu.memref_slice %arg11[%add3A_26, %dma_wait3A_83] : memref<10000x128xf32, #tpu.memory_space<vmem_shared>> -> memref<104x128xf32, #tpu.memory_space<vmem_shared>>
      %dma_wait3A_85 = arith.constant 0 : i32
      %dma_wait3A_86 = arith.constant 0 : i32
      %dma_wait3A_87 = tpu.memref_slice %arg9[%dma_wait3A_85, %dma_wait3A_86] : memref<128x128xf32, #tpu.memory_space<vmem>> -> memref<104x128xf32, #tpu.memory_space<vmem>>
      tpu.wait_dma2 semaphore(%run_scoped3A_67 : memref<!tpu.dma_semaphore, #tpu.memory_space<semaphore_mem>>) src(%dma_wait3A_87 : memref<104x128xf32, #tpu.memory_space<vmem>>) dst(%dma_wait3A_84 : memref<104x128xf32, #tpu.memory_space<vmem_shared>>)
      tpu.yield
    }) : () -> ()
    %mul3A_27 = arith.constant 624 : i32
    %mul3A_28 = arith.muli %arg1, %mul3A_27 : i32
    %add3A_29 = arith.constant 520 : i32
    %add3A_30 = arith.addi %mul3A_28, %add3A_29 : i32
    "tpu.region"() ({
      %run_scoped3A_67 = tpu.sem_alloc : memref<!tpu.dma_semaphore, #tpu.memory_space<semaphore_mem>>
      %dma_start3A_68 = arith.constant 0 : i32
      %dma_start3A_69 = arith.constant 0 : i32
      %dma_start3A_70 = tpu.memref_slice %arg9[%dma_start3A_68, %dma_start3A_69] : memref<128x128xf32, #tpu.memory_space<vmem>> -> memref<104x128xf32, #tpu.memory_space<vmem>>
      %dma_start3A_71 = arith.constant 0 : i32
      %dma_start3A_72 = tpu.memref_slice %arg11[%add3A_30, %dma_start3A_71] : memref<10000x128xf32, #tpu.memory_space<vmem_shared>> -> memref<104x128xf32, #tpu.memory_space<vmem_shared>>
      %dma_start3A_73 = arith.constant 0 : i32
      %dma_start3A_74 = tpu.memref_slice %arg11[%add3A_30, %dma_start3A_73] : memref<10000x128xf32, #tpu.memory_space<vmem_shared>> -> memref<104x128xf32, #tpu.memory_space<vmem_shared>>
      %dma_start3A_75 = arith.constant 0 : i32
      %dma_start3A_76 = arith.constant 0 : i32
      %dma_start3A_77 = tpu.memref_slice %arg9[%dma_start3A_75, %dma_start3A_76] : memref<128x128xf32, #tpu.memory_space<vmem>> -> memref<104x128xf32, #tpu.memory_space<vmem>>
      tpu.enqueue_dma source(%dma_start3A_77 : memref<104x128xf32, #tpu.memory_space<vmem>>) target(%dma_start3A_74 : memref<104x128xf32, #tpu.memory_space<vmem_shared>>) target_semaphore(%run_scoped3A_67 : memref<!tpu.dma_semaphore, #tpu.memory_space<semaphore_mem>>)
      %dma_wait3A_78 = arith.constant 0 : i32
      %dma_wait3A_79 = arith.constant 0 : i32
      %dma_wait3A_80 = tpu.memref_slice %arg9[%dma_wait3A_78, %dma_wait3A_79] : memref<128x128xf32, #tpu.memory_space<vmem>> -> memref<104x128xf32, #tpu.memory_space<vmem>>
      %dma_wait3A_81 = arith.constant 0 : i32
      %dma_wait3A_82 = tpu.memref_slice %arg11[%add3A_30, %dma_wait3A_81] : memref<10000x128xf32, #tpu.memory_space<vmem_shared>> -> memref<104x128xf32, #tpu.memory_space<vmem_shared>>
      %dma_wait3A_83 = arith.constant 0 : i32
      %dma_wait3A_84 = tpu.memref_slice %arg11[%add3A_30, %dma_wait3A_83] : memref<10000x128xf32, #tpu.memory_space<vmem_shared>> -> memref<104x128xf32, #tpu.memory_space<vmem_shared>>
      %dma_wait3A_85 = arith.constant 0 : i32
      %dma_wait3A_86 = arith.constant 0 : i32
      %dma_wait3A_87 = tpu.memref_slice %arg9[%dma_wait3A_85, %dma_wait3A_86] : memref<128x128xf32, #tpu.memory_space<vmem>> -> memref<104x128xf32, #tpu.memory_space<vmem>>
      tpu.wait_dma2 semaphore(%run_scoped3A_67 : memref<!tpu.dma_semaphore, #tpu.memory_space<semaphore_mem>>) src(%dma_wait3A_87 : memref<104x128xf32, #tpu.memory_space<vmem>>) dst(%dma_wait3A_84 : memref<104x128xf32, #tpu.memory_space<vmem_shared>>)
      tpu.yield
    }) : () -> ()
    %eq3A = arith.constant 0 : i32
    %eq3A_31 = arith.cmpi eq, %arg1, %eq3A : i32
    %convert_element_type3A = arith.extui %eq3A_31 : i1 to i32
    %cond3A = arith.constant 0 : i32
    %cond3A_32 = arith.cmpi ne, %convert_element_type3A, %cond3A : i32
    scf.if %cond3A_32 {
      "tpu.region"() ({
        %run_scoped3A_67 = tpu.sem_alloc : memref<!tpu.dma_semaphore, #tpu.memory_space<semaphore_mem>>
        %dma_start3A_68 = arith.constant 0 : i32
        %dma_start3A_69 = arith.constant 0 : i32
        %dma_start3A_70 = tpu.memref_slice %arg9[%dma_start3A_68, %dma_start3A_69] : memref<128x128xf32, #tpu.memory_space<vmem>> -> memref<16x128xf32, #tpu.memory_space<vmem>>
        %dma_start3A_71 = arith.constant 9984 : i32
        %dma_start3A_72 = arith.constant 0 : i32
        %dma_start3A_73 = tpu.memref_slice %arg11[%dma_start3A_71, %dma_start3A_72] : memref<10000x128xf32, #tpu.memory_space<vmem_shared>> -> memref<16x128xf32, #tpu.memory_space<vmem_shared>>
        %dma_start3A_74 = arith.constant 9984 : i32
        %dma_start3A_75 = arith.constant 0 : i32
        %dma_start3A_76 = tpu.memref_slice %arg11[%dma_start3A_74, %dma_start3A_75] : memref<10000x128xf32, #tpu.memory_space<vmem_shared>> -> memref<16x128xf32, #tpu.memory_space<vmem_shared>>
        %dma_start3A_77 = arith.constant 0 : i32
        %dma_start3A_78 = arith.constant 0 : i32
        %dma_start3A_79 = tpu.memref_slice %arg9[%dma_start3A_77, %dma_start3A_78] : memref<128x128xf32, #tpu.memory_space<vmem>> -> memref<16x128xf32, #tpu.memory_space<vmem>>
        tpu.enqueue_dma source(%dma_start3A_79 : memref<16x128xf32, #tpu.memory_space<vmem>>) target(%dma_start3A_76 : memref<16x128xf32, #tpu.memory_space<vmem_shared>>) target_semaphore(%run_scoped3A_67 : memref<!tpu.dma_semaphore, #tpu.memory_space<semaphore_mem>>)
        %dma_wait3A_80 = arith.constant 0 : i32
        %dma_wait3A_81 = arith.constant 0 : i32
        %dma_wait3A_82 = tpu.memref_slice %arg9[%dma_wait3A_80, %dma_wait3A_81] : memref<128x128xf32, #tpu.memory_space<vmem>> -> memref<16x128xf32, #tpu.memory_space<vmem>>
        %dma_wait3A_83 = arith.constant 9984 : i32
        %dma_wait3A_84 = arith.constant 0 : i32
        %dma_wait3A_85 = tpu.memref_slice %arg11[%dma_wait3A_83, %dma_wait3A_84] : memref<10000x128xf32, #tpu.memory_space<vmem_shared>> -> memref<16x128xf32, #tpu.memory_space<vmem_shared>>
        %dma_wait3A_86 = arith.constant 9984 : i32
        %dma_wait3A_87 = arith.constant 0 : i32
        %dma_wait3A_88 = tpu.memref_slice %arg11[%dma_wait3A_86, %dma_wait3A_87] : memref<10000x128xf32, #tpu.memory_space<vmem_shared>> -> memref<16x128xf32, #tpu.memory_space<vmem_shared>>
        %dma_wait3A_89 = arith.constant 0 : i32
        %dma_wait3A_90 = arith.constant 0 : i32
        %dma_wait3A_91 = tpu.memref_slice %arg9[%dma_wait3A_89, %dma_wait3A_90] : memref<128x128xf32, #tpu.memory_space<vmem>> -> memref<16x128xf32, #tpu.memory_space<vmem>>
        tpu.wait_dma2 semaphore(%run_scoped3A_67 : memref<!tpu.dma_semaphore, #tpu.memory_space<semaphore_mem>>) src(%dma_wait3A_91 : memref<16x128xf32, #tpu.memory_space<vmem>>) dst(%dma_wait3A_88 : memref<16x128xf32, #tpu.memory_space<vmem_shared>>)
        tpu.yield
      }) : () -> ()
    } else {
    }
    %barrier3A = arith.constant 0 : index
    tpu.barrier barrier_id(%barrier3A)
    %dma_start3A = arith.constant 0 : i32
    %dma_start3A_33 = arith.constant 0 : i32
    %dma_start3A_34 = tpu.memref_slice %arg6[%dma_start3A, %dma_start3A_33] : memref<40x128xi32, #tpu.memory_space<vmem>> -> memref<1x128xi32, #tpu.memory_space<vmem>>
    %dma_start3A_35 = tpu.memref_squeeze %dma_start3A_34 : memref<1x128xi32, #tpu.memory_space<vmem>> -> memref<128xi32, #tpu.memory_space<vmem>>
    %dma_start3A_36 = arith.constant 0 : i32
    %dma_start3A_37 = tpu.memref_slice %arg2[%dma_start3A_36, %mul3A_0] : memref<10000x256xf32, #tpu.memory_space<hbm>> -> memref<10000x128xf32, #tpu.memory_space<hbm>>
    %dma_start3A_38 = arith.constant 0 : i32
    %dma_start3A_39 = arith.constant 0 : i32
    %dma_start3A_40 = tpu.memref_slice %dma_start3A_37[%dma_start3A_38, %dma_start3A_39] : memref<10000x128xf32, #tpu.memory_space<hbm>> -> memref<10000x128xf32, #tpu.memory_space<hbm>>
    tpu.enqueue_indirect_dma source(%dma_start3A_40 : memref<10000x128xf32, #tpu.memory_space<hbm>>) target(%arg9 : memref<128x128xf32, #tpu.memory_space<vmem>>) offsets(%dma_start3A_35 : memref<128xi32, #tpu.memory_space<vmem>>) semaphore(%arg12 : memref<!tpu.dma_semaphore, #tpu.memory_space<semaphore_mem>>)
    %scan3A_41 = arith.constant 0 : i32
    %scan3A_42 = arith.constant 0 : i32
    %scan3A_43 = arith.constant 1 : i32
    %scan3A_44 = arith.constant 0 : i32
    %scan3A_45 = arith.constant 40 : i32
    %scan3A_46 = arith.addi %scan3A_44, %scan3A_45 : i32
    %scan3A_47 = arith.constant 1 : i32
    scf.for %scan3A_67 = %scan3A_44 to %scan3A_46 step %scan3A_47  : i32 {
      %mul3A_68 = arith.constant 2 : i32
      %mul3A_69 = arith.muli %scan3A_67, %mul3A_68 : i32
      %add3A_70 = arith.constant 0 : i32
      %add3A_71 = arith.addi %mul3A_69, %add3A_70 : i32
      %rem3A = arith.constant 40 : i32
      %rem3A_72 = arith.remsi %add3A_71, %rem3A : i32
      %add3A_73 = arith.constant 1 : i32
      %add3A_74 = arith.addi %add3A_71, %add3A_73 : i32
      %rem3A_75 = arith.constant 40 : i32
      %rem3A_76 = arith.remsi %add3A_74, %rem3A_75 : i32
      %dma_wait3A_77 = arith.constant 0 : i32
      %dma_wait3A_78 = tpu.memref_slice %arg6[%rem3A_72, %dma_wait3A_77] : memref<40x128xi32, #tpu.memory_space<vmem>> -> memref<1x128xi32, #tpu.memory_space<vmem>>
      %dma_wait3A_79 = tpu.memref_squeeze %dma_wait3A_78 : memref<1x128xi32, #tpu.memory_space<vmem>> -> memref<128xi32, #tpu.memory_space<vmem>>
      %dma_wait3A_80 = arith.constant 0 : i32
      %dma_wait3A_81 = tpu.memref_slice %arg2[%dma_wait3A_80, %mul3A_0] : memref<10000x256xf32, #tpu.memory_space<hbm>> -> memref<10000x128xf32, #tpu.memory_space<hbm>>
      %dma_wait3A_82 = arith.constant 0 : i32
      %dma_wait3A_83 = arith.constant 0 : i32
      %dma_wait3A_84 = tpu.memref_slice %dma_wait3A_81[%dma_wait3A_82, %dma_wait3A_83] : memref<10000x128xf32, #tpu.memory_space<hbm>> -> memref<10000x128xf32, #tpu.memory_space<hbm>>
      tpu.wait_indirect_dma semaphore(%arg12 : memref<!tpu.dma_semaphore, #tpu.memory_space<semaphore_mem>>) src(%dma_wait3A_84 : memref<10000x128xf32, #tpu.memory_space<hbm>>) dst(%arg9 : memref<128x128xf32, #tpu.memory_space<vmem>>)
      %gt3A = arith.constant 0 : i32
      %gt3A_85 = arith.cmpi sgt, %scan3A_67, %gt3A : i32
      %convert_element_type3A_86 = arith.extui %gt3A_85 : i1 to i32
      %cond3A_87 = arith.constant 0 : i32
      %cond3A_88 = arith.cmpi ne, %convert_element_type3A_86, %cond3A_87 : i32
      scf.if %cond3A_88 {
        %dma_wait3A_159 = arith.constant 0 : i32
        %dma_wait3A_160 = tpu.memref_slice %arg7[%rem3A_72, %dma_wait3A_159] : memref<40x128xi32, #tpu.memory_space<vmem>> -> memref<1x128xi32, #tpu.memory_space<vmem>>
        %dma_wait3A_161 = tpu.memref_squeeze %dma_wait3A_160 : memref<1x128xi32, #tpu.memory_space<vmem>> -> memref<128xi32, #tpu.memory_space<vmem>>
        %dma_wait3A_162 = arith.constant 0 : i32
        %dma_wait3A_163 = arith.constant 0 : i32
        %dma_wait3A_164 = tpu.memref_slice %arg11[%dma_wait3A_162, %dma_wait3A_163] : memref<10000x128xf32, #tpu.memory_space<vmem_shared>> -> memref<10000x128xf32, #tpu.memory_space<vmem_shared>>
        tpu.wait_indirect_dma semaphore(%arg13 : memref<!tpu.dma_semaphore, #tpu.memory_space<semaphore_mem>>) src(%arg10 : memref<128x128xf32, #tpu.memory_space<vmem>>) dst(%dma_wait3A_164 : memref<10000x128xf32, #tpu.memory_space<vmem_shared>>)
      } else {
      }
      %eq3A_89 = arith.constant 20 : i32
      %eq3A_90 = arith.cmpi eq, %scan3A_67, %eq3A_89 : i32
      %convert_element_type3A_91 = arith.extui %eq3A_90 : i1 to i32
      %cond3A_92 = arith.constant 0 : i32
      %cond3A_93 = arith.cmpi ne, %convert_element_type3A_91, %cond3A_92 : i32
      scf.if %cond3A_93 {
        "tpu.region"() ({
          %run_scoped3A_159 = tpu.sem_alloc : memref<!tpu.dma_semaphore, #tpu.memory_space<semaphore_mem>>
          %dma_start3A_160 = arith.constant 0 : i32
          %dma_start3A_161 = arith.constant 0 : i32
          %dma_start3A_162 = arith.constant 0 : i32
          %dma_start3A_163 = tpu.memref_slice %arg3[%scan3A_42, %dma_start3A_160, %dma_start3A_161, %dma_start3A_162] : memref<2x16x80x128xi32, #tpu.memory_space<hbm>> -> memref<1x16x80x128xi32, #tpu.memory_space<hbm>>
          %dma_start3A_164 = tpu.memref_squeeze %dma_start3A_163 : memref<1x16x80x128xi32, #tpu.memory_space<hbm>> -> memref<16x80x128xi32, #tpu.memory_space<hbm>>
          %dma_start3A_165 = arith.constant 0 : i32
          %dma_start3A_166 = arith.constant 0 : i32
          %dma_start3A_167 = tpu.memref_slice %dma_start3A_164[%arg1, %dma_start3A_165, %dma_start3A_166] : memref<16x80x128xi32, #tpu.memory_space<hbm>> -> memref<1x80x128xi32, #tpu.memory_space<hbm>>
          %dma_start3A_168 = tpu.memref_squeeze %dma_start3A_167 : memref<1x80x128xi32, #tpu.memory_space<hbm>> -> memref<80x128xi32, #tpu.memory_space<hbm>>
          %dma_start3A_169 = arith.constant 40 : i32
          %dma_start3A_170 = arith.constant 0 : i32
          %dma_start3A_171 = tpu.memref_slice %dma_start3A_168[%dma_start3A_169, %dma_start3A_170] : memref<80x128xi32, #tpu.memory_space<hbm>> -> memref<40x128xi32, #tpu.memory_space<hbm>>
          %dma_start3A_172 = arith.constant 0 : i32
          %dma_start3A_173 = arith.constant 0 : i32
          %dma_start3A_174 = arith.constant 0 : i32
          %dma_start3A_175 = tpu.memref_slice %arg3[%scan3A_42, %dma_start3A_172, %dma_start3A_173, %dma_start3A_174] : memref<2x16x80x128xi32, #tpu.memory_space<hbm>> -> memref<1x16x80x128xi32, #tpu.memory_space<hbm>>
          %dma_start3A_176 = tpu.memref_squeeze %dma_start3A_175 : memref<1x16x80x128xi32, #tpu.memory_space<hbm>> -> memref<16x80x128xi32, #tpu.memory_space<hbm>>
          %dma_start3A_177 = arith.constant 0 : i32
          %dma_start3A_178 = arith.constant 0 : i32
          %dma_start3A_179 = tpu.memref_slice %dma_start3A_176[%arg1, %dma_start3A_177, %dma_start3A_178] : memref<16x80x128xi32, #tpu.memory_space<hbm>> -> memref<1x80x128xi32, #tpu.memory_space<hbm>>
          %dma_start3A_180 = tpu.memref_squeeze %dma_start3A_179 : memref<1x80x128xi32, #tpu.memory_space<hbm>> -> memref<80x128xi32, #tpu.memory_space<hbm>>
          %dma_start3A_181 = arith.constant 40 : i32
          %dma_start3A_182 = arith.constant 0 : i32
          %dma_start3A_183 = tpu.memref_slice %dma_start3A_180[%dma_start3A_181, %dma_start3A_182] : memref<80x128xi32, #tpu.memory_space<hbm>> -> memref<40x128xi32, #tpu.memory_space<hbm>>
          tpu.enqueue_dma source(%dma_start3A_183 : memref<40x128xi32, #tpu.memory_space<hbm>>) target(%arg7 : memref<40x128xi32, #tpu.memory_space<vmem>>) target_semaphore(%run_scoped3A_159 : memref<!tpu.dma_semaphore, #tpu.memory_space<semaphore_mem>>)
          %dma_wait3A_184 = arith.constant 0 : i32
          %dma_wait3A_185 = arith.constant 0 : i32
          %dma_wait3A_186 = arith.constant 0 : i32
          %dma_wait3A_187 = tpu.memref_slice %arg3[%scan3A_42, %dma_wait3A_184, %dma_wait3A_185, %dma_wait3A_186] : memref<2x16x80x128xi32, #tpu.memory_space<hbm>> -> memref<1x16x80x128xi32, #tpu.memory_space<hbm>>
          %dma_wait3A_188 = tpu.memref_squeeze %dma_wait3A_187 : memref<1x16x80x128xi32, #tpu.memory_space<hbm>> -> memref<16x80x128xi32, #tpu.memory_space<hbm>>
          %dma_wait3A_189 = arith.constant 0 : i32
          %dma_wait3A_190 = arith.constant 0 : i32
          %dma_wait3A_191 = tpu.memref_slice %dma_wait3A_188[%arg1, %dma_wait3A_189, %dma_wait3A_190] : memref<16x80x128xi32, #tpu.memory_space<hbm>> -> memref<1x80x128xi32, #tpu.memory_space<hbm>>
          %dma_wait3A_192 = tpu.memref_squeeze %dma_wait3A_191 : memref<1x80x128xi32, #tpu.memory_space<hbm>> -> memref<80x128xi32, #tpu.memory_space<hbm>>
          %dma_wait3A_193 = arith.constant 40 : i32
          %dma_wait3A_194 = arith.constant 0 : i32
          %dma_wait3A_195 = tpu.memref_slice %dma_wait3A_192[%dma_wait3A_193, %dma_wait3A_194] : memref<80x128xi32, #tpu.memory_space<hbm>> -> memref<40x128xi32, #tpu.memory_space<hbm>>
          %dma_wait3A_196 = arith.constant 0 : i32
          %dma_wait3A_197 = arith.constant 0 : i32
          %dma_wait3A_198 = arith.constant 0 : i32
          %dma_wait3A_199 = tpu.memref_slice %arg3[%scan3A_42, %dma_wait3A_196, %dma_wait3A_197, %dma_wait3A_198] : memref<2x16x80x128xi32, #tpu.memory_space<hbm>> -> memref<1x16x80x128xi32, #tpu.memory_space<hbm>>
          %dma_wait3A_200 = tpu.memref_squeeze %dma_wait3A_199 : memref<1x16x80x128xi32, #tpu.memory_space<hbm>> -> memref<16x80x128xi32, #tpu.memory_space<hbm>>
          %dma_wait3A_201 = arith.constant 0 : i32
          %dma_wait3A_202 = arith.constant 0 : i32
          %dma_wait3A_203 = tpu.memref_slice %dma_wait3A_200[%arg1, %dma_wait3A_201, %dma_wait3A_202] : memref<16x80x128xi32, #tpu.memory_space<hbm>> -> memref<1x80x128xi32, #tpu.memory_space<hbm>>
          %dma_wait3A_204 = tpu.memref_squeeze %dma_wait3A_203 : memref<1x80x128xi32, #tpu.memory_space<hbm>> -> memref<80x128xi32, #tpu.memory_space<hbm>>
          %dma_wait3A_205 = arith.constant 40 : i32
          %dma_wait3A_206 = arith.constant 0 : i32
          %dma_wait3A_207 = tpu.memref_slice %dma_wait3A_204[%dma_wait3A_205, %dma_wait3A_206] : memref<80x128xi32, #tpu.memory_space<hbm>> -> memref<40x128xi32, #tpu.memory_space<hbm>>
          tpu.wait_dma2 semaphore(%run_scoped3A_159 : memref<!tpu.dma_semaphore, #tpu.memory_space<semaphore_mem>>) src(%dma_wait3A_207 : memref<40x128xi32, #tpu.memory_space<hbm>>) dst(%arg7 : memref<40x128xi32, #tpu.memory_space<vmem>>)
          tpu.yield
        }) : () -> ()
        "tpu.region"() ({
          %run_scoped3A_159 = tpu.sem_alloc : memref<!tpu.dma_semaphore, #tpu.memory_space<semaphore_mem>>
          %dma_start3A_160 = arith.constant 0 : i32
          %dma_start3A_161 = tpu.memref_slice %arg4[%arg1, %dma_start3A_160] : memref<16x10240xf32, #tpu.memory_space<hbm>> -> memref<1x10240xf32, #tpu.memory_space<hbm>>
          %dma_start3A_162 = tpu.memref_squeeze %dma_start3A_161 : memref<1x10240xf32, #tpu.memory_space<hbm>> -> memref<10240xf32, #tpu.memory_space<hbm>>
          %dma_start3A_163 = arith.constant 5120 : i32
          %dma_start3A_164 = tpu.memref_slice %dma_start3A_162[%dma_start3A_163] : memref<10240xf32, #tpu.memory_space<hbm>> -> memref<5120xf32, #tpu.memory_space<hbm>>
          %dma_start3A_165 = arith.constant 0 : i32
          %dma_start3A_166 = tpu.memref_slice %arg4[%arg1, %dma_start3A_165] : memref<16x10240xf32, #tpu.memory_space<hbm>> -> memref<1x10240xf32, #tpu.memory_space<hbm>>
          %dma_start3A_167 = tpu.memref_squeeze %dma_start3A_166 : memref<1x10240xf32, #tpu.memory_space<hbm>> -> memref<10240xf32, #tpu.memory_space<hbm>>
          %dma_start3A_168 = arith.constant 5120 : i32
          %dma_start3A_169 = tpu.memref_slice %dma_start3A_167[%dma_start3A_168] : memref<10240xf32, #tpu.memory_space<hbm>> -> memref<5120xf32, #tpu.memory_space<hbm>>
          tpu.enqueue_dma source(%dma_start3A_169 : memref<5120xf32, #tpu.memory_space<hbm>>) target(%arg8 : memref<5120xf32, #tpu.memory_space<vmem>>) target_semaphore(%run_scoped3A_159 : memref<!tpu.dma_semaphore, #tpu.memory_space<semaphore_mem>>)
          %dma_wait3A_170 = arith.constant 0 : i32
          %dma_wait3A_171 = tpu.memref_slice %arg4[%arg1, %dma_wait3A_170] : memref<16x10240xf32, #tpu.memory_space<hbm>> -> memref<1x10240xf32, #tpu.memory_space<hbm>>
          %dma_wait3A_172 = tpu.memref_squeeze %dma_wait3A_171 : memref<1x10240xf32, #tpu.memory_space<hbm>> -> memref<10240xf32, #tpu.memory_space<hbm>>
          %dma_wait3A_173 = arith.constant 5120 : i32
          %dma_wait3A_174 = tpu.memref_slice %dma_wait3A_172[%dma_wait3A_173] : memref<10240xf32, #tpu.memory_space<hbm>> -> memref<5120xf32, #tpu.memory_space<hbm>>
          %dma_wait3A_175 = arith.constant 0 : i32
          %dma_wait3A_176 = tpu.memref_slice %arg4[%arg1, %dma_wait3A_175] : memref<16x10240xf32, #tpu.memory_space<hbm>> -> memref<1x10240xf32, #tpu.memory_space<hbm>>
          %dma_wait3A_177 = tpu.memref_squeeze %dma_wait3A_176 : memref<1x10240xf32, #tpu.memory_space<hbm>> -> memref<10240xf32, #tpu.memory_space<hbm>>
          %dma_wait3A_178 = arith.constant 5120 : i32
          %dma_wait3A_179 = tpu.memref_slice %dma_wait3A_177[%dma_wait3A_178] : memref<10240xf32, #tpu.memory_space<hbm>> -> memref<5120xf32, #tpu.memory_space<hbm>>
          tpu.wait_dma2 semaphore(%run_scoped3A_159 : memref<!tpu.dma_semaphore, #tpu.memory_space<semaphore_mem>>) src(%dma_wait3A_179 : memref<5120xf32, #tpu.memory_space<hbm>>) dst(%arg8 : memref<5120xf32, #tpu.memory_space<vmem>>)
          tpu.yield
        }) : () -> ()
      } else {
      }
      %dma_start3A_94 = arith.constant 0 : i32
      %dma_start3A_95 = tpu.memref_slice %arg6[%rem3A_76, %dma_start3A_94] : memref<40x128xi32, #tpu.memory_space<vmem>> -> memref<1x128xi32, #tpu.memory_space<vmem>>
      %dma_start3A_96 = tpu.memref_squeeze %dma_start3A_95 : memref<1x128xi32, #tpu.memory_space<vmem>> -> memref<128xi32, #tpu.memory_space<vmem>>
      %dma_start3A_97 = arith.constant 0 : i32
      %dma_start3A_98 = tpu.memref_slice %arg2[%dma_start3A_97, %mul3A_0] : memref<10000x256xf32, #tpu.memory_space<hbm>> -> memref<10000x128xf32, #tpu.memory_space<hbm>>
      %dma_start3A_99 = arith.constant 0 : i32
      %dma_start3A_100 = arith.constant 0 : i32
      %dma_start3A_101 = tpu.memref_slice %dma_start3A_98[%dma_start3A_99, %dma_start3A_100] : memref<10000x128xf32, #tpu.memory_space<hbm>> -> memref<10000x128xf32, #tpu.memory_space<hbm>>
      tpu.enqueue_indirect_dma source(%dma_start3A_101 : memref<10000x128xf32, #tpu.memory_space<hbm>>) target(%arg10 : memref<128x128xf32, #tpu.memory_space<vmem>>) offsets(%dma_start3A_96 : memref<128xi32, #tpu.memory_space<vmem>>) semaphore(%arg12 : memref<!tpu.dma_semaphore, #tpu.memory_space<semaphore_mem>>)
      %scan3A_102 = arith.constant 0 : i32
      %scan3A_103 = arith.constant 0 : i32
      %scan3A_104 = arith.constant 8 : i32
      %scan3A_105 = arith.addi %scan3A_103, %scan3A_104 : i32
      %scan3A_106 = arith.constant 1 : i32
      scf.for %scan3A_159 = %scan3A_103 to %scan3A_105 step %scan3A_106  : i32 {
        %mul3A_160 = arith.constant 128 : i32
        %mul3A_161 = arith.muli %rem3A_72, %mul3A_160 : i32
        %mul3A_162 = arith.constant 16 : i32
        %mul3A_163 = arith.muli %scan3A_159, %mul3A_162 : i32
        %add3A_164 = arith.addi %mul3A_161, %mul3A_163 : i32
        %get3A = arith.index_cast %add3A_164 : i32 to index
        %get3A_165 = tpu.vector_load %arg8[%get3A] {strides = array<i32>} : memref<5120xf32, #tpu.memory_space<vmem>>, vector<16xf32>,
        %get3A_166 = vector.shape_cast %get3A_165 : vector<16xf32> to vector<16xf32>
        %broadcast_in_dim3A_167 = arith.constant 0 : i32
        %broadcast_in_dim3A_168 = vector.broadcast %broadcast_in_dim3A_167 : i32 to vector<16x1xi32>
        %gather3A = vector.shape_cast %broadcast_in_dim3A_168 : vector<16x1xi32> to vector<16xi32>
        %gather3A_169 = tpu.dynamic_gather %get3A_166[%gather3A] in [0] : vector<16xf32>, vector<16xi32> -> vector<16xf32>
        %mul3A_170 = arith.constant 16 : i32
        %mul3A_171 = arith.muli %scan3A_159, %mul3A_170 : i32
        %add3A_172 = arith.constant 0 : i32
        %add3A_173 = arith.addi %mul3A_171, %add3A_172 : i32
        %get3A_174 = arith.index_cast %add3A_173 : i32 to index
        %get3A_175 = arith.constant 0 : index
        %get3A_176 = tpu.vector_load %arg9[%get3A_174, %get3A_175] {strides = array<i32>} : memref<128x128xf32, #tpu.memory_space<vmem>>, vector<1x16xf32>,
        %get3A_177 = vector.shape_cast %get3A_176 : vector<1x16xf32> to vector<16xf32>
        %mul3A_178 = arith.mulf %get3A_177, %gather3A_169 : vector<16xf32>
        %swap3A = arith.index_cast %add3A_173 : i32 to index
        %swap3A_179 = arith.constant 0 : index
        %swap3A_180 = tpu.vector_load %arg9[%swap3A, %swap3A_179] {strides = array<i32>} : memref<128x128xf32, #tpu.memory_space<vmem>>, vector<1x16xf32>,
        %swap3A_181 = vector.shape_cast %swap3A_180 : vector<1x16xf32> to vector<16xf32>
        %swap3A_182 = vector.shape_cast %mul3A_178 : vector<16xf32> to vector<1x16xf32>
        tpu.vector_store %arg9[%swap3A, %swap3A_179], %swap3A_182 {strides = array<i32>} : memref<128x128xf32, #tpu.memory_space<vmem>>, vector<1x16xf32>,
        %get3A_183 = arith.index_cast %add3A_173 : i32 to index
        %get3A_184 = arith.constant 16 : index
        %get3A_185 = tpu.vector_load %arg9[%get3A_183, %get3A_184] {strides = array<i32>} : memref<128x128xf32, #tpu.memory_space<vmem>>, vector<1x16xf32>,
        %get3A_186 = vector.shape_cast %get3A_185 : vector<1x16xf32> to vector<16xf32>
        %mul3A_187 = arith.mulf %get3A_186, %gather3A_169 : vector<16xf32>
        %swap3A_188 = arith.index_cast %add3A_173 : i32 to index
        %swap3A_189 = arith.constant 16 : index
        %swap3A_190 = tpu.vector_load %arg9[%swap3A_188, %swap3A_189] {strides = array<i32>} : memref<128x128xf32, #tpu.memory_space<vmem>>, vector<1x16xf32>,
        %swap3A_191 = vector.shape_cast %swap3A_190 : vector<1x16xf32> to vector<16xf32>
        %swap3A_192 = vector.shape_cast %mul3A_187 : vector<16xf32> to vector<1x16xf32>
        tpu.vector_store %arg9[%swap3A_188, %swap3A_189], %swap3A_192 {strides = array<i32>} : memref<128x128xf32, #tpu.memory_space<vmem>>, vector<1x16xf32>,
        %get3A_193 = arith.index_cast %add3A_173 : i32 to index
        %get3A_194 = arith.constant 32 : index
        %get3A_195 = tpu.vector_load %arg9[%get3A_193, %get3A_194] {strides = array<i32>} : memref<128x128xf32, #tpu.memory_space<vmem>>, vector<1x16xf32>,
        %get3A_196 = vector.shape_cast %get3A_195 : vector<1x16xf32> to vector<16xf32>
        %mul3A_197 = arith.mulf %get3A_196, %gather3A_169 : vector<16xf32>
        %swap3A_198 = arith.index_cast %add3A_173 : i32 to index
        %swap3A_199 = arith.constant 32 : index
        %swap3A_200 = tpu.vector_load %arg9[%swap3A_198, %swap3A_199] {strides = array<i32>} : memref<128x128xf32, #tpu.memory_space<vmem>>, vector<1x16xf32>,
        %swap3A_201 = vector.shape_cast %swap3A_200 : vector<1x16xf32> to vector<16xf32>
        %swap3A_202 = vector.shape_cast %mul3A_197 : vector<16xf32> to vector<1x16xf32>
        tpu.vector_store %arg9[%swap3A_198, %swap3A_199], %swap3A_202 {strides = array<i32>} : memref<128x128xf32, #tpu.memory_space<vmem>>, vector<1x16xf32>,
        %get3A_203 = arith.index_cast %add3A_173 : i32 to index
        %get3A_204 = arith.constant 48 : index
        %get3A_205 = tpu.vector_load %arg9[%get3A_203, %get3A_204] {strides = array<i32>} : memref<128x128xf32, #tpu.memory_space<vmem>>, vector<1x16xf32>,
        %get3A_206 = vector.shape_cast %get3A_205 : vector<1x16xf32> to vector<16xf32>
        %mul3A_207 = arith.mulf %get3A_206, %gather3A_169 : vector<16xf32>
        %swap3A_208 = arith.index_cast %add3A_173 : i32 to index
        %swap3A_209 = arith.constant 48 : index
        %swap3A_210 = tpu.vector_load %arg9[%swap3A_208, %swap3A_209] {strides = array<i32>} : memref<128x128xf32, #tpu.memory_space<vmem>>, vector<1x16xf32>,
        %swap3A_211 = vector.shape_cast %swap3A_210 : vector<1x16xf32> to vector<16xf32>
        %swap3A_212 = vector.shape_cast %mul3A_207 : vector<16xf32> to vector<1x16xf32>
        tpu.vector_store %arg9[%swap3A_208, %swap3A_209], %swap3A_212 {strides = array<i32>} : memref<128x128xf32, #tpu.memory_space<vmem>>, vector<1x16xf32>,
        %get3A_213 = arith.index_cast %add3A_173 : i32 to index
        %get3A_214 = arith.constant 64 : index
        %get3A_215 = tpu.vector_load %arg9[%get3A_213, %get3A_214] {strides = array<i32>} : memref<128x128xf32, #tpu.memory_space<vmem>>, vector<1x16xf32>,
        %get3A_216 = vector.shape_cast %get3A_215 : vector<1x16xf32> to vector<16xf32>
        %mul3A_217 = arith.mulf %get3A_216, %gather3A_169 : vector<16xf32>
        %swap3A_218 = arith.index_cast %add3A_173 : i32 to index
        %swap3A_219 = arith.constant 64 : index
        %swap3A_220 = tpu.vector_load %arg9[%swap3A_218, %swap3A_219] {strides = array<i32>} : memref<128x128xf32, #tpu.memory_space<vmem>>, vector<1x16xf32>,
        %swap3A_221 = vector.shape_cast %swap3A_220 : vector<1x16xf32> to vector<16xf32>
        %swap3A_222 = vector.shape_cast %mul3A_217 : vector<16xf32> to vector<1x16xf32>
        tpu.vector_store %arg9[%swap3A_218, %swap3A_219], %swap3A_222 {strides = array<i32>} : memref<128x128xf32, #tpu.memory_space<vmem>>, vector<1x16xf32>,
        %get3A_223 = arith.index_cast %add3A_173 : i32 to index
        %get3A_224 = arith.constant 80 : index
        %get3A_225 = tpu.vector_load %arg9[%get3A_223, %get3A_224] {strides = array<i32>} : memref<128x128xf32, #tpu.memory_space<vmem>>, vector<1x16xf32>,
        %get3A_226 = vector.shape_cast %get3A_225 : vector<1x16xf32> to vector<16xf32>
        %mul3A_227 = arith.mulf %get3A_226, %gather3A_169 : vector<16xf32>
        %swap3A_228 = arith.index_cast %add3A_173 : i32 to index
        %swap3A_229 = arith.constant 80 : index
        %swap3A_230 = tpu.vector_load %arg9[%swap3A_228, %swap3A_229] {strides = array<i32>} : memref<128x128xf32, #tpu.memory_space<vmem>>, vector<1x16xf32>,
        %swap3A_231 = vector.shape_cast %swap3A_230 : vector<1x16xf32> to vector<16xf32>
        %swap3A_232 = vector.shape_cast %mul3A_227 : vector<16xf32> to vector<1x16xf32>
        tpu.vector_store %arg9[%swap3A_228, %swap3A_229], %swap3A_232 {strides = array<i32>} : memref<128x128xf32, #tpu.memory_space<vmem>>, vector<1x16xf32>,
        %get3A_233 = arith.index_cast %add3A_173 : i32 to index
        %get3A_234 = arith.constant 96 : index
        %get3A_235 = tpu.vector_load %arg9[%get3A_233, %get3A_234] {strides = array<i32>} : memref<128x128xf32, #tpu.memory_space<vmem>>, vector<1x16xf32>,
        %get3A_236 = vector.shape_cast %get3A_235 : vector<1x16xf32> to vector<16xf32>
        %mul3A_237 = arith.mulf %get3A_236, %gather3A_169 : vector<16xf32>
        %swap3A_238 = arith.index_cast %add3A_173 : i32 to index
        %swap3A_239 = arith.constant 96 : index
        %swap3A_240 = tpu.vector_load %arg9[%swap3A_238, %swap3A_239] {strides = array<i32>} : memref<128x128xf32, #tpu.memory_space<vmem>>, vector<1x16xf32>,
        %swap3A_241 = vector.shape_cast %swap3A_240 : vector<1x16xf32> to vector<16xf32>
        %swap3A_242 = vector.shape_cast %mul3A_237 : vector<16xf32> to vector<1x16xf32>
        tpu.vector_store %arg9[%swap3A_238, %swap3A_239], %swap3A_242 {strides = array<i32>} : memref<128x128xf32, #tpu.memory_space<vmem>>, vector<1x16xf32>,
        %get3A_243 = arith.index_cast %add3A_173 : i32 to index
        %get3A_244 = arith.constant 112 : index
        %get3A_245 = tpu.vector_load %arg9[%get3A_243, %get3A_244] {strides = array<i32>} : memref<128x128xf32, #tpu.memory_space<vmem>>, vector<1x16xf32>,
        %get3A_246 = vector.shape_cast %get3A_245 : vector<1x16xf32> to vector<16xf32>
        %mul3A_247 = arith.mulf %get3A_246, %gather3A_169 : vector<16xf32>
        %swap3A_248 = arith.index_cast %add3A_173 : i32 to index
        %swap3A_249 = arith.constant 112 : index
        %swap3A_250 = tpu.vector_load %arg9[%swap3A_248, %swap3A_249] {strides = array<i32>} : memref<128x128xf32, #tpu.memory_space<vmem>>, vector<1x16xf32>,
        %swap3A_251 = vector.shape_cast %swap3A_250 : vector<1x16xf32> to vector<16xf32>
        %swap3A_252 = vector.shape_cast %mul3A_247 : vector<16xf32> to vector<1x16xf32>
        tpu.vector_store %arg9[%swap3A_248, %swap3A_249], %swap3A_252 {strides = array<i32>} : memref<128x128xf32, #tpu.memory_space<vmem>>, vector<1x16xf32>,
        %broadcast_in_dim3A_253 = arith.constant 1 : i32
        %broadcast_in_dim3A_254 = vector.broadcast %broadcast_in_dim3A_253 : i32 to vector<16x1xi32>
        %gather3A_255 = vector.shape_cast %broadcast_in_dim3A_254 : vector<16x1xi32> to vector<16xi32>
        %gather3A_256 = tpu.dynamic_gather %get3A_166[%gather3A_255] in [0] : vector<16xf32>, vector<16xi32> -> vector<16xf32>
        %mul3A_257 = arith.constant 16 : i32
        %mul3A_258 = arith.muli %scan3A_159, %mul3A_257 : i32
        %add3A_259 = arith.constant 1 : i32
        %add3A_260 = arith.addi %mul3A_258, %add3A_259 : i32
        %get3A_261 = arith.index_cast %add3A_260 : i32 to index
        %get3A_262 = arith.constant 0 : index
        %get3A_263 = tpu.vector_load %arg9[%get3A_261, %get3A_262] {strides = array<i32>} : memref<128x128xf32, #tpu.memory_space<vmem>>, vector<1x16xf32>,
        %get3A_264 = vector.shape_cast %get3A_263 : vector<1x16xf32> to vector<16xf32>
        %mul3A_265 = arith.mulf %get3A_264, %gather3A_256 : vector<16xf32>
        %swap3A_266 = arith.index_cast %add3A_260 : i32 to index
        %swap3A_267 = arith.constant 0 : index
        %swap3A_268 = tpu.vector_load %arg9[%swap3A_266, %swap3A_267] {strides = array<i32>} : memref<128x128xf32, #tpu.memory_space<vmem>>, vector<1x16xf32>,
        %swap3A_269 = vector.shape_cast %swap3A_268 : vector<1x16xf32> to vector<16xf32>
        %swap3A_270 = vector.shape_cast %mul3A_265 : vector<16xf32> to vector<1x16xf32>
        tpu.vector_store %arg9[%swap3A_266, %swap3A_267], %swap3A_270 {strides = array<i32>} : memref<128x128xf32, #tpu.memory_space<vmem>>, vector<1x16xf32>,
        %get3A_271 = arith.index_cast %add3A_260 : i32 to index
        %get3A_272 = arith.constant 16 : index
        %get3A_273 = tpu.vector_load %arg9[%get3A_271, %get3A_272] {strides = array<i32>} : memref<128x128xf32, #tpu.memory_space<vmem>>, vector<1x16xf32>,
        %get3A_274 = vector.shape_cast %get3A_273 : vector<1x16xf32> to vector<16xf32>
        %mul3A_275 = arith.mulf %get3A_274, %gather3A_256 : vector<16xf32>
        %swap3A_276 = arith.index_cast %add3A_260 : i32 to index
        %swap3A_277 = arith.constant 16 : index
        %swap3A_278 = tpu.vector_load %arg9[%swap3A_276, %swap3A_277] {strides = array<i32>} : memref<128x128xf32, #tpu.memory_space<vmem>>, vector<1x16xf32>,
        %swap3A_279 = vector.shape_cast %swap3A_278 : vector<1x16xf32> to vector<16xf32>
        %swap3A_280 = vector.shape_cast %mul3A_275 : vector<16xf32> to vector<1x16xf32>
        tpu.vector_store %arg9[%swap3A_276, %swap3A_277], %swap3A_280 {strides = array<i32>} : memref<128x128xf32, #tpu.memory_space<vmem>>, vector<1x16xf32>,
        %get3A_281 = arith.index_cast %add3A_260 : i32 to index
        %get3A_282 = arith.constant 32 : index
        %get3A_283 = tpu.vector_load %arg9[%get3A_281, %get3A_282] {strides = array<i32>} : memref<128x128xf32, #tpu.memory_space<vmem>>, vector<1x16xf32>,
        %get3A_284 = vector.shape_cast %get3A_283 : vector<1x16xf32> to vector<16xf32>
        %mul3A_285 = arith.mulf %get3A_284, %gather3A_256 : vector<16xf32>
        %swap3A_286 = arith.index_cast %add3A_260 : i32 to index
        %swap3A_287 = arith.constant 32 : index
        %swap3A_288 = tpu.vector_load %arg9[%swap3A_286, %swap3A_287] {strides = array<i32>} : memref<128x128xf32, #tpu.memory_space<vmem>>, vector<1x16xf32>,
        %swap3A_289 = vector.shape_cast %swap3A_288 : vector<1x16xf32> to vector<16xf32>
        %swap3A_290 = vector.shape_cast %mul3A_285 : vector<16xf32> to vector<1x16xf32>
        tpu.vector_store %arg9[%swap3A_286, %swap3A_287], %swap3A_290 {strides = array<i32>} : memref<128x128xf32, #tpu.memory_space<vmem>>, vector<1x16xf32>,
        %get3A_291 = arith.index_cast %add3A_260 : i32 to index
        %get3A_292 = arith.constant 48 : index
        %get3A_293 = tpu.vector_load %arg9[%get3A_291, %get3A_292] {strides = array<i32>} : memref<128x128xf32, #tpu.memory_space<vmem>>, vector<1x16xf32>,
        %get3A_294 = vector.shape_cast %get3A_293 : vector<1x16xf32> to vector<16xf32>
        %mul3A_295 = arith.mulf %get3A_294, %gather3A_256 : vector<16xf32>
        %swap3A_296 = arith.index_cast %add3A_260 : i32 to index
        %swap3A_297 = arith.constant 48 : index
        %swap3A_298 = tpu.vector_load %arg9[%swap3A_296, %swap3A_297] {strides = array<i32>} : memref<128x128xf32, #tpu.memory_space<vmem>>, vector<1x16xf32>,
        %swap3A_299 = vector.shape_cast %swap3A_298 : vector<1x16xf32> to vector<16xf32>
        %swap3A_300 = vector.shape_cast %mul3A_295 : vector<16xf32> to vector<1x16xf32>
        tpu.vector_store %arg9[%swap3A_296, %swap3A_297], %swap3A_300 {strides = array<i32>} : memref<128x128xf32, #tpu.memory_space<vmem>>, vector<1x16xf32>,
        %get3A_301 = arith.index_cast %add3A_260 : i32 to index
        %get3A_302 = arith.constant 64 : index
        %get3A_303 = tpu.vector_load %arg9[%get3A_301, %get3A_302] {strides = array<i32>} : memref<128x128xf32, #tpu.memory_space<vmem>>, vector<1x16xf32>,
        %get3A_304 = vector.shape_cast %get3A_303 : vector<1x16xf32> to vector<16xf32>
        %mul3A_305 = arith.mulf %get3A_304, %gather3A_256 : vector<16xf32>
        %swap3A_306 = arith.index_cast %add3A_260 : i32 to index
        %swap3A_307 = arith.constant 64 : index
        %swap3A_308 = tpu.vector_load %arg9[%swap3A_306, %swap3A_307] {strides = array<i32>} : memref<128x128xf32, #tpu.memory_space<vmem>>, vector<1x16xf32>,
        %swap3A_309 = vector.shape_cast %swap3A_308 : vector<1x16xf32> to vector<16xf32>
        %swap3A_310 = vector.shape_cast %mul3A_305 : vector<16xf32> to vector<1x16xf32>
        tpu.vector_store %arg9[%swap3A_306, %swap3A_307], %swap3A_310 {strides = array<i32>} : memref<128x128xf32, #tpu.memory_space<vmem>>, vector<1x16xf32>,
        %get3A_311 = arith.index_cast %add3A_260 : i32 to index
        %get3A_312 = arith.constant 80 : index
        %get3A_313 = tpu.vector_load %arg9[%get3A_311, %get3A_312] {strides = array<i32>} : memref<128x128xf32, #tpu.memory_space<vmem>>, vector<1x16xf32>,
        %get3A_314 = vector.shape_cast %get3A_313 : vector<1x16xf32> to vector<16xf32>
        %mul3A_315 = arith.mulf %get3A_314, %gather3A_256 : vector<16xf32>
        %swap3A_316 = arith.index_cast %add3A_260 : i32 to index
        %swap3A_317 = arith.constant 80 : index
        %swap3A_318 = tpu.vector_load %arg9[%swap3A_316, %swap3A_317] {strides = array<i32>} : memref<128x128xf32, #tpu.memory_space<vmem>>, vector<1x16xf32>,
        %swap3A_319 = vector.shape_cast %swap3A_318 : vector<1x16xf32> to vector<16xf32>
        %swap3A_320 = vector.shape_cast %mul3A_315 : vector<16xf32> to vector<1x16xf32>
        tpu.vector_store %arg9[%swap3A_316, %swap3A_317], %swap3A_320 {strides = array<i32>} : memref<128x128xf32, #tpu.memory_space<vmem>>, vector<1x16xf32>,
        %get3A_321 = arith.index_cast %add3A_260 : i32 to index
        %get3A_322 = arith.constant 96 : index
        %get3A_323 = tpu.vector_load %arg9[%get3A_321, %get3A_322] {strides = array<i32>} : memref<128x128xf32, #tpu.memory_space<vmem>>, vector<1x16xf32>,
        %get3A_324 = vector.shape_cast %get3A_323 : vector<1x16xf32> to vector<16xf32>
        %mul3A_325 = arith.mulf %get3A_324, %gather3A_256 : vector<16xf32>
        %swap3A_326 = arith.index_cast %add3A_260 : i32 to index
        %swap3A_327 = arith.constant 96 : index
        %swap3A_328 = tpu.vector_load %arg9[%swap3A_326, %swap3A_327] {strides = array<i32>} : memref<128x128xf32, #tpu.memory_space<vmem>>, vector<1x16xf32>,
        %swap3A_329 = vector.shape_cast %swap3A_328 : vector<1x16xf32> to vector<16xf32>
        %swap3A_330 = vector.shape_cast %mul3A_325 : vector<16xf32> to vector<1x16xf32>
        tpu.vector_store %arg9[%swap3A_326, %swap3A_327], %swap3A_330 {strides = array<i32>} : memref<128x128xf32, #tpu.memory_space<vmem>>, vector<1x16xf32>,
        %get3A_331 = arith.index_cast %add3A_260 : i32 to index
        %get3A_332 = arith.constant 112 : index
        %get3A_333 = tpu.vector_load %arg9[%get3A_331, %get3A_332] {strides = array<i32>} : memref<128x128xf32, #tpu.memory_space<vmem>>, vector<1x16xf32>,
        %get3A_334 = vector.shape_cast %get3A_333 : vector<1x16xf32> to vector<16xf32>
        %mul3A_335 = arith.mulf %get3A_334, %gather3A_256 : vector<16xf32>
        %swap3A_336 = arith.index_cast %add3A_260 : i32 to index
        %swap3A_337 = arith.constant 112 : index
        %swap3A_338 = tpu.vector_load %arg9[%swap3A_336, %swap3A_337] {strides = array<i32>} : memref<128x128xf32, #tpu.memory_space<vmem>>, vector<1x16xf32>,
        %swap3A_339 = vector.shape_cast %swap3A_338 : vector<1x16xf32> to vector<16xf32>
        %swap3A_340 = vector.shape_cast %mul3A_335 : vector<16xf32> to vector<1x16xf32>
        tpu.vector_store %arg9[%swap3A_336, %swap3A_337], %swap3A_340 {strides = array<i32>} : memref<128x128xf32, #tpu.memory_space<vmem>>, vector<1x16xf32>,
        %broadcast_in_dim3A_341 = arith.constant 2 : i32
        %broadcast_in_dim3A_342 = vector.broadcast %broadcast_in_dim3A_341 : i32 to vector<16x1xi32>
        %gather3A_343 = vector.shape_cast %broadcast_in_dim3A_342 : vector<16x1xi32> to vector<16xi32>
        %gather3A_344 = tpu.dynamic_gather %get3A_166[%gather3A_343] in [0] : vector<16xf32>, vector<16xi32> -> vector<16xf32>
        %mul3A_345 = arith.constant 16 : i32
        %mul3A_346 = arith.muli %scan3A_159, %mul3A_345 : i32
        %add3A_347 = arith.constant 2 : i32
        %add3A_348 = arith.addi %mul3A_346, %add3A_347 : i32
        %get3A_349 = arith.index_cast %add3A_348 : i32 to index
        %get3A_350 = arith.constant 0 : index
        %get3A_351 = tpu.vector_load %arg9[%get3A_349, %get3A_350] {strides = array<i32>} : memref<128x128xf32, #tpu.memory_space<vmem>>, vector<1x16xf32>,
        %get3A_352 = vector.shape_cast %get3A_351 : vector<1x16xf32> to vector<16xf32>
        %mul3A_353 = arith.mulf %get3A_352, %gather3A_344 : vector<16xf32>
        %swap3A_354 = arith.index_cast %add3A_348 : i32 to index
        %swap3A_355 = arith.constant 0 : index
        %swap3A_356 = tpu.vector_load %arg9[%swap3A_354, %swap3A_355] {strides = array<i32>} : memref<128x128xf32, #tpu.memory_space<vmem>>, vector<1x16xf32>,
        %swap3A_357 = vector.shape_cast %swap3A_356 : vector<1x16xf32> to vector<16xf32>
        %swap3A_358 = vector.shape_cast %mul3A_353 : vector<16xf32> to vector<1x16xf32>
        tpu.vector_store %arg9[%swap3A_354, %swap3A_355], %swap3A_358 {strides = array<i32>} : memref<128x128xf32, #tpu.memory_space<vmem>>, vector<1x16xf32>,
        %get3A_359 = arith.index_cast %add3A_348 : i32 to index
        %get3A_360 = arith.constant 16 : index
        %get3A_361 = tpu.vector_load %arg9[%get3A_359, %get3A_360] {strides = array<i32>} : memref<128x128xf32, #tpu.memory_space<vmem>>, vector<1x16xf32>,
        %get3A_362 = vector.shape_cast %get3A_361 : vector<1x16xf32> to vector<16xf32>
        %mul3A_363 = arith.mulf %get3A_362, %gather3A_344 : vector<16xf32>
        %swap3A_364 = arith.index_cast %add3A_348 : i32 to index
        %swap3A_365 = arith.constant 16 : index
        %swap3A_366 = tpu.vector_load %arg9[%swap3A_364, %swap3A_365] {strides = array<i32>} : memref<128x128xf32, #tpu.memory_space<vmem>>, vector<1x16xf32>,
        %swap3A_367 = vector.shape_cast %swap3A_366 : vector<1x16xf32> to vector<16xf32>
        %swap3A_368 = vector.shape_cast %mul3A_363 : vector<16xf32> to vector<1x16xf32>
        tpu.vector_store %arg9[%swap3A_364, %swap3A_365], %swap3A_368 {strides = array<i32>} : memref<128x128xf32, #tpu.memory_space<vmem>>, vector<1x16xf32>,
        %get3A_369 = arith.index_cast %add3A_348 : i32 to index
        %get3A_370 = arith.constant 32 : index
        %get3A_371 = tpu.vector_load %arg9[%get3A_369, %get3A_370] {strides = array<i32>} : memref<128x128xf32, #tpu.memory_space<vmem>>, vector<1x16xf32>,
        %get3A_372 = vector.shape_cast %get3A_371 : vector<1x16xf32> to vector<16xf32>
        %mul3A_373 = arith.mulf %get3A_372, %gather3A_344 : vector<16xf32>
        %swap3A_374 = arith.index_cast %add3A_348 : i32 to index
        %swap3A_375 = arith.constant 32 : index
        %swap3A_376 = tpu.vector_load %arg9[%swap3A_374, %swap3A_375] {strides = array<i32>} : memref<128x128xf32, #tpu.memory_space<vmem>>, vector<1x16xf32>,
        %swap3A_377 = vector.shape_cast %swap3A_376 : vector<1x16xf32> to vector<16xf32>
        %swap3A_378 = vector.shape_cast %mul3A_373 : vector<16xf32> to vector<1x16xf32>
        tpu.vector_store %arg9[%swap3A_374, %swap3A_375], %swap3A_378 {strides = array<i32>} : memref<128x128xf32, #tpu.memory_space<vmem>>, vector<1x16xf32>,
        %get3A_379 = arith.index_cast %add3A_348 : i32 to index
        %get3A_380 = arith.constant 48 : index
        %get3A_381 = tpu.vector_load %arg9[%get3A_379, %get3A_380] {strides = array<i32>} : memref<128x128xf32, #tpu.memory_space<vmem>>, vector<1x16xf32>,
        %get3A_382 = vector.shape_cast %get3A_381 : vector<1x16xf32> to vector<16xf32>
        %mul3A_383 = arith.mulf %get3A_382, %gather3A_344 : vector<16xf32>
        %swap3A_384 = arith.index_cast %add3A_348 : i32 to index
        %swap3A_385 = arith.constant 48 : index
        %swap3A_386 = tpu.vector_load %arg9[%swap3A_384, %swap3A_385] {strides = array<i32>} : memref<128x128xf32, #tpu.memory_space<vmem>>, vector<1x16xf32>,
        %swap3A_387 = vector.shape_cast %swap3A_386 : vector<1x16xf32> to vector<16xf32>
        %swap3A_388 = vector.shape_cast %mul3A_383 : vector<16xf32> to vector<1x16xf32>
        tpu.vector_store %arg9[%swap3A_384, %swap3A_385], %swap3A_388 {strides = array<i32>} : memref<128x128xf32, #tpu.memory_space<vmem>>, vector<1x16xf32>,
        %get3A_389 = arith.index_cast %add3A_348 : i32 to index
        %get3A_390 = arith.constant 64 : index
        %get3A_391 = tpu.vector_load %arg9[%get3A_389, %get3A_390] {strides = array<i32>} : memref<128x128xf32, #tpu.memory_space<vmem>>, vector<1x16xf32>,
        %get3A_392 = vector.shape_cast %get3A_391 : vector<1x16xf32> to vector<16xf32>
        %mul3A_393 = arith.mulf %get3A_392, %gather3A_344 : vector<16xf32>
        %swap3A_394 = arith.index_cast %add3A_348 : i32 to index
        %swap3A_395 = arith.constant 64 : index
        %swap3A_396 = tpu.vector_load %arg9[%swap3A_394, %swap3A_395] {strides = array<i32>} : memref<128x128xf32, #tpu.memory_space<vmem>>, vector<1x16xf32>,
        %swap3A_397 = vector.shape_cast %swap3A_396 : vector<1x16xf32> to vector<16xf32>
        %swap3A_398 = vector.shape_cast %mul3A_393 : vector<16xf32> to vector<1x16xf32>
        tpu.vector_store %arg9[%swap3A_394, %swap3A_395], %swap3A_398 {strides = array<i32>} : memref<128x128xf32, #tpu.memory_space<vmem>>, vector<1x16xf32>,
        %get3A_399 = arith.index_cast %add3A_348 : i32 to index
        %get3A_400 = arith.constant 80 : index
        %get3A_401 = tpu.vector_load %arg9[%get3A_399, %get3A_400] {strides = array<i32>} : memref<128x128xf32, #tpu.memory_space<vmem>>, vector<1x16xf32>,
        %get3A_402 = vector.shape_cast %get3A_401 : vector<1x16xf32> to vector<16xf32>
        %mul3A_403 = arith.mulf %get3A_402, %gather3A_344 : vector<16xf32>
        %swap3A_404 = arith.index_cast %add3A_348 : i32 to index
        %swap3A_405 = arith.constant 80 : index
        %swap3A_406 = tpu.vector_load %arg9[%swap3A_404, %swap3A_405] {strides = array<i32>} : memref<128x128xf32, #tpu.memory_space<vmem>>, vector<1x16xf32>,
        %swap3A_407 = vector.shape_cast %swap3A_406 : vector<1x16xf32> to vector<16xf32>
        %swap3A_408 = vector.shape_cast %mul3A_403 : vector<16xf32> to vector<1x16xf32>
        tpu.vector_store %arg9[%swap3A_404, %swap3A_405], %swap3A_408 {strides = array<i32>} : memref<128x128xf32, #tpu.memory_space<vmem>>, vector<1x16xf32>,
        %get3A_409 = arith.index_cast %add3A_348 : i32 to index
        %get3A_410 = arith.constant 96 : index
        %get3A_411 = tpu.vector_load %arg9[%get3A_409, %get3A_410] {strides = array<i32>} : memref<128x128xf32, #tpu.memory_space<vmem>>, vector<1x16xf32>,
        %get3A_412 = vector.shape_cast %get3A_411 : vector<1x16xf32> to vector<16xf32>
        %mul3A_413 = arith.mulf %get3A_412, %gather3A_344 : vector<16xf32>
        %swap3A_414 = arith.index_cast %add3A_348 : i32 to index
        %swap3A_415 = arith.constant 96 : index
        %swap3A_416 = tpu.vector_load %arg9[%swap3A_414, %swap3A_415] {strides = array<i32>} : memref<128x128xf32, #tpu.memory_space<vmem>>, vector<1x16xf32>,
        %swap3A_417 = vector.shape_cast %swap3A_416 : vector<1x16xf32> to vector<16xf32>
        %swap3A_418 = vector.shape_cast %mul3A_413 : vector<16xf32> to vector<1x16xf32>
        tpu.vector_store %arg9[%swap3A_414, %swap3A_415], %swap3A_418 {strides = array<i32>} : memref<128x128xf32, #tpu.memory_space<vmem>>, vector<1x16xf32>,
        %get3A_419 = arith.index_cast %add3A_348 : i32 to index
        %get3A_420 = arith.constant 112 : index
        %get3A_421 = tpu.vector_load %arg9[%get3A_419, %get3A_420] {strides = array<i32>} : memref<128x128xf32, #tpu.memory_space<vmem>>, vector<1x16xf32>,
        %get3A_422 = vector.shape_cast %get3A_421 : vector<1x16xf32> to vector<16xf32>
        %mul3A_423 = arith.mulf %get3A_422, %gather3A_344 : vector<16xf32>
        %swap3A_424 = arith.index_cast %add3A_348 : i32 to index
        %swap3A_425 = arith.constant 112 : index
        %swap3A_426 = tpu.vector_load %arg9[%swap3A_424, %swap3A_425] {strides = array<i32>} : memref<128x128xf32, #tpu.memory_space<vmem>>, vector<1x16xf32>,
        %swap3A_427 = vector.shape_cast %swap3A_426 : vector<1x16xf32> to vector<16xf32>
        %swap3A_428 = vector.shape_cast %mul3A_423 : vector<16xf32> to vector<1x16xf32>
        tpu.vector_store %arg9[%swap3A_424, %swap3A_425], %swap3A_428 {strides = array<i32>} : memref<128x128xf32, #tpu.memory_space<vmem>>, vector<1x16xf32>,
        %broadcast_in_dim3A_429 = arith.constant 3 : i32
        %broadcast_in_dim3A_430 = vector.broadcast %broadcast_in_dim3A_429 : i32 to vector<16x1xi32>
        %gather3A_431 = vector.shape_cast %broadcast_in_dim3A_430 : vector<16x1xi32> to vector<16xi32>
        %gather3A_432 = tpu.dynamic_gather %get3A_166[%gather3A_431] in [0] : vector<16xf32>, vector<16xi32> -> vector<16xf32>
        %mul3A_433 = arith.constant 16 : i32
        %mul3A_434 = arith.muli %scan3A_159, %mul3A_433 : i32
        %add3A_435 = arith.constant 3 : i32
        %add3A_436 = arith.addi %mul3A_434, %add3A_435 : i32
        %get3A_437 = arith.index_cast %add3A_436 : i32 to index
        %get3A_438 = arith.constant 0 : index
        %get3A_439 = tpu.vector_load %arg9[%get3A_437, %get3A_438] {strides = array<i32>} : memref<128x128xf32, #tpu.memory_space<vmem>>, vector<1x16xf32>,
        %get3A_440 = vector.shape_cast %get3A_439 : vector<1x16xf32> to vector<16xf32>
        %mul3A_441 = arith.mulf %get3A_440, %gather3A_432 : vector<16xf32>
        %swap3A_442 = arith.index_cast %add3A_436 : i32 to index
        %swap3A_443 = arith.constant 0 : index
        %swap3A_444 = tpu.vector_load %arg9[%swap3A_442, %swap3A_443] {strides = array<i32>} : memref<128x128xf32, #tpu.memory_space<vmem>>, vector<1x16xf32>,
        %swap3A_445 = vector.shape_cast %swap3A_444 : vector<1x16xf32> to vector<16xf32>
        %swap3A_446 = vector.shape_cast %mul3A_441 : vector<16xf32> to vector<1x16xf32>
        tpu.vector_store %arg9[%swap3A_442, %swap3A_443], %swap3A_446 {strides = array<i32>} : memref<128x128xf32, #tpu.memory_space<vmem>>, vector<1x16xf32>,
        %get3A_447 = arith.index_cast %add3A_436 : i32 to index
        %get3A_448 = arith.constant 16 : index
        %get3A_449 = tpu.vector_load %arg9[%get3A_447, %get3A_448] {strides = array<i32>} : memref<128x128xf32, #tpu.memory_space<vmem>>, vector<1x16xf32>,
        %get3A_450 = vector.shape_cast %get3A_449 : vector<1x16xf32> to vector<16xf32>
        %mul3A_451 = arith.mulf %get3A_450, %gather3A_432 : vector<16xf32>
        %swap3A_452 = arith.index_cast %add3A_436 : i32 to index
        %swap3A_453 = arith.constant 16 : index
        %swap3A_454 = tpu.vector_load %arg9[%swap3A_452, %swap3A_453] {strides = array<i32>} : memref<128x128xf32, #tpu.memory_space<vmem>>, vector<1x16xf32>,
        %swap3A_455 = vector.shape_cast %swap3A_454 : vector<1x16xf32> to vector<16xf32>
        %swap3A_456 = vector.shape_cast %mul3A_451 : vector<16xf32> to vector<1x16xf32>
        tpu.vector_store %arg9[%swap3A_452, %swap3A_453], %swap3A_456 {strides = array<i32>} : memref<128x128xf32, #tpu.memory_space<vmem>>, vector<1x16xf32>,
        %get3A_457 = arith.index_cast %add3A_436 : i32 to index
        %get3A_458 = arith.constant 32 : index
        %get3A_459 = tpu.vector_load %arg9[%get3A_457, %get3A_458] {strides = array<i32>} : memref<128x128xf32, #tpu.memory_space<vmem>>, vector<1x16xf32>,
        %get3A_460 = vector.shape_cast %get3A_459 : vector<1x16xf32> to vector<16xf32>
        %mul3A_461 = arith.mulf %get3A_460, %gather3A_432 : vector<16xf32>
        %swap3A_462 = arith.index_cast %add3A_436 : i32 to index
        %swap3A_463 = arith.constant 32 : index
        %swap3A_464 = tpu.vector_load %arg9[%swap3A_462, %swap3A_463] {strides = array<i32>} : memref<128x128xf32, #tpu.memory_space<vmem>>, vector<1x16xf32>,
        %swap3A_465 = vector.shape_cast %swap3A_464 : vector<1x16xf32> to vector<16xf32>
        %swap3A_466 = vector.shape_cast %mul3A_461 : vector<16xf32> to vector<1x16xf32>
        tpu.vector_store %arg9[%swap3A_462, %swap3A_463], %swap3A_466 {strides = array<i32>} : memref<128x128xf32, #tpu.memory_space<vmem>>, vector<1x16xf32>,
        %get3A_467 = arith.index_cast %add3A_436 : i32 to index
        %get3A_468 = arith.constant 48 : index
        %get3A_469 = tpu.vector_load %arg9[%get3A_467, %get3A_468] {strides = array<i32>} : memref<128x128xf32, #tpu.memory_space<vmem>>, vector<1x16xf32>,
        %get3A_470 = vector.shape_cast %get3A_469 : vector<1x16xf32> to vector<16xf32>
        %mul3A_471 = arith.mulf %get3A_470, %gather3A_432 : vector<16xf32>
        %swap3A_472 = arith.index_cast %add3A_436 : i32 to index
        %swap3A_473 = arith.constant 48 : index
        %swap3A_474 = tpu.vector_load %arg9[%swap3A_472, %swap3A_473] {strides = array<i32>} : memref<128x128xf32, #tpu.memory_space<vmem>>, vector<1x16xf32>,
        %swap3A_475 = vector.shape_cast %swap3A_474 : vector<1x16xf32> to vector<16xf32>
        %swap3A_476 = vector.shape_cast %mul3A_471 : vector<16xf32> to vector<1x16xf32>
        tpu.vector_store %arg9[%swap3A_472, %swap3A_473], %swap3A_476 {strides = array<i32>} : memref<128x128xf32, #tpu.memory_space<vmem>>, vector<1x16xf32>,
        %get3A_477 = arith.index_cast %add3A_436 : i32 to index
        %get3A_478 = arith.constant 64 : index
        %get3A_479 = tpu.vector_load %arg9[%get3A_477, %get3A_478] {strides = array<i32>} : memref<128x128xf32, #tpu.memory_space<vmem>>, vector<1x16xf32>,
        %get3A_480 = vector.shape_cast %get3A_479 : vector<1x16xf32> to vector<16xf32>
        %mul3A_481 = arith.mulf %get3A_480, %gather3A_432 : vector<16xf32>
        %swap3A_482 = arith.index_cast %add3A_436 : i32 to index
        %swap3A_483 = arith.constant 64 : index
        %swap3A_484 = tpu.vector_load %arg9[%swap3A_482, %swap3A_483] {strides = array<i32>} : memref<128x128xf32, #tpu.memory_space<vmem>>, vector<1x16xf32>,
        %swap3A_485 = vector.shape_cast %swap3A_484 : vector<1x16xf32> to vector<16xf32>
        %swap3A_486 = vector.shape_cast %mul3A_481 : vector<16xf32> to vector<1x16xf32>
        tpu.vector_store %arg9[%swap3A_482, %swap3A_483], %swap3A_486 {strides = array<i32>} : memref<128x128xf32, #tpu.memory_space<vmem>>, vector<1x16xf32>,
        %get3A_487 = arith.index_cast %add3A_436 : i32 to index
        %get3A_488 = arith.constant 80 : index
        %get3A_489 = tpu.vector_load %arg9[%get3A_487, %get3A_488] {strides = array<i32>} : memref<128x128xf32, #tpu.memory_space<vmem>>, vector<1x16xf32>,
        %get3A_490 = vector.shape_cast %get3A_489 : vector<1x16xf32> to vector<16xf32>
        %mul3A_491 = arith.mulf %get3A_490, %gather3A_432 : vector<16xf32>
        %swap3A_492 = arith.index_cast %add3A_436 : i32 to index
        %swap3A_493 = arith.constant 80 : index
        %swap3A_494 = tpu.vector_load %arg9[%swap3A_492, %swap3A_493] {strides = array<i32>} : memref<128x128xf32, #tpu.memory_space<vmem>>, vector<1x16xf32>,
        %swap3A_495 = vector.shape_cast %swap3A_494 : vector<1x16xf32> to vector<16xf32>
        %swap3A_496 = vector.shape_cast %mul3A_491 : vector<16xf32> to vector<1x16xf32>
        tpu.vector_store %arg9[%swap3A_492, %swap3A_493], %swap3A_496 {strides = array<i32>} : memref<128x128xf32, #tpu.memory_space<vmem>>, vector<1x16xf32>,
        %get3A_497 = arith.index_cast %add3A_436 : i32 to index
        %get3A_498 = arith.constant 96 : index
        %get3A_499 = tpu.vector_load %arg9[%get3A_497, %get3A_498] {strides = array<i32>} : memref<128x128xf32, #tpu.memory_space<vmem>>, vector<1x16xf32>,
        %get3A_500 = vector.shape_cast %get3A_499 : vector<1x16xf32> to vector<16xf32>
        %mul3A_501 = arith.mulf %get3A_500, %gather3A_432 : vector<16xf32>
        %swap3A_502 = arith.index_cast %add3A_436 : i32 to index
        %swap3A_503 = arith.constant 96 : index
        %swap3A_504 = tpu.vector_load %arg9[%swap3A_502, %swap3A_503] {strides = array<i32>} : memref<128x128xf32, #tpu.memory_space<vmem>>, vector<1x16xf32>,
        %swap3A_505 = vector.shape_cast %swap3A_504 : vector<1x16xf32> to vector<16xf32>
        %swap3A_506 = vector.shape_cast %mul3A_501 : vector<16xf32> to vector<1x16xf32>
        tpu.vector_store %arg9[%swap3A_502, %swap3A_503], %swap3A_506 {strides = array<i32>} : memref<128x128xf32, #tpu.memory_space<vmem>>, vector<1x16xf32>,
        %get3A_507 = arith.index_cast %add3A_436 : i32 to index
        %get3A_508 = arith.constant 112 : index
        %get3A_509 = tpu.vector_load %arg9[%get3A_507, %get3A_508] {strides = array<i32>} : memref<128x128xf32, #tpu.memory_space<vmem>>, vector<1x16xf32>,
        %get3A_510 = vector.shape_cast %get3A_509 : vector<1x16xf32> to vector<16xf32>
        %mul3A_511 = arith.mulf %get3A_510, %gather3A_432 : vector<16xf32>
        %swap3A_512 = arith.index_cast %add3A_436 : i32 to index
        %swap3A_513 = arith.constant 112 : index
        %swap3A_514 = tpu.vector_load %arg9[%swap3A_512, %swap3A_513] {strides = array<i32>} : memref<128x128xf32, #tpu.memory_space<vmem>>, vector<1x16xf32>,
        %swap3A_515 = vector.shape_cast %swap3A_514 : vector<1x16xf32> to vector<16xf32>
        %swap3A_516 = vector.shape_cast %mul3A_511 : vector<16xf32> to vector<1x16xf32>
        tpu.vector_store %arg9[%swap3A_512, %swap3A_513], %swap3A_516 {strides = array<i32>} : memref<128x128xf32, #tpu.memory_space<vmem>>, vector<1x16xf32>,
        %broadcast_in_dim3A_517 = arith.constant 4 : i32
        %broadcast_in_dim3A_518 = vector.broadcast %broadcast_in_dim3A_517 : i32 to vector<16x1xi32>
        %gather3A_519 = vector.shape_cast %broadcast_in_dim3A_518 : vector<16x1xi32> to vector<16xi32>
        %gather3A_520 = tpu.dynamic_gather %get3A_166[%gather3A_519] in [0] : vector<16xf32>, vector<16xi32> -> vector<16xf32>
        %mul3A_521 = arith.constant 16 : i32
        %mul3A_522 = arith.muli %scan3A_159, %mul3A_521 : i32
        %add3A_523 = arith.constant 4 : i32
        %add3A_524 = arith.addi %mul3A_522, %add3A_523 : i32
        %get3A_525 = arith.index_cast %add3A_524 : i32 to index
        %get3A_526 = arith.constant 0 : index
        %get3A_527 = tpu.vector_load %arg9[%get3A_525, %get3A_526] {strides = array<i32>} : memref<128x128xf32, #tpu.memory_space<vmem>>, vector<1x16xf32>,
        %get3A_528 = vector.shape_cast %get3A_527 : vector<1x16xf32> to vector<16xf32>
        %mul3A_529 = arith.mulf %get3A_528, %gather3A_520 : vector<16xf32>
        %swap3A_530 = arith.index_cast %add3A_524 : i32 to index
        %swap3A_531 = arith.constant 0 : index
        %swap3A_532 = tpu.vector_load %arg9[%swap3A_530, %swap3A_531] {strides = array<i32>} : memref<128x128xf32, #tpu.memory_space<vmem>>, vector<1x16xf32>,
        %swap3A_533 = vector.shape_cast %swap3A_532 : vector<1x16xf32> to vector<16xf32>
        %swap3A_534 = vector.shape_cast %mul3A_529 : vector<16xf32> to vector<1x16xf32>
        tpu.vector_store %arg9[%swap3A_530, %swap3A_531], %swap3A_534 {strides = array<i32>} : memref<128x128xf32, #tpu.memory_space<vmem>>, vector<1x16xf32>,
        %get3A_535 = arith.index_cast %add3A_524 : i32 to index
        %get3A_536 = arith.constant 16 : index
        %get3A_537 = tpu.vector_load %arg9[%get3A_535, %get3A_536] {strides = array<i32>} : memref<128x128xf32, #tpu.memory_space<vmem>>, vector<1x16xf32>,
        %get3A_538 = vector.shape_cast %get3A_537 : vector<1x16xf32> to vector<16xf32>
        %mul3A_539 = arith.mulf %get3A_538, %gather3A_520 : vector<16xf32>
        %swap3A_540 = arith.index_cast %add3A_524 : i32 to index
        %swap3A_541 = arith.constant 16 : index
        %swap3A_542 = tpu.vector_load %arg9[%swap3A_540, %swap3A_541] {strides = array<i32>} : memref<128x128xf32, #tpu.memory_space<vmem>>, vector<1x16xf32>,
        %swap3A_543 = vector.shape_cast %swap3A_542 : vector<1x16xf32> to vector<16xf32>
        %swap3A_544 = vector.shape_cast %mul3A_539 : vector<16xf32> to vector<1x16xf32>
        tpu.vector_store %arg9[%swap3A_540, %swap3A_541], %swap3A_544 {strides = array<i32>} : memref<128x128xf32, #tpu.memory_space<vmem>>, vector<1x16xf32>,
        %get3A_545 = arith.index_cast %add3A_524 : i32 to index
        %get3A_546 = arith.constant 32 : index
        %get3A_547 = tpu.vector_load %arg9[%get3A_545, %get3A_546] {strides = array<i32>} : memref<128x128xf32, #tpu.memory_space<vmem>>, vector<1x16xf32>,
        %get3A_548 = vector.shape_cast %get3A_547 : vector<1x16xf32> to vector<16xf32>
        %mul3A_549 = arith.mulf %get3A_548, %gather3A_520 : vector<16xf32>
        %swap3A_550 = arith.index_cast %add3A_524 : i32 to index
        %swap3A_551 = arith.constant 32 : index
        %swap3A_552 = tpu.vector_load %arg9[%swap3A_550, %swap3A_551] {strides = array<i32>} : memref<128x128xf32, #tpu.memory_space<vmem>>, vector<1x16xf32>,
        %swap3A_553 = vector.shape_cast %swap3A_552 : vector<1x16xf32> to vector<16xf32>
        %swap3A_554 = vector.shape_cast %mul3A_549 : vector<16xf32> to vector<1x16xf32>
        tpu.vector_store %arg9[%swap3A_550, %swap3A_551], %swap3A_554 {strides = array<i32>} : memref<128x128xf32, #tpu.memory_space<vmem>>, vector<1x16xf32>,
        %get3A_555 = arith.index_cast %add3A_524 : i32 to index
        %get3A_556 = arith.constant 48 : index
        %get3A_557 = tpu.vector_load %arg9[%get3A_555, %get3A_556] {strides = array<i32>} : memref<128x128xf32, #tpu.memory_space<vmem>>, vector<1x16xf32>,
        %get3A_558 = vector.shape_cast %get3A_557 : vector<1x16xf32> to vector<16xf32>
        %mul3A_559 = arith.mulf %get3A_558, %gather3A_520 : vector<16xf32>
        %swap3A_560 = arith.index_cast %add3A_524 : i32 to index
        %swap3A_561 = arith.constant 48 : index
        %swap3A_562 = tpu.vector_load %arg9[%swap3A_560, %swap3A_561] {strides = array<i32>} : memref<128x128xf32, #tpu.memory_space<vmem>>, vector<1x16xf32>,
        %swap3A_563 = vector.shape_cast %swap3A_562 : vector<1x16xf32> to vector<16xf32>
        %swap3A_564 = vector.shape_cast %mul3A_559 : vector<16xf32> to vector<1x16xf32>
        tpu.vector_store %arg9[%swap3A_560, %swap3A_561], %swap3A_564 {strides = array<i32>} : memref<128x128xf32, #tpu.memory_space<vmem>>, vector<1x16xf32>,
        %get3A_565 = arith.index_cast %add3A_524 : i32 to index
        %get3A_566 = arith.constant 64 : index
        %get3A_567 = tpu.vector_load %arg9[%get3A_565, %get3A_566] {strides = array<i32>} : memref<128x128xf32, #tpu.memory_space<vmem>>, vector<1x16xf32>,
        %get3A_568 = vector.shape_cast %get3A_567 : vector<1x16xf32> to vector<16xf32>
        %mul3A_569 = arith.mulf %get3A_568, %gather3A_520 : vector<16xf32>
        %swap3A_570 = arith.index_cast %add3A_524 : i32 to index
        %swap3A_571 = arith.constant 64 : index
        %swap3A_572 = tpu.vector_load %arg9[%swap3A_570, %swap3A_571] {strides = array<i32>} : memref<128x128xf32, #tpu.memory_space<vmem>>, vector<1x16xf32>,
        %swap3A_573 = vector.shape_cast %swap3A_572 : vector<1x16xf32> to vector<16xf32>
        %swap3A_574 = vector.shape_cast %mul3A_569 : vector<16xf32> to vector<1x16xf32>
        tpu.vector_store %arg9[%swap3A_570, %swap3A_571], %swap3A_574 {strides = array<i32>} : memref<128x128xf32, #tpu.memory_space<vmem>>, vector<1x16xf32>,
        %get3A_575 = arith.index_cast %add3A_524 : i32 to index
        %get3A_576 = arith.constant 80 : index
        %get3A_577 = tpu.vector_load %arg9[%get3A_575, %get3A_576] {strides = array<i32>} : memref<128x128xf32, #tpu.memory_space<vmem>>, vector<1x16xf32>,
        %get3A_578 = vector.shape_cast %get3A_577 : vector<1x16xf32> to vector<16xf32>
        %mul3A_579 = arith.mulf %get3A_578, %gather3A_520 : vector<16xf32>
        %swap3A_580 = arith.index_cast %add3A_524 : i32 to index
        %swap3A_581 = arith.constant 80 : index
        %swap3A_582 = tpu.vector_load %arg9[%swap3A_580, %swap3A_581] {strides = array<i32>} : memref<128x128xf32, #tpu.memory_space<vmem>>, vector<1x16xf32>,
        %swap3A_583 = vector.shape_cast %swap3A_582 : vector<1x16xf32> to vector<16xf32>
        %swap3A_584 = vector.shape_cast %mul3A_579 : vector<16xf32> to vector<1x16xf32>
        tpu.vector_store %arg9[%swap3A_580, %swap3A_581], %swap3A_584 {strides = array<i32>} : memref<128x128xf32, #tpu.memory_space<vmem>>, vector<1x16xf32>,
        %get3A_585 = arith.index_cast %add3A_524 : i32 to index
        %get3A_586 = arith.constant 96 : index
        %get3A_587 = tpu.vector_load %arg9[%get3A_585, %get3A_586] {strides = array<i32>} : memref<128x128xf32, #tpu.memory_space<vmem>>, vector<1x16xf32>,
        %get3A_588 = vector.shape_cast %get3A_587 : vector<1x16xf32> to vector<16xf32>
        %mul3A_589 = arith.mulf %get3A_588, %gather3A_520 : vector<16xf32>
        %swap3A_590 = arith.index_cast %add3A_524 : i32 to index
        %swap3A_591 = arith.constant 96 : index
        %swap3A_592 = tpu.vector_load %arg9[%swap3A_590, %swap3A_591] {strides = array<i32>} : memref<128x128xf32, #tpu.memory_space<vmem>>, vector<1x16xf32>,
        %swap3A_593 = vector.shape_cast %swap3A_592 : vector<1x16xf32> to vector<16xf32>
        %swap3A_594 = vector.shape_cast %mul3A_589 : vector<16xf32> to vector<1x16xf32>
        tpu.vector_store %arg9[%swap3A_590, %swap3A_591], %swap3A_594 {strides = array<i32>} : memref<128x128xf32, #tpu.memory_space<vmem>>, vector<1x16xf32>,
        %get3A_595 = arith.index_cast %add3A_524 : i32 to index
        %get3A_596 = arith.constant 112 : index
        %get3A_597 = tpu.vector_load %arg9[%get3A_595, %get3A_596] {strides = array<i32>} : memref<128x128xf32, #tpu.memory_space<vmem>>, vector<1x16xf32>,
        %get3A_598 = vector.shape_cast %get3A_597 : vector<1x16xf32> to vector<16xf32>
        %mul3A_599 = arith.mulf %get3A_598, %gather3A_520 : vector<16xf32>
        %swap3A_600 = arith.index_cast %add3A_524 : i32 to index
        %swap3A_601 = arith.constant 112 : index
        %swap3A_602 = tpu.vector_load %arg9[%swap3A_600, %swap3A_601] {strides = array<i32>} : memref<128x128xf32, #tpu.memory_space<vmem>>, vector<1x16xf32>,
        %swap3A_603 = vector.shape_cast %swap3A_602 : vector<1x16xf32> to vector<16xf32>
        %swap3A_604 = vector.shape_cast %mul3A_599 : vector<16xf32> to vector<1x16xf32>
        tpu.vector_store %arg9[%swap3A_600, %swap3A_601], %swap3A_604 {strides = array<i32>} : memref<128x128xf32, #tpu.memory_space<vmem>>, vector<1x16xf32>,
        %broadcast_in_dim3A_605 = arith.constant 5 : i32
        %broadcast_in_dim3A_606 = vector.broadcast %broadcast_in_dim3A_605 : i32 to vector<16x1xi32>
        %gather3A_607 = vector.shape_cast %broadcast_in_dim3A_606 : vector<16x1xi32> to vector<16xi32>
        %gather3A_608 = tpu.dynamic_gather %get3A_166[%gather3A_607] in [0] : vector<16xf32>, vector<16xi32> -> vector<16xf32>
        %mul3A_609 = arith.constant 16 : i32
        %mul3A_610 = arith.muli %scan3A_159, %mul3A_609 : i32
        %add3A_611 = arith.constant 5 : i32
        %add3A_612 = arith.addi %mul3A_610, %add3A_611 : i32
        %get3A_613 = arith.index_cast %add3A_612 : i32 to index
        %get3A_614 = arith.constant 0 : index
        %get3A_615 = tpu.vector_load %arg9[%get3A_613, %get3A_614] {strides = array<i32>} : memref<128x128xf32, #tpu.memory_space<vmem>>, vector<1x16xf32>,
        %get3A_616 = vector.shape_cast %get3A_615 : vector<1x16xf32> to vector<16xf32>
        %mul3A_617 = arith.mulf %get3A_616, %gather3A_608 : vector<16xf32>
        %swap3A_618 = arith.index_cast %add3A_612 : i32 to index
        %swap3A_619 = arith.constant 0 : index
        %swap3A_620 = tpu.vector_load %arg9[%swap3A_618, %swap3A_619] {strides = array<i32>} : memref<128x128xf32, #tpu.memory_space<vmem>>, vector<1x16xf32>,
        %swap3A_621 = vector.shape_cast %swap3A_620 : vector<1x16xf32> to vector<16xf32>
        %swap3A_622 = vector.shape_cast %mul3A_617 : vector<16xf32> to vector<1x16xf32>
        tpu.vector_store %arg9[%swap3A_618, %swap3A_619], %swap3A_622 {strides = array<i32>} : memref<128x128xf32, #tpu.memory_space<vmem>>, vector<1x16xf32>,
        %get3A_623 = arith.index_cast %add3A_612 : i32 to index
        %get3A_624 = arith.constant 16 : index
        %get3A_625 = tpu.vector_load %arg9[%get3A_623, %get3A_624] {strides = array<i32>} : memref<128x128xf32, #tpu.memory_space<vmem>>, vector<1x16xf32>,
        %get3A_626 = vector.shape_cast %get3A_625 : vector<1x16xf32> to vector<16xf32>
        %mul3A_627 = arith.mulf %get3A_626, %gather3A_608 : vector<16xf32>
        %swap3A_628 = arith.index_cast %add3A_612 : i32 to index
        %swap3A_629 = arith.constant 16 : index
        %swap3A_630 = tpu.vector_load %arg9[%swap3A_628, %swap3A_629] {strides = array<i32>} : memref<128x128xf32, #tpu.memory_space<vmem>>, vector<1x16xf32>,
        %swap3A_631 = vector.shape_cast %swap3A_630 : vector<1x16xf32> to vector<16xf32>
        %swap3A_632 = vector.shape_cast %mul3A_627 : vector<16xf32> to vector<1x16xf32>
        tpu.vector_store %arg9[%swap3A_628, %swap3A_629], %swap3A_632 {strides = array<i32>} : memref<128x128xf32, #tpu.memory_space<vmem>>, vector<1x16xf32>,
        %get3A_633 = arith.index_cast %add3A_612 : i32 to index
        %get3A_634 = arith.constant 32 : index
        %get3A_635 = tpu.vector_load %arg9[%get3A_633, %get3A_634] {strides = array<i32>} : memref<128x128xf32, #tpu.memory_space<vmem>>, vector<1x16xf32>,
        %get3A_636 = vector.shape_cast %get3A_635 : vector<1x16xf32> to vector<16xf32>
        %mul3A_637 = arith.mulf %get3A_636, %gather3A_608 : vector<16xf32>
        %swap3A_638 = arith.index_cast %add3A_612 : i32 to index
        %swap3A_639 = arith.constant 32 : index
        %swap3A_640 = tpu.vector_load %arg9[%swap3A_638, %swap3A_639] {strides = array<i32>} : memref<128x128xf32, #tpu.memory_space<vmem>>, vector<1x16xf32>,
        %swap3A_641 = vector.shape_cast %swap3A_640 : vector<1x16xf32> to vector<16xf32>
        %swap3A_642 = vector.shape_cast %mul3A_637 : vector<16xf32> to vector<1x16xf32>
        tpu.vector_store %arg9[%swap3A_638, %swap3A_639], %swap3A_642 {strides = array<i32>} : memref<128x128xf32, #tpu.memory_space<vmem>>, vector<1x16xf32>,
        %get3A_643 = arith.index_cast %add3A_612 : i32 to index
        %get3A_644 = arith.constant 48 : index
        %get3A_645 = tpu.vector_load %arg9[%get3A_643, %get3A_644] {strides = array<i32>} : memref<128x128xf32, #tpu.memory_space<vmem>>, vector<1x16xf32>,
        %get3A_646 = vector.shape_cast %get3A_645 : vector<1x16xf32> to vector<16xf32>
        %mul3A_647 = arith.mulf %get3A_646, %gather3A_608 : vector<16xf32>
        %swap3A_648 = arith.index_cast %add3A_612 : i32 to index
        %swap3A_649 = arith.constant 48 : index
        %swap3A_650 = tpu.vector_load %arg9[%swap3A_648, %swap3A_649] {strides = array<i32>} : memref<128x128xf32, #tpu.memory_space<vmem>>, vector<1x16xf32>,
        %swap3A_651 = vector.shape_cast %swap3A_650 : vector<1x16xf32> to vector<16xf32>
        %swap3A_652 = vector.shape_cast %mul3A_647 : vector<16xf32> to vector<1x16xf32>
        tpu.vector_store %arg9[%swap3A_648, %swap3A_649], %swap3A_652 {strides = array<i32>} : memref<128x128xf32, #tpu.memory_space<vmem>>, vector<1x16xf32>,
        %get3A_653 = arith.index_cast %add3A_612 : i32 to index
        %get3A_654 = arith.constant 64 : index
        %get3A_655 = tpu.vector_load %arg9[%get3A_653, %get3A_654] {strides = array<i32>} : memref<128x128xf32, #tpu.memory_space<vmem>>, vector<1x16xf32>,
        %get3A_656 = vector.shape_cast %get3A_655 : vector<1x16xf32> to vector<16xf32>
        %mul3A_657 = arith.mulf %get3A_656, %gather3A_608 : vector<16xf32>
        %swap3A_658 = arith.index_cast %add3A_612 : i32 to index
        %swap3A_659 = arith.constant 64 : index
        %swap3A_660 = tpu.vector_load %arg9[%swap3A_658, %swap3A_659] {strides = array<i32>} : memref<128x128xf32, #tpu.memory_space<vmem>>, vector<1x16xf32>,
        %swap3A_661 = vector.shape_cast %swap3A_660 : vector<1x16xf32> to vector<16xf32>
        %swap3A_662 = vector.shape_cast %mul3A_657 : vector<16xf32> to vector<1x16xf32>
        tpu.vector_store %arg9[%swap3A_658, %swap3A_659], %swap3A_662 {strides = array<i32>} : memref<128x128xf32, #tpu.memory_space<vmem>>, vector<1x16xf32>,
        %get3A_663 = arith.index_cast %add3A_612 : i32 to index
        %get3A_664 = arith.constant 80 : index
        %get3A_665 = tpu.vector_load %arg9[%get3A_663, %get3A_664] {strides = array<i32>} : memref<128x128xf32, #tpu.memory_space<vmem>>, vector<1x16xf32>,
        %get3A_666 = vector.shape_cast %get3A_665 : vector<1x16xf32> to vector<16xf32>
        %mul3A_667 = arith.mulf %get3A_666, %gather3A_608 : vector<16xf32>
        %swap3A_668 = arith.index_cast %add3A_612 : i32 to index
        %swap3A_669 = arith.constant 80 : index
        %swap3A_670 = tpu.vector_load %arg9[%swap3A_668, %swap3A_669] {strides = array<i32>} : memref<128x128xf32, #tpu.memory_space<vmem>>, vector<1x16xf32>,
        %swap3A_671 = vector.shape_cast %swap3A_670 : vector<1x16xf32> to vector<16xf32>
        %swap3A_672 = vector.shape_cast %mul3A_667 : vector<16xf32> to vector<1x16xf32>
        tpu.vector_store %arg9[%swap3A_668, %swap3A_669], %swap3A_672 {strides = array<i32>} : memref<128x128xf32, #tpu.memory_space<vmem>>, vector<1x16xf32>,
        %get3A_673 = arith.index_cast %add3A_612 : i32 to index
        %get3A_674 = arith.constant 96 : index
        %get3A_675 = tpu.vector_load %arg9[%get3A_673, %get3A_674] {strides = array<i32>} : memref<128x128xf32, #tpu.memory_space<vmem>>, vector<1x16xf32>,
        %get3A_676 = vector.shape_cast %get3A_675 : vector<1x16xf32> to vector<16xf32>
        %mul3A_677 = arith.mulf %get3A_676, %gather3A_608 : vector<16xf32>
        %swap3A_678 = arith.index_cast %add3A_612 : i32 to index
        %swap3A_679 = arith.constant 96 : index
        %swap3A_680 = tpu.vector_load %arg9[%swap3A_678, %swap3A_679] {strides = array<i32>} : memref<128x128xf32, #tpu.memory_space<vmem>>, vector<1x16xf32>,
        %swap3A_681 = vector.shape_cast %swap3A_680 : vector<1x16xf32> to vector<16xf32>
        %swap3A_682 = vector.shape_cast %mul3A_677 : vector<16xf32> to vector<1x16xf32>
        tpu.vector_store %arg9[%swap3A_678, %swap3A_679], %swap3A_682 {strides = array<i32>} : memref<128x128xf32, #tpu.memory_space<vmem>>, vector<1x16xf32>,
        %get3A_683 = arith.index_cast %add3A_612 : i32 to index
        %get3A_684 = arith.constant 112 : index
        %get3A_685 = tpu.vector_load %arg9[%get3A_683, %get3A_684] {strides = array<i32>} : memref<128x128xf32, #tpu.memory_space<vmem>>, vector<1x16xf32>,
        %get3A_686 = vector.shape_cast %get3A_685 : vector<1x16xf32> to vector<16xf32>
        %mul3A_687 = arith.mulf %get3A_686, %gather3A_608 : vector<16xf32>
        %swap3A_688 = arith.index_cast %add3A_612 : i32 to index
        %swap3A_689 = arith.constant 112 : index
        %swap3A_690 = tpu.vector_load %arg9[%swap3A_688, %swap3A_689] {strides = array<i32>} : memref<128x128xf32, #tpu.memory_space<vmem>>, vector<1x16xf32>,
        %swap3A_691 = vector.shape_cast %swap3A_690 : vector<1x16xf32> to vector<16xf32>
        %swap3A_692 = vector.shape_cast %mul3A_687 : vector<16xf32> to vector<1x16xf32>
        tpu.vector_store %arg9[%swap3A_688, %swap3A_689], %swap3A_692 {strides = array<i32>} : memref<128x128xf32, #tpu.memory_space<vmem>>, vector<1x16xf32>,
        %broadcast_in_dim3A_693 = arith.constant 6 : i32
        %broadcast_in_dim3A_694 = vector.broadcast %broadcast_in_dim3A_693 : i32 to vector<16x1xi32>
        %gather3A_695 = vector.shape_cast %broadcast_in_dim3A_694 : vector<16x1xi32> to vector<16xi32>
        %gather3A_696 = tpu.dynamic_gather %get3A_166[%gather3A_695] in [0] : vector<16xf32>, vector<16xi32> -> vector<16xf32>
        %mul3A_697 = arith.constant 16 : i32
        %mul3A_698 = arith.muli %scan3A_159, %mul3A_697 : i32
        %add3A_699 = arith.constant 6 : i32
        %add3A_700 = arith.addi %mul3A_698, %add3A_699 : i32
        %get3A_701 = arith.index_cast %add3A_700 : i32 to index
        %get3A_702 = arith.constant 0 : index
        %get3A_703 = tpu.vector_load %arg9[%get3A_701, %get3A_702] {strides = array<i32>} : memref<128x128xf32, #tpu.memory_space<vmem>>, vector<1x16xf32>,
        %get3A_704 = vector.shape_cast %get3A_703 : vector<1x16xf32> to vector<16xf32>
        %mul3A_705 = arith.mulf %get3A_704, %gather3A_696 : vector<16xf32>
        %swap3A_706 = arith.index_cast %add3A_700 : i32 to index
        %swap3A_707 = arith.constant 0 : index
        %swap3A_708 = tpu.vector_load %arg9[%swap3A_706, %swap3A_707] {strides = array<i32>} : memref<128x128xf32, #tpu.memory_space<vmem>>, vector<1x16xf32>,
        %swap3A_709 = vector.shape_cast %swap3A_708 : vector<1x16xf32> to vector<16xf32>
        %swap3A_710 = vector.shape_cast %mul3A_705 : vector<16xf32> to vector<1x16xf32>
        tpu.vector_store %arg9[%swap3A_706, %swap3A_707], %swap3A_710 {strides = array<i32>} : memref<128x128xf32, #tpu.memory_space<vmem>>, vector<1x16xf32>,
        %get3A_711 = arith.index_cast %add3A_700 : i32 to index
        %get3A_712 = arith.constant 16 : index
        %get3A_713 = tpu.vector_load %arg9[%get3A_711, %get3A_712] {strides = array<i32>} : memref<128x128xf32, #tpu.memory_space<vmem>>, vector<1x16xf32>,
        %get3A_714 = vector.shape_cast %get3A_713 : vector<1x16xf32> to vector<16xf32>
        %mul3A_715 = arith.mulf %get3A_714, %gather3A_696 : vector<16xf32>
        %swap3A_716 = arith.index_cast %add3A_700 : i32 to index
        %swap3A_717 = arith.constant 16 : index
        %swap3A_718 = tpu.vector_load %arg9[%swap3A_716, %swap3A_717] {strides = array<i32>} : memref<128x128xf32, #tpu.memory_space<vmem>>, vector<1x16xf32>,
        %swap3A_719 = vector.shape_cast %swap3A_718 : vector<1x16xf32> to vector<16xf32>
        %swap3A_720 = vector.shape_cast %mul3A_715 : vector<16xf32> to vector<1x16xf32>
        tpu.vector_store %arg9[%swap3A_716, %swap3A_717], %swap3A_720 {strides = array<i32>} : memref<128x128xf32, #tpu.memory_space<vmem>>, vector<1x16xf32>,
        %get3A_721 = arith.index_cast %add3A_700 : i32 to index
        %get3A_722 = arith.constant 32 : index
        %get3A_723 = tpu.vector_load %arg9[%get3A_721, %get3A_722] {strides = array<i32>} : memref<128x128xf32, #tpu.memory_space<vmem>>, vector<1x16xf32>,
        %get3A_724 = vector.shape_cast %get3A_723 : vector<1x16xf32> to vector<16xf32>
        %mul3A_725 = arith.mulf %get3A_724, %gather3A_696 : vector<16xf32>
        %swap3A_726 = arith.index_cast %add3A_700 : i32 to index
        %swap3A_727 = arith.constant 32 : index
        %swap3A_728 = tpu.vector_load %arg9[%swap3A_726, %swap3A_727] {strides = array<i32>} : memref<128x128xf32, #tpu.memory_space<vmem>>, vector<1x16xf32>,
        %swap3A_729 = vector.shape_cast %swap3A_728 : vector<1x16xf32> to vector<16xf32>
        %swap3A_730 = vector.shape_cast %mul3A_725 : vector<16xf32> to vector<1x16xf32>
        tpu.vector_store %arg9[%swap3A_726, %swap3A_727], %swap3A_730 {strides = array<i32>} : memref<128x128xf32, #tpu.memory_space<vmem>>, vector<1x16xf32>,
        %get3A_731 = arith.index_cast %add3A_700 : i32 to index
        %get3A_732 = arith.constant 48 : index
        %get3A_733 = tpu.vector_load %arg9[%get3A_731, %get3A_732] {strides = array<i32>} : memref<128x128xf32, #tpu.memory_space<vmem>>, vector<1x16xf32>,
        %get3A_734 = vector.shape_cast %get3A_733 : vector<1x16xf32> to vector<16xf32>
        %mul3A_735 = arith.mulf %get3A_734, %gather3A_696 : vector<16xf32>
        %swap3A_736 = arith.index_cast %add3A_700 : i32 to index
        %swap3A_737 = arith.constant 48 : index
        %swap3A_738 = tpu.vector_load %arg9[%swap3A_736, %swap3A_737] {strides = array<i32>} : memref<128x128xf32, #tpu.memory_space<vmem>>, vector<1x16xf32>,
        %swap3A_739 = vector.shape_cast %swap3A_738 : vector<1x16xf32> to vector<16xf32>
        %swap3A_740 = vector.shape_cast %mul3A_735 : vector<16xf32> to vector<1x16xf32>
        tpu.vector_store %arg9[%swap3A_736, %swap3A_737], %swap3A_740 {strides = array<i32>} : memref<128x128xf32, #tpu.memory_space<vmem>>, vector<1x16xf32>,
        %get3A_741 = arith.index_cast %add3A_700 : i32 to index
        %get3A_742 = arith.constant 64 : index
        %get3A_743 = tpu.vector_load %arg9[%get3A_741, %get3A_742] {strides = array<i32>} : memref<128x128xf32, #tpu.memory_space<vmem>>, vector<1x16xf32>,
        %get3A_744 = vector.shape_cast %get3A_743 : vector<1x16xf32> to vector<16xf32>
        %mul3A_745 = arith.mulf %get3A_744, %gather3A_696 : vector<16xf32>
        %swap3A_746 = arith.index_cast %add3A_700 : i32 to index
        %swap3A_747 = arith.constant 64 : index
        %swap3A_748 = tpu.vector_load %arg9[%swap3A_746, %swap3A_747] {strides = array<i32>} : memref<128x128xf32, #tpu.memory_space<vmem>>, vector<1x16xf32>,
        %swap3A_749 = vector.shape_cast %swap3A_748 : vector<1x16xf32> to vector<16xf32>
        %swap3A_750 = vector.shape_cast %mul3A_745 : vector<16xf32> to vector<1x16xf32>
        tpu.vector_store %arg9[%swap3A_746, %swap3A_747], %swap3A_750 {strides = array<i32>} : memref<128x128xf32, #tpu.memory_space<vmem>>, vector<1x16xf32>,
        %get3A_751 = arith.index_cast %add3A_700 : i32 to index
        %get3A_752 = arith.constant 80 : index
        %get3A_753 = tpu.vector_load %arg9[%get3A_751, %get3A_752] {strides = array<i32>} : memref<128x128xf32, #tpu.memory_space<vmem>>, vector<1x16xf32>,
        %get3A_754 = vector.shape_cast %get3A_753 : vector<1x16xf32> to vector<16xf32>
        %mul3A_755 = arith.mulf %get3A_754, %gather3A_696 : vector<16xf32>
        %swap3A_756 = arith.index_cast %add3A_700 : i32 to index
        %swap3A_757 = arith.constant 80 : index
        %swap3A_758 = tpu.vector_load %arg9[%swap3A_756, %swap3A_757] {strides = array<i32>} : memref<128x128xf32, #tpu.memory_space<vmem>>, vector<1x16xf32>,
        %swap3A_759 = vector.shape_cast %swap3A_758 : vector<1x16xf32> to vector<16xf32>
        %swap3A_760 = vector.shape_cast %mul3A_755 : vector<16xf32> to vector<1x16xf32>
        tpu.vector_store %arg9[%swap3A_756, %swap3A_757], %swap3A_760 {strides = array<i32>} : memref<128x128xf32, #tpu.memory_space<vmem>>, vector<1x16xf32>,
        %get3A_761 = arith.index_cast %add3A_700 : i32 to index
        %get3A_762 = arith.constant 96 : index
        %get3A_763 = tpu.vector_load %arg9[%get3A_761, %get3A_762] {strides = array<i32>} : memref<128x128xf32, #tpu.memory_space<vmem>>, vector<1x16xf32>,
        %get3A_764 = vector.shape_cast %get3A_763 : vector<1x16xf32> to vector<16xf32>
        %mul3A_765 = arith.mulf %get3A_764, %gather3A_696 : vector<16xf32>
        %swap3A_766 = arith.index_cast %add3A_700 : i32 to index
        %swap3A_767 = arith.constant 96 : index
        %swap3A_768 = tpu.vector_load %arg9[%swap3A_766, %swap3A_767] {strides = array<i32>} : memref<128x128xf32, #tpu.memory_space<vmem>>, vector<1x16xf32>,
        %swap3A_769 = vector.shape_cast %swap3A_768 : vector<1x16xf32> to vector<16xf32>
        %swap3A_770 = vector.shape_cast %mul3A_765 : vector<16xf32> to vector<1x16xf32>
        tpu.vector_store %arg9[%swap3A_766, %swap3A_767], %swap3A_770 {strides = array<i32>} : memref<128x128xf32, #tpu.memory_space<vmem>>, vector<1x16xf32>,
        %get3A_771 = arith.index_cast %add3A_700 : i32 to index
        %get3A_772 = arith.constant 112 : index
        %get3A_773 = tpu.vector_load %arg9[%get3A_771, %get3A_772] {strides = array<i32>} : memref<128x128xf32, #tpu.memory_space<vmem>>, vector<1x16xf32>,
        %get3A_774 = vector.shape_cast %get3A_773 : vector<1x16xf32> to vector<16xf32>
        %mul3A_775 = arith.mulf %get3A_774, %gather3A_696 : vector<16xf32>
        %swap3A_776 = arith.index_cast %add3A_700 : i32 to index
        %swap3A_777 = arith.constant 112 : index
        %swap3A_778 = tpu.vector_load %arg9[%swap3A_776, %swap3A_777] {strides = array<i32>} : memref<128x128xf32, #tpu.memory_space<vmem>>, vector<1x16xf32>,
        %swap3A_779 = vector.shape_cast %swap3A_778 : vector<1x16xf32> to vector<16xf32>
        %swap3A_780 = vector.shape_cast %mul3A_775 : vector<16xf32> to vector<1x16xf32>
        tpu.vector_store %arg9[%swap3A_776, %swap3A_777], %swap3A_780 {strides = array<i32>} : memref<128x128xf32, #tpu.memory_space<vmem>>, vector<1x16xf32>,
        %broadcast_in_dim3A_781 = arith.constant 7 : i32
        %broadcast_in_dim3A_782 = vector.broadcast %broadcast_in_dim3A_781 : i32 to vector<16x1xi32>
        %gather3A_783 = vector.shape_cast %broadcast_in_dim3A_782 : vector<16x1xi32> to vector<16xi32>
        %gather3A_784 = tpu.dynamic_gather %get3A_166[%gather3A_783] in [0] : vector<16xf32>, vector<16xi32> -> vector<16xf32>
        %mul3A_785 = arith.constant 16 : i32
        %mul3A_786 = arith.muli %scan3A_159, %mul3A_785 : i32
        %add3A_787 = arith.constant 7 : i32
        %add3A_788 = arith.addi %mul3A_786, %add3A_787 : i32
        %get3A_789 = arith.index_cast %add3A_788 : i32 to index
        %get3A_790 = arith.constant 0 : index
        %get3A_791 = tpu.vector_load %arg9[%get3A_789, %get3A_790] {strides = array<i32>} : memref<128x128xf32, #tpu.memory_space<vmem>>, vector<1x16xf32>,
        %get3A_792 = vector.shape_cast %get3A_791 : vector<1x16xf32> to vector<16xf32>
        %mul3A_793 = arith.mulf %get3A_792, %gather3A_784 : vector<16xf32>
        %swap3A_794 = arith.index_cast %add3A_788 : i32 to index
        %swap3A_795 = arith.constant 0 : index
        %swap3A_796 = tpu.vector_load %arg9[%swap3A_794, %swap3A_795] {strides = array<i32>} : memref<128x128xf32, #tpu.memory_space<vmem>>, vector<1x16xf32>,
        %swap3A_797 = vector.shape_cast %swap3A_796 : vector<1x16xf32> to vector<16xf32>
        %swap3A_798 = vector.shape_cast %mul3A_793 : vector<16xf32> to vector<1x16xf32>
        tpu.vector_store %arg9[%swap3A_794, %swap3A_795], %swap3A_798 {strides = array<i32>} : memref<128x128xf32, #tpu.memory_space<vmem>>, vector<1x16xf32>,
        %get3A_799 = arith.index_cast %add3A_788 : i32 to index
        %get3A_800 = arith.constant 16 : index
        %get3A_801 = tpu.vector_load %arg9[%get3A_799, %get3A_800] {strides = array<i32>} : memref<128x128xf32, #tpu.memory_space<vmem>>, vector<1x16xf32>,
        %get3A_802 = vector.shape_cast %get3A_801 : vector<1x16xf32> to vector<16xf32>
        %mul3A_803 = arith.mulf %get3A_802, %gather3A_784 : vector<16xf32>
        %swap3A_804 = arith.index_cast %add3A_788 : i32 to index
        %swap3A_805 = arith.constant 16 : index
        %swap3A_806 = tpu.vector_load %arg9[%swap3A_804, %swap3A_805] {strides = array<i32>} : memref<128x128xf32, #tpu.memory_space<vmem>>, vector<1x16xf32>,
        %swap3A_807 = vector.shape_cast %swap3A_806 : vector<1x16xf32> to vector<16xf32>
        %swap3A_808 = vector.shape_cast %mul3A_803 : vector<16xf32> to vector<1x16xf32>
        tpu.vector_store %arg9[%swap3A_804, %swap3A_805], %swap3A_808 {strides = array<i32>} : memref<128x128xf32, #tpu.memory_space<vmem>>, vector<1x16xf32>,
        %get3A_809 = arith.index_cast %add3A_788 : i32 to index
        %get3A_810 = arith.constant 32 : index
        %get3A_811 = tpu.vector_load %arg9[%get3A_809, %get3A_810] {strides = array<i32>} : memref<128x128xf32, #tpu.memory_space<vmem>>, vector<1x16xf32>,
        %get3A_812 = vector.shape_cast %get3A_811 : vector<1x16xf32> to vector<16xf32>
        %mul3A_813 = arith.mulf %get3A_812, %gather3A_784 : vector<16xf32>
        %swap3A_814 = arith.index_cast %add3A_788 : i32 to index
        %swap3A_815 = arith.constant 32 : index
        %swap3A_816 = tpu.vector_load %arg9[%swap3A_814, %swap3A_815] {strides = array<i32>} : memref<128x128xf32, #tpu.memory_space<vmem>>, vector<1x16xf32>,
        %swap3A_817 = vector.shape_cast %swap3A_816 : vector<1x16xf32> to vector<16xf32>
        %swap3A_818 = vector.shape_cast %mul3A_813 : vector<16xf32> to vector<1x16xf32>
        tpu.vector_store %arg9[%swap3A_814, %swap3A_815], %swap3A_818 {strides = array<i32>} : memref<128x128xf32, #tpu.memory_space<vmem>>, vector<1x16xf32>,
        %get3A_819 = arith.index_cast %add3A_788 : i32 to index
        %get3A_820 = arith.constant 48 : index
        %get3A_821 = tpu.vector_load %arg9[%get3A_819, %get3A_820] {strides = array<i32>} : memref<128x128xf32, #tpu.memory_space<vmem>>, vector<1x16xf32>,
        %get3A_822 = vector.shape_cast %get3A_821 : vector<1x16xf32> to vector<16xf32>
        %mul3A_823 = arith.mulf %get3A_822, %gather3A_784 : vector<16xf32>
        %swap3A_824 = arith.index_cast %add3A_788 : i32 to index
        %swap3A_825 = arith.constant 48 : index
        %swap3A_826 = tpu.vector_load %arg9[%swap3A_824, %swap3A_825] {strides = array<i32>} : memref<128x128xf32, #tpu.memory_space<vmem>>, vector<1x16xf32>,
        %swap3A_827 = vector.shape_cast %swap3A_826 : vector<1x16xf32> to vector<16xf32>
        %swap3A_828 = vector.shape_cast %mul3A_823 : vector<16xf32> to vector<1x16xf32>
        tpu.vector_store %arg9[%swap3A_824, %swap3A_825], %swap3A_828 {strides = array<i32>} : memref<128x128xf32, #tpu.memory_space<vmem>>, vector<1x16xf32>,
        %get3A_829 = arith.index_cast %add3A_788 : i32 to index
        %get3A_830 = arith.constant 64 : index
        %get3A_831 = tpu.vector_load %arg9[%get3A_829, %get3A_830] {strides = array<i32>} : memref<128x128xf32, #tpu.memory_space<vmem>>, vector<1x16xf32>,
        %get3A_832 = vector.shape_cast %get3A_831 : vector<1x16xf32> to vector<16xf32>
        %mul3A_833 = arith.mulf %get3A_832, %gather3A_784 : vector<16xf32>
        %swap3A_834 = arith.index_cast %add3A_788 : i32 to index
        %swap3A_835 = arith.constant 64 : index
        %swap3A_836 = tpu.vector_load %arg9[%swap3A_834, %swap3A_835] {strides = array<i32>} : memref<128x128xf32, #tpu.memory_space<vmem>>, vector<1x16xf32>,
        %swap3A_837 = vector.shape_cast %swap3A_836 : vector<1x16xf32> to vector<16xf32>
        %swap3A_838 = vector.shape_cast %mul3A_833 : vector<16xf32> to vector<1x16xf32>
        tpu.vector_store %arg9[%swap3A_834, %swap3A_835], %swap3A_838 {strides = array<i32>} : memref<128x128xf32, #tpu.memory_space<vmem>>, vector<1x16xf32>,
        %get3A_839 = arith.index_cast %add3A_788 : i32 to index
        %get3A_840 = arith.constant 80 : index
        %get3A_841 = tpu.vector_load %arg9[%get3A_839, %get3A_840] {strides = array<i32>} : memref<128x128xf32, #tpu.memory_space<vmem>>, vector<1x16xf32>,
        %get3A_842 = vector.shape_cast %get3A_841 : vector<1x16xf32> to vector<16xf32>
        %mul3A_843 = arith.mulf %get3A_842, %gather3A_784 : vector<16xf32>
        %swap3A_844 = arith.index_cast %add3A_788 : i32 to index
        %swap3A_845 = arith.constant 80 : index
        %swap3A_846 = tpu.vector_load %arg9[%swap3A_844, %swap3A_845] {strides = array<i32>} : memref<128x128xf32, #tpu.memory_space<vmem>>, vector<1x16xf32>,
        %swap3A_847 = vector.shape_cast %swap3A_846 : vector<1x16xf32> to vector<16xf32>
        %swap3A_848 = vector.shape_cast %mul3A_843 : vector<16xf32> to vector<1x16xf32>
        tpu.vector_store %arg9[%swap3A_844, %swap3A_845], %swap3A_848 {strides = array<i32>} : memref<128x128xf32, #tpu.memory_space<vmem>>, vector<1x16xf32>,
        %get3A_849 = arith.index_cast %add3A_788 : i32 to index
        %get3A_850 = arith.constant 96 : index
        %get3A_851 = tpu.vector_load %arg9[%get3A_849, %get3A_850] {strides = array<i32>} : memref<128x128xf32, #tpu.memory_space<vmem>>, vector<1x16xf32>,
        %get3A_852 = vector.shape_cast %get3A_851 : vector<1x16xf32> to vector<16xf32>
        %mul3A_853 = arith.mulf %get3A_852, %gather3A_784 : vector<16xf32>
        %swap3A_854 = arith.index_cast %add3A_788 : i32 to index
        %swap3A_855 = arith.constant 96 : index
        %swap3A_856 = tpu.vector_load %arg9[%swap3A_854, %swap3A_855] {strides = array<i32>} : memref<128x128xf32, #tpu.memory_space<vmem>>, vector<1x16xf32>,
        %swap3A_857 = vector.shape_cast %swap3A_856 : vector<1x16xf32> to vector<16xf32>
        %swap3A_858 = vector.shape_cast %mul3A_853 : vector<16xf32> to vector<1x16xf32>
        tpu.vector_store %arg9[%swap3A_854, %swap3A_855], %swap3A_858 {strides = array<i32>} : memref<128x128xf32, #tpu.memory_space<vmem>>, vector<1x16xf32>,
        %get3A_859 = arith.index_cast %add3A_788 : i32 to index
        %get3A_860 = arith.constant 112 : index
        %get3A_861 = tpu.vector_load %arg9[%get3A_859, %get3A_860] {strides = array<i32>} : memref<128x128xf32, #tpu.memory_space<vmem>>, vector<1x16xf32>,
        %get3A_862 = vector.shape_cast %get3A_861 : vector<1x16xf32> to vector<16xf32>
        %mul3A_863 = arith.mulf %get3A_862, %gather3A_784 : vector<16xf32>
        %swap3A_864 = arith.index_cast %add3A_788 : i32 to index
        %swap3A_865 = arith.constant 112 : index
        %swap3A_866 = tpu.vector_load %arg9[%swap3A_864, %swap3A_865] {strides = array<i32>} : memref<128x128xf32, #tpu.memory_space<vmem>>, vector<1x16xf32>,
        %swap3A_867 = vector.shape_cast %swap3A_866 : vector<1x16xf32> to vector<16xf32>
        %swap3A_868 = vector.shape_cast %mul3A_863 : vector<16xf32> to vector<1x16xf32>
        tpu.vector_store %arg9[%swap3A_864, %swap3A_865], %swap3A_868 {strides = array<i32>} : memref<128x128xf32, #tpu.memory_space<vmem>>, vector<1x16xf32>,
        %broadcast_in_dim3A_869 = arith.constant 8 : i32
        %broadcast_in_dim3A_870 = vector.broadcast %broadcast_in_dim3A_869 : i32 to vector<16x1xi32>
        %gather3A_871 = vector.shape_cast %broadcast_in_dim3A_870 : vector<16x1xi32> to vector<16xi32>
        %gather3A_872 = tpu.dynamic_gather %get3A_166[%gather3A_871] in [0] : vector<16xf32>, vector<16xi32> -> vector<16xf32>
        %mul3A_873 = arith.constant 16 : i32
        %mul3A_874 = arith.muli %scan3A_159, %mul3A_873 : i32
        %add3A_875 = arith.constant 8 : i32
        %add3A_876 = arith.addi %mul3A_874, %add3A_875 : i32
        %get3A_877 = arith.index_cast %add3A_876 : i32 to index
        %get3A_878 = arith.constant 0 : index
        %get3A_879 = tpu.vector_load %arg9[%get3A_877, %get3A_878] {strides = array<i32>} : memref<128x128xf32, #tpu.memory_space<vmem>>, vector<1x16xf32>,
        %get3A_880 = vector.shape_cast %get3A_879 : vector<1x16xf32> to vector<16xf32>
        %mul3A_881 = arith.mulf %get3A_880, %gather3A_872 : vector<16xf32>
        %swap3A_882 = arith.index_cast %add3A_876 : i32 to index
        %swap3A_883 = arith.constant 0 : index
        %swap3A_884 = tpu.vector_load %arg9[%swap3A_882, %swap3A_883] {strides = array<i32>} : memref<128x128xf32, #tpu.memory_space<vmem>>, vector<1x16xf32>,
        %swap3A_885 = vector.shape_cast %swap3A_884 : vector<1x16xf32> to vector<16xf32>
        %swap3A_886 = vector.shape_cast %mul3A_881 : vector<16xf32> to vector<1x16xf32>
        tpu.vector_store %arg9[%swap3A_882, %swap3A_883], %swap3A_886 {strides = array<i32>} : memref<128x128xf32, #tpu.memory_space<vmem>>, vector<1x16xf32>,
        %get3A_887 = arith.index_cast %add3A_876 : i32 to index
        %get3A_888 = arith.constant 16 : index
        %get3A_889 = tpu.vector_load %arg9[%get3A_887, %get3A_888] {strides = array<i32>} : memref<128x128xf32, #tpu.memory_space<vmem>>, vector<1x16xf32>,
        %get3A_890 = vector.shape_cast %get3A_889 : vector<1x16xf32> to vector<16xf32>
        %mul3A_891 = arith.mulf %get3A_890, %gather3A_872 : vector<16xf32>
        %swap3A_892 = arith.index_cast %add3A_876 : i32 to index
        %swap3A_893 = arith.constant 16 : index
        %swap3A_894 = tpu.vector_load %arg9[%swap3A_892, %swap3A_893] {strides = array<i32>} : memref<128x128xf32, #tpu.memory_space<vmem>>, vector<1x16xf32>,
        %swap3A_895 = vector.shape_cast %swap3A_894 : vector<1x16xf32> to vector<16xf32>
        %swap3A_896 = vector.shape_cast %mul3A_891 : vector<16xf32> to vector<1x16xf32>
        tpu.vector_store %arg9[%swap3A_892, %swap3A_893], %swap3A_896 {strides = array<i32>} : memref<128x128xf32, #tpu.memory_space<vmem>>, vector<1x16xf32>,
        %get3A_897 = arith.index_cast %add3A_876 : i32 to index
        %get3A_898 = arith.constant 32 : index
        %get3A_899 = tpu.vector_load %arg9[%get3A_897, %get3A_898] {strides = array<i32>} : memref<128x128xf32, #tpu.memory_space<vmem>>, vector<1x16xf32>,
        %get3A_900 = vector.shape_cast %get3A_899 : vector<1x16xf32> to vector<16xf32>
        %mul3A_901 = arith.mulf %get3A_900, %gather3A_872 : vector<16xf32>
        %swap3A_902 = arith.index_cast %add3A_876 : i32 to index
        %swap3A_903 = arith.constant 32 : index
        %swap3A_904 = tpu.vector_load %arg9[%swap3A_902, %swap3A_903] {strides = array<i32>} : memref<128x128xf32, #tpu.memory_space<vmem>>, vector<1x16xf32>,
        %swap3A_905 = vector.shape_cast %swap3A_904 : vector<1x16xf32> to vector<16xf32>
        %swap3A_906 = vector.shape_cast %mul3A_901 : vector<16xf32> to vector<1x16xf32>
        tpu.vector_store %arg9[%swap3A_902, %swap3A_903], %swap3A_906 {strides = array<i32>} : memref<128x128xf32, #tpu.memory_space<vmem>>, vector<1x16xf32>,
        %get3A_907 = arith.index_cast %add3A_876 : i32 to index
        %get3A_908 = arith.constant 48 : index
        %get3A_909 = tpu.vector_load %arg9[%get3A_907, %get3A_908] {strides = array<i32>} : memref<128x128xf32, #tpu.memory_space<vmem>>, vector<1x16xf32>,
        %get3A_910 = vector.shape_cast %get3A_909 : vector<1x16xf32> to vector<16xf32>
        %mul3A_911 = arith.mulf %get3A_910, %gather3A_872 : vector<16xf32>
        %swap3A_912 = arith.index_cast %add3A_876 : i32 to index
        %swap3A_913 = arith.constant 48 : index
        %swap3A_914 = tpu.vector_load %arg9[%swap3A_912, %swap3A_913] {strides = array<i32>} : memref<128x128xf32, #tpu.memory_space<vmem>>, vector<1x16xf32>,
        %swap3A_915 = vector.shape_cast %swap3A_914 : vector<1x16xf32> to vector<16xf32>
        %swap3A_916 = vector.shape_cast %mul3A_911 : vector<16xf32> to vector<1x16xf32>
        tpu.vector_store %arg9[%swap3A_912, %swap3A_913], %swap3A_916 {strides = array<i32>} : memref<128x128xf32, #tpu.memory_space<vmem>>, vector<1x16xf32>,
        %get3A_917 = arith.index_cast %add3A_876 : i32 to index
        %get3A_918 = arith.constant 64 : index
        %get3A_919 = tpu.vector_load %arg9[%get3A_917, %get3A_918] {strides = array<i32>} : memref<128x128xf32, #tpu.memory_space<vmem>>, vector<1x16xf32>,
        %get3A_920 = vector.shape_cast %get3A_919 : vector<1x16xf32> to vector<16xf32>
        %mul3A_921 = arith.mulf %get3A_920, %gather3A_872 : vector<16xf32>
        %swap3A_922 = arith.index_cast %add3A_876 : i32 to index
        %swap3A_923 = arith.constant 64 : index
        %swap3A_924 = tpu.vector_load %arg9[%swap3A_922, %swap3A_923] {strides = array<i32>} : memref<128x128xf32, #tpu.memory_space<vmem>>, vector<1x16xf32>,
        %swap3A_925 = vector.shape_cast %swap3A_924 : vector<1x16xf32> to vector<16xf32>
        %swap3A_926 = vector.shape_cast %mul3A_921 : vector<16xf32> to vector<1x16xf32>
        tpu.vector_store %arg9[%swap3A_922, %swap3A_923], %swap3A_926 {strides = array<i32>} : memref<128x128xf32, #tpu.memory_space<vmem>>, vector<1x16xf32>,
        %get3A_927 = arith.index_cast %add3A_876 : i32 to index
        %get3A_928 = arith.constant 80 : index
        %get3A_929 = tpu.vector_load %arg9[%get3A_927, %get3A_928] {strides = array<i32>} : memref<128x128xf32, #tpu.memory_space<vmem>>, vector<1x16xf32>,
        %get3A_930 = vector.shape_cast %get3A_929 : vector<1x16xf32> to vector<16xf32>
        %mul3A_931 = arith.mulf %get3A_930, %gather3A_872 : vector<16xf32>
        %swap3A_932 = arith.index_cast %add3A_876 : i32 to index
        %swap3A_933 = arith.constant 80 : index
        %swap3A_934 = tpu.vector_load %arg9[%swap3A_932, %swap3A_933] {strides = array<i32>} : memref<128x128xf32, #tpu.memory_space<vmem>>, vector<1x16xf32>,
        %swap3A_935 = vector.shape_cast %swap3A_934 : vector<1x16xf32> to vector<16xf32>
        %swap3A_936 = vector.shape_cast %mul3A_931 : vector<16xf32> to vector<1x16xf32>
        tpu.vector_store %arg9[%swap3A_932, %swap3A_933], %swap3A_936 {strides = array<i32>} : memref<128x128xf32, #tpu.memory_space<vmem>>, vector<1x16xf32>,
        %get3A_937 = arith.index_cast %add3A_876 : i32 to index
        %get3A_938 = arith.constant 96 : index
        %get3A_939 = tpu.vector_load %arg9[%get3A_937, %get3A_938] {strides = array<i32>} : memref<128x128xf32, #tpu.memory_space<vmem>>, vector<1x16xf32>,
        %get3A_940 = vector.shape_cast %get3A_939 : vector<1x16xf32> to vector<16xf32>
        %mul3A_941 = arith.mulf %get3A_940, %gather3A_872 : vector<16xf32>
        %swap3A_942 = arith.index_cast %add3A_876 : i32 to index
        %swap3A_943 = arith.constant 96 : index
        %swap3A_944 = tpu.vector_load %arg9[%swap3A_942, %swap3A_943] {strides = array<i32>} : memref<128x128xf32, #tpu.memory_space<vmem>>, vector<1x16xf32>,
        %swap3A_945 = vector.shape_cast %swap3A_944 : vector<1x16xf32> to vector<16xf32>
        %swap3A_946 = vector.shape_cast %mul3A_941 : vector<16xf32> to vector<1x16xf32>
        tpu.vector_store %arg9[%swap3A_942, %swap3A_943], %swap3A_946 {strides = array<i32>} : memref<128x128xf32, #tpu.memory_space<vmem>>, vector<1x16xf32>,
        %get3A_947 = arith.index_cast %add3A_876 : i32 to index
        %get3A_948 = arith.constant 112 : index
        %get3A_949 = tpu.vector_load %arg9[%get3A_947, %get3A_948] {strides = array<i32>} : memref<128x128xf32, #tpu.memory_space<vmem>>, vector<1x16xf32>,
        %get3A_950 = vector.shape_cast %get3A_949 : vector<1x16xf32> to vector<16xf32>
        %mul3A_951 = arith.mulf %get3A_950, %gather3A_872 : vector<16xf32>
        %swap3A_952 = arith.index_cast %add3A_876 : i32 to index
        %swap3A_953 = arith.constant 112 : index
        %swap3A_954 = tpu.vector_load %arg9[%swap3A_952, %swap3A_953] {strides = array<i32>} : memref<128x128xf32, #tpu.memory_space<vmem>>, vector<1x16xf32>,
        %swap3A_955 = vector.shape_cast %swap3A_954 : vector<1x16xf32> to vector<16xf32>
        %swap3A_956 = vector.shape_cast %mul3A_951 : vector<16xf32> to vector<1x16xf32>
        tpu.vector_store %arg9[%swap3A_952, %swap3A_953], %swap3A_956 {strides = array<i32>} : memref<128x128xf32, #tpu.memory_space<vmem>>, vector<1x16xf32>,
        %broadcast_in_dim3A_957 = arith.constant 9 : i32
        %broadcast_in_dim3A_958 = vector.broadcast %broadcast_in_dim3A_957 : i32 to vector<16x1xi32>
        %gather3A_959 = vector.shape_cast %broadcast_in_dim3A_958 : vector<16x1xi32> to vector<16xi32>
        %gather3A_960 = tpu.dynamic_gather %get3A_166[%gather3A_959] in [0] : vector<16xf32>, vector<16xi32> -> vector<16xf32>
        %mul3A_961 = arith.constant 16 : i32
        %mul3A_962 = arith.muli %scan3A_159, %mul3A_961 : i32
        %add3A_963 = arith.constant 9 : i32
        %add3A_964 = arith.addi %mul3A_962, %add3A_963 : i32
        %get3A_965 = arith.index_cast %add3A_964 : i32 to index
        %get3A_966 = arith.constant 0 : index
        %get3A_967 = tpu.vector_load %arg9[%get3A_965, %get3A_966] {strides = array<i32>} : memref<128x128xf32, #tpu.memory_space<vmem>>, vector<1x16xf32>,
        %get3A_968 = vector.shape_cast %get3A_967 : vector<1x16xf32> to vector<16xf32>
        %mul3A_969 = arith.mulf %get3A_968, %gather3A_960 : vector<16xf32>
        %swap3A_970 = arith.index_cast %add3A_964 : i32 to index
        %swap3A_971 = arith.constant 0 : index
        %swap3A_972 = tpu.vector_load %arg9[%swap3A_970, %swap3A_971] {strides = array<i32>} : memref<128x128xf32, #tpu.memory_space<vmem>>, vector<1x16xf32>,
        %swap3A_973 = vector.shape_cast %swap3A_972 : vector<1x16xf32> to vector<16xf32>
        %swap3A_974 = vector.shape_cast %mul3A_969 : vector<16xf32> to vector<1x16xf32>
        tpu.vector_store %arg9[%swap3A_970, %swap3A_971], %swap3A_974 {strides = array<i32>} : memref<128x128xf32, #tpu.memory_space<vmem>>, vector<1x16xf32>,
        %get3A_975 = arith.index_cast %add3A_964 : i32 to index
        %get3A_976 = arith.constant 16 : index
        %get3A_977 = tpu.vector_load %arg9[%get3A_975, %get3A_976] {strides = array<i32>} : memref<128x128xf32, #tpu.memory_space<vmem>>, vector<1x16xf32>,
        %get3A_978 = vector.shape_cast %get3A_977 : vector<1x16xf32> to vector<16xf32>
        %mul3A_979 = arith.mulf %get3A_978, %gather3A_960 : vector<16xf32>
        %swap3A_980 = arith.index_cast %add3A_964 : i32 to index
        %swap3A_981 = arith.constant 16 : index
        %swap3A_982 = tpu.vector_load %arg9[%swap3A_980, %swap3A_981] {strides = array<i32>} : memref<128x128xf32, #tpu.memory_space<vmem>>, vector<1x16xf32>,
        %swap3A_983 = vector.shape_cast %swap3A_982 : vector<1x16xf32> to vector<16xf32>
        %swap3A_984 = vector.shape_cast %mul3A_979 : vector<16xf32> to vector<1x16xf32>
        tpu.vector_store %arg9[%swap3A_980, %swap3A_981], %swap3A_984 {strides = array<i32>} : memref<128x128xf32, #tpu.memory_space<vmem>>, vector<1x16xf32>,
        %get3A_985 = arith.index_cast %add3A_964 : i32 to index
        %get3A_986 = arith.constant 32 : index
        %get3A_987 = tpu.vector_load %arg9[%get3A_985, %get3A_986] {strides = array<i32>} : memref<128x128xf32, #tpu.memory_space<vmem>>, vector<1x16xf32>,
        %get3A_988 = vector.shape_cast %get3A_987 : vector<1x16xf32> to vector<16xf32>
        %mul3A_989 = arith.mulf %get3A_988, %gather3A_960 : vector<16xf32>
        %swap3A_990 = arith.index_cast %add3A_964 : i32 to index
        %swap3A_991 = arith.constant 32 : index
        %swap3A_992 = tpu.vector_load %arg9[%swap3A_990, %swap3A_991] {strides = array<i32>} : memref<128x128xf32, #tpu.memory_space<vmem>>, vector<1x16xf32>,
        %swap3A_993 = vector.shape_cast %swap3A_992 : vector<1x16xf32> to vector<16xf32>
        %swap3A_994 = vector.shape_cast %mul3A_989 : vector<16xf32> to vector<1x16xf32>
        tpu.vector_store %arg9[%swap3A_990, %swap3A_991], %swap3A_994 {strides = array<i32>} : memref<128x128xf32, #tpu.memory_space<vmem>>, vector<1x16xf32>,
        %get3A_995 = arith.index_cast %add3A_964 : i32 to index
        %get3A_996 = arith.constant 48 : index
        %get3A_997 = tpu.vector_load %arg9[%get3A_995, %get3A_996] {strides = array<i32>} : memref<128x128xf32, #tpu.memory_space<vmem>>, vector<1x16xf32>,
        %get3A_998 = vector.shape_cast %get3A_997 : vector<1x16xf32> to vector<16xf32>
        %mul3A_999 = arith.mulf %get3A_998, %gather3A_960 : vector<16xf32>
        %swap3A_1000 = arith.index_cast %add3A_964 : i32 to index
        %swap3A_1001 = arith.constant 48 : index
        %swap3A_1002 = tpu.vector_load %arg9[%swap3A_1000, %swap3A_1001] {strides = array<i32>} : memref<128x128xf32, #tpu.memory_space<vmem>>, vector<1x16xf32>,
        %swap3A_1003 = vector.shape_cast %swap3A_1002 : vector<1x16xf32> to vector<16xf32>
        %swap3A_1004 = vector.shape_cast %mul3A_999 : vector<16xf32> to vector<1x16xf32>
        tpu.vector_store %arg9[%swap3A_1000, %swap3A_1001], %swap3A_1004 {strides = array<i32>} : memref<128x128xf32, #tpu.memory_space<vmem>>, vector<1x16xf32>,
        %get3A_1005 = arith.index_cast %add3A_964 : i32 to index
        %get3A_1006 = arith.constant 64 : index
        %get3A_1007 = tpu.vector_load %arg9[%get3A_1005, %get3A_1006] {strides = array<i32>} : memref<128x128xf32, #tpu.memory_space<vmem>>, vector<1x16xf32>,
        %get3A_1008 = vector.shape_cast %get3A_1007 : vector<1x16xf32> to vector<16xf32>
        %mul3A_1009 = arith.mulf %get3A_1008, %gather3A_960 : vector<16xf32>
        %swap3A_1010 = arith.index_cast %add3A_964 : i32 to index
        %swap3A_1011 = arith.constant 64 : index
        %swap3A_1012 = tpu.vector_load %arg9[%swap3A_1010, %swap3A_1011] {strides = array<i32>} : memref<128x128xf32, #tpu.memory_space<vmem>>, vector<1x16xf32>,
        %swap3A_1013 = vector.shape_cast %swap3A_1012 : vector<1x16xf32> to vector<16xf32>
        %swap3A_1014 = vector.shape_cast %mul3A_1009 : vector<16xf32> to vector<1x16xf32>
        tpu.vector_store %arg9[%swap3A_1010, %swap3A_1011], %swap3A_1014 {strides = array<i32>} : memref<128x128xf32, #tpu.memory_space<vmem>>, vector<1x16xf32>,
        %get3A_1015 = arith.index_cast %add3A_964 : i32 to index
        %get3A_1016 = arith.constant 80 : index
        %get3A_1017 = tpu.vector_load %arg9[%get3A_1015, %get3A_1016] {strides = array<i32>} : memref<128x128xf32, #tpu.memory_space<vmem>>, vector<1x16xf32>,
        %get3A_1018 = vector.shape_cast %get3A_1017 : vector<1x16xf32> to vector<16xf32>
        %mul3A_1019 = arith.mulf %get3A_1018, %gather3A_960 : vector<16xf32>
        %swap3A_1020 = arith.index_cast %add3A_964 : i32 to index
        %swap3A_1021 = arith.constant 80 : index
        %swap3A_1022 = tpu.vector_load %arg9[%swap3A_1020, %swap3A_1021] {strides = array<i32>} : memref<128x128xf32, #tpu.memory_space<vmem>>, vector<1x16xf32>,
        %swap3A_1023 = vector.shape_cast %swap3A_1022 : vector<1x16xf32> to vector<16xf32>
        %swap3A_1024 = vector.shape_cast %mul3A_1019 : vector<16xf32> to vector<1x16xf32>
        tpu.vector_store %arg9[%swap3A_1020, %swap3A_1021], %swap3A_1024 {strides = array<i32>} : memref<128x128xf32, #tpu.memory_space<vmem>>, vector<1x16xf32>,
        %get3A_1025 = arith.index_cast %add3A_964 : i32 to index
        %get3A_1026 = arith.constant 96 : index
        %get3A_1027 = tpu.vector_load %arg9[%get3A_1025, %get3A_1026] {strides = array<i32>} : memref<128x128xf32, #tpu.memory_space<vmem>>, vector<1x16xf32>,
        %get3A_1028 = vector.shape_cast %get3A_1027 : vector<1x16xf32> to vector<16xf32>
        %mul3A_1029 = arith.mulf %get3A_1028, %gather3A_960 : vector<16xf32>
        %swap3A_1030 = arith.index_cast %add3A_964 : i32 to index
        %swap3A_1031 = arith.constant 96 : index
        %swap3A_1032 = tpu.vector_load %arg9[%swap3A_1030, %swap3A_1031] {strides = array<i32>} : memref<128x128xf32, #tpu.memory_space<vmem>>, vector<1x16xf32>,
        %swap3A_1033 = vector.shape_cast %swap3A_1032 : vector<1x16xf32> to vector<16xf32>
        %swap3A_1034 = vector.shape_cast %mul3A_1029 : vector<16xf32> to vector<1x16xf32>
        tpu.vector_store %arg9[%swap3A_1030, %swap3A_1031], %swap3A_1034 {strides = array<i32>} : memref<128x128xf32, #tpu.memory_space<vmem>>, vector<1x16xf32>,
        %get3A_1035 = arith.index_cast %add3A_964 : i32 to index
        %get3A_1036 = arith.constant 112 : index
        %get3A_1037 = tpu.vector_load %arg9[%get3A_1035, %get3A_1036] {strides = array<i32>} : memref<128x128xf32, #tpu.memory_space<vmem>>, vector<1x16xf32>,
        %get3A_1038 = vector.shape_cast %get3A_1037 : vector<1x16xf32> to vector<16xf32>
        %mul3A_1039 = arith.mulf %get3A_1038, %gather3A_960 : vector<16xf32>
        %swap3A_1040 = arith.index_cast %add3A_964 : i32 to index
        %swap3A_1041 = arith.constant 112 : index
        %swap3A_1042 = tpu.vector_load %arg9[%swap3A_1040, %swap3A_1041] {strides = array<i32>} : memref<128x128xf32, #tpu.memory_space<vmem>>, vector<1x16xf32>,
        %swap3A_1043 = vector.shape_cast %swap3A_1042 : vector<1x16xf32> to vector<16xf32>
        %swap3A_1044 = vector.shape_cast %mul3A_1039 : vector<16xf32> to vector<1x16xf32>
        tpu.vector_store %arg9[%swap3A_1040, %swap3A_1041], %swap3A_1044 {strides = array<i32>} : memref<128x128xf32, #tpu.memory_space<vmem>>, vector<1x16xf32>,
        %broadcast_in_dim3A_1045 = arith.constant 10 : i32
        %broadcast_in_dim3A_1046 = vector.broadcast %broadcast_in_dim3A_1045 : i32 to vector<16x1xi32>
        %gather3A_1047 = vector.shape_cast %broadcast_in_dim3A_1046 : vector<16x1xi32> to vector<16xi32>
        %gather3A_1048 = tpu.dynamic_gather %get3A_166[%gather3A_1047] in [0] : vector<16xf32>, vector<16xi32> -> vector<16xf32>
        %mul3A_1049 = arith.constant 16 : i32
        %mul3A_1050 = arith.muli %scan3A_159, %mul3A_1049 : i32
        %add3A_1051 = arith.constant 10 : i32
        %add3A_1052 = arith.addi %mul3A_1050, %add3A_1051 : i32
        %get3A_1053 = arith.index_cast %add3A_1052 : i32 to index
        %get3A_1054 = arith.constant 0 : index
        %get3A_1055 = tpu.vector_load %arg9[%get3A_1053, %get3A_1054] {strides = array<i32>} : memref<128x128xf32, #tpu.memory_space<vmem>>, vector<1x16xf32>,
        %get3A_1056 = vector.shape_cast %get3A_1055 : vector<1x16xf32> to vector<16xf32>
        %mul3A_1057 = arith.mulf %get3A_1056, %gather3A_1048 : vector<16xf32>
        %swap3A_1058 = arith.index_cast %add3A_1052 : i32 to index
        %swap3A_1059 = arith.constant 0 : index
        %swap3A_1060 = tpu.vector_load %arg9[%swap3A_1058, %swap3A_1059] {strides = array<i32>} : memref<128x128xf32, #tpu.memory_space<vmem>>, vector<1x16xf32>,
        %swap3A_1061 = vector.shape_cast %swap3A_1060 : vector<1x16xf32> to vector<16xf32>
        %swap3A_1062 = vector.shape_cast %mul3A_1057 : vector<16xf32> to vector<1x16xf32>
        tpu.vector_store %arg9[%swap3A_1058, %swap3A_1059], %swap3A_1062 {strides = array<i32>} : memref<128x128xf32, #tpu.memory_space<vmem>>, vector<1x16xf32>,
        %get3A_1063 = arith.index_cast %add3A_1052 : i32 to index
        %get3A_1064 = arith.constant 16 : index
        %get3A_1065 = tpu.vector_load %arg9[%get3A_1063, %get3A_1064] {strides = array<i32>} : memref<128x128xf32, #tpu.memory_space<vmem>>, vector<1x16xf32>,
        %get3A_1066 = vector.shape_cast %get3A_1065 : vector<1x16xf32> to vector<16xf32>
        %mul3A_1067 = arith.mulf %get3A_1066, %gather3A_1048 : vector<16xf32>
        %swap3A_1068 = arith.index_cast %add3A_1052 : i32 to index
        %swap3A_1069 = arith.constant 16 : index
        %swap3A_1070 = tpu.vector_load %arg9[%swap3A_1068, %swap3A_1069] {strides = array<i32>} : memref<128x128xf32, #tpu.memory_space<vmem>>, vector<1x16xf32>,
        %swap3A_1071 = vector.shape_cast %swap3A_1070 : vector<1x16xf32> to vector<16xf32>
        %swap3A_1072 = vector.shape_cast %mul3A_1067 : vector<16xf32> to vector<1x16xf32>
        tpu.vector_store %arg9[%swap3A_1068, %swap3A_1069], %swap3A_1072 {strides = array<i32>} : memref<128x128xf32, #tpu.memory_space<vmem>>, vector<1x16xf32>,
        %get3A_1073 = arith.index_cast %add3A_1052 : i32 to index
        %get3A_1074 = arith.constant 32 : index
        %get3A_1075 = tpu.vector_load %arg9[%get3A_1073, %get3A_1074] {strides = array<i32>} : memref<128x128xf32, #tpu.memory_space<vmem>>, vector<1x16xf32>,
        %get3A_1076 = vector.shape_cast %get3A_1075 : vector<1x16xf32> to vector<16xf32>
        %mul3A_1077 = arith.mulf %get3A_1076, %gather3A_1048 : vector<16xf32>
        %swap3A_1078 = arith.index_cast %add3A_1052 : i32 to index
        %swap3A_1079 = arith.constant 32 : index
        %swap3A_1080 = tpu.vector_load %arg9[%swap3A_1078, %swap3A_1079] {strides = array<i32>} : memref<128x128xf32, #tpu.memory_space<vmem>>, vector<1x16xf32>,
        %swap3A_1081 = vector.shape_cast %swap3A_1080 : vector<1x16xf32> to vector<16xf32>
        %swap3A_1082 = vector.shape_cast %mul3A_1077 : vector<16xf32> to vector<1x16xf32>
        tpu.vector_store %arg9[%swap3A_1078, %swap3A_1079], %swap3A_1082 {strides = array<i32>} : memref<128x128xf32, #tpu.memory_space<vmem>>, vector<1x16xf32>,
        %get3A_1083 = arith.index_cast %add3A_1052 : i32 to index
        %get3A_1084 = arith.constant 48 : index
        %get3A_1085 = tpu.vector_load %arg9[%get3A_1083, %get3A_1084] {strides = array<i32>} : memref<128x128xf32, #tpu.memory_space<vmem>>, vector<1x16xf32>,
        %get3A_1086 = vector.shape_cast %get3A_1085 : vector<1x16xf32> to vector<16xf32>
        %mul3A_1087 = arith.mulf %get3A_1086, %gather3A_1048 : vector<16xf32>
        %swap3A_1088 = arith.index_cast %add3A_1052 : i32 to index
        %swap3A_1089 = arith.constant 48 : index
        %swap3A_1090 = tpu.vector_load %arg9[%swap3A_1088, %swap3A_1089] {strides = array<i32>} : memref<128x128xf32, #tpu.memory_space<vmem>>, vector<1x16xf32>,
        %swap3A_1091 = vector.shape_cast %swap3A_1090 : vector<1x16xf32> to vector<16xf32>
        %swap3A_1092 = vector.shape_cast %mul3A_1087 : vector<16xf32> to vector<1x16xf32>
        tpu.vector_store %arg9[%swap3A_1088, %swap3A_1089], %swap3A_1092 {strides = array<i32>} : memref<128x128xf32, #tpu.memory_space<vmem>>, vector<1x16xf32>,
        %get3A_1093 = arith.index_cast %add3A_1052 : i32 to index
        %get3A_1094 = arith.constant 64 : index
        %get3A_1095 = tpu.vector_load %arg9[%get3A_1093, %get3A_1094] {strides = array<i32>} : memref<128x128xf32, #tpu.memory_space<vmem>>, vector<1x16xf32>,
        %get3A_1096 = vector.shape_cast %get3A_1095 : vector<1x16xf32> to vector<16xf32>
        %mul3A_1097 = arith.mulf %get3A_1096, %gather3A_1048 : vector<16xf32>
        %swap3A_1098 = arith.index_cast %add3A_1052 : i32 to index
        %swap3A_1099 = arith.constant 64 : index
        %swap3A_1100 = tpu.vector_load %arg9[%swap3A_1098, %swap3A_1099] {strides = array<i32>} : memref<128x128xf32, #tpu.memory_space<vmem>>, vector<1x16xf32>,
        %swap3A_1101 = vector.shape_cast %swap3A_1100 : vector<1x16xf32> to vector<16xf32>
        %swap3A_1102 = vector.shape_cast %mul3A_1097 : vector<16xf32> to vector<1x16xf32>
        tpu.vector_store %arg9[%swap3A_1098, %swap3A_1099], %swap3A_1102 {strides = array<i32>} : memref<128x128xf32, #tpu.memory_space<vmem>>, vector<1x16xf32>,
        %get3A_1103 = arith.index_cast %add3A_1052 : i32 to index
        %get3A_1104 = arith.constant 80 : index
        %get3A_1105 = tpu.vector_load %arg9[%get3A_1103, %get3A_1104] {strides = array<i32>} : memref<128x128xf32, #tpu.memory_space<vmem>>, vector<1x16xf32>,
        %get3A_1106 = vector.shape_cast %get3A_1105 : vector<1x16xf32> to vector<16xf32>
        %mul3A_1107 = arith.mulf %get3A_1106, %gather3A_1048 : vector<16xf32>
        %swap3A_1108 = arith.index_cast %add3A_1052 : i32 to index
        %swap3A_1109 = arith.constant 80 : index
        %swap3A_1110 = tpu.vector_load %arg9[%swap3A_1108, %swap3A_1109] {strides = array<i32>} : memref<128x128xf32, #tpu.memory_space<vmem>>, vector<1x16xf32>,
        %swap3A_1111 = vector.shape_cast %swap3A_1110 : vector<1x16xf32> to vector<16xf32>
        %swap3A_1112 = vector.shape_cast %mul3A_1107 : vector<16xf32> to vector<1x16xf32>
        tpu.vector_store %arg9[%swap3A_1108, %swap3A_1109], %swap3A_1112 {strides = array<i32>} : memref<128x128xf32, #tpu.memory_space<vmem>>, vector<1x16xf32>,
        %get3A_1113 = arith.index_cast %add3A_1052 : i32 to index
        %get3A_1114 = arith.constant 96 : index
        %get3A_1115 = tpu.vector_load %arg9[%get3A_1113, %get3A_1114] {strides = array<i32>} : memref<128x128xf32, #tpu.memory_space<vmem>>, vector<1x16xf32>,
        %get3A_1116 = vector.shape_cast %get3A_1115 : vector<1x16xf32> to vector<16xf32>
        %mul3A_1117 = arith.mulf %get3A_1116, %gather3A_1048 : vector<16xf32>
        %swap3A_1118 = arith.index_cast %add3A_1052 : i32 to index
        %swap3A_1119 = arith.constant 96 : index
        %swap3A_1120 = tpu.vector_load %arg9[%swap3A_1118, %swap3A_1119] {strides = array<i32>} : memref<128x128xf32, #tpu.memory_space<vmem>>, vector<1x16xf32>,
        %swap3A_1121 = vector.shape_cast %swap3A_1120 : vector<1x16xf32> to vector<16xf32>
        %swap3A_1122 = vector.shape_cast %mul3A_1117 : vector<16xf32> to vector<1x16xf32>
        tpu.vector_store %arg9[%swap3A_1118, %swap3A_1119], %swap3A_1122 {strides = array<i32>} : memref<128x128xf32, #tpu.memory_space<vmem>>, vector<1x16xf32>,
        %get3A_1123 = arith.index_cast %add3A_1052 : i32 to index
        %get3A_1124 = arith.constant 112 : index
        %get3A_1125 = tpu.vector_load %arg9[%get3A_1123, %get3A_1124] {strides = array<i32>} : memref<128x128xf32, #tpu.memory_space<vmem>>, vector<1x16xf32>,
        %get3A_1126 = vector.shape_cast %get3A_1125 : vector<1x16xf32> to vector<16xf32>
        %mul3A_1127 = arith.mulf %get3A_1126, %gather3A_1048 : vector<16xf32>
        %swap3A_1128 = arith.index_cast %add3A_1052 : i32 to index
        %swap3A_1129 = arith.constant 112 : index
        %swap3A_1130 = tpu.vector_load %arg9[%swap3A_1128, %swap3A_1129] {strides = array<i32>} : memref<128x128xf32, #tpu.memory_space<vmem>>, vector<1x16xf32>,
        %swap3A_1131 = vector.shape_cast %swap3A_1130 : vector<1x16xf32> to vector<16xf32>
        %swap3A_1132 = vector.shape_cast %mul3A_1127 : vector<16xf32> to vector<1x16xf32>
        tpu.vector_store %arg9[%swap3A_1128, %swap3A_1129], %swap3A_1132 {strides = array<i32>} : memref<128x128xf32, #tpu.memory_space<vmem>>, vector<1x16xf32>,
        %broadcast_in_dim3A_1133 = arith.constant 11 : i32
        %broadcast_in_dim3A_1134 = vector.broadcast %broadcast_in_dim3A_1133 : i32 to vector<16x1xi32>
        %gather3A_1135 = vector.shape_cast %broadcast_in_dim3A_1134 : vector<16x1xi32> to vector<16xi32>
        %gather3A_1136 = tpu.dynamic_gather %get3A_166[%gather3A_1135] in [0] : vector<16xf32>, vector<16xi32> -> vector<16xf32>
        %mul3A_1137 = arith.constant 16 : i32
        %mul3A_1138 = arith.muli %scan3A_159, %mul3A_1137 : i32
        %add3A_1139 = arith.constant 11 : i32
        %add3A_1140 = arith.addi %mul3A_1138, %add3A_1139 : i32
        %get3A_1141 = arith.index_cast %add3A_1140 : i32 to index
        %get3A_1142 = arith.constant 0 : index
        %get3A_1143 = tpu.vector_load %arg9[%get3A_1141, %get3A_1142] {strides = array<i32>} : memref<128x128xf32, #tpu.memory_space<vmem>>, vector<1x16xf32>,
        %get3A_1144 = vector.shape_cast %get3A_1143 : vector<1x16xf32> to vector<16xf32>
        %mul3A_1145 = arith.mulf %get3A_1144, %gather3A_1136 : vector<16xf32>
        %swap3A_1146 = arith.index_cast %add3A_1140 : i32 to index
        %swap3A_1147 = arith.constant 0 : index
        %swap3A_1148 = tpu.vector_load %arg9[%swap3A_1146, %swap3A_1147] {strides = array<i32>} : memref<128x128xf32, #tpu.memory_space<vmem>>, vector<1x16xf32>,
        %swap3A_1149 = vector.shape_cast %swap3A_1148 : vector<1x16xf32> to vector<16xf32>
        %swap3A_1150 = vector.shape_cast %mul3A_1145 : vector<16xf32> to vector<1x16xf32>
        tpu.vector_store %arg9[%swap3A_1146, %swap3A_1147], %swap3A_1150 {strides = array<i32>} : memref<128x128xf32, #tpu.memory_space<vmem>>, vector<1x16xf32>,
        %get3A_1151 = arith.index_cast %add3A_1140 : i32 to index
        %get3A_1152 = arith.constant 16 : index
        %get3A_1153 = tpu.vector_load %arg9[%get3A_1151, %get3A_1152] {strides = array<i32>} : memref<128x128xf32, #tpu.memory_space<vmem>>, vector<1x16xf32>,
        %get3A_1154 = vector.shape_cast %get3A_1153 : vector<1x16xf32> to vector<16xf32>
        %mul3A_1155 = arith.mulf %get3A_1154, %gather3A_1136 : vector<16xf32>
        %swap3A_1156 = arith.index_cast %add3A_1140 : i32 to index
        %swap3A_1157 = arith.constant 16 : index
        %swap3A_1158 = tpu.vector_load %arg9[%swap3A_1156, %swap3A_1157] {strides = array<i32>} : memref<128x128xf32, #tpu.memory_space<vmem>>, vector<1x16xf32>,
        %swap3A_1159 = vector.shape_cast %swap3A_1158 : vector<1x16xf32> to vector<16xf32>
        %swap3A_1160 = vector.shape_cast %mul3A_1155 : vector<16xf32> to vector<1x16xf32>
        tpu.vector_store %arg9[%swap3A_1156, %swap3A_1157], %swap3A_1160 {strides = array<i32>} : memref<128x128xf32, #tpu.memory_space<vmem>>, vector<1x16xf32>,
        %get3A_1161 = arith.index_cast %add3A_1140 : i32 to index
        %get3A_1162 = arith.constant 32 : index
        %get3A_1163 = tpu.vector_load %arg9[%get3A_1161, %get3A_1162] {strides = array<i32>} : memref<128x128xf32, #tpu.memory_space<vmem>>, vector<1x16xf32>,
        %get3A_1164 = vector.shape_cast %get3A_1163 : vector<1x16xf32> to vector<16xf32>
        %mul3A_1165 = arith.mulf %get3A_1164, %gather3A_1136 : vector<16xf32>
        %swap3A_1166 = arith.index_cast %add3A_1140 : i32 to index
        %swap3A_1167 = arith.constant 32 : index
        %swap3A_1168 = tpu.vector_load %arg9[%swap3A_1166, %swap3A_1167] {strides = array<i32>} : memref<128x128xf32, #tpu.memory_space<vmem>>, vector<1x16xf32>,
        %swap3A_1169 = vector.shape_cast %swap3A_1168 : vector<1x16xf32> to vector<16xf32>
        %swap3A_1170 = vector.shape_cast %mul3A_1165 : vector<16xf32> to vector<1x16xf32>
        tpu.vector_store %arg9[%swap3A_1166, %swap3A_1167], %swap3A_1170 {strides = array<i32>} : memref<128x128xf32, #tpu.memory_space<vmem>>, vector<1x16xf32>,
        %get3A_1171 = arith.index_cast %add3A_1140 : i32 to index
        %get3A_1172 = arith.constant 48 : index
        %get3A_1173 = tpu.vector_load %arg9[%get3A_1171, %get3A_1172] {strides = array<i32>} : memref<128x128xf32, #tpu.memory_space<vmem>>, vector<1x16xf32>,
        %get3A_1174 = vector.shape_cast %get3A_1173 : vector<1x16xf32> to vector<16xf32>
        %mul3A_1175 = arith.mulf %get3A_1174, %gather3A_1136 : vector<16xf32>
        %swap3A_1176 = arith.index_cast %add3A_1140 : i32 to index
        %swap3A_1177 = arith.constant 48 : index
        %swap3A_1178 = tpu.vector_load %arg9[%swap3A_1176, %swap3A_1177] {strides = array<i32>} : memref<128x128xf32, #tpu.memory_space<vmem>>, vector<1x16xf32>,
        %swap3A_1179 = vector.shape_cast %swap3A_1178 : vector<1x16xf32> to vector<16xf32>
        %swap3A_1180 = vector.shape_cast %mul3A_1175 : vector<16xf32> to vector<1x16xf32>
        tpu.vector_store %arg9[%swap3A_1176, %swap3A_1177], %swap3A_1180 {strides = array<i32>} : memref<128x128xf32, #tpu.memory_space<vmem>>, vector<1x16xf32>,
        %get3A_1181 = arith.index_cast %add3A_1140 : i32 to index
        %get3A_1182 = arith.constant 64 : index
        %get3A_1183 = tpu.vector_load %arg9[%get3A_1181, %get3A_1182] {strides = array<i32>} : memref<128x128xf32, #tpu.memory_space<vmem>>, vector<1x16xf32>,
        %get3A_1184 = vector.shape_cast %get3A_1183 : vector<1x16xf32> to vector<16xf32>
        %mul3A_1185 = arith.mulf %get3A_1184, %gather3A_1136 : vector<16xf32>
        %swap3A_1186 = arith.index_cast %add3A_1140 : i32 to index
        %swap3A_1187 = arith.constant 64 : index
        %swap3A_1188 = tpu.vector_load %arg9[%swap3A_1186, %swap3A_1187] {strides = array<i32>} : memref<128x128xf32, #tpu.memory_space<vmem>>, vector<1x16xf32>,
        %swap3A_1189 = vector.shape_cast %swap3A_1188 : vector<1x16xf32> to vector<16xf32>
        %swap3A_1190 = vector.shape_cast %mul3A_1185 : vector<16xf32> to vector<1x16xf32>
        tpu.vector_store %arg9[%swap3A_1186, %swap3A_1187], %swap3A_1190 {strides = array<i32>} : memref<128x128xf32, #tpu.memory_space<vmem>>, vector<1x16xf32>,
        %get3A_1191 = arith.index_cast %add3A_1140 : i32 to index
        %get3A_1192 = arith.constant 80 : index
        %get3A_1193 = tpu.vector_load %arg9[%get3A_1191, %get3A_1192] {strides = array<i32>} : memref<128x128xf32, #tpu.memory_space<vmem>>, vector<1x16xf32>,
        %get3A_1194 = vector.shape_cast %get3A_1193 : vector<1x16xf32> to vector<16xf32>
        %mul3A_1195 = arith.mulf %get3A_1194, %gather3A_1136 : vector<16xf32>
        %swap3A_1196 = arith.index_cast %add3A_1140 : i32 to index
        %swap3A_1197 = arith.constant 80 : index
        %swap3A_1198 = tpu.vector_load %arg9[%swap3A_1196, %swap3A_1197] {strides = array<i32>} : memref<128x128xf32, #tpu.memory_space<vmem>>, vector<1x16xf32>,
        %swap3A_1199 = vector.shape_cast %swap3A_1198 : vector<1x16xf32> to vector<16xf32>
        %swap3A_1200 = vector.shape_cast %mul3A_1195 : vector<16xf32> to vector<1x16xf32>
        tpu.vector_store %arg9[%swap3A_1196, %swap3A_1197], %swap3A_1200 {strides = array<i32>} : memref<128x128xf32, #tpu.memory_space<vmem>>, vector<1x16xf32>,
        %get3A_1201 = arith.index_cast %add3A_1140 : i32 to index
        %get3A_1202 = arith.constant 96 : index
        %get3A_1203 = tpu.vector_load %arg9[%get3A_1201, %get3A_1202] {strides = array<i32>} : memref<128x128xf32, #tpu.memory_space<vmem>>, vector<1x16xf32>,
        %get3A_1204 = vector.shape_cast %get3A_1203 : vector<1x16xf32> to vector<16xf32>
        %mul3A_1205 = arith.mulf %get3A_1204, %gather3A_1136 : vector<16xf32>
        %swap3A_1206 = arith.index_cast %add3A_1140 : i32 to index
        %swap3A_1207 = arith.constant 96 : index
        %swap3A_1208 = tpu.vector_load %arg9[%swap3A_1206, %swap3A_1207] {strides = array<i32>} : memref<128x128xf32, #tpu.memory_space<vmem>>, vector<1x16xf32>,
        %swap3A_1209 = vector.shape_cast %swap3A_1208 : vector<1x16xf32> to vector<16xf32>
        %swap3A_1210 = vector.shape_cast %mul3A_1205 : vector<16xf32> to vector<1x16xf32>
        tpu.vector_store %arg9[%swap3A_1206, %swap3A_1207], %swap3A_1210 {strides = array<i32>} : memref<128x128xf32, #tpu.memory_space<vmem>>, vector<1x16xf32>,
        %get3A_1211 = arith.index_cast %add3A_1140 : i32 to index
        %get3A_1212 = arith.constant 112 : index
        %get3A_1213 = tpu.vector_load %arg9[%get3A_1211, %get3A_1212] {strides = array<i32>} : memref<128x128xf32, #tpu.memory_space<vmem>>, vector<1x16xf32>,
        %get3A_1214 = vector.shape_cast %get3A_1213 : vector<1x16xf32> to vector<16xf32>
        %mul3A_1215 = arith.mulf %get3A_1214, %gather3A_1136 : vector<16xf32>
        %swap3A_1216 = arith.index_cast %add3A_1140 : i32 to index
        %swap3A_1217 = arith.constant 112 : index
        %swap3A_1218 = tpu.vector_load %arg9[%swap3A_1216, %swap3A_1217] {strides = array<i32>} : memref<128x128xf32, #tpu.memory_space<vmem>>, vector<1x16xf32>,
        %swap3A_1219 = vector.shape_cast %swap3A_1218 : vector<1x16xf32> to vector<16xf32>
        %swap3A_1220 = vector.shape_cast %mul3A_1215 : vector<16xf32> to vector<1x16xf32>
        tpu.vector_store %arg9[%swap3A_1216, %swap3A_1217], %swap3A_1220 {strides = array<i32>} : memref<128x128xf32, #tpu.memory_space<vmem>>, vector<1x16xf32>,
        %broadcast_in_dim3A_1221 = arith.constant 12 : i32
        %broadcast_in_dim3A_1222 = vector.broadcast %broadcast_in_dim3A_1221 : i32 to vector<16x1xi32>
        %gather3A_1223 = vector.shape_cast %broadcast_in_dim3A_1222 : vector<16x1xi32> to vector<16xi32>
        %gather3A_1224 = tpu.dynamic_gather %get3A_166[%gather3A_1223] in [0] : vector<16xf32>, vector<16xi32> -> vector<16xf32>
        %mul3A_1225 = arith.constant 16 : i32
        %mul3A_1226 = arith.muli %scan3A_159, %mul3A_1225 : i32
        %add3A_1227 = arith.constant 12 : i32
        %add3A_1228 = arith.addi %mul3A_1226, %add3A_1227 : i32
        %get3A_1229 = arith.index_cast %add3A_1228 : i32 to index
        %get3A_1230 = arith.constant 0 : index
        %get3A_1231 = tpu.vector_load %arg9[%get3A_1229, %get3A_1230] {strides = array<i32>} : memref<128x128xf32, #tpu.memory_space<vmem>>, vector<1x16xf32>,
        %get3A_1232 = vector.shape_cast %get3A_1231 : vector<1x16xf32> to vector<16xf32>
        %mul3A_1233 = arith.mulf %get3A_1232, %gather3A_1224 : vector<16xf32>
        %swap3A_1234 = arith.index_cast %add3A_1228 : i32 to index
        %swap3A_1235 = arith.constant 0 : index
        %swap3A_1236 = tpu.vector_load %arg9[%swap3A_1234, %swap3A_1235] {strides = array<i32>} : memref<128x128xf32, #tpu.memory_space<vmem>>, vector<1x16xf32>,
        %swap3A_1237 = vector.shape_cast %swap3A_1236 : vector<1x16xf32> to vector<16xf32>
        %swap3A_1238 = vector.shape_cast %mul3A_1233 : vector<16xf32> to vector<1x16xf32>
        tpu.vector_store %arg9[%swap3A_1234, %swap3A_1235], %swap3A_1238 {strides = array<i32>} : memref<128x128xf32, #tpu.memory_space<vmem>>, vector<1x16xf32>,
        %get3A_1239 = arith.index_cast %add3A_1228 : i32 to index
        %get3A_1240 = arith.constant 16 : index
        %get3A_1241 = tpu.vector_load %arg9[%get3A_1239, %get3A_1240] {strides = array<i32>} : memref<128x128xf32, #tpu.memory_space<vmem>>, vector<1x16xf32>,
        %get3A_1242 = vector.shape_cast %get3A_1241 : vector<1x16xf32> to vector<16xf32>
        %mul3A_1243 = arith.mulf %get3A_1242, %gather3A_1224 : vector<16xf32>
        %swap3A_1244 = arith.index_cast %add3A_1228 : i32 to index
        %swap3A_1245 = arith.constant 16 : index
        %swap3A_1246 = tpu.vector_load %arg9[%swap3A_1244, %swap3A_1245] {strides = array<i32>} : memref<128x128xf32, #tpu.memory_space<vmem>>, vector<1x16xf32>,
        %swap3A_1247 = vector.shape_cast %swap3A_1246 : vector<1x16xf32> to vector<16xf32>
        %swap3A_1248 = vector.shape_cast %mul3A_1243 : vector<16xf32> to vector<1x16xf32>
        tpu.vector_store %arg9[%swap3A_1244, %swap3A_1245], %swap3A_1248 {strides = array<i32>} : memref<128x128xf32, #tpu.memory_space<vmem>>, vector<1x16xf32>,
        %get3A_1249 = arith.index_cast %add3A_1228 : i32 to index
        %get3A_1250 = arith.constant 32 : index
        %get3A_1251 = tpu.vector_load %arg9[%get3A_1249, %get3A_1250] {strides = array<i32>} : memref<128x128xf32, #tpu.memory_space<vmem>>, vector<1x16xf32>,
        %get3A_1252 = vector.shape_cast %get3A_1251 : vector<1x16xf32> to vector<16xf32>
        %mul3A_1253 = arith.mulf %get3A_1252, %gather3A_1224 : vector<16xf32>
        %swap3A_1254 = arith.index_cast %add3A_1228 : i32 to index
        %swap3A_1255 = arith.constant 32 : index
        %swap3A_1256 = tpu.vector_load %arg9[%swap3A_1254, %swap3A_1255] {strides = array<i32>} : memref<128x128xf32, #tpu.memory_space<vmem>>, vector<1x16xf32>,
        %swap3A_1257 = vector.shape_cast %swap3A_1256 : vector<1x16xf32> to vector<16xf32>
        %swap3A_1258 = vector.shape_cast %mul3A_1253 : vector<16xf32> to vector<1x16xf32>
        tpu.vector_store %arg9[%swap3A_1254, %swap3A_1255], %swap3A_1258 {strides = array<i32>} : memref<128x128xf32, #tpu.memory_space<vmem>>, vector<1x16xf32>,
        %get3A_1259 = arith.index_cast %add3A_1228 : i32 to index
        %get3A_1260 = arith.constant 48 : index
        %get3A_1261 = tpu.vector_load %arg9[%get3A_1259, %get3A_1260] {strides = array<i32>} : memref<128x128xf32, #tpu.memory_space<vmem>>, vector<1x16xf32>,
        %get3A_1262 = vector.shape_cast %get3A_1261 : vector<1x16xf32> to vector<16xf32>
        %mul3A_1263 = arith.mulf %get3A_1262, %gather3A_1224 : vector<16xf32>
        %swap3A_1264 = arith.index_cast %add3A_1228 : i32 to index
        %swap3A_1265 = arith.constant 48 : index
        %swap3A_1266 = tpu.vector_load %arg9[%swap3A_1264, %swap3A_1265] {strides = array<i32>} : memref<128x128xf32, #tpu.memory_space<vmem>>, vector<1x16xf32>,
        %swap3A_1267 = vector.shape_cast %swap3A_1266 : vector<1x16xf32> to vector<16xf32>
        %swap3A_1268 = vector.shape_cast %mul3A_1263 : vector<16xf32> to vector<1x16xf32>
        tpu.vector_store %arg9[%swap3A_1264, %swap3A_1265], %swap3A_1268 {strides = array<i32>} : memref<128x128xf32, #tpu.memory_space<vmem>>, vector<1x16xf32>,
        %get3A_1269 = arith.index_cast %add3A_1228 : i32 to index
        %get3A_1270 = arith.constant 64 : index
        %get3A_1271 = tpu.vector_load %arg9[%get3A_1269, %get3A_1270] {strides = array<i32>} : memref<128x128xf32, #tpu.memory_space<vmem>>, vector<1x16xf32>,
        %get3A_1272 = vector.shape_cast %get3A_1271 : vector<1x16xf32> to vector<16xf32>
        %mul3A_1273 = arith.mulf %get3A_1272, %gather3A_1224 : vector<16xf32>
        %swap3A_1274 = arith.index_cast %add3A_1228 : i32 to index
        %swap3A_1275 = arith.constant 64 : index
        %swap3A_1276 = tpu.vector_load %arg9[%swap3A_1274, %swap3A_1275] {strides = array<i32>} : memref<128x128xf32, #tpu.memory_space<vmem>>, vector<1x16xf32>,
        %swap3A_1277 = vector.shape_cast %swap3A_1276 : vector<1x16xf32> to vector<16xf32>
        %swap3A_1278 = vector.shape_cast %mul3A_1273 : vector<16xf32> to vector<1x16xf32>
        tpu.vector_store %arg9[%swap3A_1274, %swap3A_1275], %swap3A_1278 {strides = array<i32>} : memref<128x128xf32, #tpu.memory_space<vmem>>, vector<1x16xf32>,
        %get3A_1279 = arith.index_cast %add3A_1228 : i32 to index
        %get3A_1280 = arith.constant 80 : index
        %get3A_1281 = tpu.vector_load %arg9[%get3A_1279, %get3A_1280] {strides = array<i32>} : memref<128x128xf32, #tpu.memory_space<vmem>>, vector<1x16xf32>,
        %get3A_1282 = vector.shape_cast %get3A_1281 : vector<1x16xf32> to vector<16xf32>
        %mul3A_1283 = arith.mulf %get3A_1282, %gather3A_1224 : vector<16xf32>
        %swap3A_1284 = arith.index_cast %add3A_1228 : i32 to index
        %swap3A_1285 = arith.constant 80 : index
        %swap3A_1286 = tpu.vector_load %arg9[%swap3A_1284, %swap3A_1285] {strides = array<i32>} : memref<128x128xf32, #tpu.memory_space<vmem>>, vector<1x16xf32>,
        %swap3A_1287 = vector.shape_cast %swap3A_1286 : vector<1x16xf32> to vector<16xf32>
        %swap3A_1288 = vector.shape_cast %mul3A_1283 : vector<16xf32> to vector<1x16xf32>
        tpu.vector_store %arg9[%swap3A_1284, %swap3A_1285], %swap3A_1288 {strides = array<i32>} : memref<128x128xf32, #tpu.memory_space<vmem>>, vector<1x16xf32>,
        %get3A_1289 = arith.index_cast %add3A_1228 : i32 to index
        %get3A_1290 = arith.constant 96 : index
        %get3A_1291 = tpu.vector_load %arg9[%get3A_1289, %get3A_1290] {strides = array<i32>} : memref<128x128xf32, #tpu.memory_space<vmem>>, vector<1x16xf32>,
        %get3A_1292 = vector.shape_cast %get3A_1291 : vector<1x16xf32> to vector<16xf32>
        %mul3A_1293 = arith.mulf %get3A_1292, %gather3A_1224 : vector<16xf32>
        %swap3A_1294 = arith.index_cast %add3A_1228 : i32 to index
        %swap3A_1295 = arith.constant 96 : index
        %swap3A_1296 = tpu.vector_load %arg9[%swap3A_1294, %swap3A_1295] {strides = array<i32>} : memref<128x128xf32, #tpu.memory_space<vmem>>, vector<1x16xf32>,
        %swap3A_1297 = vector.shape_cast %swap3A_1296 : vector<1x16xf32> to vector<16xf32>
        %swap3A_1298 = vector.shape_cast %mul3A_1293 : vector<16xf32> to vector<1x16xf32>
        tpu.vector_store %arg9[%swap3A_1294, %swap3A_1295], %swap3A_1298 {strides = array<i32>} : memref<128x128xf32, #tpu.memory_space<vmem>>, vector<1x16xf32>,
        %get3A_1299 = arith.index_cast %add3A_1228 : i32 to index
        %get3A_1300 = arith.constant 112 : index
        %get3A_1301 = tpu.vector_load %arg9[%get3A_1299, %get3A_1300] {strides = array<i32>} : memref<128x128xf32, #tpu.memory_space<vmem>>, vector<1x16xf32>,
        %get3A_1302 = vector.shape_cast %get3A_1301 : vector<1x16xf32> to vector<16xf32>
        %mul3A_1303 = arith.mulf %get3A_1302, %gather3A_1224 : vector<16xf32>
        %swap3A_1304 = arith.index_cast %add3A_1228 : i32 to index
        %swap3A_1305 = arith.constant 112 : index
        %swap3A_1306 = tpu.vector_load %arg9[%swap3A_1304, %swap3A_1305] {strides = array<i32>} : memref<128x128xf32, #tpu.memory_space<vmem>>, vector<1x16xf32>,
        %swap3A_1307 = vector.shape_cast %swap3A_1306 : vector<1x16xf32> to vector<16xf32>
        %swap3A_1308 = vector.shape_cast %mul3A_1303 : vector<16xf32> to vector<1x16xf32>
        tpu.vector_store %arg9[%swap3A_1304, %swap3A_1305], %swap3A_1308 {strides = array<i32>} : memref<128x128xf32, #tpu.memory_space<vmem>>, vector<1x16xf32>,
        %broadcast_in_dim3A_1309 = arith.constant 13 : i32
        %broadcast_in_dim3A_1310 = vector.broadcast %broadcast_in_dim3A_1309 : i32 to vector<16x1xi32>
        %gather3A_1311 = vector.shape_cast %broadcast_in_dim3A_1310 : vector<16x1xi32> to vector<16xi32>
        %gather3A_1312 = tpu.dynamic_gather %get3A_166[%gather3A_1311] in [0] : vector<16xf32>, vector<16xi32> -> vector<16xf32>
        %mul3A_1313 = arith.constant 16 : i32
        %mul3A_1314 = arith.muli %scan3A_159, %mul3A_1313 : i32
        %add3A_1315 = arith.constant 13 : i32
        %add3A_1316 = arith.addi %mul3A_1314, %add3A_1315 : i32
        %get3A_1317 = arith.index_cast %add3A_1316 : i32 to index
        %get3A_1318 = arith.constant 0 : index
        %get3A_1319 = tpu.vector_load %arg9[%get3A_1317, %get3A_1318] {strides = array<i32>} : memref<128x128xf32, #tpu.memory_space<vmem>>, vector<1x16xf32>,
        %get3A_1320 = vector.shape_cast %get3A_1319 : vector<1x16xf32> to vector<16xf32>
        %mul3A_1321 = arith.mulf %get3A_1320, %gather3A_1312 : vector<16xf32>
        %swap3A_1322 = arith.index_cast %add3A_1316 : i32 to index
        %swap3A_1323 = arith.constant 0 : index
        %swap3A_1324 = tpu.vector_load %arg9[%swap3A_1322, %swap3A_1323] {strides = array<i32>} : memref<128x128xf32, #tpu.memory_space<vmem>>, vector<1x16xf32>,
        %swap3A_1325 = vector.shape_cast %swap3A_1324 : vector<1x16xf32> to vector<16xf32>
        %swap3A_1326 = vector.shape_cast %mul3A_1321 : vector<16xf32> to vector<1x16xf32>
        tpu.vector_store %arg9[%swap3A_1322, %swap3A_1323], %swap3A_1326 {strides = array<i32>} : memref<128x128xf32, #tpu.memory_space<vmem>>, vector<1x16xf32>,
        %get3A_1327 = arith.index_cast %add3A_1316 : i32 to index
        %get3A_1328 = arith.constant 16 : index
        %get3A_1329 = tpu.vector_load %arg9[%get3A_1327, %get3A_1328] {strides = array<i32>} : memref<128x128xf32, #tpu.memory_space<vmem>>, vector<1x16xf32>,
        %get3A_1330 = vector.shape_cast %get3A_1329 : vector<1x16xf32> to vector<16xf32>
        %mul3A_1331 = arith.mulf %get3A_1330, %gather3A_1312 : vector<16xf32>
        %swap3A_1332 = arith.index_cast %add3A_1316 : i32 to index
        %swap3A_1333 = arith.constant 16 : index
        %swap3A_1334 = tpu.vector_load %arg9[%swap3A_1332, %swap3A_1333] {strides = array<i32>} : memref<128x128xf32, #tpu.memory_space<vmem>>, vector<1x16xf32>,
        %swap3A_1335 = vector.shape_cast %swap3A_1334 : vector<1x16xf32> to vector<16xf32>
        %swap3A_1336 = vector.shape_cast %mul3A_1331 : vector<16xf32> to vector<1x16xf32>
        tpu.vector_store %arg9[%swap3A_1332, %swap3A_1333], %swap3A_1336 {strides = array<i32>} : memref<128x128xf32, #tpu.memory_space<vmem>>, vector<1x16xf32>,
        %get3A_1337 = arith.index_cast %add3A_1316 : i32 to index
        %get3A_1338 = arith.constant 32 : index
        %get3A_1339 = tpu.vector_load %arg9[%get3A_1337, %get3A_1338] {strides = array<i32>} : memref<128x128xf32, #tpu.memory_space<vmem>>, vector<1x16xf32>,
        %get3A_1340 = vector.shape_cast %get3A_1339 : vector<1x16xf32> to vector<16xf32>
        %mul3A_1341 = arith.mulf %get3A_1340, %gather3A_1312 : vector<16xf32>
        %swap3A_1342 = arith.index_cast %add3A_1316 : i32 to index
        %swap3A_1343 = arith.constant 32 : index
        %swap3A_1344 = tpu.vector_load %arg9[%swap3A_1342, %swap3A_1343] {strides = array<i32>} : memref<128x128xf32, #tpu.memory_space<vmem>>, vector<1x16xf32>,
        %swap3A_1345 = vector.shape_cast %swap3A_1344 : vector<1x16xf32> to vector<16xf32>
        %swap3A_1346 = vector.shape_cast %mul3A_1341 : vector<16xf32> to vector<1x16xf32>
        tpu.vector_store %arg9[%swap3A_1342, %swap3A_1343], %swap3A_1346 {strides = array<i32>} : memref<128x128xf32, #tpu.memory_space<vmem>>, vector<1x16xf32>,
        %get3A_1347 = arith.index_cast %add3A_1316 : i32 to index
        %get3A_1348 = arith.constant 48 : index
        %get3A_1349 = tpu.vector_load %arg9[%get3A_1347, %get3A_1348] {strides = array<i32>} : memref<128x128xf32, #tpu.memory_space<vmem>>, vector<1x16xf32>,
        %get3A_1350 = vector.shape_cast %get3A_1349 : vector<1x16xf32> to vector<16xf32>
        %mul3A_1351 = arith.mulf %get3A_1350, %gather3A_1312 : vector<16xf32>
        %swap3A_1352 = arith.index_cast %add3A_1316 : i32 to index
        %swap3A_1353 = arith.constant 48 : index
        %swap3A_1354 = tpu.vector_load %arg9[%swap3A_1352, %swap3A_1353] {strides = array<i32>} : memref<128x128xf32, #tpu.memory_space<vmem>>, vector<1x16xf32>,
        %swap3A_1355 = vector.shape_cast %swap3A_1354 : vector<1x16xf32> to vector<16xf32>
        %swap3A_1356 = vector.shape_cast %mul3A_1351 : vector<16xf32> to vector<1x16xf32>
        tpu.vector_store %arg9[%swap3A_1352, %swap3A_1353], %swap3A_1356 {strides = array<i32>} : memref<128x128xf32, #tpu.memory_space<vmem>>, vector<1x16xf32>,
        %get3A_1357 = arith.index_cast %add3A_1316 : i32 to index
        %get3A_1358 = arith.constant 64 : index
        %get3A_1359 = tpu.vector_load %arg9[%get3A_1357, %get3A_1358] {strides = array<i32>} : memref<128x128xf32, #tpu.memory_space<vmem>>, vector<1x16xf32>,
        %get3A_1360 = vector.shape_cast %get3A_1359 : vector<1x16xf32> to vector<16xf32>
        %mul3A_1361 = arith.mulf %get3A_1360, %gather3A_1312 : vector<16xf32>
        %swap3A_1362 = arith.index_cast %add3A_1316 : i32 to index
        %swap3A_1363 = arith.constant 64 : index
        %swap3A_1364 = tpu.vector_load %arg9[%swap3A_1362, %swap3A_1363] {strides = array<i32>} : memref<128x128xf32, #tpu.memory_space<vmem>>, vector<1x16xf32>,
        %swap3A_1365 = vector.shape_cast %swap3A_1364 : vector<1x16xf32> to vector<16xf32>
        %swap3A_1366 = vector.shape_cast %mul3A_1361 : vector<16xf32> to vector<1x16xf32>
        tpu.vector_store %arg9[%swap3A_1362, %swap3A_1363], %swap3A_1366 {strides = array<i32>} : memref<128x128xf32, #tpu.memory_space<vmem>>, vector<1x16xf32>,
        %get3A_1367 = arith.index_cast %add3A_1316 : i32 to index
        %get3A_1368 = arith.constant 80 : index
        %get3A_1369 = tpu.vector_load %arg9[%get3A_1367, %get3A_1368] {strides = array<i32>} : memref<128x128xf32, #tpu.memory_space<vmem>>, vector<1x16xf32>,
        %get3A_1370 = vector.shape_cast %get3A_1369 : vector<1x16xf32> to vector<16xf32>
        %mul3A_1371 = arith.mulf %get3A_1370, %gather3A_1312 : vector<16xf32>
        %swap3A_1372 = arith.index_cast %add3A_1316 : i32 to index
        %swap3A_1373 = arith.constant 80 : index
        %swap3A_1374 = tpu.vector_load %arg9[%swap3A_1372, %swap3A_1373] {strides = array<i32>} : memref<128x128xf32, #tpu.memory_space<vmem>>, vector<1x16xf32>,
        %swap3A_1375 = vector.shape_cast %swap3A_1374 : vector<1x16xf32> to vector<16xf32>
        %swap3A_1376 = vector.shape_cast %mul3A_1371 : vector<16xf32> to vector<1x16xf32>
        tpu.vector_store %arg9[%swap3A_1372, %swap3A_1373], %swap3A_1376 {strides = array<i32>} : memref<128x128xf32, #tpu.memory_space<vmem>>, vector<1x16xf32>,
        %get3A_1377 = arith.index_cast %add3A_1316 : i32 to index
        %get3A_1378 = arith.constant 96 : index
        %get3A_1379 = tpu.vector_load %arg9[%get3A_1377, %get3A_1378] {strides = array<i32>} : memref<128x128xf32, #tpu.memory_space<vmem>>, vector<1x16xf32>,
        %get3A_1380 = vector.shape_cast %get3A_1379 : vector<1x16xf32> to vector<16xf32>
        %mul3A_1381 = arith.mulf %get3A_1380, %gather3A_1312 : vector<16xf32>
        %swap3A_1382 = arith.index_cast %add3A_1316 : i32 to index
        %swap3A_1383 = arith.constant 96 : index
        %swap3A_1384 = tpu.vector_load %arg9[%swap3A_1382, %swap3A_1383] {strides = array<i32>} : memref<128x128xf32, #tpu.memory_space<vmem>>, vector<1x16xf32>,
        %swap3A_1385 = vector.shape_cast %swap3A_1384 : vector<1x16xf32> to vector<16xf32>
        %swap3A_1386 = vector.shape_cast %mul3A_1381 : vector<16xf32> to vector<1x16xf32>
        tpu.vector_store %arg9[%swap3A_1382, %swap3A_1383], %swap3A_1386 {strides = array<i32>} : memref<128x128xf32, #tpu.memory_space<vmem>>, vector<1x16xf32>,
        %get3A_1387 = arith.index_cast %add3A_1316 : i32 to index
        %get3A_1388 = arith.constant 112 : index
        %get3A_1389 = tpu.vector_load %arg9[%get3A_1387, %get3A_1388] {strides = array<i32>} : memref<128x128xf32, #tpu.memory_space<vmem>>, vector<1x16xf32>,
        %get3A_1390 = vector.shape_cast %get3A_1389 : vector<1x16xf32> to vector<16xf32>
        %mul3A_1391 = arith.mulf %get3A_1390, %gather3A_1312 : vector<16xf32>
        %swap3A_1392 = arith.index_cast %add3A_1316 : i32 to index
        %swap3A_1393 = arith.constant 112 : index
        %swap3A_1394 = tpu.vector_load %arg9[%swap3A_1392, %swap3A_1393] {strides = array<i32>} : memref<128x128xf32, #tpu.memory_space<vmem>>, vector<1x16xf32>,
        %swap3A_1395 = vector.shape_cast %swap3A_1394 : vector<1x16xf32> to vector<16xf32>
        %swap3A_1396 = vector.shape_cast %mul3A_1391 : vector<16xf32> to vector<1x16xf32>
        tpu.vector_store %arg9[%swap3A_1392, %swap3A_1393], %swap3A_1396 {strides = array<i32>} : memref<128x128xf32, #tpu.memory_space<vmem>>, vector<1x16xf32>,
        %broadcast_in_dim3A_1397 = arith.constant 14 : i32
        %broadcast_in_dim3A_1398 = vector.broadcast %broadcast_in_dim3A_1397 : i32 to vector<16x1xi32>
        %gather3A_1399 = vector.shape_cast %broadcast_in_dim3A_1398 : vector<16x1xi32> to vector<16xi32>
        %gather3A_1400 = tpu.dynamic_gather %get3A_166[%gather3A_1399] in [0] : vector<16xf32>, vector<16xi32> -> vector<16xf32>
        %mul3A_1401 = arith.constant 16 : i32
        %mul3A_1402 = arith.muli %scan3A_159, %mul3A_1401 : i32
        %add3A_1403 = arith.constant 14 : i32
        %add3A_1404 = arith.addi %mul3A_1402, %add3A_1403 : i32
        %get3A_1405 = arith.index_cast %add3A_1404 : i32 to index
        %get3A_1406 = arith.constant 0 : index
        %get3A_1407 = tpu.vector_load %arg9[%get3A_1405, %get3A_1406] {strides = array<i32>} : memref<128x128xf32, #tpu.memory_space<vmem>>, vector<1x16xf32>,
        %get3A_1408 = vector.shape_cast %get3A_1407 : vector<1x16xf32> to vector<16xf32>
        %mul3A_1409 = arith.mulf %get3A_1408, %gather3A_1400 : vector<16xf32>
        %swap3A_1410 = arith.index_cast %add3A_1404 : i32 to index
        %swap3A_1411 = arith.constant 0 : index
        %swap3A_1412 = tpu.vector_load %arg9[%swap3A_1410, %swap3A_1411] {strides = array<i32>} : memref<128x128xf32, #tpu.memory_space<vmem>>, vector<1x16xf32>,
        %swap3A_1413 = vector.shape_cast %swap3A_1412 : vector<1x16xf32> to vector<16xf32>
        %swap3A_1414 = vector.shape_cast %mul3A_1409 : vector<16xf32> to vector<1x16xf32>
        tpu.vector_store %arg9[%swap3A_1410, %swap3A_1411], %swap3A_1414 {strides = array<i32>} : memref<128x128xf32, #tpu.memory_space<vmem>>, vector<1x16xf32>,
        %get3A_1415 = arith.index_cast %add3A_1404 : i32 to index
        %get3A_1416 = arith.constant 16 : index
        %get3A_1417 = tpu.vector_load %arg9[%get3A_1415, %get3A_1416] {strides = array<i32>} : memref<128x128xf32, #tpu.memory_space<vmem>>, vector<1x16xf32>,
        %get3A_1418 = vector.shape_cast %get3A_1417 : vector<1x16xf32> to vector<16xf32>
        %mul3A_1419 = arith.mulf %get3A_1418, %gather3A_1400 : vector<16xf32>
        %swap3A_1420 = arith.index_cast %add3A_1404 : i32 to index
        %swap3A_1421 = arith.constant 16 : index
        %swap3A_1422 = tpu.vector_load %arg9[%swap3A_1420, %swap3A_1421] {strides = array<i32>} : memref<128x128xf32, #tpu.memory_space<vmem>>, vector<1x16xf32>,
        %swap3A_1423 = vector.shape_cast %swap3A_1422 : vector<1x16xf32> to vector<16xf32>
        %swap3A_1424 = vector.shape_cast %mul3A_1419 : vector<16xf32> to vector<1x16xf32>
        tpu.vector_store %arg9[%swap3A_1420, %swap3A_1421], %swap3A_1424 {strides = array<i32>} : memref<128x128xf32, #tpu.memory_space<vmem>>, vector<1x16xf32>,
        %get3A_1425 = arith.index_cast %add3A_1404 : i32 to index
        %get3A_1426 = arith.constant 32 : index
        %get3A_1427 = tpu.vector_load %arg9[%get3A_1425, %get3A_1426] {strides = array<i32>} : memref<128x128xf32, #tpu.memory_space<vmem>>, vector<1x16xf32>,
        %get3A_1428 = vector.shape_cast %get3A_1427 : vector<1x16xf32> to vector<16xf32>
        %mul3A_1429 = arith.mulf %get3A_1428, %gather3A_1400 : vector<16xf32>
        %swap3A_1430 = arith.index_cast %add3A_1404 : i32 to index
        %swap3A_1431 = arith.constant 32 : index
        %swap3A_1432 = tpu.vector_load %arg9[%swap3A_1430, %swap3A_1431] {strides = array<i32>} : memref<128x128xf32, #tpu.memory_space<vmem>>, vector<1x16xf32>,
        %swap3A_1433 = vector.shape_cast %swap3A_1432 : vector<1x16xf32> to vector<16xf32>
        %swap3A_1434 = vector.shape_cast %mul3A_1429 : vector<16xf32> to vector<1x16xf32>
        tpu.vector_store %arg9[%swap3A_1430, %swap3A_1431], %swap3A_1434 {strides = array<i32>} : memref<128x128xf32, #tpu.memory_space<vmem>>, vector<1x16xf32>,
        %get3A_1435 = arith.index_cast %add3A_1404 : i32 to index
        %get3A_1436 = arith.constant 48 : index
        %get3A_1437 = tpu.vector_load %arg9[%get3A_1435, %get3A_1436] {strides = array<i32>} : memref<128x128xf32, #tpu.memory_space<vmem>>, vector<1x16xf32>,
        %get3A_1438 = vector.shape_cast %get3A_1437 : vector<1x16xf32> to vector<16xf32>
        %mul3A_1439 = arith.mulf %get3A_1438, %gather3A_1400 : vector<16xf32>
        %swap3A_1440 = arith.index_cast %add3A_1404 : i32 to index
        %swap3A_1441 = arith.constant 48 : index
        %swap3A_1442 = tpu.vector_load %arg9[%swap3A_1440, %swap3A_1441] {strides = array<i32>} : memref<128x128xf32, #tpu.memory_space<vmem>>, vector<1x16xf32>,
        %swap3A_1443 = vector.shape_cast %swap3A_1442 : vector<1x16xf32> to vector<16xf32>
        %swap3A_1444 = vector.shape_cast %mul3A_1439 : vector<16xf32> to vector<1x16xf32>
        tpu.vector_store %arg9[%swap3A_1440, %swap3A_1441], %swap3A_1444 {strides = array<i32>} : memref<128x128xf32, #tpu.memory_space<vmem>>, vector<1x16xf32>,
        %get3A_1445 = arith.index_cast %add3A_1404 : i32 to index
        %get3A_1446 = arith.constant 64 : index
        %get3A_1447 = tpu.vector_load %arg9[%get3A_1445, %get3A_1446] {strides = array<i32>} : memref<128x128xf32, #tpu.memory_space<vmem>>, vector<1x16xf32>,
        %get3A_1448 = vector.shape_cast %get3A_1447 : vector<1x16xf32> to vector<16xf32>
        %mul3A_1449 = arith.mulf %get3A_1448, %gather3A_1400 : vector<16xf32>
        %swap3A_1450 = arith.index_cast %add3A_1404 : i32 to index
        %swap3A_1451 = arith.constant 64 : index
        %swap3A_1452 = tpu.vector_load %arg9[%swap3A_1450, %swap3A_1451] {strides = array<i32>} : memref<128x128xf32, #tpu.memory_space<vmem>>, vector<1x16xf32>,
        %swap3A_1453 = vector.shape_cast %swap3A_1452 : vector<1x16xf32> to vector<16xf32>
        %swap3A_1454 = vector.shape_cast %mul3A_1449 : vector<16xf32> to vector<1x16xf32>
        tpu.vector_store %arg9[%swap3A_1450, %swap3A_1451], %swap3A_1454 {strides = array<i32>} : memref<128x128xf32, #tpu.memory_space<vmem>>, vector<1x16xf32>,
        %get3A_1455 = arith.index_cast %add3A_1404 : i32 to index
        %get3A_1456 = arith.constant 80 : index
        %get3A_1457 = tpu.vector_load %arg9[%get3A_1455, %get3A_1456] {strides = array<i32>} : memref<128x128xf32, #tpu.memory_space<vmem>>, vector<1x16xf32>,
        %get3A_1458 = vector.shape_cast %get3A_1457 : vector<1x16xf32> to vector<16xf32>
        %mul3A_1459 = arith.mulf %get3A_1458, %gather3A_1400 : vector<16xf32>
        %swap3A_1460 = arith.index_cast %add3A_1404 : i32 to index
        %swap3A_1461 = arith.constant 80 : index
        %swap3A_1462 = tpu.vector_load %arg9[%swap3A_1460, %swap3A_1461] {strides = array<i32>} : memref<128x128xf32, #tpu.memory_space<vmem>>, vector<1x16xf32>,
        %swap3A_1463 = vector.shape_cast %swap3A_1462 : vector<1x16xf32> to vector<16xf32>
        %swap3A_1464 = vector.shape_cast %mul3A_1459 : vector<16xf32> to vector<1x16xf32>
        tpu.vector_store %arg9[%swap3A_1460, %swap3A_1461], %swap3A_1464 {strides = array<i32>} : memref<128x128xf32, #tpu.memory_space<vmem>>, vector<1x16xf32>,
        %get3A_1465 = arith.index_cast %add3A_1404 : i32 to index
        %get3A_1466 = arith.constant 96 : index
        %get3A_1467 = tpu.vector_load %arg9[%get3A_1465, %get3A_1466] {strides = array<i32>} : memref<128x128xf32, #tpu.memory_space<vmem>>, vector<1x16xf32>,
        %get3A_1468 = vector.shape_cast %get3A_1467 : vector<1x16xf32> to vector<16xf32>
        %mul3A_1469 = arith.mulf %get3A_1468, %gather3A_1400 : vector<16xf32>
        %swap3A_1470 = arith.index_cast %add3A_1404 : i32 to index
        %swap3A_1471 = arith.constant 96 : index
        %swap3A_1472 = tpu.vector_load %arg9[%swap3A_1470, %swap3A_1471] {strides = array<i32>} : memref<128x128xf32, #tpu.memory_space<vmem>>, vector<1x16xf32>,
        %swap3A_1473 = vector.shape_cast %swap3A_1472 : vector<1x16xf32> to vector<16xf32>
        %swap3A_1474 = vector.shape_cast %mul3A_1469 : vector<16xf32> to vector<1x16xf32>
        tpu.vector_store %arg9[%swap3A_1470, %swap3A_1471], %swap3A_1474 {strides = array<i32>} : memref<128x128xf32, #tpu.memory_space<vmem>>, vector<1x16xf32>,
        %get3A_1475 = arith.index_cast %add3A_1404 : i32 to index
        %get3A_1476 = arith.constant 112 : index
        %get3A_1477 = tpu.vector_load %arg9[%get3A_1475, %get3A_1476] {strides = array<i32>} : memref<128x128xf32, #tpu.memory_space<vmem>>, vector<1x16xf32>,
        %get3A_1478 = vector.shape_cast %get3A_1477 : vector<1x16xf32> to vector<16xf32>
        %mul3A_1479 = arith.mulf %get3A_1478, %gather3A_1400 : vector<16xf32>
        %swap3A_1480 = arith.index_cast %add3A_1404 : i32 to index
        %swap3A_1481 = arith.constant 112 : index
        %swap3A_1482 = tpu.vector_load %arg9[%swap3A_1480, %swap3A_1481] {strides = array<i32>} : memref<128x128xf32, #tpu.memory_space<vmem>>, vector<1x16xf32>,
        %swap3A_1483 = vector.shape_cast %swap3A_1482 : vector<1x16xf32> to vector<16xf32>
        %swap3A_1484 = vector.shape_cast %mul3A_1479 : vector<16xf32> to vector<1x16xf32>
        tpu.vector_store %arg9[%swap3A_1480, %swap3A_1481], %swap3A_1484 {strides = array<i32>} : memref<128x128xf32, #tpu.memory_space<vmem>>, vector<1x16xf32>,
        %broadcast_in_dim3A_1485 = arith.constant 15 : i32
        %broadcast_in_dim3A_1486 = vector.broadcast %broadcast_in_dim3A_1485 : i32 to vector<16x1xi32>
        %gather3A_1487 = vector.shape_cast %broadcast_in_dim3A_1486 : vector<16x1xi32> to vector<16xi32>
        %gather3A_1488 = tpu.dynamic_gather %get3A_166[%gather3A_1487] in [0] : vector<16xf32>, vector<16xi32> -> vector<16xf32>
        %mul3A_1489 = arith.constant 16 : i32
        %mul3A_1490 = arith.muli %scan3A_159, %mul3A_1489 : i32
        %add3A_1491 = arith.constant 15 : i32
        %add3A_1492 = arith.addi %mul3A_1490, %add3A_1491 : i32
        %get3A_1493 = arith.index_cast %add3A_1492 : i32 to index
        %get3A_1494 = arith.constant 0 : index
        %get3A_1495 = tpu.vector_load %arg9[%get3A_1493, %get3A_1494] {strides = array<i32>} : memref<128x128xf32, #tpu.memory_space<vmem>>, vector<1x16xf32>,
        %get3A_1496 = vector.shape_cast %get3A_1495 : vector<1x16xf32> to vector<16xf32>
        %mul3A_1497 = arith.mulf %get3A_1496, %gather3A_1488 : vector<16xf32>
        %swap3A_1498 = arith.index_cast %add3A_1492 : i32 to index
        %swap3A_1499 = arith.constant 0 : index
        %swap3A_1500 = tpu.vector_load %arg9[%swap3A_1498, %swap3A_1499] {strides = array<i32>} : memref<128x128xf32, #tpu.memory_space<vmem>>, vector<1x16xf32>,
        %swap3A_1501 = vector.shape_cast %swap3A_1500 : vector<1x16xf32> to vector<16xf32>
        %swap3A_1502 = vector.shape_cast %mul3A_1497 : vector<16xf32> to vector<1x16xf32>
        tpu.vector_store %arg9[%swap3A_1498, %swap3A_1499], %swap3A_1502 {strides = array<i32>} : memref<128x128xf32, #tpu.memory_space<vmem>>, vector<1x16xf32>,
        %get3A_1503 = arith.index_cast %add3A_1492 : i32 to index
        %get3A_1504 = arith.constant 16 : index
        %get3A_1505 = tpu.vector_load %arg9[%get3A_1503, %get3A_1504] {strides = array<i32>} : memref<128x128xf32, #tpu.memory_space<vmem>>, vector<1x16xf32>,
        %get3A_1506 = vector.shape_cast %get3A_1505 : vector<1x16xf32> to vector<16xf32>
        %mul3A_1507 = arith.mulf %get3A_1506, %gather3A_1488 : vector<16xf32>
        %swap3A_1508 = arith.index_cast %add3A_1492 : i32 to index
        %swap3A_1509 = arith.constant 16 : index
        %swap3A_1510 = tpu.vector_load %arg9[%swap3A_1508, %swap3A_1509] {strides = array<i32>} : memref<128x128xf32, #tpu.memory_space<vmem>>, vector<1x16xf32>,
        %swap3A_1511 = vector.shape_cast %swap3A_1510 : vector<1x16xf32> to vector<16xf32>
        %swap3A_1512 = vector.shape_cast %mul3A_1507 : vector<16xf32> to vector<1x16xf32>
        tpu.vector_store %arg9[%swap3A_1508, %swap3A_1509], %swap3A_1512 {strides = array<i32>} : memref<128x128xf32, #tpu.memory_space<vmem>>, vector<1x16xf32>,
        %get3A_1513 = arith.index_cast %add3A_1492 : i32 to index
        %get3A_1514 = arith.constant 32 : index
        %get3A_1515 = tpu.vector_load %arg9[%get3A_1513, %get3A_1514] {strides = array<i32>} : memref<128x128xf32, #tpu.memory_space<vmem>>, vector<1x16xf32>,
        %get3A_1516 = vector.shape_cast %get3A_1515 : vector<1x16xf32> to vector<16xf32>
        %mul3A_1517 = arith.mulf %get3A_1516, %gather3A_1488 : vector<16xf32>
        %swap3A_1518 = arith.index_cast %add3A_1492 : i32 to index
        %swap3A_1519 = arith.constant 32 : index
        %swap3A_1520 = tpu.vector_load %arg9[%swap3A_1518, %swap3A_1519] {strides = array<i32>} : memref<128x128xf32, #tpu.memory_space<vmem>>, vector<1x16xf32>,
        %swap3A_1521 = vector.shape_cast %swap3A_1520 : vector<1x16xf32> to vector<16xf32>
        %swap3A_1522 = vector.shape_cast %mul3A_1517 : vector<16xf32> to vector<1x16xf32>
        tpu.vector_store %arg9[%swap3A_1518, %swap3A_1519], %swap3A_1522 {strides = array<i32>} : memref<128x128xf32, #tpu.memory_space<vmem>>, vector<1x16xf32>,
        %get3A_1523 = arith.index_cast %add3A_1492 : i32 to index
        %get3A_1524 = arith.constant 48 : index
        %get3A_1525 = tpu.vector_load %arg9[%get3A_1523, %get3A_1524] {strides = array<i32>} : memref<128x128xf32, #tpu.memory_space<vmem>>, vector<1x16xf32>,
        %get3A_1526 = vector.shape_cast %get3A_1525 : vector<1x16xf32> to vector<16xf32>
        %mul3A_1527 = arith.mulf %get3A_1526, %gather3A_1488 : vector<16xf32>
        %swap3A_1528 = arith.index_cast %add3A_1492 : i32 to index
        %swap3A_1529 = arith.constant 48 : index
        %swap3A_1530 = tpu.vector_load %arg9[%swap3A_1528, %swap3A_1529] {strides = array<i32>} : memref<128x128xf32, #tpu.memory_space<vmem>>, vector<1x16xf32>,
        %swap3A_1531 = vector.shape_cast %swap3A_1530 : vector<1x16xf32> to vector<16xf32>
        %swap3A_1532 = vector.shape_cast %mul3A_1527 : vector<16xf32> to vector<1x16xf32>
        tpu.vector_store %arg9[%swap3A_1528, %swap3A_1529], %swap3A_1532 {strides = array<i32>} : memref<128x128xf32, #tpu.memory_space<vmem>>, vector<1x16xf32>,
        %get3A_1533 = arith.index_cast %add3A_1492 : i32 to index
        %get3A_1534 = arith.constant 64 : index
        %get3A_1535 = tpu.vector_load %arg9[%get3A_1533, %get3A_1534] {strides = array<i32>} : memref<128x128xf32, #tpu.memory_space<vmem>>, vector<1x16xf32>,
        %get3A_1536 = vector.shape_cast %get3A_1535 : vector<1x16xf32> to vector<16xf32>
        %mul3A_1537 = arith.mulf %get3A_1536, %gather3A_1488 : vector<16xf32>
        %swap3A_1538 = arith.index_cast %add3A_1492 : i32 to index
        %swap3A_1539 = arith.constant 64 : index
        %swap3A_1540 = tpu.vector_load %arg9[%swap3A_1538, %swap3A_1539] {strides = array<i32>} : memref<128x128xf32, #tpu.memory_space<vmem>>, vector<1x16xf32>,
        %swap3A_1541 = vector.shape_cast %swap3A_1540 : vector<1x16xf32> to vector<16xf32>
        %swap3A_1542 = vector.shape_cast %mul3A_1537 : vector<16xf32> to vector<1x16xf32>
        tpu.vector_store %arg9[%swap3A_1538, %swap3A_1539], %swap3A_1542 {strides = array<i32>} : memref<128x128xf32, #tpu.memory_space<vmem>>, vector<1x16xf32>,
        %get3A_1543 = arith.index_cast %add3A_1492 : i32 to index
        %get3A_1544 = arith.constant 80 : index
        %get3A_1545 = tpu.vector_load %arg9[%get3A_1543, %get3A_1544] {strides = array<i32>} : memref<128x128xf32, #tpu.memory_space<vmem>>, vector<1x16xf32>,
        %get3A_1546 = vector.shape_cast %get3A_1545 : vector<1x16xf32> to vector<16xf32>
        %mul3A_1547 = arith.mulf %get3A_1546, %gather3A_1488 : vector<16xf32>
        %swap3A_1548 = arith.index_cast %add3A_1492 : i32 to index
        %swap3A_1549 = arith.constant 80 : index
        %swap3A_1550 = tpu.vector_load %arg9[%swap3A_1548, %swap3A_1549] {strides = array<i32>} : memref<128x128xf32, #tpu.memory_space<vmem>>, vector<1x16xf32>,
        %swap3A_1551 = vector.shape_cast %swap3A_1550 : vector<1x16xf32> to vector<16xf32>
        %swap3A_1552 = vector.shape_cast %mul3A_1547 : vector<16xf32> to vector<1x16xf32>
        tpu.vector_store %arg9[%swap3A_1548, %swap3A_1549], %swap3A_1552 {strides = array<i32>} : memref<128x128xf32, #tpu.memory_space<vmem>>, vector<1x16xf32>,
        %get3A_1553 = arith.index_cast %add3A_1492 : i32 to index
        %get3A_1554 = arith.constant 96 : index
        %get3A_1555 = tpu.vector_load %arg9[%get3A_1553, %get3A_1554] {strides = array<i32>} : memref<128x128xf32, #tpu.memory_space<vmem>>, vector<1x16xf32>,
        %get3A_1556 = vector.shape_cast %get3A_1555 : vector<1x16xf32> to vector<16xf32>
        %mul3A_1557 = arith.mulf %get3A_1556, %gather3A_1488 : vector<16xf32>
        %swap3A_1558 = arith.index_cast %add3A_1492 : i32 to index
        %swap3A_1559 = arith.constant 96 : index
        %swap3A_1560 = tpu.vector_load %arg9[%swap3A_1558, %swap3A_1559] {strides = array<i32>} : memref<128x128xf32, #tpu.memory_space<vmem>>, vector<1x16xf32>,
        %swap3A_1561 = vector.shape_cast %swap3A_1560 : vector<1x16xf32> to vector<16xf32>
        %swap3A_1562 = vector.shape_cast %mul3A_1557 : vector<16xf32> to vector<1x16xf32>
        tpu.vector_store %arg9[%swap3A_1558, %swap3A_1559], %swap3A_1562 {strides = array<i32>} : memref<128x128xf32, #tpu.memory_space<vmem>>, vector<1x16xf32>,
        %get3A_1563 = arith.index_cast %add3A_1492 : i32 to index
        %get3A_1564 = arith.constant 112 : index
        %get3A_1565 = tpu.vector_load %arg9[%get3A_1563, %get3A_1564] {strides = array<i32>} : memref<128x128xf32, #tpu.memory_space<vmem>>, vector<1x16xf32>,
        %get3A_1566 = vector.shape_cast %get3A_1565 : vector<1x16xf32> to vector<16xf32>
        %mul3A_1567 = arith.mulf %get3A_1566, %gather3A_1488 : vector<16xf32>
        %swap3A_1568 = arith.index_cast %add3A_1492 : i32 to index
        %swap3A_1569 = arith.constant 112 : index
        %swap3A_1570 = tpu.vector_load %arg9[%swap3A_1568, %swap3A_1569] {strides = array<i32>} : memref<128x128xf32, #tpu.memory_space<vmem>>, vector<1x16xf32>,
        %swap3A_1571 = vector.shape_cast %swap3A_1570 : vector<1x16xf32> to vector<16xf32>
        %swap3A_1572 = vector.shape_cast %mul3A_1567 : vector<16xf32> to vector<1x16xf32>
        tpu.vector_store %arg9[%swap3A_1568, %swap3A_1569], %swap3A_1572 {strides = array<i32>} : memref<128x128xf32, #tpu.memory_space<vmem>>, vector<1x16xf32>,
      }
      %scan3A_107 = arith.constant 8 : i32
      %dma_start3A_108 = arith.constant 0 : i32
      %dma_start3A_109 = tpu.memref_slice %arg7[%rem3A_72, %dma_start3A_108] : memref<40x128xi32, #tpu.memory_space<vmem>> -> memref<1x128xi32, #tpu.memory_space<vmem>>
      %dma_start3A_110 = tpu.memref_squeeze %dma_start3A_109 : memref<1x128xi32, #tpu.memory_space<vmem>> -> memref<128xi32, #tpu.memory_space<vmem>>
      %dma_start3A_111 = arith.constant 0 : i32
      %dma_start3A_112 = arith.constant 0 : i32
      %dma_start3A_113 = tpu.memref_slice %arg11[%dma_start3A_111, %dma_start3A_112] : memref<10000x128xf32, #tpu.memory_space<vmem_shared>> -> memref<10000x128xf32, #tpu.memory_space<vmem_shared>>
      tpu.enqueue_indirect_dma source(%arg9 : memref<128x128xf32, #tpu.memory_space<vmem>>) target(%dma_start3A_113 : memref<10000x128xf32, #tpu.memory_space<vmem_shared>>) offsets(%dma_start3A_110 : memref<128xi32, #tpu.memory_space<vmem>>) semaphore(%arg13 : memref<!tpu.dma_semaphore, #tpu.memory_space<semaphore_mem>>) {add = true}
      %mul3A_114 = arith.constant 2 : i32
      %mul3A_115 = arith.muli %scan3A_67, %mul3A_114 : i32
      %add3A_116 = arith.constant 1 : i32
      %add3A_117 = arith.addi %mul3A_115, %add3A_116 : i32
      %rem3A_118 = arith.constant 40 : i32
      %rem3A_119 = arith.remsi %add3A_117, %rem3A_118 : i32
      %add3A_120 = arith.constant 1 : i32
      %add3A_121 = arith.addi %add3A_117, %add3A_120 : i32
      %rem3A_122 = arith.constant 40 : i32
      %rem3A_123 = arith.remsi %add3A_121, %rem3A_122 : i32
      %dma_wait3A_124 = arith.constant 0 : i32
      %dma_wait3A_125 = tpu.memref_slice %arg6[%rem3A_119, %dma_wait3A_124] : memref<40x128xi32, #tpu.memory_space<vmem>> -> memref<1x128xi32, #tpu.memory_space<vmem>>
      %dma_wait3A_126 = tpu.memref_squeeze %dma_wait3A_125 : memref<1x128xi32, #tpu.memory_space<vmem>> -> memref<128xi32, #tpu.memory_space<vmem>>
      %dma_wait3A_127 = arith.constant 0 : i32
      %dma_wait3A_128 = tpu.memref_slice %arg2[%dma_wait3A_127, %mul3A_0] : memref<10000x256xf32, #tpu.memory_space<hbm>> -> memref<10000x128xf32, #tpu.memory_space<hbm>>
      %dma_wait3A_129 = arith.constant 0 : i32
      %dma_wait3A_130 = arith.constant 0 : i32
      %dma_wait3A_131 = tpu.memref_slice %dma_wait3A_128[%dma_wait3A_129, %dma_wait3A_130] : memref<10000x128xf32, #tpu.memory_space<hbm>> -> memref<10000x128xf32, #tpu.memory_space<hbm>>
      tpu.wait_indirect_dma semaphore(%arg12 : memref<!tpu.dma_semaphore, #tpu.memory_space<semaphore_mem>>) src(%dma_wait3A_131 : memref<10000x128xf32, #tpu.memory_space<hbm>>) dst(%arg10 : memref<128x128xf32, #tpu.memory_space<vmem>>)
      %dma_wait3A_132 = arith.constant 0 : i32
      %dma_wait3A_133 = tpu.memref_slice %arg7[%rem3A_119, %dma_wait3A_132] : memref<40x128xi32, #tpu.memory_space<vmem>> -> memref<1x128xi32, #tpu.memory_space<vmem>>
      %dma_wait3A_134 = tpu.memref_squeeze %dma_wait3A_133 : memref<1x128xi32, #tpu.memory_space<vmem>> -> memref<128xi32, #tpu.memory_space<vmem>>
      %dma_wait3A_135 = arith.constant 0 : i32
      %dma_wait3A_136 = arith.constant 0 : i32
      %dma_wait3A_137 = tpu.memref_slice %arg11[%dma_wait3A_135, %dma_wait3A_136] : memref<10000x128xf32, #tpu.memory_space<vmem_shared>> -> memref<10000x128xf32, #tpu.memory_space<vmem_shared>>
      tpu.wait_indirect_dma semaphore(%arg13 : memref<!tpu.dma_semaphore, #tpu.memory_space<semaphore_mem>>) src(%arg9 : memref<128x128xf32, #tpu.memory_space<vmem>>) dst(%dma_wait3A_137 : memref<10000x128xf32, #tpu.memory_space<vmem_shared>>)
      %eq3A_138 = arith.constant 19 : i32
      %eq3A_139 = arith.cmpi eq, %scan3A_67, %eq3A_138 : i32
      %convert_element_type3A_140 = arith.extui %eq3A_139 : i1 to i32
      %cond3A_141 = arith.constant 0 : i32
      %cond3A_142 = arith.cmpi ne, %convert_element_type3A_140, %cond3A_141 : i32
      scf.if %cond3A_142 {
        "tpu.region"() ({
          %run_scoped3A_159 = tpu.sem_alloc : memref<!tpu.dma_semaphore, #tpu.memory_space<semaphore_mem>>
          %dma_start3A_160 = arith.constant 0 : i32
          %dma_start3A_161 = arith.constant 0 : i32
          %dma_start3A_162 = arith.constant 0 : i32
          %dma_start3A_163 = tpu.memref_slice %arg3[%scan3A_43, %dma_start3A_160, %dma_start3A_161, %dma_start3A_162] : memref<2x16x80x128xi32, #tpu.memory_space<hbm>> -> memref<1x16x80x128xi32, #tpu.memory_space<hbm>>
          %dma_start3A_164 = tpu.memref_squeeze %dma_start3A_163 : memref<1x16x80x128xi32, #tpu.memory_space<hbm>> -> memref<16x80x128xi32, #tpu.memory_space<hbm>>
          %dma_start3A_165 = arith.constant 0 : i32
          %dma_start3A_166 = arith.constant 0 : i32
          %dma_start3A_167 = tpu.memref_slice %dma_start3A_164[%arg1, %dma_start3A_165, %dma_start3A_166] : memref<16x80x128xi32, #tpu.memory_space<hbm>> -> memref<1x80x128xi32, #tpu.memory_space<hbm>>
          %dma_start3A_168 = tpu.memref_squeeze %dma_start3A_167 : memref<1x80x128xi32, #tpu.memory_space<hbm>> -> memref<80x128xi32, #tpu.memory_space<hbm>>
          %dma_start3A_169 = arith.constant 40 : i32
          %dma_start3A_170 = arith.constant 0 : i32
          %dma_start3A_171 = tpu.memref_slice %dma_start3A_168[%dma_start3A_169, %dma_start3A_170] : memref<80x128xi32, #tpu.memory_space<hbm>> -> memref<40x128xi32, #tpu.memory_space<hbm>>
          %dma_start3A_172 = arith.constant 0 : i32
          %dma_start3A_173 = arith.constant 0 : i32
          %dma_start3A_174 = arith.constant 0 : i32
          %dma_start3A_175 = tpu.memref_slice %arg3[%scan3A_43, %dma_start3A_172, %dma_start3A_173, %dma_start3A_174] : memref<2x16x80x128xi32, #tpu.memory_space<hbm>> -> memref<1x16x80x128xi32, #tpu.memory_space<hbm>>
          %dma_start3A_176 = tpu.memref_squeeze %dma_start3A_175 : memref<1x16x80x128xi32, #tpu.memory_space<hbm>> -> memref<16x80x128xi32, #tpu.memory_space<hbm>>
          %dma_start3A_177 = arith.constant 0 : i32
          %dma_start3A_178 = arith.constant 0 : i32
          %dma_start3A_179 = tpu.memref_slice %dma_start3A_176[%arg1, %dma_start3A_177, %dma_start3A_178] : memref<16x80x128xi32, #tpu.memory_space<hbm>> -> memref<1x80x128xi32, #tpu.memory_space<hbm>>
          %dma_start3A_180 = tpu.memref_squeeze %dma_start3A_179 : memref<1x80x128xi32, #tpu.memory_space<hbm>> -> memref<80x128xi32, #tpu.memory_space<hbm>>
          %dma_start3A_181 = arith.constant 40 : i32
          %dma_start3A_182 = arith.constant 0 : i32
          %dma_start3A_183 = tpu.memref_slice %dma_start3A_180[%dma_start3A_181, %dma_start3A_182] : memref<80x128xi32, #tpu.memory_space<hbm>> -> memref<40x128xi32, #tpu.memory_space<hbm>>
          tpu.enqueue_dma source(%dma_start3A_183 : memref<40x128xi32, #tpu.memory_space<hbm>>) target(%arg6 : memref<40x128xi32, #tpu.memory_space<vmem>>) target_semaphore(%run_scoped3A_159 : memref<!tpu.dma_semaphore, #tpu.memory_space<semaphore_mem>>)
          %dma_wait3A_184 = arith.constant 0 : i32
          %dma_wait3A_185 = arith.constant 0 : i32
          %dma_wait3A_186 = arith.constant 0 : i32
          %dma_wait3A_187 = tpu.memref_slice %arg3[%scan3A_43, %dma_wait3A_184, %dma_wait3A_185, %dma_wait3A_186] : memref<2x16x80x128xi32, #tpu.memory_space<hbm>> -> memref<1x16x80x128xi32, #tpu.memory_space<hbm>>
          %dma_wait3A_188 = tpu.memref_squeeze %dma_wait3A_187 : memref<1x16x80x128xi32, #tpu.memory_space<hbm>> -> memref<16x80x128xi32, #tpu.memory_space<hbm>>
          %dma_wait3A_189 = arith.constant 0 : i32
          %dma_wait3A_190 = arith.constant 0 : i32
          %dma_wait3A_191 = tpu.memref_slice %dma_wait3A_188[%arg1, %dma_wait3A_189, %dma_wait3A_190] : memref<16x80x128xi32, #tpu.memory_space<hbm>> -> memref<1x80x128xi32, #tpu.memory_space<hbm>>
          %dma_wait3A_192 = tpu.memref_squeeze %dma_wait3A_191 : memref<1x80x128xi32, #tpu.memory_space<hbm>> -> memref<80x128xi32, #tpu.memory_space<hbm>>
          %dma_wait3A_193 = arith.constant 40 : i32
          %dma_wait3A_194 = arith.constant 0 : i32
          %dma_wait3A_195 = tpu.memref_slice %dma_wait3A_192[%dma_wait3A_193, %dma_wait3A_194] : memref<80x128xi32, #tpu.memory_space<hbm>> -> memref<40x128xi32, #tpu.memory_space<hbm>>
          %dma_wait3A_196 = arith.constant 0 : i32
          %dma_wait3A_197 = arith.constant 0 : i32
          %dma_wait3A_198 = arith.constant 0 : i32
          %dma_wait3A_199 = tpu.memref_slice %arg3[%scan3A_43, %dma_wait3A_196, %dma_wait3A_197, %dma_wait3A_198] : memref<2x16x80x128xi32, #tpu.memory_space<hbm>> -> memref<1x16x80x128xi32, #tpu.memory_space<hbm>>
          %dma_wait3A_200 = tpu.memref_squeeze %dma_wait3A_199 : memref<1x16x80x128xi32, #tpu.memory_space<hbm>> -> memref<16x80x128xi32, #tpu.memory_space<hbm>>
          %dma_wait3A_201 = arith.constant 0 : i32
          %dma_wait3A_202 = arith.constant 0 : i32
          %dma_wait3A_203 = tpu.memref_slice %dma_wait3A_200[%arg1, %dma_wait3A_201, %dma_wait3A_202] : memref<16x80x128xi32, #tpu.memory_space<hbm>> -> memref<1x80x128xi32, #tpu.memory_space<hbm>>
          %dma_wait3A_204 = tpu.memref_squeeze %dma_wait3A_203 : memref<1x80x128xi32, #tpu.memory_space<hbm>> -> memref<80x128xi32, #tpu.memory_space<hbm>>
          %dma_wait3A_205 = arith.constant 40 : i32
          %dma_wait3A_206 = arith.constant 0 : i32
          %dma_wait3A_207 = tpu.memref_slice %dma_wait3A_204[%dma_wait3A_205, %dma_wait3A_206] : memref<80x128xi32, #tpu.memory_space<hbm>> -> memref<40x128xi32, #tpu.memory_space<hbm>>
          tpu.wait_dma2 semaphore(%run_scoped3A_159 : memref<!tpu.dma_semaphore, #tpu.memory_space<semaphore_mem>>) src(%dma_wait3A_207 : memref<40x128xi32, #tpu.memory_space<hbm>>) dst(%arg6 : memref<40x128xi32, #tpu.memory_space<vmem>>)
          tpu.yield
        }) : () -> ()
      } else {
      }
      %lt3A = arith.constant 39 : i32
      %lt3A_143 = arith.cmpi slt, %scan3A_67, %lt3A : i32
      %convert_element_type3A_144 = arith.extui %lt3A_143 : i1 to i32
      %cond3A_145 = arith.constant 0 : i32
      %cond3A_146 = arith.cmpi ne, %convert_element_type3A_144, %cond3A_145 : i32
      scf.if %cond3A_146 {
        %dma_start3A_159 = arith.constant 0 : i32
        %dma_start3A_160 = tpu.memref_slice %arg6[%rem3A_123, %dma_start3A_159] : memref<40x128xi32, #tpu.memory_space<vmem>> -> memref<1x128xi32, #tpu.memory_space<vmem>>
        %dma_start3A_161 = tpu.memref_squeeze %dma_start3A_160 : memref<1x128xi32, #tpu.memory_space<vmem>> -> memref<128xi32, #tpu.memory_space<vmem>>
        %dma_start3A_162 = arith.constant 0 : i32
        %dma_start3A_163 = tpu.memref_slice %arg2[%dma_start3A_162, %mul3A_0] : memref<10000x256xf32, #tpu.memory_space<hbm>> -> memref<10000x128xf32, #tpu.memory_space<hbm>>
        %dma_start3A_164 = arith.constant 0 : i32
        %dma_start3A_165 = arith.constant 0 : i32
        %dma_start3A_166 = tpu.memref_slice %dma_start3A_163[%dma_start3A_164, %dma_start3A_165] : memref<10000x128xf32, #tpu.memory_space<hbm>> -> memref<10000x128xf32, #tpu.memory_space<hbm>>
        tpu.enqueue_indirect_dma source(%dma_start3A_166 : memref<10000x128xf32, #tpu.memory_space<hbm>>) target(%arg9 : memref<128x128xf32, #tpu.memory_space<vmem>>) offsets(%dma_start3A_161 : memref<128xi32, #tpu.memory_space<vmem>>) semaphore(%arg12 : memref<!tpu.dma_semaphore, #tpu.memory_space<semaphore_mem>>)
      } else {
      }
      %scan3A_147 = arith.constant 0 : i32
      %scan3A_148 = arith.constant 0 : i32
      %scan3A_149 = arith.constant 8 : i32
      %scan3A_150 = arith.addi %scan3A_148, %scan3A_149 : i32
      %scan3A_151 = arith.constant 1 : i32
      scf.for %scan3A_159 = %scan3A_148 to %scan3A_150 step %scan3A_151  : i32 {
        %mul3A_160 = arith.constant 128 : i32
        %mul3A_161 = arith.muli %rem3A_119, %mul3A_160 : i32
        %mul3A_162 = arith.constant 16 : i32
        %mul3A_163 = arith.muli %scan3A_159, %mul3A_162 : i32
        %add3A_164 = arith.addi %mul3A_161, %mul3A_163 : i32
        %get3A = arith.index_cast %add3A_164 : i32 to index
        %get3A_165 = tpu.vector_load %arg8[%get3A] {strides = array<i32>} : memref<5120xf32, #tpu.memory_space<vmem>>, vector<16xf32>,
        %get3A_166 = vector.shape_cast %get3A_165 : vector<16xf32> to vector<16xf32>
        %broadcast_in_dim3A_167 = arith.constant 0 : i32
        %broadcast_in_dim3A_168 = vector.broadcast %broadcast_in_dim3A_167 : i32 to vector<16x1xi32>
        %gather3A = vector.shape_cast %broadcast_in_dim3A_168 : vector<16x1xi32> to vector<16xi32>
        %gather3A_169 = tpu.dynamic_gather %get3A_166[%gather3A] in [0] : vector<16xf32>, vector<16xi32> -> vector<16xf32>
        %mul3A_170 = arith.constant 16 : i32
        %mul3A_171 = arith.muli %scan3A_159, %mul3A_170 : i32
        %add3A_172 = arith.constant 0 : i32
        %add3A_173 = arith.addi %mul3A_171, %add3A_172 : i32
        %get3A_174 = arith.index_cast %add3A_173 : i32 to index
        %get3A_175 = arith.constant 0 : index
        %get3A_176 = tpu.vector_load %arg10[%get3A_174, %get3A_175] {strides = array<i32>} : memref<128x128xf32, #tpu.memory_space<vmem>>, vector<1x16xf32>,
        %get3A_177 = vector.shape_cast %get3A_176 : vector<1x16xf32> to vector<16xf32>
        %mul3A_178 = arith.mulf %get3A_177, %gather3A_169 : vector<16xf32>
        %swap3A = arith.index_cast %add3A_173 : i32 to index
        %swap3A_179 = arith.constant 0 : index
        %swap3A_180 = tpu.vector_load %arg10[%swap3A, %swap3A_179] {strides = array<i32>} : memref<128x128xf32, #tpu.memory_space<vmem>>, vector<1x16xf32>,
        %swap3A_181 = vector.shape_cast %swap3A_180 : vector<1x16xf32> to vector<16xf32>
        %swap3A_182 = vector.shape_cast %mul3A_178 : vector<16xf32> to vector<1x16xf32>
        tpu.vector_store %arg10[%swap3A, %swap3A_179], %swap3A_182 {strides = array<i32>} : memref<128x128xf32, #tpu.memory_space<vmem>>, vector<1x16xf32>,
        %get3A_183 = arith.index_cast %add3A_173 : i32 to index
        %get3A_184 = arith.constant 16 : index
        %get3A_185 = tpu.vector_load %arg10[%get3A_183, %get3A_184] {strides = array<i32>} : memref<128x128xf32, #tpu.memory_space<vmem>>, vector<1x16xf32>,
        %get3A_186 = vector.shape_cast %get3A_185 : vector<1x16xf32> to vector<16xf32>
        %mul3A_187 = arith.mulf %get3A_186, %gather3A_169 : vector<16xf32>
        %swap3A_188 = arith.index_cast %add3A_173 : i32 to index
        %swap3A_189 = arith.constant 16 : index
        %swap3A_190 = tpu.vector_load %arg10[%swap3A_188, %swap3A_189] {strides = array<i32>} : memref<128x128xf32, #tpu.memory_space<vmem>>, vector<1x16xf32>,
        %swap3A_191 = vector.shape_cast %swap3A_190 : vector<1x16xf32> to vector<16xf32>
        %swap3A_192 = vector.shape_cast %mul3A_187 : vector<16xf32> to vector<1x16xf32>
        tpu.vector_store %arg10[%swap3A_188, %swap3A_189], %swap3A_192 {strides = array<i32>} : memref<128x128xf32, #tpu.memory_space<vmem>>, vector<1x16xf32>,
        %get3A_193 = arith.index_cast %add3A_173 : i32 to index
        %get3A_194 = arith.constant 32 : index
        %get3A_195 = tpu.vector_load %arg10[%get3A_193, %get3A_194] {strides = array<i32>} : memref<128x128xf32, #tpu.memory_space<vmem>>, vector<1x16xf32>,
        %get3A_196 = vector.shape_cast %get3A_195 : vector<1x16xf32> to vector<16xf32>
        %mul3A_197 = arith.mulf %get3A_196, %gather3A_169 : vector<16xf32>
        %swap3A_198 = arith.index_cast %add3A_173 : i32 to index
        %swap3A_199 = arith.constant 32 : index
        %swap3A_200 = tpu.vector_load %arg10[%swap3A_198, %swap3A_199] {strides = array<i32>} : memref<128x128xf32, #tpu.memory_space<vmem>>, vector<1x16xf32>,
        %swap3A_201 = vector.shape_cast %swap3A_200 : vector<1x16xf32> to vector<16xf32>
        %swap3A_202 = vector.shape_cast %mul3A_197 : vector<16xf32> to vector<1x16xf32>
        tpu.vector_store %arg10[%swap3A_198, %swap3A_199], %swap3A_202 {strides = array<i32>} : memref<128x128xf32, #tpu.memory_space<vmem>>, vector<1x16xf32>,
        %get3A_203 = arith.index_cast %add3A_173 : i32 to index
        %get3A_204 = arith.constant 48 : index
        %get3A_205 = tpu.vector_load %arg10[%get3A_203, %get3A_204] {strides = array<i32>} : memref<128x128xf32, #tpu.memory_space<vmem>>, vector<1x16xf32>,
        %get3A_206 = vector.shape_cast %get3A_205 : vector<1x16xf32> to vector<16xf32>
        %mul3A_207 = arith.mulf %get3A_206, %gather3A_169 : vector<16xf32>
        %swap3A_208 = arith.index_cast %add3A_173 : i32 to index
        %swap3A_209 = arith.constant 48 : index
        %swap3A_210 = tpu.vector_load %arg10[%swap3A_208, %swap3A_209] {strides = array<i32>} : memref<128x128xf32, #tpu.memory_space<vmem>>, vector<1x16xf32>,
        %swap3A_211 = vector.shape_cast %swap3A_210 : vector<1x16xf32> to vector<16xf32>
        %swap3A_212 = vector.shape_cast %mul3A_207 : vector<16xf32> to vector<1x16xf32>
        tpu.vector_store %arg10[%swap3A_208, %swap3A_209], %swap3A_212 {strides = array<i32>} : memref<128x128xf32, #tpu.memory_space<vmem>>, vector<1x16xf32>,
        %get3A_213 = arith.index_cast %add3A_173 : i32 to index
        %get3A_214 = arith.constant 64 : index
        %get3A_215 = tpu.vector_load %arg10[%get3A_213, %get3A_214] {strides = array<i32>} : memref<128x128xf32, #tpu.memory_space<vmem>>, vector<1x16xf32>,
        %get3A_216 = vector.shape_cast %get3A_215 : vector<1x16xf32> to vector<16xf32>
        %mul3A_217 = arith.mulf %get3A_216, %gather3A_169 : vector<16xf32>
        %swap3A_218 = arith.index_cast %add3A_173 : i32 to index
        %swap3A_219 = arith.constant 64 : index
        %swap3A_220 = tpu.vector_load %arg10[%swap3A_218, %swap3A_219] {strides = array<i32>} : memref<128x128xf32, #tpu.memory_space<vmem>>, vector<1x16xf32>,
        %swap3A_221 = vector.shape_cast %swap3A_220 : vector<1x16xf32> to vector<16xf32>
        %swap3A_222 = vector.shape_cast %mul3A_217 : vector<16xf32> to vector<1x16xf32>
        tpu.vector_store %arg10[%swap3A_218, %swap3A_219], %swap3A_222 {strides = array<i32>} : memref<128x128xf32, #tpu.memory_space<vmem>>, vector<1x16xf32>,
        %get3A_223 = arith.index_cast %add3A_173 : i32 to index
        %get3A_224 = arith.constant 80 : index
        %get3A_225 = tpu.vector_load %arg10[%get3A_223, %get3A_224] {strides = array<i32>} : memref<128x128xf32, #tpu.memory_space<vmem>>, vector<1x16xf32>,
        %get3A_226 = vector.shape_cast %get3A_225 : vector<1x16xf32> to vector<16xf32>
        %mul3A_227 = arith.mulf %get3A_226, %gather3A_169 : vector<16xf32>
        %swap3A_228 = arith.index_cast %add3A_173 : i32 to index
        %swap3A_229 = arith.constant 80 : index
        %swap3A_230 = tpu.vector_load %arg10[%swap3A_228, %swap3A_229] {strides = array<i32>} : memref<128x128xf32, #tpu.memory_space<vmem>>, vector<1x16xf32>,
        %swap3A_231 = vector.shape_cast %swap3A_230 : vector<1x16xf32> to vector<16xf32>
        %swap3A_232 = vector.shape_cast %mul3A_227 : vector<16xf32> to vector<1x16xf32>
        tpu.vector_store %arg10[%swap3A_228, %swap3A_229], %swap3A_232 {strides = array<i32>} : memref<128x128xf32, #tpu.memory_space<vmem>>, vector<1x16xf32>,
        %get3A_233 = arith.index_cast %add3A_173 : i32 to index
        %get3A_234 = arith.constant 96 : index
        %get3A_235 = tpu.vector_load %arg10[%get3A_233, %get3A_234] {strides = array<i32>} : memref<128x128xf32, #tpu.memory_space<vmem>>, vector<1x16xf32>,
        %get3A_236 = vector.shape_cast %get3A_235 : vector<1x16xf32> to vector<16xf32>
        %mul3A_237 = arith.mulf %get3A_236, %gather3A_169 : vector<16xf32>
        %swap3A_238 = arith.index_cast %add3A_173 : i32 to index
        %swap3A_239 = arith.constant 96 : index
        %swap3A_240 = tpu.vector_load %arg10[%swap3A_238, %swap3A_239] {strides = array<i32>} : memref<128x128xf32, #tpu.memory_space<vmem>>, vector<1x16xf32>,
        %swap3A_241 = vector.shape_cast %swap3A_240 : vector<1x16xf32> to vector<16xf32>
        %swap3A_242 = vector.shape_cast %mul3A_237 : vector<16xf32> to vector<1x16xf32>
        tpu.vector_store %arg10[%swap3A_238, %swap3A_239], %swap3A_242 {strides = array<i32>} : memref<128x128xf32, #tpu.memory_space<vmem>>, vector<1x16xf32>,
        %get3A_243 = arith.index_cast %add3A_173 : i32 to index
        %get3A_244 = arith.constant 112 : index
        %get3A_245 = tpu.vector_load %arg10[%get3A_243, %get3A_244] {strides = array<i32>} : memref<128x128xf32, #tpu.memory_space<vmem>>, vector<1x16xf32>,
        %get3A_246 = vector.shape_cast %get3A_245 : vector<1x16xf32> to vector<16xf32>
        %mul3A_247 = arith.mulf %get3A_246, %gather3A_169 : vector<16xf32>
        %swap3A_248 = arith.index_cast %add3A_173 : i32 to index
        %swap3A_249 = arith.constant 112 : index
        %swap3A_250 = tpu.vector_load %arg10[%swap3A_248, %swap3A_249] {strides = array<i32>} : memref<128x128xf32, #tpu.memory_space<vmem>>, vector<1x16xf32>,
        %swap3A_251 = vector.shape_cast %swap3A_250 : vector<1x16xf32> to vector<16xf32>
        %swap3A_252 = vector.shape_cast %mul3A_247 : vector<16xf32> to vector<1x16xf32>
        tpu.vector_store %arg10[%swap3A_248, %swap3A_249], %swap3A_252 {strides = array<i32>} : memref<128x128xf32, #tpu.memory_space<vmem>>, vector<1x16xf32>,
        %broadcast_in_dim3A_253 = arith.constant 1 : i32
        %broadcast_in_dim3A_254 = vector.broadcast %broadcast_in_dim3A_253 : i32 to vector<16x1xi32>
        %gather3A_255 = vector.shape_cast %broadcast_in_dim3A_254 : vector<16x1xi32> to vector<16xi32>
        %gather3A_256 = tpu.dynamic_gather %get3A_166[%gather3A_255] in [0] : vector<16xf32>, vector<16xi32> -> vector<16xf32>
        %mul3A_257 = arith.constant 16 : i32
        %mul3A_258 = arith.muli %scan3A_159, %mul3A_257 : i32
        %add3A_259 = arith.constant 1 : i32
        %add3A_260 = arith.addi %mul3A_258, %add3A_259 : i32
        %get3A_261 = arith.index_cast %add3A_260 : i32 to index
        %get3A_262 = arith.constant 0 : index
        %get3A_263 = tpu.vector_load %arg10[%get3A_261, %get3A_262] {strides = array<i32>} : memref<128x128xf32, #tpu.memory_space<vmem>>, vector<1x16xf32>,
        %get3A_264 = vector.shape_cast %get3A_263 : vector<1x16xf32> to vector<16xf32>
        %mul3A_265 = arith.mulf %get3A_264, %gather3A_256 : vector<16xf32>
        %swap3A_266 = arith.index_cast %add3A_260 : i32 to index
        %swap3A_267 = arith.constant 0 : index
        %swap3A_268 = tpu.vector_load %arg10[%swap3A_266, %swap3A_267] {strides = array<i32>} : memref<128x128xf32, #tpu.memory_space<vmem>>, vector<1x16xf32>,
        %swap3A_269 = vector.shape_cast %swap3A_268 : vector<1x16xf32> to vector<16xf32>
        %swap3A_270 = vector.shape_cast %mul3A_265 : vector<16xf32> to vector<1x16xf32>
        tpu.vector_store %arg10[%swap3A_266, %swap3A_267], %swap3A_270 {strides = array<i32>} : memref<128x128xf32, #tpu.memory_space<vmem>>, vector<1x16xf32>,
        %get3A_271 = arith.index_cast %add3A_260 : i32 to index
        %get3A_272 = arith.constant 16 : index
        %get3A_273 = tpu.vector_load %arg10[%get3A_271, %get3A_272] {strides = array<i32>} : memref<128x128xf32, #tpu.memory_space<vmem>>, vector<1x16xf32>,
        %get3A_274 = vector.shape_cast %get3A_273 : vector<1x16xf32> to vector<16xf32>
        %mul3A_275 = arith.mulf %get3A_274, %gather3A_256 : vector<16xf32>
        %swap3A_276 = arith.index_cast %add3A_260 : i32 to index
        %swap3A_277 = arith.constant 16 : index
        %swap3A_278 = tpu.vector_load %arg10[%swap3A_276, %swap3A_277] {strides = array<i32>} : memref<128x128xf32, #tpu.memory_space<vmem>>, vector<1x16xf32>,
        %swap3A_279 = vector.shape_cast %swap3A_278 : vector<1x16xf32> to vector<16xf32>
        %swap3A_280 = vector.shape_cast %mul3A_275 : vector<16xf32> to vector<1x16xf32>
        tpu.vector_store %arg10[%swap3A_276, %swap3A_277], %swap3A_280 {strides = array<i32>} : memref<128x128xf32, #tpu.memory_space<vmem>>, vector<1x16xf32>,
        %get3A_281 = arith.index_cast %add3A_260 : i32 to index
        %get3A_282 = arith.constant 32 : index
        %get3A_283 = tpu.vector_load %arg10[%get3A_281, %get3A_282] {strides = array<i32>} : memref<128x128xf32, #tpu.memory_space<vmem>>, vector<1x16xf32>,
        %get3A_284 = vector.shape_cast %get3A_283 : vector<1x16xf32> to vector<16xf32>
        %mul3A_285 = arith.mulf %get3A_284, %gather3A_256 : vector<16xf32>
        %swap3A_286 = arith.index_cast %add3A_260 : i32 to index
        %swap3A_287 = arith.constant 32 : index
        %swap3A_288 = tpu.vector_load %arg10[%swap3A_286, %swap3A_287] {strides = array<i32>} : memref<128x128xf32, #tpu.memory_space<vmem>>, vector<1x16xf32>,
        %swap3A_289 = vector.shape_cast %swap3A_288 : vector<1x16xf32> to vector<16xf32>
        %swap3A_290 = vector.shape_cast %mul3A_285 : vector<16xf32> to vector<1x16xf32>
        tpu.vector_store %arg10[%swap3A_286, %swap3A_287], %swap3A_290 {strides = array<i32>} : memref<128x128xf32, #tpu.memory_space<vmem>>, vector<1x16xf32>,
        %get3A_291 = arith.index_cast %add3A_260 : i32 to index
        %get3A_292 = arith.constant 48 : index
        %get3A_293 = tpu.vector_load %arg10[%get3A_291, %get3A_292] {strides = array<i32>} : memref<128x128xf32, #tpu.memory_space<vmem>>, vector<1x16xf32>,
        %get3A_294 = vector.shape_cast %get3A_293 : vector<1x16xf32> to vector<16xf32>
        %mul3A_295 = arith.mulf %get3A_294, %gather3A_256 : vector<16xf32>
        %swap3A_296 = arith.index_cast %add3A_260 : i32 to index
        %swap3A_297 = arith.constant 48 : index
        %swap3A_298 = tpu.vector_load %arg10[%swap3A_296, %swap3A_297] {strides = array<i32>} : memref<128x128xf32, #tpu.memory_space<vmem>>, vector<1x16xf32>,
        %swap3A_299 = vector.shape_cast %swap3A_298 : vector<1x16xf32> to vector<16xf32>
        %swap3A_300 = vector.shape_cast %mul3A_295 : vector<16xf32> to vector<1x16xf32>
        tpu.vector_store %arg10[%swap3A_296, %swap3A_297], %swap3A_300 {strides = array<i32>} : memref<128x128xf32, #tpu.memory_space<vmem>>, vector<1x16xf32>,
        %get3A_301 = arith.index_cast %add3A_260 : i32 to index
        %get3A_302 = arith.constant 64 : index
        %get3A_303 = tpu.vector_load %arg10[%get3A_301, %get3A_302] {strides = array<i32>} : memref<128x128xf32, #tpu.memory_space<vmem>>, vector<1x16xf32>,
        %get3A_304 = vector.shape_cast %get3A_303 : vector<1x16xf32> to vector<16xf32>
        %mul3A_305 = arith.mulf %get3A_304, %gather3A_256 : vector<16xf32>
        %swap3A_306 = arith.index_cast %add3A_260 : i32 to index
        %swap3A_307 = arith.constant 64 : index
        %swap3A_308 = tpu.vector_load %arg10[%swap3A_306, %swap3A_307] {strides = array<i32>} : memref<128x128xf32, #tpu.memory_space<vmem>>, vector<1x16xf32>,
        %swap3A_309 = vector.shape_cast %swap3A_308 : vector<1x16xf32> to vector<16xf32>
        %swap3A_310 = vector.shape_cast %mul3A_305 : vector<16xf32> to vector<1x16xf32>
        tpu.vector_store %arg10[%swap3A_306, %swap3A_307], %swap3A_310 {strides = array<i32>} : memref<128x128xf32, #tpu.memory_space<vmem>>, vector<1x16xf32>,
        %get3A_311 = arith.index_cast %add3A_260 : i32 to index
        %get3A_312 = arith.constant 80 : index
        %get3A_313 = tpu.vector_load %arg10[%get3A_311, %get3A_312] {strides = array<i32>} : memref<128x128xf32, #tpu.memory_space<vmem>>, vector<1x16xf32>,
        %get3A_314 = vector.shape_cast %get3A_313 : vector<1x16xf32> to vector<16xf32>
        %mul3A_315 = arith.mulf %get3A_314, %gather3A_256 : vector<16xf32>
        %swap3A_316 = arith.index_cast %add3A_260 : i32 to index
        %swap3A_317 = arith.constant 80 : index
        %swap3A_318 = tpu.vector_load %arg10[%swap3A_316, %swap3A_317] {strides = array<i32>} : memref<128x128xf32, #tpu.memory_space<vmem>>, vector<1x16xf32>,
        %swap3A_319 = vector.shape_cast %swap3A_318 : vector<1x16xf32> to vector<16xf32>
        %swap3A_320 = vector.shape_cast %mul3A_315 : vector<16xf32> to vector<1x16xf32>
        tpu.vector_store %arg10[%swap3A_316, %swap3A_317], %swap3A_320 {strides = array<i32>} : memref<128x128xf32, #tpu.memory_space<vmem>>, vector<1x16xf32>,
        %get3A_321 = arith.index_cast %add3A_260 : i32 to index
        %get3A_322 = arith.constant 96 : index
        %get3A_323 = tpu.vector_load %arg10[%get3A_321, %get3A_322] {strides = array<i32>} : memref<128x128xf32, #tpu.memory_space<vmem>>, vector<1x16xf32>,
        %get3A_324 = vector.shape_cast %get3A_323 : vector<1x16xf32> to vector<16xf32>
        %mul3A_325 = arith.mulf %get3A_324, %gather3A_256 : vector<16xf32>
        %swap3A_326 = arith.index_cast %add3A_260 : i32 to index
        %swap3A_327 = arith.constant 96 : index
        %swap3A_328 = tpu.vector_load %arg10[%swap3A_326, %swap3A_327] {strides = array<i32>} : memref<128x128xf32, #tpu.memory_space<vmem>>, vector<1x16xf32>,
        %swap3A_329 = vector.shape_cast %swap3A_328 : vector<1x16xf32> to vector<16xf32>
        %swap3A_330 = vector.shape_cast %mul3A_325 : vector<16xf32> to vector<1x16xf32>
        tpu.vector_store %arg10[%swap3A_326, %swap3A_327], %swap3A_330 {strides = array<i32>} : memref<128x128xf32, #tpu.memory_space<vmem>>, vector<1x16xf32>,
        %get3A_331 = arith.index_cast %add3A_260 : i32 to index
        %get3A_332 = arith.constant 112 : index
        %get3A_333 = tpu.vector_load %arg10[%get3A_331, %get3A_332] {strides = array<i32>} : memref<128x128xf32, #tpu.memory_space<vmem>>, vector<1x16xf32>,
        %get3A_334 = vector.shape_cast %get3A_333 : vector<1x16xf32> to vector<16xf32>
        %mul3A_335 = arith.mulf %get3A_334, %gather3A_256 : vector<16xf32>
        %swap3A_336 = arith.index_cast %add3A_260 : i32 to index
        %swap3A_337 = arith.constant 112 : index
        %swap3A_338 = tpu.vector_load %arg10[%swap3A_336, %swap3A_337] {strides = array<i32>} : memref<128x128xf32, #tpu.memory_space<vmem>>, vector<1x16xf32>,
        %swap3A_339 = vector.shape_cast %swap3A_338 : vector<1x16xf32> to vector<16xf32>
        %swap3A_340 = vector.shape_cast %mul3A_335 : vector<16xf32> to vector<1x16xf32>
        tpu.vector_store %arg10[%swap3A_336, %swap3A_337], %swap3A_340 {strides = array<i32>} : memref<128x128xf32, #tpu.memory_space<vmem>>, vector<1x16xf32>,
        %broadcast_in_dim3A_341 = arith.constant 2 : i32
        %broadcast_in_dim3A_342 = vector.broadcast %broadcast_in_dim3A_341 : i32 to vector<16x1xi32>
        %gather3A_343 = vector.shape_cast %broadcast_in_dim3A_342 : vector<16x1xi32> to vector<16xi32>
        %gather3A_344 = tpu.dynamic_gather %get3A_166[%gather3A_343] in [0] : vector<16xf32>, vector<16xi32> -> vector<16xf32>
        %mul3A_345 = arith.constant 16 : i32
        %mul3A_346 = arith.muli %scan3A_159, %mul3A_345 : i32
        %add3A_347 = arith.constant 2 : i32
        %add3A_348 = arith.addi %mul3A_346, %add3A_347 : i32
        %get3A_349 = arith.index_cast %add3A_348 : i32 to index
        %get3A_350 = arith.constant 0 : index
        %get3A_351 = tpu.vector_load %arg10[%get3A_349, %get3A_350] {strides = array<i32>} : memref<128x128xf32, #tpu.memory_space<vmem>>, vector<1x16xf32>,
        %get3A_352 = vector.shape_cast %get3A_351 : vector<1x16xf32> to vector<16xf32>
        %mul3A_353 = arith.mulf %get3A_352, %gather3A_344 : vector<16xf32>
        %swap3A_354 = arith.index_cast %add3A_348 : i32 to index
        %swap3A_355 = arith.constant 0 : index
        %swap3A_356 = tpu.vector_load %arg10[%swap3A_354, %swap3A_355] {strides = array<i32>} : memref<128x128xf32, #tpu.memory_space<vmem>>, vector<1x16xf32>,
        %swap3A_357 = vector.shape_cast %swap3A_356 : vector<1x16xf32> to vector<16xf32>
        %swap3A_358 = vector.shape_cast %mul3A_353 : vector<16xf32> to vector<1x16xf32>
        tpu.vector_store %arg10[%swap3A_354, %swap3A_355], %swap3A_358 {strides = array<i32>} : memref<128x128xf32, #tpu.memory_space<vmem>>, vector<1x16xf32>,
        %get3A_359 = arith.index_cast %add3A_348 : i32 to index
        %get3A_360 = arith.constant 16 : index
        %get3A_361 = tpu.vector_load %arg10[%get3A_359, %get3A_360] {strides = array<i32>} : memref<128x128xf32, #tpu.memory_space<vmem>>, vector<1x16xf32>,
        %get3A_362 = vector.shape_cast %get3A_361 : vector<1x16xf32> to vector<16xf32>
        %mul3A_363 = arith.mulf %get3A_362, %gather3A_344 : vector<16xf32>
        %swap3A_364 = arith.index_cast %add3A_348 : i32 to index
        %swap3A_365 = arith.constant 16 : index
        %swap3A_366 = tpu.vector_load %arg10[%swap3A_364, %swap3A_365] {strides = array<i32>} : memref<128x128xf32, #tpu.memory_space<vmem>>, vector<1x16xf32>,
        %swap3A_367 = vector.shape_cast %swap3A_366 : vector<1x16xf32> to vector<16xf32>
        %swap3A_368 = vector.shape_cast %mul3A_363 : vector<16xf32> to vector<1x16xf32>
        tpu.vector_store %arg10[%swap3A_364, %swap3A_365], %swap3A_368 {strides = array<i32>} : memref<128x128xf32, #tpu.memory_space<vmem>>, vector<1x16xf32>,
        %get3A_369 = arith.index_cast %add3A_348 : i32 to index
        %get3A_370 = arith.constant 32 : index
        %get3A_371 = tpu.vector_load %arg10[%get3A_369, %get3A_370] {strides = array<i32>} : memref<128x128xf32, #tpu.memory_space<vmem>>, vector<1x16xf32>,
        %get3A_372 = vector.shape_cast %get3A_371 : vector<1x16xf32> to vector<16xf32>
        %mul3A_373 = arith.mulf %get3A_372, %gather3A_344 : vector<16xf32>
        %swap3A_374 = arith.index_cast %add3A_348 : i32 to index
        %swap3A_375 = arith.constant 32 : index
        %swap3A_376 = tpu.vector_load %arg10[%swap3A_374, %swap3A_375] {strides = array<i32>} : memref<128x128xf32, #tpu.memory_space<vmem>>, vector<1x16xf32>,
        %swap3A_377 = vector.shape_cast %swap3A_376 : vector<1x16xf32> to vector<16xf32>
        %swap3A_378 = vector.shape_cast %mul3A_373 : vector<16xf32> to vector<1x16xf32>
        tpu.vector_store %arg10[%swap3A_374, %swap3A_375], %swap3A_378 {strides = array<i32>} : memref<128x128xf32, #tpu.memory_space<vmem>>, vector<1x16xf32>,
        %get3A_379 = arith.index_cast %add3A_348 : i32 to index
        %get3A_380 = arith.constant 48 : index
        %get3A_381 = tpu.vector_load %arg10[%get3A_379, %get3A_380] {strides = array<i32>} : memref<128x128xf32, #tpu.memory_space<vmem>>, vector<1x16xf32>,
        %get3A_382 = vector.shape_cast %get3A_381 : vector<1x16xf32> to vector<16xf32>
        %mul3A_383 = arith.mulf %get3A_382, %gather3A_344 : vector<16xf32>
        %swap3A_384 = arith.index_cast %add3A_348 : i32 to index
        %swap3A_385 = arith.constant 48 : index
        %swap3A_386 = tpu.vector_load %arg10[%swap3A_384, %swap3A_385] {strides = array<i32>} : memref<128x128xf32, #tpu.memory_space<vmem>>, vector<1x16xf32>,
        %swap3A_387 = vector.shape_cast %swap3A_386 : vector<1x16xf32> to vector<16xf32>
        %swap3A_388 = vector.shape_cast %mul3A_383 : vector<16xf32> to vector<1x16xf32>
        tpu.vector_store %arg10[%swap3A_384, %swap3A_385], %swap3A_388 {strides = array<i32>} : memref<128x128xf32, #tpu.memory_space<vmem>>, vector<1x16xf32>,
        %get3A_389 = arith.index_cast %add3A_348 : i32 to index
        %get3A_390 = arith.constant 64 : index
        %get3A_391 = tpu.vector_load %arg10[%get3A_389, %get3A_390] {strides = array<i32>} : memref<128x128xf32, #tpu.memory_space<vmem>>, vector<1x16xf32>,
        %get3A_392 = vector.shape_cast %get3A_391 : vector<1x16xf32> to vector<16xf32>
        %mul3A_393 = arith.mulf %get3A_392, %gather3A_344 : vector<16xf32>
        %swap3A_394 = arith.index_cast %add3A_348 : i32 to index
        %swap3A_395 = arith.constant 64 : index
        %swap3A_396 = tpu.vector_load %arg10[%swap3A_394, %swap3A_395] {strides = array<i32>} : memref<128x128xf32, #tpu.memory_space<vmem>>, vector<1x16xf32>,
        %swap3A_397 = vector.shape_cast %swap3A_396 : vector<1x16xf32> to vector<16xf32>
        %swap3A_398 = vector.shape_cast %mul3A_393 : vector<16xf32> to vector<1x16xf32>
        tpu.vector_store %arg10[%swap3A_394, %swap3A_395], %swap3A_398 {strides = array<i32>} : memref<128x128xf32, #tpu.memory_space<vmem>>, vector<1x16xf32>,
        %get3A_399 = arith.index_cast %add3A_348 : i32 to index
        %get3A_400 = arith.constant 80 : index
        %get3A_401 = tpu.vector_load %arg10[%get3A_399, %get3A_400] {strides = array<i32>} : memref<128x128xf32, #tpu.memory_space<vmem>>, vector<1x16xf32>,
        %get3A_402 = vector.shape_cast %get3A_401 : vector<1x16xf32> to vector<16xf32>
        %mul3A_403 = arith.mulf %get3A_402, %gather3A_344 : vector<16xf32>
        %swap3A_404 = arith.index_cast %add3A_348 : i32 to index
        %swap3A_405 = arith.constant 80 : index
        %swap3A_406 = tpu.vector_load %arg10[%swap3A_404, %swap3A_405] {strides = array<i32>} : memref<128x128xf32, #tpu.memory_space<vmem>>, vector<1x16xf32>,
        %swap3A_407 = vector.shape_cast %swap3A_406 : vector<1x16xf32> to vector<16xf32>
        %swap3A_408 = vector.shape_cast %mul3A_403 : vector<16xf32> to vector<1x16xf32>
        tpu.vector_store %arg10[%swap3A_404, %swap3A_405], %swap3A_408 {strides = array<i32>} : memref<128x128xf32, #tpu.memory_space<vmem>>, vector<1x16xf32>,
        %get3A_409 = arith.index_cast %add3A_348 : i32 to index
        %get3A_410 = arith.constant 96 : index
        %get3A_411 = tpu.vector_load %arg10[%get3A_409, %get3A_410] {strides = array<i32>} : memref<128x128xf32, #tpu.memory_space<vmem>>, vector<1x16xf32>,
        %get3A_412 = vector.shape_cast %get3A_411 : vector<1x16xf32> to vector<16xf32>
        %mul3A_413 = arith.mulf %get3A_412, %gather3A_344 : vector<16xf32>
        %swap3A_414 = arith.index_cast %add3A_348 : i32 to index
        %swap3A_415 = arith.constant 96 : index
        %swap3A_416 = tpu.vector_load %arg10[%swap3A_414, %swap3A_415] {strides = array<i32>} : memref<128x128xf32, #tpu.memory_space<vmem>>, vector<1x16xf32>,
        %swap3A_417 = vector.shape_cast %swap3A_416 : vector<1x16xf32> to vector<16xf32>
        %swap3A_418 = vector.shape_cast %mul3A_413 : vector<16xf32> to vector<1x16xf32>
        tpu.vector_store %arg10[%swap3A_414, %swap3A_415], %swap3A_418 {strides = array<i32>} : memref<128x128xf32, #tpu.memory_space<vmem>>, vector<1x16xf32>,
        %get3A_419 = arith.index_cast %add3A_348 : i32 to index
        %get3A_420 = arith.constant 112 : index
        %get3A_421 = tpu.vector_load %arg10[%get3A_419, %get3A_420] {strides = array<i32>} : memref<128x128xf32, #tpu.memory_space<vmem>>, vector<1x16xf32>,
        %get3A_422 = vector.shape_cast %get3A_421 : vector<1x16xf32> to vector<16xf32>
        %mul3A_423 = arith.mulf %get3A_422, %gather3A_344 : vector<16xf32>
        %swap3A_424 = arith.index_cast %add3A_348 : i32 to index
        %swap3A_425 = arith.constant 112 : index
        %swap3A_426 = tpu.vector_load %arg10[%swap3A_424, %swap3A_425] {strides = array<i32>} : memref<128x128xf32, #tpu.memory_space<vmem>>, vector<1x16xf32>,
        %swap3A_427 = vector.shape_cast %swap3A_426 : vector<1x16xf32> to vector<16xf32>
        %swap3A_428 = vector.shape_cast %mul3A_423 : vector<16xf32> to vector<1x16xf32>
        tpu.vector_store %arg10[%swap3A_424, %swap3A_425], %swap3A_428 {strides = array<i32>} : memref<128x128xf32, #tpu.memory_space<vmem>>, vector<1x16xf32>,
        %broadcast_in_dim3A_429 = arith.constant 3 : i32
        %broadcast_in_dim3A_430 = vector.broadcast %broadcast_in_dim3A_429 : i32 to vector<16x1xi32>
        %gather3A_431 = vector.shape_cast %broadcast_in_dim3A_430 : vector<16x1xi32> to vector<16xi32>
        %gather3A_432 = tpu.dynamic_gather %get3A_166[%gather3A_431] in [0] : vector<16xf32>, vector<16xi32> -> vector<16xf32>
        %mul3A_433 = arith.constant 16 : i32
        %mul3A_434 = arith.muli %scan3A_159, %mul3A_433 : i32
        %add3A_435 = arith.constant 3 : i32
        %add3A_436 = arith.addi %mul3A_434, %add3A_435 : i32
        %get3A_437 = arith.index_cast %add3A_436 : i32 to index
        %get3A_438 = arith.constant 0 : index
        %get3A_439 = tpu.vector_load %arg10[%get3A_437, %get3A_438] {strides = array<i32>} : memref<128x128xf32, #tpu.memory_space<vmem>>, vector<1x16xf32>,
        %get3A_440 = vector.shape_cast %get3A_439 : vector<1x16xf32> to vector<16xf32>
        %mul3A_441 = arith.mulf %get3A_440, %gather3A_432 : vector<16xf32>
        %swap3A_442 = arith.index_cast %add3A_436 : i32 to index
        %swap3A_443 = arith.constant 0 : index
        %swap3A_444 = tpu.vector_load %arg10[%swap3A_442, %swap3A_443] {strides = array<i32>} : memref<128x128xf32, #tpu.memory_space<vmem>>, vector<1x16xf32>,
        %swap3A_445 = vector.shape_cast %swap3A_444 : vector<1x16xf32> to vector<16xf32>
        %swap3A_446 = vector.shape_cast %mul3A_441 : vector<16xf32> to vector<1x16xf32>
        tpu.vector_store %arg10[%swap3A_442, %swap3A_443], %swap3A_446 {strides = array<i32>} : memref<128x128xf32, #tpu.memory_space<vmem>>, vector<1x16xf32>,
        %get3A_447 = arith.index_cast %add3A_436 : i32 to index
        %get3A_448 = arith.constant 16 : index
        %get3A_449 = tpu.vector_load %arg10[%get3A_447, %get3A_448] {strides = array<i32>} : memref<128x128xf32, #tpu.memory_space<vmem>>, vector<1x16xf32>,
        %get3A_450 = vector.shape_cast %get3A_449 : vector<1x16xf32> to vector<16xf32>
        %mul3A_451 = arith.mulf %get3A_450, %gather3A_432 : vector<16xf32>
        %swap3A_452 = arith.index_cast %add3A_436 : i32 to index
        %swap3A_453 = arith.constant 16 : index
        %swap3A_454 = tpu.vector_load %arg10[%swap3A_452, %swap3A_453] {strides = array<i32>} : memref<128x128xf32, #tpu.memory_space<vmem>>, vector<1x16xf32>,
        %swap3A_455 = vector.shape_cast %swap3A_454 : vector<1x16xf32> to vector<16xf32>
        %swap3A_456 = vector.shape_cast %mul3A_451 : vector<16xf32> to vector<1x16xf32>
        tpu.vector_store %arg10[%swap3A_452, %swap3A_453], %swap3A_456 {strides = array<i32>} : memref<128x128xf32, #tpu.memory_space<vmem>>, vector<1x16xf32>,
        %get3A_457 = arith.index_cast %add3A_436 : i32 to index
        %get3A_458 = arith.constant 32 : index
        %get3A_459 = tpu.vector_load %arg10[%get3A_457, %get3A_458] {strides = array<i32>} : memref<128x128xf32, #tpu.memory_space<vmem>>, vector<1x16xf32>,
        %get3A_460 = vector.shape_cast %get3A_459 : vector<1x16xf32> to vector<16xf32>
        %mul3A_461 = arith.mulf %get3A_460, %gather3A_432 : vector<16xf32>
        %swap3A_462 = arith.index_cast %add3A_436 : i32 to index
        %swap3A_463 = arith.constant 32 : index
        %swap3A_464 = tpu.vector_load %arg10[%swap3A_462, %swap3A_463] {strides = array<i32>} : memref<128x128xf32, #tpu.memory_space<vmem>>, vector<1x16xf32>,
        %swap3A_465 = vector.shape_cast %swap3A_464 : vector<1x16xf32> to vector<16xf32>
        %swap3A_466 = vector.shape_cast %mul3A_461 : vector<16xf32> to vector<1x16xf32>
        tpu.vector_store %arg10[%swap3A_462, %swap3A_463], %swap3A_466 {strides = array<i32>} : memref<128x128xf32, #tpu.memory_space<vmem>>, vector<1x16xf32>,
        %get3A_467 = arith.index_cast %add3A_436 : i32 to index
        %get3A_468 = arith.constant 48 : index
        %get3A_469 = tpu.vector_load %arg10[%get3A_467, %get3A_468] {strides = array<i32>} : memref<128x128xf32, #tpu.memory_space<vmem>>, vector<1x16xf32>,
        %get3A_470 = vector.shape_cast %get3A_469 : vector<1x16xf32> to vector<16xf32>
        %mul3A_471 = arith.mulf %get3A_470, %gather3A_432 : vector<16xf32>
        %swap3A_472 = arith.index_cast %add3A_436 : i32 to index
        %swap3A_473 = arith.constant 48 : index
        %swap3A_474 = tpu.vector_load %arg10[%swap3A_472, %swap3A_473] {strides = array<i32>} : memref<128x128xf32, #tpu.memory_space<vmem>>, vector<1x16xf32>,
        %swap3A_475 = vector.shape_cast %swap3A_474 : vector<1x16xf32> to vector<16xf32>
        %swap3A_476 = vector.shape_cast %mul3A_471 : vector<16xf32> to vector<1x16xf32>
        tpu.vector_store %arg10[%swap3A_472, %swap3A_473], %swap3A_476 {strides = array<i32>} : memref<128x128xf32, #tpu.memory_space<vmem>>, vector<1x16xf32>,
        %get3A_477 = arith.index_cast %add3A_436 : i32 to index
        %get3A_478 = arith.constant 64 : index
        %get3A_479 = tpu.vector_load %arg10[%get3A_477, %get3A_478] {strides = array<i32>} : memref<128x128xf32, #tpu.memory_space<vmem>>, vector<1x16xf32>,
        %get3A_480 = vector.shape_cast %get3A_479 : vector<1x16xf32> to vector<16xf32>
        %mul3A_481 = arith.mulf %get3A_480, %gather3A_432 : vector<16xf32>
        %swap3A_482 = arith.index_cast %add3A_436 : i32 to index
        %swap3A_483 = arith.constant 64 : index
        %swap3A_484 = tpu.vector_load %arg10[%swap3A_482, %swap3A_483] {strides = array<i32>} : memref<128x128xf32, #tpu.memory_space<vmem>>, vector<1x16xf32>,
        %swap3A_485 = vector.shape_cast %swap3A_484 : vector<1x16xf32> to vector<16xf32>
        %swap3A_486 = vector.shape_cast %mul3A_481 : vector<16xf32> to vector<1x16xf32>
        tpu.vector_store %arg10[%swap3A_482, %swap3A_483], %swap3A_486 {strides = array<i32>} : memref<128x128xf32, #tpu.memory_space<vmem>>, vector<1x16xf32>,
        %get3A_487 = arith.index_cast %add3A_436 : i32 to index
        %get3A_488 = arith.constant 80 : index
        %get3A_489 = tpu.vector_load %arg10[%get3A_487, %get3A_488] {strides = array<i32>} : memref<128x128xf32, #tpu.memory_space<vmem>>, vector<1x16xf32>,
        %get3A_490 = vector.shape_cast %get3A_489 : vector<1x16xf32> to vector<16xf32>
        %mul3A_491 = arith.mulf %get3A_490, %gather3A_432 : vector<16xf32>
        %swap3A_492 = arith.index_cast %add3A_436 : i32 to index
        %swap3A_493 = arith.constant 80 : index
        %swap3A_494 = tpu.vector_load %arg10[%swap3A_492, %swap3A_493] {strides = array<i32>} : memref<128x128xf32, #tpu.memory_space<vmem>>, vector<1x16xf32>,
        %swap3A_495 = vector.shape_cast %swap3A_494 : vector<1x16xf32> to vector<16xf32>
        %swap3A_496 = vector.shape_cast %mul3A_491 : vector<16xf32> to vector<1x16xf32>
        tpu.vector_store %arg10[%swap3A_492, %swap3A_493], %swap3A_496 {strides = array<i32>} : memref<128x128xf32, #tpu.memory_space<vmem>>, vector<1x16xf32>,
        %get3A_497 = arith.index_cast %add3A_436 : i32 to index
        %get3A_498 = arith.constant 96 : index
        %get3A_499 = tpu.vector_load %arg10[%get3A_497, %get3A_498] {strides = array<i32>} : memref<128x128xf32, #tpu.memory_space<vmem>>, vector<1x16xf32>,
        %get3A_500 = vector.shape_cast %get3A_499 : vector<1x16xf32> to vector<16xf32>
        %mul3A_501 = arith.mulf %get3A_500, %gather3A_432 : vector<16xf32>
        %swap3A_502 = arith.index_cast %add3A_436 : i32 to index
        %swap3A_503 = arith.constant 96 : index
        %swap3A_504 = tpu.vector_load %arg10[%swap3A_502, %swap3A_503] {strides = array<i32>} : memref<128x128xf32, #tpu.memory_space<vmem>>, vector<1x16xf32>,
        %swap3A_505 = vector.shape_cast %swap3A_504 : vector<1x16xf32> to vector<16xf32>
        %swap3A_506 = vector.shape_cast %mul3A_501 : vector<16xf32> to vector<1x16xf32>
        tpu.vector_store %arg10[%swap3A_502, %swap3A_503], %swap3A_506 {strides = array<i32>} : memref<128x128xf32, #tpu.memory_space<vmem>>, vector<1x16xf32>,
        %get3A_507 = arith.index_cast %add3A_436 : i32 to index
        %get3A_508 = arith.constant 112 : index
        %get3A_509 = tpu.vector_load %arg10[%get3A_507, %get3A_508] {strides = array<i32>} : memref<128x128xf32, #tpu.memory_space<vmem>>, vector<1x16xf32>,
        %get3A_510 = vector.shape_cast %get3A_509 : vector<1x16xf32> to vector<16xf32>
        %mul3A_511 = arith.mulf %get3A_510, %gather3A_432 : vector<16xf32>
        %swap3A_512 = arith.index_cast %add3A_436 : i32 to index
        %swap3A_513 = arith.constant 112 : index
        %swap3A_514 = tpu.vector_load %arg10[%swap3A_512, %swap3A_513] {strides = array<i32>} : memref<128x128xf32, #tpu.memory_space<vmem>>, vector<1x16xf32>,
        %swap3A_515 = vector.shape_cast %swap3A_514 : vector<1x16xf32> to vector<16xf32>
        %swap3A_516 = vector.shape_cast %mul3A_511 : vector<16xf32> to vector<1x16xf32>
        tpu.vector_store %arg10[%swap3A_512, %swap3A_513], %swap3A_516 {strides = array<i32>} : memref<128x128xf32, #tpu.memory_space<vmem>>, vector<1x16xf32>,
        %broadcast_in_dim3A_517 = arith.constant 4 : i32
        %broadcast_in_dim3A_518 = vector.broadcast %broadcast_in_dim3A_517 : i32 to vector<16x1xi32>
        %gather3A_519 = vector.shape_cast %broadcast_in_dim3A_518 : vector<16x1xi32> to vector<16xi32>
        %gather3A_520 = tpu.dynamic_gather %get3A_166[%gather3A_519] in [0] : vector<16xf32>, vector<16xi32> -> vector<16xf32>
        %mul3A_521 = arith.constant 16 : i32
        %mul3A_522 = arith.muli %scan3A_159, %mul3A_521 : i32
        %add3A_523 = arith.constant 4 : i32
        %add3A_524 = arith.addi %mul3A_522, %add3A_523 : i32
        %get3A_525 = arith.index_cast %add3A_524 : i32 to index
        %get3A_526 = arith.constant 0 : index
        %get3A_527 = tpu.vector_load %arg10[%get3A_525, %get3A_526] {strides = array<i32>} : memref<128x128xf32, #tpu.memory_space<vmem>>, vector<1x16xf32>,
        %get3A_528 = vector.shape_cast %get3A_527 : vector<1x16xf32> to vector<16xf32>
        %mul3A_529 = arith.mulf %get3A_528, %gather3A_520 : vector<16xf32>
        %swap3A_530 = arith.index_cast %add3A_524 : i32 to index
        %swap3A_531 = arith.constant 0 : index
        %swap3A_532 = tpu.vector_load %arg10[%swap3A_530, %swap3A_531] {strides = array<i32>} : memref<128x128xf32, #tpu.memory_space<vmem>>, vector<1x16xf32>,
        %swap3A_533 = vector.shape_cast %swap3A_532 : vector<1x16xf32> to vector<16xf32>
        %swap3A_534 = vector.shape_cast %mul3A_529 : vector<16xf32> to vector<1x16xf32>
        tpu.vector_store %arg10[%swap3A_530, %swap3A_531], %swap3A_534 {strides = array<i32>} : memref<128x128xf32, #tpu.memory_space<vmem>>, vector<1x16xf32>,
        %get3A_535 = arith.index_cast %add3A_524 : i32 to index
        %get3A_536 = arith.constant 16 : index
        %get3A_537 = tpu.vector_load %arg10[%get3A_535, %get3A_536] {strides = array<i32>} : memref<128x128xf32, #tpu.memory_space<vmem>>, vector<1x16xf32>,
        %get3A_538 = vector.shape_cast %get3A_537 : vector<1x16xf32> to vector<16xf32>
        %mul3A_539 = arith.mulf %get3A_538, %gather3A_520 : vector<16xf32>
        %swap3A_540 = arith.index_cast %add3A_524 : i32 to index
        %swap3A_541 = arith.constant 16 : index
        %swap3A_542 = tpu.vector_load %arg10[%swap3A_540, %swap3A_541] {strides = array<i32>} : memref<128x128xf32, #tpu.memory_space<vmem>>, vector<1x16xf32>,
        %swap3A_543 = vector.shape_cast %swap3A_542 : vector<1x16xf32> to vector<16xf32>
        %swap3A_544 = vector.shape_cast %mul3A_539 : vector<16xf32> to vector<1x16xf32>
        tpu.vector_store %arg10[%swap3A_540, %swap3A_541], %swap3A_544 {strides = array<i32>} : memref<128x128xf32, #tpu.memory_space<vmem>>, vector<1x16xf32>,
        %get3A_545 = arith.index_cast %add3A_524 : i32 to index
        %get3A_546 = arith.constant 32 : index
        %get3A_547 = tpu.vector_load %arg10[%get3A_545, %get3A_546] {strides = array<i32>} : memref<128x128xf32, #tpu.memory_space<vmem>>, vector<1x16xf32>,
        %get3A_548 = vector.shape_cast %get3A_547 : vector<1x16xf32> to vector<16xf32>
        %mul3A_549 = arith.mulf %get3A_548, %gather3A_520 : vector<16xf32>
        %swap3A_550 = arith.index_cast %add3A_524 : i32 to index
        %swap3A_551 = arith.constant 32 : index
        %swap3A_552 = tpu.vector_load %arg10[%swap3A_550, %swap3A_551] {strides = array<i32>} : memref<128x128xf32, #tpu.memory_space<vmem>>, vector<1x16xf32>,
        %swap3A_553 = vector.shape_cast %swap3A_552 : vector<1x16xf32> to vector<16xf32>
        %swap3A_554 = vector.shape_cast %mul3A_549 : vector<16xf32> to vector<1x16xf32>
        tpu.vector_store %arg10[%swap3A_550, %swap3A_551], %swap3A_554 {strides = array<i32>} : memref<128x128xf32, #tpu.memory_space<vmem>>, vector<1x16xf32>,
        %get3A_555 = arith.index_cast %add3A_524 : i32 to index
        %get3A_556 = arith.constant 48 : index
        %get3A_557 = tpu.vector_load %arg10[%get3A_555, %get3A_556] {strides = array<i32>} : memref<128x128xf32, #tpu.memory_space<vmem>>, vector<1x16xf32>,
        %get3A_558 = vector.shape_cast %get3A_557 : vector<1x16xf32> to vector<16xf32>
        %mul3A_559 = arith.mulf %get3A_558, %gather3A_520 : vector<16xf32>
        %swap3A_560 = arith.index_cast %add3A_524 : i32 to index
        %swap3A_561 = arith.constant 48 : index
        %swap3A_562 = tpu.vector_load %arg10[%swap3A_560, %swap3A_561] {strides = array<i32>} : memref<128x128xf32, #tpu.memory_space<vmem>>, vector<1x16xf32>,
        %swap3A_563 = vector.shape_cast %swap3A_562 : vector<1x16xf32> to vector<16xf32>
        %swap3A_564 = vector.shape_cast %mul3A_559 : vector<16xf32> to vector<1x16xf32>
        tpu.vector_store %arg10[%swap3A_560, %swap3A_561], %swap3A_564 {strides = array<i32>} : memref<128x128xf32, #tpu.memory_space<vmem>>, vector<1x16xf32>,
        %get3A_565 = arith.index_cast %add3A_524 : i32 to index
        %get3A_566 = arith.constant 64 : index
        %get3A_567 = tpu.vector_load %arg10[%get3A_565, %get3A_566] {strides = array<i32>} : memref<128x128xf32, #tpu.memory_space<vmem>>, vector<1x16xf32>,
        %get3A_568 = vector.shape_cast %get3A_567 : vector<1x16xf32> to vector<16xf32>
        %mul3A_569 = arith.mulf %get3A_568, %gather3A_520 : vector<16xf32>
        %swap3A_570 = arith.index_cast %add3A_524 : i32 to index
        %swap3A_571 = arith.constant 64 : index
        %swap3A_572 = tpu.vector_load %arg10[%swap3A_570, %swap3A_571] {strides = array<i32>} : memref<128x128xf32, #tpu.memory_space<vmem>>, vector<1x16xf32>,
        %swap3A_573 = vector.shape_cast %swap3A_572 : vector<1x16xf32> to vector<16xf32>
        %swap3A_574 = vector.shape_cast %mul3A_569 : vector<16xf32> to vector<1x16xf32>
        tpu.vector_store %arg10[%swap3A_570, %swap3A_571], %swap3A_574 {strides = array<i32>} : memref<128x128xf32, #tpu.memory_space<vmem>>, vector<1x16xf32>,
        %get3A_575 = arith.index_cast %add3A_524 : i32 to index
        %get3A_576 = arith.constant 80 : index
        %get3A_577 = tpu.vector_load %arg10[%get3A_575, %get3A_576] {strides = array<i32>} : memref<128x128xf32, #tpu.memory_space<vmem>>, vector<1x16xf32>,
        %get3A_578 = vector.shape_cast %get3A_577 : vector<1x16xf32> to vector<16xf32>
        %mul3A_579 = arith.mulf %get3A_578, %gather3A_520 : vector<16xf32>
        %swap3A_580 = arith.index_cast %add3A_524 : i32 to index
        %swap3A_581 = arith.constant 80 : index
        %swap3A_582 = tpu.vector_load %arg10[%swap3A_580, %swap3A_581] {strides = array<i32>} : memref<128x128xf32, #tpu.memory_space<vmem>>, vector<1x16xf32>,
        %swap3A_583 = vector.shape_cast %swap3A_582 : vector<1x16xf32> to vector<16xf32>
        %swap3A_584 = vector.shape_cast %mul3A_579 : vector<16xf32> to vector<1x16xf32>
        tpu.vector_store %arg10[%swap3A_580, %swap3A_581], %swap3A_584 {strides = array<i32>} : memref<128x128xf32, #tpu.memory_space<vmem>>, vector<1x16xf32>,
        %get3A_585 = arith.index_cast %add3A_524 : i32 to index
        %get3A_586 = arith.constant 96 : index
        %get3A_587 = tpu.vector_load %arg10[%get3A_585, %get3A_586] {strides = array<i32>} : memref<128x128xf32, #tpu.memory_space<vmem>>, vector<1x16xf32>,
        %get3A_588 = vector.shape_cast %get3A_587 : vector<1x16xf32> to vector<16xf32>
        %mul3A_589 = arith.mulf %get3A_588, %gather3A_520 : vector<16xf32>
        %swap3A_590 = arith.index_cast %add3A_524 : i32 to index
        %swap3A_591 = arith.constant 96 : index
        %swap3A_592 = tpu.vector_load %arg10[%swap3A_590, %swap3A_591] {strides = array<i32>} : memref<128x128xf32, #tpu.memory_space<vmem>>, vector<1x16xf32>,
        %swap3A_593 = vector.shape_cast %swap3A_592 : vector<1x16xf32> to vector<16xf32>
        %swap3A_594 = vector.shape_cast %mul3A_589 : vector<16xf32> to vector<1x16xf32>
        tpu.vector_store %arg10[%swap3A_590, %swap3A_591], %swap3A_594 {strides = array<i32>} : memref<128x128xf32, #tpu.memory_space<vmem>>, vector<1x16xf32>,
        %get3A_595 = arith.index_cast %add3A_524 : i32 to index
        %get3A_596 = arith.constant 112 : index
        %get3A_597 = tpu.vector_load %arg10[%get3A_595, %get3A_596] {strides = array<i32>} : memref<128x128xf32, #tpu.memory_space<vmem>>, vector<1x16xf32>,
        %get3A_598 = vector.shape_cast %get3A_597 : vector<1x16xf32> to vector<16xf32>
        %mul3A_599 = arith.mulf %get3A_598, %gather3A_520 : vector<16xf32>
        %swap3A_600 = arith.index_cast %add3A_524 : i32 to index
        %swap3A_601 = arith.constant 112 : index
        %swap3A_602 = tpu.vector_load %arg10[%swap3A_600, %swap3A_601] {strides = array<i32>} : memref<128x128xf32, #tpu.memory_space<vmem>>, vector<1x16xf32>,
        %swap3A_603 = vector.shape_cast %swap3A_602 : vector<1x16xf32> to vector<16xf32>
        %swap3A_604 = vector.shape_cast %mul3A_599 : vector<16xf32> to vector<1x16xf32>
        tpu.vector_store %arg10[%swap3A_600, %swap3A_601], %swap3A_604 {strides = array<i32>} : memref<128x128xf32, #tpu.memory_space<vmem>>, vector<1x16xf32>,
        %broadcast_in_dim3A_605 = arith.constant 5 : i32
        %broadcast_in_dim3A_606 = vector.broadcast %broadcast_in_dim3A_605 : i32 to vector<16x1xi32>
        %gather3A_607 = vector.shape_cast %broadcast_in_dim3A_606 : vector<16x1xi32> to vector<16xi32>
        %gather3A_608 = tpu.dynamic_gather %get3A_166[%gather3A_607] in [0] : vector<16xf32>, vector<16xi32> -> vector<16xf32>
        %mul3A_609 = arith.constant 16 : i32
        %mul3A_610 = arith.muli %scan3A_159, %mul3A_609 : i32
        %add3A_611 = arith.constant 5 : i32
        %add3A_612 = arith.addi %mul3A_610, %add3A_611 : i32
        %get3A_613 = arith.index_cast %add3A_612 : i32 to index
        %get3A_614 = arith.constant 0 : index
        %get3A_615 = tpu.vector_load %arg10[%get3A_613, %get3A_614] {strides = array<i32>} : memref<128x128xf32, #tpu.memory_space<vmem>>, vector<1x16xf32>,
        %get3A_616 = vector.shape_cast %get3A_615 : vector<1x16xf32> to vector<16xf32>
        %mul3A_617 = arith.mulf %get3A_616, %gather3A_608 : vector<16xf32>
        %swap3A_618 = arith.index_cast %add3A_612 : i32 to index
        %swap3A_619 = arith.constant 0 : index
        %swap3A_620 = tpu.vector_load %arg10[%swap3A_618, %swap3A_619] {strides = array<i32>} : memref<128x128xf32, #tpu.memory_space<vmem>>, vector<1x16xf32>,
        %swap3A_621 = vector.shape_cast %swap3A_620 : vector<1x16xf32> to vector<16xf32>
        %swap3A_622 = vector.shape_cast %mul3A_617 : vector<16xf32> to vector<1x16xf32>
        tpu.vector_store %arg10[%swap3A_618, %swap3A_619], %swap3A_622 {strides = array<i32>} : memref<128x128xf32, #tpu.memory_space<vmem>>, vector<1x16xf32>,
        %get3A_623 = arith.index_cast %add3A_612 : i32 to index
        %get3A_624 = arith.constant 16 : index
        %get3A_625 = tpu.vector_load %arg10[%get3A_623, %get3A_624] {strides = array<i32>} : memref<128x128xf32, #tpu.memory_space<vmem>>, vector<1x16xf32>,
        %get3A_626 = vector.shape_cast %get3A_625 : vector<1x16xf32> to vector<16xf32>
        %mul3A_627 = arith.mulf %get3A_626, %gather3A_608 : vector<16xf32>
        %swap3A_628 = arith.index_cast %add3A_612 : i32 to index
        %swap3A_629 = arith.constant 16 : index
        %swap3A_630 = tpu.vector_load %arg10[%swap3A_628, %swap3A_629] {strides = array<i32>} : memref<128x128xf32, #tpu.memory_space<vmem>>, vector<1x16xf32>,
        %swap3A_631 = vector.shape_cast %swap3A_630 : vector<1x16xf32> to vector<16xf32>
        %swap3A_632 = vector.shape_cast %mul3A_627 : vector<16xf32> to vector<1x16xf32>
        tpu.vector_store %arg10[%swap3A_628, %swap3A_629], %swap3A_632 {strides = array<i32>} : memref<128x128xf32, #tpu.memory_space<vmem>>, vector<1x16xf32>,
        %get3A_633 = arith.index_cast %add3A_612 : i32 to index
        %get3A_634 = arith.constant 32 : index
        %get3A_635 = tpu.vector_load %arg10[%get3A_633, %get3A_634] {strides = array<i32>} : memref<128x128xf32, #tpu.memory_space<vmem>>, vector<1x16xf32>,
        %get3A_636 = vector.shape_cast %get3A_635 : vector<1x16xf32> to vector<16xf32>
        %mul3A_637 = arith.mulf %get3A_636, %gather3A_608 : vector<16xf32>
        %swap3A_638 = arith.index_cast %add3A_612 : i32 to index
        %swap3A_639 = arith.constant 32 : index
        %swap3A_640 = tpu.vector_load %arg10[%swap3A_638, %swap3A_639] {strides = array<i32>} : memref<128x128xf32, #tpu.memory_space<vmem>>, vector<1x16xf32>,
        %swap3A_641 = vector.shape_cast %swap3A_640 : vector<1x16xf32> to vector<16xf32>
        %swap3A_642 = vector.shape_cast %mul3A_637 : vector<16xf32> to vector<1x16xf32>
        tpu.vector_store %arg10[%swap3A_638, %swap3A_639], %swap3A_642 {strides = array<i32>} : memref<128x128xf32, #tpu.memory_space<vmem>>, vector<1x16xf32>,
        %get3A_643 = arith.index_cast %add3A_612 : i32 to index
        %get3A_644 = arith.constant 48 : index
        %get3A_645 = tpu.vector_load %arg10[%get3A_643, %get3A_644] {strides = array<i32>} : memref<128x128xf32, #tpu.memory_space<vmem>>, vector<1x16xf32>,
        %get3A_646 = vector.shape_cast %get3A_645 : vector<1x16xf32> to vector<16xf32>
        %mul3A_647 = arith.mulf %get3A_646, %gather3A_608 : vector<16xf32>
        %swap3A_648 = arith.index_cast %add3A_612 : i32 to index
        %swap3A_649 = arith.constant 48 : index
        %swap3A_650 = tpu.vector_load %arg10[%swap3A_648, %swap3A_649] {strides = array<i32>} : memref<128x128xf32, #tpu.memory_space<vmem>>, vector<1x16xf32>,
        %swap3A_651 = vector.shape_cast %swap3A_650 : vector<1x16xf32> to vector<16xf32>
        %swap3A_652 = vector.shape_cast %mul3A_647 : vector<16xf32> to vector<1x16xf32>
        tpu.vector_store %arg10[%swap3A_648, %swap3A_649], %swap3A_652 {strides = array<i32>} : memref<128x128xf32, #tpu.memory_space<vmem>>, vector<1x16xf32>,
        %get3A_653 = arith.index_cast %add3A_612 : i32 to index
        %get3A_654 = arith.constant 64 : index
        %get3A_655 = tpu.vector_load %arg10[%get3A_653, %get3A_654] {strides = array<i32>} : memref<128x128xf32, #tpu.memory_space<vmem>>, vector<1x16xf32>,
        %get3A_656 = vector.shape_cast %get3A_655 : vector<1x16xf32> to vector<16xf32>
        %mul3A_657 = arith.mulf %get3A_656, %gather3A_608 : vector<16xf32>
        %swap3A_658 = arith.index_cast %add3A_612 : i32 to index
        %swap3A_659 = arith.constant 64 : index
        %swap3A_660 = tpu.vector_load %arg10[%swap3A_658, %swap3A_659] {strides = array<i32>} : memref<128x128xf32, #tpu.memory_space<vmem>>, vector<1x16xf32>,
        %swap3A_661 = vector.shape_cast %swap3A_660 : vector<1x16xf32> to vector<16xf32>
        %swap3A_662 = vector.shape_cast %mul3A_657 : vector<16xf32> to vector<1x16xf32>
        tpu.vector_store %arg10[%swap3A_658, %swap3A_659], %swap3A_662 {strides = array<i32>} : memref<128x128xf32, #tpu.memory_space<vmem>>, vector<1x16xf32>,
        %get3A_663 = arith.index_cast %add3A_612 : i32 to index
        %get3A_664 = arith.constant 80 : index
        %get3A_665 = tpu.vector_load %arg10[%get3A_663, %get3A_664] {strides = array<i32>} : memref<128x128xf32, #tpu.memory_space<vmem>>, vector<1x16xf32>,
        %get3A_666 = vector.shape_cast %get3A_665 : vector<1x16xf32> to vector<16xf32>
        %mul3A_667 = arith.mulf %get3A_666, %gather3A_608 : vector<16xf32>
        %swap3A_668 = arith.index_cast %add3A_612 : i32 to index
        %swap3A_669 = arith.constant 80 : index
        %swap3A_670 = tpu.vector_load %arg10[%swap3A_668, %swap3A_669] {strides = array<i32>} : memref<128x128xf32, #tpu.memory_space<vmem>>, vector<1x16xf32>,
        %swap3A_671 = vector.shape_cast %swap3A_670 : vector<1x16xf32> to vector<16xf32>
        %swap3A_672 = vector.shape_cast %mul3A_667 : vector<16xf32> to vector<1x16xf32>
        tpu.vector_store %arg10[%swap3A_668, %swap3A_669], %swap3A_672 {strides = array<i32>} : memref<128x128xf32, #tpu.memory_space<vmem>>, vector<1x16xf32>,
        %get3A_673 = arith.index_cast %add3A_612 : i32 to index
        %get3A_674 = arith.constant 96 : index
        %get3A_675 = tpu.vector_load %arg10[%get3A_673, %get3A_674] {strides = array<i32>} : memref<128x128xf32, #tpu.memory_space<vmem>>, vector<1x16xf32>,
        %get3A_676 = vector.shape_cast %get3A_675 : vector<1x16xf32> to vector<16xf32>
        %mul3A_677 = arith.mulf %get3A_676, %gather3A_608 : vector<16xf32>
        %swap3A_678 = arith.index_cast %add3A_612 : i32 to index
        %swap3A_679 = arith.constant 96 : index
        %swap3A_680 = tpu.vector_load %arg10[%swap3A_678, %swap3A_679] {strides = array<i32>} : memref<128x128xf32, #tpu.memory_space<vmem>>, vector<1x16xf32>,
        %swap3A_681 = vector.shape_cast %swap3A_680 : vector<1x16xf32> to vector<16xf32>
        %swap3A_682 = vector.shape_cast %mul3A_677 : vector<16xf32> to vector<1x16xf32>
        tpu.vector_store %arg10[%swap3A_678, %swap3A_679], %swap3A_682 {strides = array<i32>} : memref<128x128xf32, #tpu.memory_space<vmem>>, vector<1x16xf32>,
        %get3A_683 = arith.index_cast %add3A_612 : i32 to index
        %get3A_684 = arith.constant 112 : index
        %get3A_685 = tpu.vector_load %arg10[%get3A_683, %get3A_684] {strides = array<i32>} : memref<128x128xf32, #tpu.memory_space<vmem>>, vector<1x16xf32>,
        %get3A_686 = vector.shape_cast %get3A_685 : vector<1x16xf32> to vector<16xf32>
        %mul3A_687 = arith.mulf %get3A_686, %gather3A_608 : vector<16xf32>
        %swap3A_688 = arith.index_cast %add3A_612 : i32 to index
        %swap3A_689 = arith.constant 112 : index
        %swap3A_690 = tpu.vector_load %arg10[%swap3A_688, %swap3A_689] {strides = array<i32>} : memref<128x128xf32, #tpu.memory_space<vmem>>, vector<1x16xf32>,
        %swap3A_691 = vector.shape_cast %swap3A_690 : vector<1x16xf32> to vector<16xf32>
        %swap3A_692 = vector.shape_cast %mul3A_687 : vector<16xf32> to vector<1x16xf32>
        tpu.vector_store %arg10[%swap3A_688, %swap3A_689], %swap3A_692 {strides = array<i32>} : memref<128x128xf32, #tpu.memory_space<vmem>>, vector<1x16xf32>,
        %broadcast_in_dim3A_693 = arith.constant 6 : i32
        %broadcast_in_dim3A_694 = vector.broadcast %broadcast_in_dim3A_693 : i32 to vector<16x1xi32>
        %gather3A_695 = vector.shape_cast %broadcast_in_dim3A_694 : vector<16x1xi32> to vector<16xi32>
        %gather3A_696 = tpu.dynamic_gather %get3A_166[%gather3A_695] in [0] : vector<16xf32>, vector<16xi32> -> vector<16xf32>
        %mul3A_697 = arith.constant 16 : i32
        %mul3A_698 = arith.muli %scan3A_159, %mul3A_697 : i32
        %add3A_699 = arith.constant 6 : i32
        %add3A_700 = arith.addi %mul3A_698, %add3A_699 : i32
        %get3A_701 = arith.index_cast %add3A_700 : i32 to index
        %get3A_702 = arith.constant 0 : index
        %get3A_703 = tpu.vector_load %arg10[%get3A_701, %get3A_702] {strides = array<i32>} : memref<128x128xf32, #tpu.memory_space<vmem>>, vector<1x16xf32>,
        %get3A_704 = vector.shape_cast %get3A_703 : vector<1x16xf32> to vector<16xf32>
        %mul3A_705 = arith.mulf %get3A_704, %gather3A_696 : vector<16xf32>
        %swap3A_706 = arith.index_cast %add3A_700 : i32 to index
        %swap3A_707 = arith.constant 0 : index
        %swap3A_708 = tpu.vector_load %arg10[%swap3A_706, %swap3A_707] {strides = array<i32>} : memref<128x128xf32, #tpu.memory_space<vmem>>, vector<1x16xf32>,
        %swap3A_709 = vector.shape_cast %swap3A_708 : vector<1x16xf32> to vector<16xf32>
        %swap3A_710 = vector.shape_cast %mul3A_705 : vector<16xf32> to vector<1x16xf32>
        tpu.vector_store %arg10[%swap3A_706, %swap3A_707], %swap3A_710 {strides = array<i32>} : memref<128x128xf32, #tpu.memory_space<vmem>>, vector<1x16xf32>,
        %get3A_711 = arith.index_cast %add3A_700 : i32 to index
        %get3A_712 = arith.constant 16 : index
        %get3A_713 = tpu.vector_load %arg10[%get3A_711, %get3A_712] {strides = array<i32>} : memref<128x128xf32, #tpu.memory_space<vmem>>, vector<1x16xf32>,
        %get3A_714 = vector.shape_cast %get3A_713 : vector<1x16xf32> to vector<16xf32>
        %mul3A_715 = arith.mulf %get3A_714, %gather3A_696 : vector<16xf32>
        %swap3A_716 = arith.index_cast %add3A_700 : i32 to index
        %swap3A_717 = arith.constant 16 : index
        %swap3A_718 = tpu.vector_load %arg10[%swap3A_716, %swap3A_717] {strides = array<i32>} : memref<128x128xf32, #tpu.memory_space<vmem>>, vector<1x16xf32>,
        %swap3A_719 = vector.shape_cast %swap3A_718 : vector<1x16xf32> to vector<16xf32>
        %swap3A_720 = vector.shape_cast %mul3A_715 : vector<16xf32> to vector<1x16xf32>
        tpu.vector_store %arg10[%swap3A_716, %swap3A_717], %swap3A_720 {strides = array<i32>} : memref<128x128xf32, #tpu.memory_space<vmem>>, vector<1x16xf32>,
        %get3A_721 = arith.index_cast %add3A_700 : i32 to index
        %get3A_722 = arith.constant 32 : index
        %get3A_723 = tpu.vector_load %arg10[%get3A_721, %get3A_722] {strides = array<i32>} : memref<128x128xf32, #tpu.memory_space<vmem>>, vector<1x16xf32>,
        %get3A_724 = vector.shape_cast %get3A_723 : vector<1x16xf32> to vector<16xf32>
        %mul3A_725 = arith.mulf %get3A_724, %gather3A_696 : vector<16xf32>
        %swap3A_726 = arith.index_cast %add3A_700 : i32 to index
        %swap3A_727 = arith.constant 32 : index
        %swap3A_728 = tpu.vector_load %arg10[%swap3A_726, %swap3A_727] {strides = array<i32>} : memref<128x128xf32, #tpu.memory_space<vmem>>, vector<1x16xf32>,
        %swap3A_729 = vector.shape_cast %swap3A_728 : vector<1x16xf32> to vector<16xf32>
        %swap3A_730 = vector.shape_cast %mul3A_725 : vector<16xf32> to vector<1x16xf32>
        tpu.vector_store %arg10[%swap3A_726, %swap3A_727], %swap3A_730 {strides = array<i32>} : memref<128x128xf32, #tpu.memory_space<vmem>>, vector<1x16xf32>,
        %get3A_731 = arith.index_cast %add3A_700 : i32 to index
        %get3A_732 = arith.constant 48 : index
        %get3A_733 = tpu.vector_load %arg10[%get3A_731, %get3A_732] {strides = array<i32>} : memref<128x128xf32, #tpu.memory_space<vmem>>, vector<1x16xf32>,
        %get3A_734 = vector.shape_cast %get3A_733 : vector<1x16xf32> to vector<16xf32>
        %mul3A_735 = arith.mulf %get3A_734, %gather3A_696 : vector<16xf32>
        %swap3A_736 = arith.index_cast %add3A_700 : i32 to index
        %swap3A_737 = arith.constant 48 : index
        %swap3A_738 = tpu.vector_load %arg10[%swap3A_736, %swap3A_737] {strides = array<i32>} : memref<128x128xf32, #tpu.memory_space<vmem>>, vector<1x16xf32>,
        %swap3A_739 = vector.shape_cast %swap3A_738 : vector<1x16xf32> to vector<16xf32>
        %swap3A_740 = vector.shape_cast %mul3A_735 : vector<16xf32> to vector<1x16xf32>
        tpu.vector_store %arg10[%swap3A_736, %swap3A_737], %swap3A_740 {strides = array<i32>} : memref<128x128xf32, #tpu.memory_space<vmem>>, vector<1x16xf32>,
        %get3A_741 = arith.index_cast %add3A_700 : i32 to index
        %get3A_742 = arith.constant 64 : index
        %get3A_743 = tpu.vector_load %arg10[%get3A_741, %get3A_742] {strides = array<i32>} : memref<128x128xf32, #tpu.memory_space<vmem>>, vector<1x16xf32>,
        %get3A_744 = vector.shape_cast %get3A_743 : vector<1x16xf32> to vector<16xf32>
        %mul3A_745 = arith.mulf %get3A_744, %gather3A_696 : vector<16xf32>
        %swap3A_746 = arith.index_cast %add3A_700 : i32 to index
        %swap3A_747 = arith.constant 64 : index
        %swap3A_748 = tpu.vector_load %arg10[%swap3A_746, %swap3A_747] {strides = array<i32>} : memref<128x128xf32, #tpu.memory_space<vmem>>, vector<1x16xf32>,
        %swap3A_749 = vector.shape_cast %swap3A_748 : vector<1x16xf32> to vector<16xf32>
        %swap3A_750 = vector.shape_cast %mul3A_745 : vector<16xf32> to vector<1x16xf32>
        tpu.vector_store %arg10[%swap3A_746, %swap3A_747], %swap3A_750 {strides = array<i32>} : memref<128x128xf32, #tpu.memory_space<vmem>>, vector<1x16xf32>,
        %get3A_751 = arith.index_cast %add3A_700 : i32 to index
        %get3A_752 = arith.constant 80 : index
        %get3A_753 = tpu.vector_load %arg10[%get3A_751, %get3A_752] {strides = array<i32>} : memref<128x128xf32, #tpu.memory_space<vmem>>, vector<1x16xf32>,
        %get3A_754 = vector.shape_cast %get3A_753 : vector<1x16xf32> to vector<16xf32>
        %mul3A_755 = arith.mulf %get3A_754, %gather3A_696 : vector<16xf32>
        %swap3A_756 = arith.index_cast %add3A_700 : i32 to index
        %swap3A_757 = arith.constant 80 : index
        %swap3A_758 = tpu.vector_load %arg10[%swap3A_756, %swap3A_757] {strides = array<i32>} : memref<128x128xf32, #tpu.memory_space<vmem>>, vector<1x16xf32>,
        %swap3A_759 = vector.shape_cast %swap3A_758 : vector<1x16xf32> to vector<16xf32>
        %swap3A_760 = vector.shape_cast %mul3A_755 : vector<16xf32> to vector<1x16xf32>
        tpu.vector_store %arg10[%swap3A_756, %swap3A_757], %swap3A_760 {strides = array<i32>} : memref<128x128xf32, #tpu.memory_space<vmem>>, vector<1x16xf32>,
        %get3A_761 = arith.index_cast %add3A_700 : i32 to index
        %get3A_762 = arith.constant 96 : index
        %get3A_763 = tpu.vector_load %arg10[%get3A_761, %get3A_762] {strides = array<i32>} : memref<128x128xf32, #tpu.memory_space<vmem>>, vector<1x16xf32>,
        %get3A_764 = vector.shape_cast %get3A_763 : vector<1x16xf32> to vector<16xf32>
        %mul3A_765 = arith.mulf %get3A_764, %gather3A_696 : vector<16xf32>
        %swap3A_766 = arith.index_cast %add3A_700 : i32 to index
        %swap3A_767 = arith.constant 96 : index
        %swap3A_768 = tpu.vector_load %arg10[%swap3A_766, %swap3A_767] {strides = array<i32>} : memref<128x128xf32, #tpu.memory_space<vmem>>, vector<1x16xf32>,
        %swap3A_769 = vector.shape_cast %swap3A_768 : vector<1x16xf32> to vector<16xf32>
        %swap3A_770 = vector.shape_cast %mul3A_765 : vector<16xf32> to vector<1x16xf32>
        tpu.vector_store %arg10[%swap3A_766, %swap3A_767], %swap3A_770 {strides = array<i32>} : memref<128x128xf32, #tpu.memory_space<vmem>>, vector<1x16xf32>,
        %get3A_771 = arith.index_cast %add3A_700 : i32 to index
        %get3A_772 = arith.constant 112 : index
        %get3A_773 = tpu.vector_load %arg10[%get3A_771, %get3A_772] {strides = array<i32>} : memref<128x128xf32, #tpu.memory_space<vmem>>, vector<1x16xf32>,
        %get3A_774 = vector.shape_cast %get3A_773 : vector<1x16xf32> to vector<16xf32>
        %mul3A_775 = arith.mulf %get3A_774, %gather3A_696 : vector<16xf32>
        %swap3A_776 = arith.index_cast %add3A_700 : i32 to index
        %swap3A_777 = arith.constant 112 : index
        %swap3A_778 = tpu.vector_load %arg10[%swap3A_776, %swap3A_777] {strides = array<i32>} : memref<128x128xf32, #tpu.memory_space<vmem>>, vector<1x16xf32>,
        %swap3A_779 = vector.shape_cast %swap3A_778 : vector<1x16xf32> to vector<16xf32>
        %swap3A_780 = vector.shape_cast %mul3A_775 : vector<16xf32> to vector<1x16xf32>
        tpu.vector_store %arg10[%swap3A_776, %swap3A_777], %swap3A_780 {strides = array<i32>} : memref<128x128xf32, #tpu.memory_space<vmem>>, vector<1x16xf32>,
        %broadcast_in_dim3A_781 = arith.constant 7 : i32
        %broadcast_in_dim3A_782 = vector.broadcast %broadcast_in_dim3A_781 : i32 to vector<16x1xi32>
        %gather3A_783 = vector.shape_cast %broadcast_in_dim3A_782 : vector<16x1xi32> to vector<16xi32>
        %gather3A_784 = tpu.dynamic_gather %get3A_166[%gather3A_783] in [0] : vector<16xf32>, vector<16xi32> -> vector<16xf32>
        %mul3A_785 = arith.constant 16 : i32
        %mul3A_786 = arith.muli %scan3A_159, %mul3A_785 : i32
        %add3A_787 = arith.constant 7 : i32
        %add3A_788 = arith.addi %mul3A_786, %add3A_787 : i32
        %get3A_789 = arith.index_cast %add3A_788 : i32 to index
        %get3A_790 = arith.constant 0 : index
        %get3A_791 = tpu.vector_load %arg10[%get3A_789, %get3A_790] {strides = array<i32>} : memref<128x128xf32, #tpu.memory_space<vmem>>, vector<1x16xf32>,
        %get3A_792 = vector.shape_cast %get3A_791 : vector<1x16xf32> to vector<16xf32>
        %mul3A_793 = arith.mulf %get3A_792, %gather3A_784 : vector<16xf32>
        %swap3A_794 = arith.index_cast %add3A_788 : i32 to index
        %swap3A_795 = arith.constant 0 : index
        %swap3A_796 = tpu.vector_load %arg10[%swap3A_794, %swap3A_795] {strides = array<i32>} : memref<128x128xf32, #tpu.memory_space<vmem>>, vector<1x16xf32>,
        %swap3A_797 = vector.shape_cast %swap3A_796 : vector<1x16xf32> to vector<16xf32>
        %swap3A_798 = vector.shape_cast %mul3A_793 : vector<16xf32> to vector<1x16xf32>
        tpu.vector_store %arg10[%swap3A_794, %swap3A_795], %swap3A_798 {strides = array<i32>} : memref<128x128xf32, #tpu.memory_space<vmem>>, vector<1x16xf32>,
        %get3A_799 = arith.index_cast %add3A_788 : i32 to index
        %get3A_800 = arith.constant 16 : index
        %get3A_801 = tpu.vector_load %arg10[%get3A_799, %get3A_800] {strides = array<i32>} : memref<128x128xf32, #tpu.memory_space<vmem>>, vector<1x16xf32>,
        %get3A_802 = vector.shape_cast %get3A_801 : vector<1x16xf32> to vector<16xf32>
        %mul3A_803 = arith.mulf %get3A_802, %gather3A_784 : vector<16xf32>
        %swap3A_804 = arith.index_cast %add3A_788 : i32 to index
        %swap3A_805 = arith.constant 16 : index
        %swap3A_806 = tpu.vector_load %arg10[%swap3A_804, %swap3A_805] {strides = array<i32>} : memref<128x128xf32, #tpu.memory_space<vmem>>, vector<1x16xf32>,
        %swap3A_807 = vector.shape_cast %swap3A_806 : vector<1x16xf32> to vector<16xf32>
        %swap3A_808 = vector.shape_cast %mul3A_803 : vector<16xf32> to vector<1x16xf32>
        tpu.vector_store %arg10[%swap3A_804, %swap3A_805], %swap3A_808 {strides = array<i32>} : memref<128x128xf32, #tpu.memory_space<vmem>>, vector<1x16xf32>,
        %get3A_809 = arith.index_cast %add3A_788 : i32 to index
        %get3A_810 = arith.constant 32 : index
        %get3A_811 = tpu.vector_load %arg10[%get3A_809, %get3A_810] {strides = array<i32>} : memref<128x128xf32, #tpu.memory_space<vmem>>, vector<1x16xf32>,
        %get3A_812 = vector.shape_cast %get3A_811 : vector<1x16xf32> to vector<16xf32>
        %mul3A_813 = arith.mulf %get3A_812, %gather3A_784 : vector<16xf32>
        %swap3A_814 = arith.index_cast %add3A_788 : i32 to index
        %swap3A_815 = arith.constant 32 : index
        %swap3A_816 = tpu.vector_load %arg10[%swap3A_814, %swap3A_815] {strides = array<i32>} : memref<128x128xf32, #tpu.memory_space<vmem>>, vector<1x16xf32>,
        %swap3A_817 = vector.shape_cast %swap3A_816 : vector<1x16xf32> to vector<16xf32>
        %swap3A_818 = vector.shape_cast %mul3A_813 : vector<16xf32> to vector<1x16xf32>
        tpu.vector_store %arg10[%swap3A_814, %swap3A_815], %swap3A_818 {strides = array<i32>} : memref<128x128xf32, #tpu.memory_space<vmem>>, vector<1x16xf32>,
        %get3A_819 = arith.index_cast %add3A_788 : i32 to index
        %get3A_820 = arith.constant 48 : index
        %get3A_821 = tpu.vector_load %arg10[%get3A_819, %get3A_820] {strides = array<i32>} : memref<128x128xf32, #tpu.memory_space<vmem>>, vector<1x16xf32>,
        %get3A_822 = vector.shape_cast %get3A_821 : vector<1x16xf32> to vector<16xf32>
        %mul3A_823 = arith.mulf %get3A_822, %gather3A_784 : vector<16xf32>
        %swap3A_824 = arith.index_cast %add3A_788 : i32 to index
        %swap3A_825 = arith.constant 48 : index
        %swap3A_826 = tpu.vector_load %arg10[%swap3A_824, %swap3A_825] {strides = array<i32>} : memref<128x128xf32, #tpu.memory_space<vmem>>, vector<1x16xf32>,
        %swap3A_827 = vector.shape_cast %swap3A_826 : vector<1x16xf32> to vector<16xf32>
        %swap3A_828 = vector.shape_cast %mul3A_823 : vector<16xf32> to vector<1x16xf32>
        tpu.vector_store %arg10[%swap3A_824, %swap3A_825], %swap3A_828 {strides = array<i32>} : memref<128x128xf32, #tpu.memory_space<vmem>>, vector<1x16xf32>,
        %get3A_829 = arith.index_cast %add3A_788 : i32 to index
        %get3A_830 = arith.constant 64 : index
        %get3A_831 = tpu.vector_load %arg10[%get3A_829, %get3A_830] {strides = array<i32>} : memref<128x128xf32, #tpu.memory_space<vmem>>, vector<1x16xf32>,
        %get3A_832 = vector.shape_cast %get3A_831 : vector<1x16xf32> to vector<16xf32>
        %mul3A_833 = arith.mulf %get3A_832, %gather3A_784 : vector<16xf32>
        %swap3A_834 = arith.index_cast %add3A_788 : i32 to index
        %swap3A_835 = arith.constant 64 : index
        %swap3A_836 = tpu.vector_load %arg10[%swap3A_834, %swap3A_835] {strides = array<i32>} : memref<128x128xf32, #tpu.memory_space<vmem>>, vector<1x16xf32>,
        %swap3A_837 = vector.shape_cast %swap3A_836 : vector<1x16xf32> to vector<16xf32>
        %swap3A_838 = vector.shape_cast %mul3A_833 : vector<16xf32> to vector<1x16xf32>
        tpu.vector_store %arg10[%swap3A_834, %swap3A_835], %swap3A_838 {strides = array<i32>} : memref<128x128xf32, #tpu.memory_space<vmem>>, vector<1x16xf32>,
        %get3A_839 = arith.index_cast %add3A_788 : i32 to index
        %get3A_840 = arith.constant 80 : index
        %get3A_841 = tpu.vector_load %arg10[%get3A_839, %get3A_840] {strides = array<i32>} : memref<128x128xf32, #tpu.memory_space<vmem>>, vector<1x16xf32>,
        %get3A_842 = vector.shape_cast %get3A_841 : vector<1x16xf32> to vector<16xf32>
        %mul3A_843 = arith.mulf %get3A_842, %gather3A_784 : vector<16xf32>
        %swap3A_844 = arith.index_cast %add3A_788 : i32 to index
        %swap3A_845 = arith.constant 80 : index
        %swap3A_846 = tpu.vector_load %arg10[%swap3A_844, %swap3A_845] {strides = array<i32>} : memref<128x128xf32, #tpu.memory_space<vmem>>, vector<1x16xf32>,
        %swap3A_847 = vector.shape_cast %swap3A_846 : vector<1x16xf32> to vector<16xf32>
        %swap3A_848 = vector.shape_cast %mul3A_843 : vector<16xf32> to vector<1x16xf32>
        tpu.vector_store %arg10[%swap3A_844, %swap3A_845], %swap3A_848 {strides = array<i32>} : memref<128x128xf32, #tpu.memory_space<vmem>>, vector<1x16xf32>,
        %get3A_849 = arith.index_cast %add3A_788 : i32 to index
        %get3A_850 = arith.constant 96 : index
        %get3A_851 = tpu.vector_load %arg10[%get3A_849, %get3A_850] {strides = array<i32>} : memref<128x128xf32, #tpu.memory_space<vmem>>, vector<1x16xf32>,
        %get3A_852 = vector.shape_cast %get3A_851 : vector<1x16xf32> to vector<16xf32>
        %mul3A_853 = arith.mulf %get3A_852, %gather3A_784 : vector<16xf32>
        %swap3A_854 = arith.index_cast %add3A_788 : i32 to index
        %swap3A_855 = arith.constant 96 : index
        %swap3A_856 = tpu.vector_load %arg10[%swap3A_854, %swap3A_855] {strides = array<i32>} : memref<128x128xf32, #tpu.memory_space<vmem>>, vector<1x16xf32>,
        %swap3A_857 = vector.shape_cast %swap3A_856 : vector<1x16xf32> to vector<16xf32>
        %swap3A_858 = vector.shape_cast %mul3A_853 : vector<16xf32> to vector<1x16xf32>
        tpu.vector_store %arg10[%swap3A_854, %swap3A_855], %swap3A_858 {strides = array<i32>} : memref<128x128xf32, #tpu.memory_space<vmem>>, vector<1x16xf32>,
        %get3A_859 = arith.index_cast %add3A_788 : i32 to index
        %get3A_860 = arith.constant 112 : index
        %get3A_861 = tpu.vector_load %arg10[%get3A_859, %get3A_860] {strides = array<i32>} : memref<128x128xf32, #tpu.memory_space<vmem>>, vector<1x16xf32>,
        %get3A_862 = vector.shape_cast %get3A_861 : vector<1x16xf32> to vector<16xf32>
        %mul3A_863 = arith.mulf %get3A_862, %gather3A_784 : vector<16xf32>
        %swap3A_864 = arith.index_cast %add3A_788 : i32 to index
        %swap3A_865 = arith.constant 112 : index
        %swap3A_866 = tpu.vector_load %arg10[%swap3A_864, %swap3A_865] {strides = array<i32>} : memref<128x128xf32, #tpu.memory_space<vmem>>, vector<1x16xf32>,
        %swap3A_867 = vector.shape_cast %swap3A_866 : vector<1x16xf32> to vector<16xf32>
        %swap3A_868 = vector.shape_cast %mul3A_863 : vector<16xf32> to vector<1x16xf32>
        tpu.vector_store %arg10[%swap3A_864, %swap3A_865], %swap3A_868 {strides = array<i32>} : memref<128x128xf32, #tpu.memory_space<vmem>>, vector<1x16xf32>,
        %broadcast_in_dim3A_869 = arith.constant 8 : i32
        %broadcast_in_dim3A_870 = vector.broadcast %broadcast_in_dim3A_869 : i32 to vector<16x1xi32>
        %gather3A_871 = vector.shape_cast %broadcast_in_dim3A_870 : vector<16x1xi32> to vector<16xi32>
        %gather3A_872 = tpu.dynamic_gather %get3A_166[%gather3A_871] in [0] : vector<16xf32>, vector<16xi32> -> vector<16xf32>
        %mul3A_873 = arith.constant 16 : i32
        %mul3A_874 = arith.muli %scan3A_159, %mul3A_873 : i32
        %add3A_875 = arith.constant 8 : i32
        %add3A_876 = arith.addi %mul3A_874, %add3A_875 : i32
        %get3A_877 = arith.index_cast %add3A_876 : i32 to index
        %get3A_878 = arith.constant 0 : index
        %get3A_879 = tpu.vector_load %arg10[%get3A_877, %get3A_878] {strides = array<i32>} : memref<128x128xf32, #tpu.memory_space<vmem>>, vector<1x16xf32>,
        %get3A_880 = vector.shape_cast %get3A_879 : vector<1x16xf32> to vector<16xf32>
        %mul3A_881 = arith.mulf %get3A_880, %gather3A_872 : vector<16xf32>
        %swap3A_882 = arith.index_cast %add3A_876 : i32 to index
        %swap3A_883 = arith.constant 0 : index
        %swap3A_884 = tpu.vector_load %arg10[%swap3A_882, %swap3A_883] {strides = array<i32>} : memref<128x128xf32, #tpu.memory_space<vmem>>, vector<1x16xf32>,
        %swap3A_885 = vector.shape_cast %swap3A_884 : vector<1x16xf32> to vector<16xf32>
        %swap3A_886 = vector.shape_cast %mul3A_881 : vector<16xf32> to vector<1x16xf32>
        tpu.vector_store %arg10[%swap3A_882, %swap3A_883], %swap3A_886 {strides = array<i32>} : memref<128x128xf32, #tpu.memory_space<vmem>>, vector<1x16xf32>,
        %get3A_887 = arith.index_cast %add3A_876 : i32 to index
        %get3A_888 = arith.constant 16 : index
        %get3A_889 = tpu.vector_load %arg10[%get3A_887, %get3A_888] {strides = array<i32>} : memref<128x128xf32, #tpu.memory_space<vmem>>, vector<1x16xf32>,
        %get3A_890 = vector.shape_cast %get3A_889 : vector<1x16xf32> to vector<16xf32>
        %mul3A_891 = arith.mulf %get3A_890, %gather3A_872 : vector<16xf32>
        %swap3A_892 = arith.index_cast %add3A_876 : i32 to index
        %swap3A_893 = arith.constant 16 : index
        %swap3A_894 = tpu.vector_load %arg10[%swap3A_892, %swap3A_893] {strides = array<i32>} : memref<128x128xf32, #tpu.memory_space<vmem>>, vector<1x16xf32>,
        %swap3A_895 = vector.shape_cast %swap3A_894 : vector<1x16xf32> to vector<16xf32>
        %swap3A_896 = vector.shape_cast %mul3A_891 : vector<16xf32> to vector<1x16xf32>
        tpu.vector_store %arg10[%swap3A_892, %swap3A_893], %swap3A_896 {strides = array<i32>} : memref<128x128xf32, #tpu.memory_space<vmem>>, vector<1x16xf32>,
        %get3A_897 = arith.index_cast %add3A_876 : i32 to index
        %get3A_898 = arith.constant 32 : index
        %get3A_899 = tpu.vector_load %arg10[%get3A_897, %get3A_898] {strides = array<i32>} : memref<128x128xf32, #tpu.memory_space<vmem>>, vector<1x16xf32>,
        %get3A_900 = vector.shape_cast %get3A_899 : vector<1x16xf32> to vector<16xf32>
        %mul3A_901 = arith.mulf %get3A_900, %gather3A_872 : vector<16xf32>
        %swap3A_902 = arith.index_cast %add3A_876 : i32 to index
        %swap3A_903 = arith.constant 32 : index
        %swap3A_904 = tpu.vector_load %arg10[%swap3A_902, %swap3A_903] {strides = array<i32>} : memref<128x128xf32, #tpu.memory_space<vmem>>, vector<1x16xf32>,
        %swap3A_905 = vector.shape_cast %swap3A_904 : vector<1x16xf32> to vector<16xf32>
        %swap3A_906 = vector.shape_cast %mul3A_901 : vector<16xf32> to vector<1x16xf32>
        tpu.vector_store %arg10[%swap3A_902, %swap3A_903], %swap3A_906 {strides = array<i32>} : memref<128x128xf32, #tpu.memory_space<vmem>>, vector<1x16xf32>,
        %get3A_907 = arith.index_cast %add3A_876 : i32 to index
        %get3A_908 = arith.constant 48 : index
        %get3A_909 = tpu.vector_load %arg10[%get3A_907, %get3A_908] {strides = array<i32>} : memref<128x128xf32, #tpu.memory_space<vmem>>, vector<1x16xf32>,
        %get3A_910 = vector.shape_cast %get3A_909 : vector<1x16xf32> to vector<16xf32>
        %mul3A_911 = arith.mulf %get3A_910, %gather3A_872 : vector<16xf32>
        %swap3A_912 = arith.index_cast %add3A_876 : i32 to index
        %swap3A_913 = arith.constant 48 : index
        %swap3A_914 = tpu.vector_load %arg10[%swap3A_912, %swap3A_913] {strides = array<i32>} : memref<128x128xf32, #tpu.memory_space<vmem>>, vector<1x16xf32>,
        %swap3A_915 = vector.shape_cast %swap3A_914 : vector<1x16xf32> to vector<16xf32>
        %swap3A_916 = vector.shape_cast %mul3A_911 : vector<16xf32> to vector<1x16xf32>
        tpu.vector_store %arg10[%swap3A_912, %swap3A_913], %swap3A_916 {strides = array<i32>} : memref<128x128xf32, #tpu.memory_space<vmem>>, vector<1x16xf32>,
        %get3A_917 = arith.index_cast %add3A_876 : i32 to index
        %get3A_918 = arith.constant 64 : index
        %get3A_919 = tpu.vector_load %arg10[%get3A_917, %get3A_918] {strides = array<i32>} : memref<128x128xf32, #tpu.memory_space<vmem>>, vector<1x16xf32>,
        %get3A_920 = vector.shape_cast %get3A_919 : vector<1x16xf32> to vector<16xf32>
        %mul3A_921 = arith.mulf %get3A_920, %gather3A_872 : vector<16xf32>
        %swap3A_922 = arith.index_cast %add3A_876 : i32 to index
        %swap3A_923 = arith.constant 64 : index
        %swap3A_924 = tpu.vector_load %arg10[%swap3A_922, %swap3A_923] {strides = array<i32>} : memref<128x128xf32, #tpu.memory_space<vmem>>, vector<1x16xf32>,
        %swap3A_925 = vector.shape_cast %swap3A_924 : vector<1x16xf32> to vector<16xf32>
        %swap3A_926 = vector.shape_cast %mul3A_921 : vector<16xf32> to vector<1x16xf32>
        tpu.vector_store %arg10[%swap3A_922, %swap3A_923], %swap3A_926 {strides = array<i32>} : memref<128x128xf32, #tpu.memory_space<vmem>>, vector<1x16xf32>,
        %get3A_927 = arith.index_cast %add3A_876 : i32 to index
        %get3A_928 = arith.constant 80 : index
        %get3A_929 = tpu.vector_load %arg10[%get3A_927, %get3A_928] {strides = array<i32>} : memref<128x128xf32, #tpu.memory_space<vmem>>, vector<1x16xf32>,
        %get3A_930 = vector.shape_cast %get3A_929 : vector<1x16xf32> to vector<16xf32>
        %mul3A_931 = arith.mulf %get3A_930, %gather3A_872 : vector<16xf32>
        %swap3A_932 = arith.index_cast %add3A_876 : i32 to index
        %swap3A_933 = arith.constant 80 : index
        %swap3A_934 = tpu.vector_load %arg10[%swap3A_932, %swap3A_933] {strides = array<i32>} : memref<128x128xf32, #tpu.memory_space<vmem>>, vector<1x16xf32>,
        %swap3A_935 = vector.shape_cast %swap3A_934 : vector<1x16xf32> to vector<16xf32>
        %swap3A_936 = vector.shape_cast %mul3A_931 : vector<16xf32> to vector<1x16xf32>
        tpu.vector_store %arg10[%swap3A_932, %swap3A_933], %swap3A_936 {strides = array<i32>} : memref<128x128xf32, #tpu.memory_space<vmem>>, vector<1x16xf32>,
        %get3A_937 = arith.index_cast %add3A_876 : i32 to index
        %get3A_938 = arith.constant 96 : index
        %get3A_939 = tpu.vector_load %arg10[%get3A_937, %get3A_938] {strides = array<i32>} : memref<128x128xf32, #tpu.memory_space<vmem>>, vector<1x16xf32>,
        %get3A_940 = vector.shape_cast %get3A_939 : vector<1x16xf32> to vector<16xf32>
        %mul3A_941 = arith.mulf %get3A_940, %gather3A_872 : vector<16xf32>
        %swap3A_942 = arith.index_cast %add3A_876 : i32 to index
        %swap3A_943 = arith.constant 96 : index
        %swap3A_944 = tpu.vector_load %arg10[%swap3A_942, %swap3A_943] {strides = array<i32>} : memref<128x128xf32, #tpu.memory_space<vmem>>, vector<1x16xf32>,
        %swap3A_945 = vector.shape_cast %swap3A_944 : vector<1x16xf32> to vector<16xf32>
        %swap3A_946 = vector.shape_cast %mul3A_941 : vector<16xf32> to vector<1x16xf32>
        tpu.vector_store %arg10[%swap3A_942, %swap3A_943], %swap3A_946 {strides = array<i32>} : memref<128x128xf32, #tpu.memory_space<vmem>>, vector<1x16xf32>,
        %get3A_947 = arith.index_cast %add3A_876 : i32 to index
        %get3A_948 = arith.constant 112 : index
        %get3A_949 = tpu.vector_load %arg10[%get3A_947, %get3A_948] {strides = array<i32>} : memref<128x128xf32, #tpu.memory_space<vmem>>, vector<1x16xf32>,
        %get3A_950 = vector.shape_cast %get3A_949 : vector<1x16xf32> to vector<16xf32>
        %mul3A_951 = arith.mulf %get3A_950, %gather3A_872 : vector<16xf32>
        %swap3A_952 = arith.index_cast %add3A_876 : i32 to index
        %swap3A_953 = arith.constant 112 : index
        %swap3A_954 = tpu.vector_load %arg10[%swap3A_952, %swap3A_953] {strides = array<i32>} : memref<128x128xf32, #tpu.memory_space<vmem>>, vector<1x16xf32>,
        %swap3A_955 = vector.shape_cast %swap3A_954 : vector<1x16xf32> to vector<16xf32>
        %swap3A_956 = vector.shape_cast %mul3A_951 : vector<16xf32> to vector<1x16xf32>
        tpu.vector_store %arg10[%swap3A_952, %swap3A_953], %swap3A_956 {strides = array<i32>} : memref<128x128xf32, #tpu.memory_space<vmem>>, vector<1x16xf32>,
        %broadcast_in_dim3A_957 = arith.constant 9 : i32
        %broadcast_in_dim3A_958 = vector.broadcast %broadcast_in_dim3A_957 : i32 to vector<16x1xi32>
        %gather3A_959 = vector.shape_cast %broadcast_in_dim3A_958 : vector<16x1xi32> to vector<16xi32>
        %gather3A_960 = tpu.dynamic_gather %get3A_166[%gather3A_959] in [0] : vector<16xf32>, vector<16xi32> -> vector<16xf32>
        %mul3A_961 = arith.constant 16 : i32
        %mul3A_962 = arith.muli %scan3A_159, %mul3A_961 : i32
        %add3A_963 = arith.constant 9 : i32
        %add3A_964 = arith.addi %mul3A_962, %add3A_963 : i32
        %get3A_965 = arith.index_cast %add3A_964 : i32 to index
        %get3A_966 = arith.constant 0 : index
        %get3A_967 = tpu.vector_load %arg10[%get3A_965, %get3A_966] {strides = array<i32>} : memref<128x128xf32, #tpu.memory_space<vmem>>, vector<1x16xf32>,
        %get3A_968 = vector.shape_cast %get3A_967 : vector<1x16xf32> to vector<16xf32>
        %mul3A_969 = arith.mulf %get3A_968, %gather3A_960 : vector<16xf32>
        %swap3A_970 = arith.index_cast %add3A_964 : i32 to index
        %swap3A_971 = arith.constant 0 : index
        %swap3A_972 = tpu.vector_load %arg10[%swap3A_970, %swap3A_971] {strides = array<i32>} : memref<128x128xf32, #tpu.memory_space<vmem>>, vector<1x16xf32>,
        %swap3A_973 = vector.shape_cast %swap3A_972 : vector<1x16xf32> to vector<16xf32>
        %swap3A_974 = vector.shape_cast %mul3A_969 : vector<16xf32> to vector<1x16xf32>
        tpu.vector_store %arg10[%swap3A_970, %swap3A_971], %swap3A_974 {strides = array<i32>} : memref<128x128xf32, #tpu.memory_space<vmem>>, vector<1x16xf32>,
        %get3A_975 = arith.index_cast %add3A_964 : i32 to index
        %get3A_976 = arith.constant 16 : index
        %get3A_977 = tpu.vector_load %arg10[%get3A_975, %get3A_976] {strides = array<i32>} : memref<128x128xf32, #tpu.memory_space<vmem>>, vector<1x16xf32>,
        %get3A_978 = vector.shape_cast %get3A_977 : vector<1x16xf32> to vector<16xf32>
        %mul3A_979 = arith.mulf %get3A_978, %gather3A_960 : vector<16xf32>
        %swap3A_980 = arith.index_cast %add3A_964 : i32 to index
        %swap3A_981 = arith.constant 16 : index
        %swap3A_982 = tpu.vector_load %arg10[%swap3A_980, %swap3A_981] {strides = array<i32>} : memref<128x128xf32, #tpu.memory_space<vmem>>, vector<1x16xf32>,
        %swap3A_983 = vector.shape_cast %swap3A_982 : vector<1x16xf32> to vector<16xf32>
        %swap3A_984 = vector.shape_cast %mul3A_979 : vector<16xf32> to vector<1x16xf32>
        tpu.vector_store %arg10[%swap3A_980, %swap3A_981], %swap3A_984 {strides = array<i32>} : memref<128x128xf32, #tpu.memory_space<vmem>>, vector<1x16xf32>,
        %get3A_985 = arith.index_cast %add3A_964 : i32 to index
        %get3A_986 = arith.constant 32 : index
        %get3A_987 = tpu.vector_load %arg10[%get3A_985, %get3A_986] {strides = array<i32>} : memref<128x128xf32, #tpu.memory_space<vmem>>, vector<1x16xf32>,
        %get3A_988 = vector.shape_cast %get3A_987 : vector<1x16xf32> to vector<16xf32>
        %mul3A_989 = arith.mulf %get3A_988, %gather3A_960 : vector<16xf32>
        %swap3A_990 = arith.index_cast %add3A_964 : i32 to index
        %swap3A_991 = arith.constant 32 : index
        %swap3A_992 = tpu.vector_load %arg10[%swap3A_990, %swap3A_991] {strides = array<i32>} : memref<128x128xf32, #tpu.memory_space<vmem>>, vector<1x16xf32>,
        %swap3A_993 = vector.shape_cast %swap3A_992 : vector<1x16xf32> to vector<16xf32>
        %swap3A_994 = vector.shape_cast %mul3A_989 : vector<16xf32> to vector<1x16xf32>
        tpu.vector_store %arg10[%swap3A_990, %swap3A_991], %swap3A_994 {strides = array<i32>} : memref<128x128xf32, #tpu.memory_space<vmem>>, vector<1x16xf32>,
        %get3A_995 = arith.index_cast %add3A_964 : i32 to index
        %get3A_996 = arith.constant 48 : index
        %get3A_997 = tpu.vector_load %arg10[%get3A_995, %get3A_996] {strides = array<i32>} : memref<128x128xf32, #tpu.memory_space<vmem>>, vector<1x16xf32>,
        %get3A_998 = vector.shape_cast %get3A_997 : vector<1x16xf32> to vector<16xf32>
        %mul3A_999 = arith.mulf %get3A_998, %gather3A_960 : vector<16xf32>
        %swap3A_1000 = arith.index_cast %add3A_964 : i32 to index
        %swap3A_1001 = arith.constant 48 : index
        %swap3A_1002 = tpu.vector_load %arg10[%swap3A_1000, %swap3A_1001] {strides = array<i32>} : memref<128x128xf32, #tpu.memory_space<vmem>>, vector<1x16xf32>,
        %swap3A_1003 = vector.shape_cast %swap3A_1002 : vector<1x16xf32> to vector<16xf32>
        %swap3A_1004 = vector.shape_cast %mul3A_999 : vector<16xf32> to vector<1x16xf32>
        tpu.vector_store %arg10[%swap3A_1000, %swap3A_1001], %swap3A_1004 {strides = array<i32>} : memref<128x128xf32, #tpu.memory_space<vmem>>, vector<1x16xf32>,
        %get3A_1005 = arith.index_cast %add3A_964 : i32 to index
        %get3A_1006 = arith.constant 64 : index
        %get3A_1007 = tpu.vector_load %arg10[%get3A_1005, %get3A_1006] {strides = array<i32>} : memref<128x128xf32, #tpu.memory_space<vmem>>, vector<1x16xf32>,
        %get3A_1008 = vector.shape_cast %get3A_1007 : vector<1x16xf32> to vector<16xf32>
        %mul3A_1009 = arith.mulf %get3A_1008, %gather3A_960 : vector<16xf32>
        %swap3A_1010 = arith.index_cast %add3A_964 : i32 to index
        %swap3A_1011 = arith.constant 64 : index
        %swap3A_1012 = tpu.vector_load %arg10[%swap3A_1010, %swap3A_1011] {strides = array<i32>} : memref<128x128xf32, #tpu.memory_space<vmem>>, vector<1x16xf32>,
        %swap3A_1013 = vector.shape_cast %swap3A_1012 : vector<1x16xf32> to vector<16xf32>
        %swap3A_1014 = vector.shape_cast %mul3A_1009 : vector<16xf32> to vector<1x16xf32>
        tpu.vector_store %arg10[%swap3A_1010, %swap3A_1011], %swap3A_1014 {strides = array<i32>} : memref<128x128xf32, #tpu.memory_space<vmem>>, vector<1x16xf32>,
        %get3A_1015 = arith.index_cast %add3A_964 : i32 to index
        %get3A_1016 = arith.constant 80 : index
        %get3A_1017 = tpu.vector_load %arg10[%get3A_1015, %get3A_1016] {strides = array<i32>} : memref<128x128xf32, #tpu.memory_space<vmem>>, vector<1x16xf32>,
        %get3A_1018 = vector.shape_cast %get3A_1017 : vector<1x16xf32> to vector<16xf32>
        %mul3A_1019 = arith.mulf %get3A_1018, %gather3A_960 : vector<16xf32>
        %swap3A_1020 = arith.index_cast %add3A_964 : i32 to index
        %swap3A_1021 = arith.constant 80 : index
        %swap3A_1022 = tpu.vector_load %arg10[%swap3A_1020, %swap3A_1021] {strides = array<i32>} : memref<128x128xf32, #tpu.memory_space<vmem>>, vector<1x16xf32>,
        %swap3A_1023 = vector.shape_cast %swap3A_1022 : vector<1x16xf32> to vector<16xf32>
        %swap3A_1024 = vector.shape_cast %mul3A_1019 : vector<16xf32> to vector<1x16xf32>
        tpu.vector_store %arg10[%swap3A_1020, %swap3A_1021], %swap3A_1024 {strides = array<i32>} : memref<128x128xf32, #tpu.memory_space<vmem>>, vector<1x16xf32>,
        %get3A_1025 = arith.index_cast %add3A_964 : i32 to index
        %get3A_1026 = arith.constant 96 : index
        %get3A_1027 = tpu.vector_load %arg10[%get3A_1025, %get3A_1026] {strides = array<i32>} : memref<128x128xf32, #tpu.memory_space<vmem>>, vector<1x16xf32>,
        %get3A_1028 = vector.shape_cast %get3A_1027 : vector<1x16xf32> to vector<16xf32>
        %mul3A_1029 = arith.mulf %get3A_1028, %gather3A_960 : vector<16xf32>
        %swap3A_1030 = arith.index_cast %add3A_964 : i32 to index
        %swap3A_1031 = arith.constant 96 : index
        %swap3A_1032 = tpu.vector_load %arg10[%swap3A_1030, %swap3A_1031] {strides = array<i32>} : memref<128x128xf32, #tpu.memory_space<vmem>>, vector<1x16xf32>,
        %swap3A_1033 = vector.shape_cast %swap3A_1032 : vector<1x16xf32> to vector<16xf32>
        %swap3A_1034 = vector.shape_cast %mul3A_1029 : vector<16xf32> to vector<1x16xf32>
        tpu.vector_store %arg10[%swap3A_1030, %swap3A_1031], %swap3A_1034 {strides = array<i32>} : memref<128x128xf32, #tpu.memory_space<vmem>>, vector<1x16xf32>,
        %get3A_1035 = arith.index_cast %add3A_964 : i32 to index
        %get3A_1036 = arith.constant 112 : index
        %get3A_1037 = tpu.vector_load %arg10[%get3A_1035, %get3A_1036] {strides = array<i32>} : memref<128x128xf32, #tpu.memory_space<vmem>>, vector<1x16xf32>,
        %get3A_1038 = vector.shape_cast %get3A_1037 : vector<1x16xf32> to vector<16xf32>
        %mul3A_1039 = arith.mulf %get3A_1038, %gather3A_960 : vector<16xf32>
        %swap3A_1040 = arith.index_cast %add3A_964 : i32 to index
        %swap3A_1041 = arith.constant 112 : index
        %swap3A_1042 = tpu.vector_load %arg10[%swap3A_1040, %swap3A_1041] {strides = array<i32>} : memref<128x128xf32, #tpu.memory_space<vmem>>, vector<1x16xf32>,
        %swap3A_1043 = vector.shape_cast %swap3A_1042 : vector<1x16xf32> to vector<16xf32>
        %swap3A_1044 = vector.shape_cast %mul3A_1039 : vector<16xf32> to vector<1x16xf32>
        tpu.vector_store %arg10[%swap3A_1040, %swap3A_1041], %swap3A_1044 {strides = array<i32>} : memref<128x128xf32, #tpu.memory_space<vmem>>, vector<1x16xf32>,
        %broadcast_in_dim3A_1045 = arith.constant 10 : i32
        %broadcast_in_dim3A_1046 = vector.broadcast %broadcast_in_dim3A_1045 : i32 to vector<16x1xi32>
        %gather3A_1047 = vector.shape_cast %broadcast_in_dim3A_1046 : vector<16x1xi32> to vector<16xi32>
        %gather3A_1048 = tpu.dynamic_gather %get3A_166[%gather3A_1047] in [0] : vector<16xf32>, vector<16xi32> -> vector<16xf32>
        %mul3A_1049 = arith.constant 16 : i32
        %mul3A_1050 = arith.muli %scan3A_159, %mul3A_1049 : i32
        %add3A_1051 = arith.constant 10 : i32
        %add3A_1052 = arith.addi %mul3A_1050, %add3A_1051 : i32
        %get3A_1053 = arith.index_cast %add3A_1052 : i32 to index
        %get3A_1054 = arith.constant 0 : index
        %get3A_1055 = tpu.vector_load %arg10[%get3A_1053, %get3A_1054] {strides = array<i32>} : memref<128x128xf32, #tpu.memory_space<vmem>>, vector<1x16xf32>,
        %get3A_1056 = vector.shape_cast %get3A_1055 : vector<1x16xf32> to vector<16xf32>
        %mul3A_1057 = arith.mulf %get3A_1056, %gather3A_1048 : vector<16xf32>
        %swap3A_1058 = arith.index_cast %add3A_1052 : i32 to index
        %swap3A_1059 = arith.constant 0 : index
        %swap3A_1060 = tpu.vector_load %arg10[%swap3A_1058, %swap3A_1059] {strides = array<i32>} : memref<128x128xf32, #tpu.memory_space<vmem>>, vector<1x16xf32>,
        %swap3A_1061 = vector.shape_cast %swap3A_1060 : vector<1x16xf32> to vector<16xf32>
        %swap3A_1062 = vector.shape_cast %mul3A_1057 : vector<16xf32> to vector<1x16xf32>
        tpu.vector_store %arg10[%swap3A_1058, %swap3A_1059], %swap3A_1062 {strides = array<i32>} : memref<128x128xf32, #tpu.memory_space<vmem>>, vector<1x16xf32>,
        %get3A_1063 = arith.index_cast %add3A_1052 : i32 to index
        %get3A_1064 = arith.constant 16 : index
        %get3A_1065 = tpu.vector_load %arg10[%get3A_1063, %get3A_1064] {strides = array<i32>} : memref<128x128xf32, #tpu.memory_space<vmem>>, vector<1x16xf32>,
        %get3A_1066 = vector.shape_cast %get3A_1065 : vector<1x16xf32> to vector<16xf32>
        %mul3A_1067 = arith.mulf %get3A_1066, %gather3A_1048 : vector<16xf32>
        %swap3A_1068 = arith.index_cast %add3A_1052 : i32 to index
        %swap3A_1069 = arith.constant 16 : index
        %swap3A_1070 = tpu.vector_load %arg10[%swap3A_1068, %swap3A_1069] {strides = array<i32>} : memref<128x128xf32, #tpu.memory_space<vmem>>, vector<1x16xf32>,
        %swap3A_1071 = vector.shape_cast %swap3A_1070 : vector<1x16xf32> to vector<16xf32>
        %swap3A_1072 = vector.shape_cast %mul3A_1067 : vector<16xf32> to vector<1x16xf32>
        tpu.vector_store %arg10[%swap3A_1068, %swap3A_1069], %swap3A_1072 {strides = array<i32>} : memref<128x128xf32, #tpu.memory_space<vmem>>, vector<1x16xf32>,
        %get3A_1073 = arith.index_cast %add3A_1052 : i32 to index
        %get3A_1074 = arith.constant 32 : index
        %get3A_1075 = tpu.vector_load %arg10[%get3A_1073, %get3A_1074] {strides = array<i32>} : memref<128x128xf32, #tpu.memory_space<vmem>>, vector<1x16xf32>,
        %get3A_1076 = vector.shape_cast %get3A_1075 : vector<1x16xf32> to vector<16xf32>
        %mul3A_1077 = arith.mulf %get3A_1076, %gather3A_1048 : vector<16xf32>
        %swap3A_1078 = arith.index_cast %add3A_1052 : i32 to index
        %swap3A_1079 = arith.constant 32 : index
        %swap3A_1080 = tpu.vector_load %arg10[%swap3A_1078, %swap3A_1079] {strides = array<i32>} : memref<128x128xf32, #tpu.memory_space<vmem>>, vector<1x16xf32>,
        %swap3A_1081 = vector.shape_cast %swap3A_1080 : vector<1x16xf32> to vector<16xf32>
        %swap3A_1082 = vector.shape_cast %mul3A_1077 : vector<16xf32> to vector<1x16xf32>
        tpu.vector_store %arg10[%swap3A_1078, %swap3A_1079], %swap3A_1082 {strides = array<i32>} : memref<128x128xf32, #tpu.memory_space<vmem>>, vector<1x16xf32>,
        %get3A_1083 = arith.index_cast %add3A_1052 : i32 to index
        %get3A_1084 = arith.constant 48 : index
        %get3A_1085 = tpu.vector_load %arg10[%get3A_1083, %get3A_1084] {strides = array<i32>} : memref<128x128xf32, #tpu.memory_space<vmem>>, vector<1x16xf32>,
        %get3A_1086 = vector.shape_cast %get3A_1085 : vector<1x16xf32> to vector<16xf32>
        %mul3A_1087 = arith.mulf %get3A_1086, %gather3A_1048 : vector<16xf32>
        %swap3A_1088 = arith.index_cast %add3A_1052 : i32 to index
        %swap3A_1089 = arith.constant 48 : index
        %swap3A_1090 = tpu.vector_load %arg10[%swap3A_1088, %swap3A_1089] {strides = array<i32>} : memref<128x128xf32, #tpu.memory_space<vmem>>, vector<1x16xf32>,
        %swap3A_1091 = vector.shape_cast %swap3A_1090 : vector<1x16xf32> to vector<16xf32>
        %swap3A_1092 = vector.shape_cast %mul3A_1087 : vector<16xf32> to vector<1x16xf32>
        tpu.vector_store %arg10[%swap3A_1088, %swap3A_1089], %swap3A_1092 {strides = array<i32>} : memref<128x128xf32, #tpu.memory_space<vmem>>, vector<1x16xf32>,
        %get3A_1093 = arith.index_cast %add3A_1052 : i32 to index
        %get3A_1094 = arith.constant 64 : index
        %get3A_1095 = tpu.vector_load %arg10[%get3A_1093, %get3A_1094] {strides = array<i32>} : memref<128x128xf32, #tpu.memory_space<vmem>>, vector<1x16xf32>,
        %get3A_1096 = vector.shape_cast %get3A_1095 : vector<1x16xf32> to vector<16xf32>
        %mul3A_1097 = arith.mulf %get3A_1096, %gather3A_1048 : vector<16xf32>
        %swap3A_1098 = arith.index_cast %add3A_1052 : i32 to index
        %swap3A_1099 = arith.constant 64 : index
        %swap3A_1100 = tpu.vector_load %arg10[%swap3A_1098, %swap3A_1099] {strides = array<i32>} : memref<128x128xf32, #tpu.memory_space<vmem>>, vector<1x16xf32>,
        %swap3A_1101 = vector.shape_cast %swap3A_1100 : vector<1x16xf32> to vector<16xf32>
        %swap3A_1102 = vector.shape_cast %mul3A_1097 : vector<16xf32> to vector<1x16xf32>
        tpu.vector_store %arg10[%swap3A_1098, %swap3A_1099], %swap3A_1102 {strides = array<i32>} : memref<128x128xf32, #tpu.memory_space<vmem>>, vector<1x16xf32>,
        %get3A_1103 = arith.index_cast %add3A_1052 : i32 to index
        %get3A_1104 = arith.constant 80 : index
        %get3A_1105 = tpu.vector_load %arg10[%get3A_1103, %get3A_1104] {strides = array<i32>} : memref<128x128xf32, #tpu.memory_space<vmem>>, vector<1x16xf32>,
        %get3A_1106 = vector.shape_cast %get3A_1105 : vector<1x16xf32> to vector<16xf32>
        %mul3A_1107 = arith.mulf %get3A_1106, %gather3A_1048 : vector<16xf32>
        %swap3A_1108 = arith.index_cast %add3A_1052 : i32 to index
        %swap3A_1109 = arith.constant 80 : index
        %swap3A_1110 = tpu.vector_load %arg10[%swap3A_1108, %swap3A_1109] {strides = array<i32>} : memref<128x128xf32, #tpu.memory_space<vmem>>, vector<1x16xf32>,
        %swap3A_1111 = vector.shape_cast %swap3A_1110 : vector<1x16xf32> to vector<16xf32>
        %swap3A_1112 = vector.shape_cast %mul3A_1107 : vector<16xf32> to vector<1x16xf32>
        tpu.vector_store %arg10[%swap3A_1108, %swap3A_1109], %swap3A_1112 {strides = array<i32>} : memref<128x128xf32, #tpu.memory_space<vmem>>, vector<1x16xf32>,
        %get3A_1113 = arith.index_cast %add3A_1052 : i32 to index
        %get3A_1114 = arith.constant 96 : index
        %get3A_1115 = tpu.vector_load %arg10[%get3A_1113, %get3A_1114] {strides = array<i32>} : memref<128x128xf32, #tpu.memory_space<vmem>>, vector<1x16xf32>,
        %get3A_1116 = vector.shape_cast %get3A_1115 : vector<1x16xf32> to vector<16xf32>
        %mul3A_1117 = arith.mulf %get3A_1116, %gather3A_1048 : vector<16xf32>
        %swap3A_1118 = arith.index_cast %add3A_1052 : i32 to index
        %swap3A_1119 = arith.constant 96 : index
        %swap3A_1120 = tpu.vector_load %arg10[%swap3A_1118, %swap3A_1119] {strides = array<i32>} : memref<128x128xf32, #tpu.memory_space<vmem>>, vector<1x16xf32>,
        %swap3A_1121 = vector.shape_cast %swap3A_1120 : vector<1x16xf32> to vector<16xf32>
        %swap3A_1122 = vector.shape_cast %mul3A_1117 : vector<16xf32> to vector<1x16xf32>
        tpu.vector_store %arg10[%swap3A_1118, %swap3A_1119], %swap3A_1122 {strides = array<i32>} : memref<128x128xf32, #tpu.memory_space<vmem>>, vector<1x16xf32>,
        %get3A_1123 = arith.index_cast %add3A_1052 : i32 to index
        %get3A_1124 = arith.constant 112 : index
        %get3A_1125 = tpu.vector_load %arg10[%get3A_1123, %get3A_1124] {strides = array<i32>} : memref<128x128xf32, #tpu.memory_space<vmem>>, vector<1x16xf32>,
        %get3A_1126 = vector.shape_cast %get3A_1125 : vector<1x16xf32> to vector<16xf32>
        %mul3A_1127 = arith.mulf %get3A_1126, %gather3A_1048 : vector<16xf32>
        %swap3A_1128 = arith.index_cast %add3A_1052 : i32 to index
        %swap3A_1129 = arith.constant 112 : index
        %swap3A_1130 = tpu.vector_load %arg10[%swap3A_1128, %swap3A_1129] {strides = array<i32>} : memref<128x128xf32, #tpu.memory_space<vmem>>, vector<1x16xf32>,
        %swap3A_1131 = vector.shape_cast %swap3A_1130 : vector<1x16xf32> to vector<16xf32>
        %swap3A_1132 = vector.shape_cast %mul3A_1127 : vector<16xf32> to vector<1x16xf32>
        tpu.vector_store %arg10[%swap3A_1128, %swap3A_1129], %swap3A_1132 {strides = array<i32>} : memref<128x128xf32, #tpu.memory_space<vmem>>, vector<1x16xf32>,
        %broadcast_in_dim3A_1133 = arith.constant 11 : i32
        %broadcast_in_dim3A_1134 = vector.broadcast %broadcast_in_dim3A_1133 : i32 to vector<16x1xi32>
        %gather3A_1135 = vector.shape_cast %broadcast_in_dim3A_1134 : vector<16x1xi32> to vector<16xi32>
        %gather3A_1136 = tpu.dynamic_gather %get3A_166[%gather3A_1135] in [0] : vector<16xf32>, vector<16xi32> -> vector<16xf32>
        %mul3A_1137 = arith.constant 16 : i32
        %mul3A_1138 = arith.muli %scan3A_159, %mul3A_1137 : i32
        %add3A_1139 = arith.constant 11 : i32
        %add3A_1140 = arith.addi %mul3A_1138, %add3A_1139 : i32
        %get3A_1141 = arith.index_cast %add3A_1140 : i32 to index
        %get3A_1142 = arith.constant 0 : index
        %get3A_1143 = tpu.vector_load %arg10[%get3A_1141, %get3A_1142] {strides = array<i32>} : memref<128x128xf32, #tpu.memory_space<vmem>>, vector<1x16xf32>,
        %get3A_1144 = vector.shape_cast %get3A_1143 : vector<1x16xf32> to vector<16xf32>
        %mul3A_1145 = arith.mulf %get3A_1144, %gather3A_1136 : vector<16xf32>
        %swap3A_1146 = arith.index_cast %add3A_1140 : i32 to index
        %swap3A_1147 = arith.constant 0 : index
        %swap3A_1148 = tpu.vector_load %arg10[%swap3A_1146, %swap3A_1147] {strides = array<i32>} : memref<128x128xf32, #tpu.memory_space<vmem>>, vector<1x16xf32>,
        %swap3A_1149 = vector.shape_cast %swap3A_1148 : vector<1x16xf32> to vector<16xf32>
        %swap3A_1150 = vector.shape_cast %mul3A_1145 : vector<16xf32> to vector<1x16xf32>
        tpu.vector_store %arg10[%swap3A_1146, %swap3A_1147], %swap3A_1150 {strides = array<i32>} : memref<128x128xf32, #tpu.memory_space<vmem>>, vector<1x16xf32>,
        %get3A_1151 = arith.index_cast %add3A_1140 : i32 to index
        %get3A_1152 = arith.constant 16 : index
        %get3A_1153 = tpu.vector_load %arg10[%get3A_1151, %get3A_1152] {strides = array<i32>} : memref<128x128xf32, #tpu.memory_space<vmem>>, vector<1x16xf32>,
        %get3A_1154 = vector.shape_cast %get3A_1153 : vector<1x16xf32> to vector<16xf32>
        %mul3A_1155 = arith.mulf %get3A_1154, %gather3A_1136 : vector<16xf32>
        %swap3A_1156 = arith.index_cast %add3A_1140 : i32 to index
        %swap3A_1157 = arith.constant 16 : index
        %swap3A_1158 = tpu.vector_load %arg10[%swap3A_1156, %swap3A_1157] {strides = array<i32>} : memref<128x128xf32, #tpu.memory_space<vmem>>, vector<1x16xf32>,
        %swap3A_1159 = vector.shape_cast %swap3A_1158 : vector<1x16xf32> to vector<16xf32>
        %swap3A_1160 = vector.shape_cast %mul3A_1155 : vector<16xf32> to vector<1x16xf32>
        tpu.vector_store %arg10[%swap3A_1156, %swap3A_1157], %swap3A_1160 {strides = array<i32>} : memref<128x128xf32, #tpu.memory_space<vmem>>, vector<1x16xf32>,
        %get3A_1161 = arith.index_cast %add3A_1140 : i32 to index
        %get3A_1162 = arith.constant 32 : index
        %get3A_1163 = tpu.vector_load %arg10[%get3A_1161, %get3A_1162] {strides = array<i32>} : memref<128x128xf32, #tpu.memory_space<vmem>>, vector<1x16xf32>,
        %get3A_1164 = vector.shape_cast %get3A_1163 : vector<1x16xf32> to vector<16xf32>
        %mul3A_1165 = arith.mulf %get3A_1164, %gather3A_1136 : vector<16xf32>
        %swap3A_1166 = arith.index_cast %add3A_1140 : i32 to index
        %swap3A_1167 = arith.constant 32 : index
        %swap3A_1168 = tpu.vector_load %arg10[%swap3A_1166, %swap3A_1167] {strides = array<i32>} : memref<128x128xf32, #tpu.memory_space<vmem>>, vector<1x16xf32>,
        %swap3A_1169 = vector.shape_cast %swap3A_1168 : vector<1x16xf32> to vector<16xf32>
        %swap3A_1170 = vector.shape_cast %mul3A_1165 : vector<16xf32> to vector<1x16xf32>
        tpu.vector_store %arg10[%swap3A_1166, %swap3A_1167], %swap3A_1170 {strides = array<i32>} : memref<128x128xf32, #tpu.memory_space<vmem>>, vector<1x16xf32>,
        %get3A_1171 = arith.index_cast %add3A_1140 : i32 to index
        %get3A_1172 = arith.constant 48 : index
        %get3A_1173 = tpu.vector_load %arg10[%get3A_1171, %get3A_1172] {strides = array<i32>} : memref<128x128xf32, #tpu.memory_space<vmem>>, vector<1x16xf32>,
        %get3A_1174 = vector.shape_cast %get3A_1173 : vector<1x16xf32> to vector<16xf32>
        %mul3A_1175 = arith.mulf %get3A_1174, %gather3A_1136 : vector<16xf32>
        %swap3A_1176 = arith.index_cast %add3A_1140 : i32 to index
        %swap3A_1177 = arith.constant 48 : index
        %swap3A_1178 = tpu.vector_load %arg10[%swap3A_1176, %swap3A_1177] {strides = array<i32>} : memref<128x128xf32, #tpu.memory_space<vmem>>, vector<1x16xf32>,
        %swap3A_1179 = vector.shape_cast %swap3A_1178 : vector<1x16xf32> to vector<16xf32>
        %swap3A_1180 = vector.shape_cast %mul3A_1175 : vector<16xf32> to vector<1x16xf32>
        tpu.vector_store %arg10[%swap3A_1176, %swap3A_1177], %swap3A_1180 {strides = array<i32>} : memref<128x128xf32, #tpu.memory_space<vmem>>, vector<1x16xf32>,
        %get3A_1181 = arith.index_cast %add3A_1140 : i32 to index
        %get3A_1182 = arith.constant 64 : index
        %get3A_1183 = tpu.vector_load %arg10[%get3A_1181, %get3A_1182] {strides = array<i32>} : memref<128x128xf32, #tpu.memory_space<vmem>>, vector<1x16xf32>,
        %get3A_1184 = vector.shape_cast %get3A_1183 : vector<1x16xf32> to vector<16xf32>
        %mul3A_1185 = arith.mulf %get3A_1184, %gather3A_1136 : vector<16xf32>
        %swap3A_1186 = arith.index_cast %add3A_1140 : i32 to index
        %swap3A_1187 = arith.constant 64 : index
        %swap3A_1188 = tpu.vector_load %arg10[%swap3A_1186, %swap3A_1187] {strides = array<i32>} : memref<128x128xf32, #tpu.memory_space<vmem>>, vector<1x16xf32>,
        %swap3A_1189 = vector.shape_cast %swap3A_1188 : vector<1x16xf32> to vector<16xf32>
        %swap3A_1190 = vector.shape_cast %mul3A_1185 : vector<16xf32> to vector<1x16xf32>
        tpu.vector_store %arg10[%swap3A_1186, %swap3A_1187], %swap3A_1190 {strides = array<i32>} : memref<128x128xf32, #tpu.memory_space<vmem>>, vector<1x16xf32>,
        %get3A_1191 = arith.index_cast %add3A_1140 : i32 to index
        %get3A_1192 = arith.constant 80 : index
        %get3A_1193 = tpu.vector_load %arg10[%get3A_1191, %get3A_1192] {strides = array<i32>} : memref<128x128xf32, #tpu.memory_space<vmem>>, vector<1x16xf32>,
        %get3A_1194 = vector.shape_cast %get3A_1193 : vector<1x16xf32> to vector<16xf32>
        %mul3A_1195 = arith.mulf %get3A_1194, %gather3A_1136 : vector<16xf32>
        %swap3A_1196 = arith.index_cast %add3A_1140 : i32 to index
        %swap3A_1197 = arith.constant 80 : index
        %swap3A_1198 = tpu.vector_load %arg10[%swap3A_1196, %swap3A_1197] {strides = array<i32>} : memref<128x128xf32, #tpu.memory_space<vmem>>, vector<1x16xf32>,
        %swap3A_1199 = vector.shape_cast %swap3A_1198 : vector<1x16xf32> to vector<16xf32>
        %swap3A_1200 = vector.shape_cast %mul3A_1195 : vector<16xf32> to vector<1x16xf32>
        tpu.vector_store %arg10[%swap3A_1196, %swap3A_1197], %swap3A_1200 {strides = array<i32>} : memref<128x128xf32, #tpu.memory_space<vmem>>, vector<1x16xf32>,
        %get3A_1201 = arith.index_cast %add3A_1140 : i32 to index
        %get3A_1202 = arith.constant 96 : index
        %get3A_1203 = tpu.vector_load %arg10[%get3A_1201, %get3A_1202] {strides = array<i32>} : memref<128x128xf32, #tpu.memory_space<vmem>>, vector<1x16xf32>,
        %get3A_1204 = vector.shape_cast %get3A_1203 : vector<1x16xf32> to vector<16xf32>
        %mul3A_1205 = arith.mulf %get3A_1204, %gather3A_1136 : vector<16xf32>
        %swap3A_1206 = arith.index_cast %add3A_1140 : i32 to index
        %swap3A_1207 = arith.constant 96 : index
        %swap3A_1208 = tpu.vector_load %arg10[%swap3A_1206, %swap3A_1207] {strides = array<i32>} : memref<128x128xf32, #tpu.memory_space<vmem>>, vector<1x16xf32>,
        %swap3A_1209 = vector.shape_cast %swap3A_1208 : vector<1x16xf32> to vector<16xf32>
        %swap3A_1210 = vector.shape_cast %mul3A_1205 : vector<16xf32> to vector<1x16xf32>
        tpu.vector_store %arg10[%swap3A_1206, %swap3A_1207], %swap3A_1210 {strides = array<i32>} : memref<128x128xf32, #tpu.memory_space<vmem>>, vector<1x16xf32>,
        %get3A_1211 = arith.index_cast %add3A_1140 : i32 to index
        %get3A_1212 = arith.constant 112 : index
        %get3A_1213 = tpu.vector_load %arg10[%get3A_1211, %get3A_1212] {strides = array<i32>} : memref<128x128xf32, #tpu.memory_space<vmem>>, vector<1x16xf32>,
        %get3A_1214 = vector.shape_cast %get3A_1213 : vector<1x16xf32> to vector<16xf32>
        %mul3A_1215 = arith.mulf %get3A_1214, %gather3A_1136 : vector<16xf32>
        %swap3A_1216 = arith.index_cast %add3A_1140 : i32 to index
        %swap3A_1217 = arith.constant 112 : index
        %swap3A_1218 = tpu.vector_load %arg10[%swap3A_1216, %swap3A_1217] {strides = array<i32>} : memref<128x128xf32, #tpu.memory_space<vmem>>, vector<1x16xf32>,
        %swap3A_1219 = vector.shape_cast %swap3A_1218 : vector<1x16xf32> to vector<16xf32>
        %swap3A_1220 = vector.shape_cast %mul3A_1215 : vector<16xf32> to vector<1x16xf32>
        tpu.vector_store %arg10[%swap3A_1216, %swap3A_1217], %swap3A_1220 {strides = array<i32>} : memref<128x128xf32, #tpu.memory_space<vmem>>, vector<1x16xf32>,
        %broadcast_in_dim3A_1221 = arith.constant 12 : i32
        %broadcast_in_dim3A_1222 = vector.broadcast %broadcast_in_dim3A_1221 : i32 to vector<16x1xi32>
        %gather3A_1223 = vector.shape_cast %broadcast_in_dim3A_1222 : vector<16x1xi32> to vector<16xi32>
        %gather3A_1224 = tpu.dynamic_gather %get3A_166[%gather3A_1223] in [0] : vector<16xf32>, vector<16xi32> -> vector<16xf32>
        %mul3A_1225 = arith.constant 16 : i32
        %mul3A_1226 = arith.muli %scan3A_159, %mul3A_1225 : i32
        %add3A_1227 = arith.constant 12 : i32
        %add3A_1228 = arith.addi %mul3A_1226, %add3A_1227 : i32
        %get3A_1229 = arith.index_cast %add3A_1228 : i32 to index
        %get3A_1230 = arith.constant 0 : index
        %get3A_1231 = tpu.vector_load %arg10[%get3A_1229, %get3A_1230] {strides = array<i32>} : memref<128x128xf32, #tpu.memory_space<vmem>>, vector<1x16xf32>,
        %get3A_1232 = vector.shape_cast %get3A_1231 : vector<1x16xf32> to vector<16xf32>
        %mul3A_1233 = arith.mulf %get3A_1232, %gather3A_1224 : vector<16xf32>
        %swap3A_1234 = arith.index_cast %add3A_1228 : i32 to index
        %swap3A_1235 = arith.constant 0 : index
        %swap3A_1236 = tpu.vector_load %arg10[%swap3A_1234, %swap3A_1235] {strides = array<i32>} : memref<128x128xf32, #tpu.memory_space<vmem>>, vector<1x16xf32>,
        %swap3A_1237 = vector.shape_cast %swap3A_1236 : vector<1x16xf32> to vector<16xf32>
        %swap3A_1238 = vector.shape_cast %mul3A_1233 : vector<16xf32> to vector<1x16xf32>
        tpu.vector_store %arg10[%swap3A_1234, %swap3A_1235], %swap3A_1238 {strides = array<i32>} : memref<128x128xf32, #tpu.memory_space<vmem>>, vector<1x16xf32>,
        %get3A_1239 = arith.index_cast %add3A_1228 : i32 to index
        %get3A_1240 = arith.constant 16 : index
        %get3A_1241 = tpu.vector_load %arg10[%get3A_1239, %get3A_1240] {strides = array<i32>} : memref<128x128xf32, #tpu.memory_space<vmem>>, vector<1x16xf32>,
        %get3A_1242 = vector.shape_cast %get3A_1241 : vector<1x16xf32> to vector<16xf32>
        %mul3A_1243 = arith.mulf %get3A_1242, %gather3A_1224 : vector<16xf32>
        %swap3A_1244 = arith.index_cast %add3A_1228 : i32 to index
        %swap3A_1245 = arith.constant 16 : index
        %swap3A_1246 = tpu.vector_load %arg10[%swap3A_1244, %swap3A_1245] {strides = array<i32>} : memref<128x128xf32, #tpu.memory_space<vmem>>, vector<1x16xf32>,
        %swap3A_1247 = vector.shape_cast %swap3A_1246 : vector<1x16xf32> to vector<16xf32>
        %swap3A_1248 = vector.shape_cast %mul3A_1243 : vector<16xf32> to vector<1x16xf32>
        tpu.vector_store %arg10[%swap3A_1244, %swap3A_1245], %swap3A_1248 {strides = array<i32>} : memref<128x128xf32, #tpu.memory_space<vmem>>, vector<1x16xf32>,
        %get3A_1249 = arith.index_cast %add3A_1228 : i32 to index
        %get3A_1250 = arith.constant 32 : index
        %get3A_1251 = tpu.vector_load %arg10[%get3A_1249, %get3A_1250] {strides = array<i32>} : memref<128x128xf32, #tpu.memory_space<vmem>>, vector<1x16xf32>,
        %get3A_1252 = vector.shape_cast %get3A_1251 : vector<1x16xf32> to vector<16xf32>
        %mul3A_1253 = arith.mulf %get3A_1252, %gather3A_1224 : vector<16xf32>
        %swap3A_1254 = arith.index_cast %add3A_1228 : i32 to index
        %swap3A_1255 = arith.constant 32 : index
        %swap3A_1256 = tpu.vector_load %arg10[%swap3A_1254, %swap3A_1255] {strides = array<i32>} : memref<128x128xf32, #tpu.memory_space<vmem>>, vector<1x16xf32>,
        %swap3A_1257 = vector.shape_cast %swap3A_1256 : vector<1x16xf32> to vector<16xf32>
        %swap3A_1258 = vector.shape_cast %mul3A_1253 : vector<16xf32> to vector<1x16xf32>
        tpu.vector_store %arg10[%swap3A_1254, %swap3A_1255], %swap3A_1258 {strides = array<i32>} : memref<128x128xf32, #tpu.memory_space<vmem>>, vector<1x16xf32>,
        %get3A_1259 = arith.index_cast %add3A_1228 : i32 to index
        %get3A_1260 = arith.constant 48 : index
        %get3A_1261 = tpu.vector_load %arg10[%get3A_1259, %get3A_1260] {strides = array<i32>} : memref<128x128xf32, #tpu.memory_space<vmem>>, vector<1x16xf32>,
        %get3A_1262 = vector.shape_cast %get3A_1261 : vector<1x16xf32> to vector<16xf32>
        %mul3A_1263 = arith.mulf %get3A_1262, %gather3A_1224 : vector<16xf32>
        %swap3A_1264 = arith.index_cast %add3A_1228 : i32 to index
        %swap3A_1265 = arith.constant 48 : index
        %swap3A_1266 = tpu.vector_load %arg10[%swap3A_1264, %swap3A_1265] {strides = array<i32>} : memref<128x128xf32, #tpu.memory_space<vmem>>, vector<1x16xf32>,
        %swap3A_1267 = vector.shape_cast %swap3A_1266 : vector<1x16xf32> to vector<16xf32>
        %swap3A_1268 = vector.shape_cast %mul3A_1263 : vector<16xf32> to vector<1x16xf32>
        tpu.vector_store %arg10[%swap3A_1264, %swap3A_1265], %swap3A_1268 {strides = array<i32>} : memref<128x128xf32, #tpu.memory_space<vmem>>, vector<1x16xf32>,
        %get3A_1269 = arith.index_cast %add3A_1228 : i32 to index
        %get3A_1270 = arith.constant 64 : index
        %get3A_1271 = tpu.vector_load %arg10[%get3A_1269, %get3A_1270] {strides = array<i32>} : memref<128x128xf32, #tpu.memory_space<vmem>>, vector<1x16xf32>,
        %get3A_1272 = vector.shape_cast %get3A_1271 : vector<1x16xf32> to vector<16xf32>
        %mul3A_1273 = arith.mulf %get3A_1272, %gather3A_1224 : vector<16xf32>
        %swap3A_1274 = arith.index_cast %add3A_1228 : i32 to index
        %swap3A_1275 = arith.constant 64 : index
        %swap3A_1276 = tpu.vector_load %arg10[%swap3A_1274, %swap3A_1275] {strides = array<i32>} : memref<128x128xf32, #tpu.memory_space<vmem>>, vector<1x16xf32>,
        %swap3A_1277 = vector.shape_cast %swap3A_1276 : vector<1x16xf32> to vector<16xf32>
        %swap3A_1278 = vector.shape_cast %mul3A_1273 : vector<16xf32> to vector<1x16xf32>
        tpu.vector_store %arg10[%swap3A_1274, %swap3A_1275], %swap3A_1278 {strides = array<i32>} : memref<128x128xf32, #tpu.memory_space<vmem>>, vector<1x16xf32>,
        %get3A_1279 = arith.index_cast %add3A_1228 : i32 to index
        %get3A_1280 = arith.constant 80 : index
        %get3A_1281 = tpu.vector_load %arg10[%get3A_1279, %get3A_1280] {strides = array<i32>} : memref<128x128xf32, #tpu.memory_space<vmem>>, vector<1x16xf32>,
        %get3A_1282 = vector.shape_cast %get3A_1281 : vector<1x16xf32> to vector<16xf32>
        %mul3A_1283 = arith.mulf %get3A_1282, %gather3A_1224 : vector<16xf32>
        %swap3A_1284 = arith.index_cast %add3A_1228 : i32 to index
        %swap3A_1285 = arith.constant 80 : index
        %swap3A_1286 = tpu.vector_load %arg10[%swap3A_1284, %swap3A_1285] {strides = array<i32>} : memref<128x128xf32, #tpu.memory_space<vmem>>, vector<1x16xf32>,
        %swap3A_1287 = vector.shape_cast %swap3A_1286 : vector<1x16xf32> to vector<16xf32>
        %swap3A_1288 = vector.shape_cast %mul3A_1283 : vector<16xf32> to vector<1x16xf32>
        tpu.vector_store %arg10[%swap3A_1284, %swap3A_1285], %swap3A_1288 {strides = array<i32>} : memref<128x128xf32, #tpu.memory_space<vmem>>, vector<1x16xf32>,
        %get3A_1289 = arith.index_cast %add3A_1228 : i32 to index
        %get3A_1290 = arith.constant 96 : index
        %get3A_1291 = tpu.vector_load %arg10[%get3A_1289, %get3A_1290] {strides = array<i32>} : memref<128x128xf32, #tpu.memory_space<vmem>>, vector<1x16xf32>,
        %get3A_1292 = vector.shape_cast %get3A_1291 : vector<1x16xf32> to vector<16xf32>
        %mul3A_1293 = arith.mulf %get3A_1292, %gather3A_1224 : vector<16xf32>
        %swap3A_1294 = arith.index_cast %add3A_1228 : i32 to index
        %swap3A_1295 = arith.constant 96 : index
        %swap3A_1296 = tpu.vector_load %arg10[%swap3A_1294, %swap3A_1295] {strides = array<i32>} : memref<128x128xf32, #tpu.memory_space<vmem>>, vector<1x16xf32>,
        %swap3A_1297 = vector.shape_cast %swap3A_1296 : vector<1x16xf32> to vector<16xf32>
        %swap3A_1298 = vector.shape_cast %mul3A_1293 : vector<16xf32> to vector<1x16xf32>
        tpu.vector_store %arg10[%swap3A_1294, %swap3A_1295], %swap3A_1298 {strides = array<i32>} : memref<128x128xf32, #tpu.memory_space<vmem>>, vector<1x16xf32>,
        %get3A_1299 = arith.index_cast %add3A_1228 : i32 to index
        %get3A_1300 = arith.constant 112 : index
        %get3A_1301 = tpu.vector_load %arg10[%get3A_1299, %get3A_1300] {strides = array<i32>} : memref<128x128xf32, #tpu.memory_space<vmem>>, vector<1x16xf32>,
        %get3A_1302 = vector.shape_cast %get3A_1301 : vector<1x16xf32> to vector<16xf32>
        %mul3A_1303 = arith.mulf %get3A_1302, %gather3A_1224 : vector<16xf32>
        %swap3A_1304 = arith.index_cast %add3A_1228 : i32 to index
        %swap3A_1305 = arith.constant 112 : index
        %swap3A_1306 = tpu.vector_load %arg10[%swap3A_1304, %swap3A_1305] {strides = array<i32>} : memref<128x128xf32, #tpu.memory_space<vmem>>, vector<1x16xf32>,
        %swap3A_1307 = vector.shape_cast %swap3A_1306 : vector<1x16xf32> to vector<16xf32>
        %swap3A_1308 = vector.shape_cast %mul3A_1303 : vector<16xf32> to vector<1x16xf32>
        tpu.vector_store %arg10[%swap3A_1304, %swap3A_1305], %swap3A_1308 {strides = array<i32>} : memref<128x128xf32, #tpu.memory_space<vmem>>, vector<1x16xf32>,
        %broadcast_in_dim3A_1309 = arith.constant 13 : i32
        %broadcast_in_dim3A_1310 = vector.broadcast %broadcast_in_dim3A_1309 : i32 to vector<16x1xi32>
        %gather3A_1311 = vector.shape_cast %broadcast_in_dim3A_1310 : vector<16x1xi32> to vector<16xi32>
        %gather3A_1312 = tpu.dynamic_gather %get3A_166[%gather3A_1311] in [0] : vector<16xf32>, vector<16xi32> -> vector<16xf32>
        %mul3A_1313 = arith.constant 16 : i32
        %mul3A_1314 = arith.muli %scan3A_159, %mul3A_1313 : i32
        %add3A_1315 = arith.constant 13 : i32
        %add3A_1316 = arith.addi %mul3A_1314, %add3A_1315 : i32
        %get3A_1317 = arith.index_cast %add3A_1316 : i32 to index
        %get3A_1318 = arith.constant 0 : index
        %get3A_1319 = tpu.vector_load %arg10[%get3A_1317, %get3A_1318] {strides = array<i32>} : memref<128x128xf32, #tpu.memory_space<vmem>>, vector<1x16xf32>,
        %get3A_1320 = vector.shape_cast %get3A_1319 : vector<1x16xf32> to vector<16xf32>
        %mul3A_1321 = arith.mulf %get3A_1320, %gather3A_1312 : vector<16xf32>
        %swap3A_1322 = arith.index_cast %add3A_1316 : i32 to index
        %swap3A_1323 = arith.constant 0 : index
        %swap3A_1324 = tpu.vector_load %arg10[%swap3A_1322, %swap3A_1323] {strides = array<i32>} : memref<128x128xf32, #tpu.memory_space<vmem>>, vector<1x16xf32>,
        %swap3A_1325 = vector.shape_cast %swap3A_1324 : vector<1x16xf32> to vector<16xf32>
        %swap3A_1326 = vector.shape_cast %mul3A_1321 : vector<16xf32> to vector<1x16xf32>
        tpu.vector_store %arg10[%swap3A_1322, %swap3A_1323], %swap3A_1326 {strides = array<i32>} : memref<128x128xf32, #tpu.memory_space<vmem>>, vector<1x16xf32>,
        %get3A_1327 = arith.index_cast %add3A_1316 : i32 to index
        %get3A_1328 = arith.constant 16 : index
        %get3A_1329 = tpu.vector_load %arg10[%get3A_1327, %get3A_1328] {strides = array<i32>} : memref<128x128xf32, #tpu.memory_space<vmem>>, vector<1x16xf32>,
        %get3A_1330 = vector.shape_cast %get3A_1329 : vector<1x16xf32> to vector<16xf32>
        %mul3A_1331 = arith.mulf %get3A_1330, %gather3A_1312 : vector<16xf32>
        %swap3A_1332 = arith.index_cast %add3A_1316 : i32 to index
        %swap3A_1333 = arith.constant 16 : index
        %swap3A_1334 = tpu.vector_load %arg10[%swap3A_1332, %swap3A_1333] {strides = array<i32>} : memref<128x128xf32, #tpu.memory_space<vmem>>, vector<1x16xf32>,
        %swap3A_1335 = vector.shape_cast %swap3A_1334 : vector<1x16xf32> to vector<16xf32>
        %swap3A_1336 = vector.shape_cast %mul3A_1331 : vector<16xf32> to vector<1x16xf32>
        tpu.vector_store %arg10[%swap3A_1332, %swap3A_1333], %swap3A_1336 {strides = array<i32>} : memref<128x128xf32, #tpu.memory_space<vmem>>, vector<1x16xf32>,
        %get3A_1337 = arith.index_cast %add3A_1316 : i32 to index
        %get3A_1338 = arith.constant 32 : index
        %get3A_1339 = tpu.vector_load %arg10[%get3A_1337, %get3A_1338] {strides = array<i32>} : memref<128x128xf32, #tpu.memory_space<vmem>>, vector<1x16xf32>,
        %get3A_1340 = vector.shape_cast %get3A_1339 : vector<1x16xf32> to vector<16xf32>
        %mul3A_1341 = arith.mulf %get3A_1340, %gather3A_1312 : vector<16xf32>
        %swap3A_1342 = arith.index_cast %add3A_1316 : i32 to index
        %swap3A_1343 = arith.constant 32 : index
        %swap3A_1344 = tpu.vector_load %arg10[%swap3A_1342, %swap3A_1343] {strides = array<i32>} : memref<128x128xf32, #tpu.memory_space<vmem>>, vector<1x16xf32>,
        %swap3A_1345 = vector.shape_cast %swap3A_1344 : vector<1x16xf32> to vector<16xf32>
        %swap3A_1346 = vector.shape_cast %mul3A_1341 : vector<16xf32> to vector<1x16xf32>
        tpu.vector_store %arg10[%swap3A_1342, %swap3A_1343], %swap3A_1346 {strides = array<i32>} : memref<128x128xf32, #tpu.memory_space<vmem>>, vector<1x16xf32>,
        %get3A_1347 = arith.index_cast %add3A_1316 : i32 to index
        %get3A_1348 = arith.constant 48 : index
        %get3A_1349 = tpu.vector_load %arg10[%get3A_1347, %get3A_1348] {strides = array<i32>} : memref<128x128xf32, #tpu.memory_space<vmem>>, vector<1x16xf32>,
        %get3A_1350 = vector.shape_cast %get3A_1349 : vector<1x16xf32> to vector<16xf32>
        %mul3A_1351 = arith.mulf %get3A_1350, %gather3A_1312 : vector<16xf32>
        %swap3A_1352 = arith.index_cast %add3A_1316 : i32 to index
        %swap3A_1353 = arith.constant 48 : index
        %swap3A_1354 = tpu.vector_load %arg10[%swap3A_1352, %swap3A_1353] {strides = array<i32>} : memref<128x128xf32, #tpu.memory_space<vmem>>, vector<1x16xf32>,
        %swap3A_1355 = vector.shape_cast %swap3A_1354 : vector<1x16xf32> to vector<16xf32>
        %swap3A_1356 = vector.shape_cast %mul3A_1351 : vector<16xf32> to vector<1x16xf32>
        tpu.vector_store %arg10[%swap3A_1352, %swap3A_1353], %swap3A_1356 {strides = array<i32>} : memref<128x128xf32, #tpu.memory_space<vmem>>, vector<1x16xf32>,
        %get3A_1357 = arith.index_cast %add3A_1316 : i32 to index
        %get3A_1358 = arith.constant 64 : index
        %get3A_1359 = tpu.vector_load %arg10[%get3A_1357, %get3A_1358] {strides = array<i32>} : memref<128x128xf32, #tpu.memory_space<vmem>>, vector<1x16xf32>,
        %get3A_1360 = vector.shape_cast %get3A_1359 : vector<1x16xf32> to vector<16xf32>
        %mul3A_1361 = arith.mulf %get3A_1360, %gather3A_1312 : vector<16xf32>
        %swap3A_1362 = arith.index_cast %add3A_1316 : i32 to index
        %swap3A_1363 = arith.constant 64 : index
        %swap3A_1364 = tpu.vector_load %arg10[%swap3A_1362, %swap3A_1363] {strides = array<i32>} : memref<128x128xf32, #tpu.memory_space<vmem>>, vector<1x16xf32>,
        %swap3A_1365 = vector.shape_cast %swap3A_1364 : vector<1x16xf32> to vector<16xf32>
        %swap3A_1366 = vector.shape_cast %mul3A_1361 : vector<16xf32> to vector<1x16xf32>
        tpu.vector_store %arg10[%swap3A_1362, %swap3A_1363], %swap3A_1366 {strides = array<i32>} : memref<128x128xf32, #tpu.memory_space<vmem>>, vector<1x16xf32>,
        %get3A_1367 = arith.index_cast %add3A_1316 : i32 to index
        %get3A_1368 = arith.constant 80 : index
        %get3A_1369 = tpu.vector_load %arg10[%get3A_1367, %get3A_1368] {strides = array<i32>} : memref<128x128xf32, #tpu.memory_space<vmem>>, vector<1x16xf32>,
        %get3A_1370 = vector.shape_cast %get3A_1369 : vector<1x16xf32> to vector<16xf32>
        %mul3A_1371 = arith.mulf %get3A_1370, %gather3A_1312 : vector<16xf32>
        %swap3A_1372 = arith.index_cast %add3A_1316 : i32 to index
        %swap3A_1373 = arith.constant 80 : index
        %swap3A_1374 = tpu.vector_load %arg10[%swap3A_1372, %swap3A_1373] {strides = array<i32>} : memref<128x128xf32, #tpu.memory_space<vmem>>, vector<1x16xf32>,
        %swap3A_1375 = vector.shape_cast %swap3A_1374 : vector<1x16xf32> to vector<16xf32>
        %swap3A_1376 = vector.shape_cast %mul3A_1371 : vector<16xf32> to vector<1x16xf32>
        tpu.vector_store %arg10[%swap3A_1372, %swap3A_1373], %swap3A_1376 {strides = array<i32>} : memref<128x128xf32, #tpu.memory_space<vmem>>, vector<1x16xf32>,
        %get3A_1377 = arith.index_cast %add3A_1316 : i32 to index
        %get3A_1378 = arith.constant 96 : index
        %get3A_1379 = tpu.vector_load %arg10[%get3A_1377, %get3A_1378] {strides = array<i32>} : memref<128x128xf32, #tpu.memory_space<vmem>>, vector<1x16xf32>,
        %get3A_1380 = vector.shape_cast %get3A_1379 : vector<1x16xf32> to vector<16xf32>
        %mul3A_1381 = arith.mulf %get3A_1380, %gather3A_1312 : vector<16xf32>
        %swap3A_1382 = arith.index_cast %add3A_1316 : i32 to index
        %swap3A_1383 = arith.constant 96 : index
        %swap3A_1384 = tpu.vector_load %arg10[%swap3A_1382, %swap3A_1383] {strides = array<i32>} : memref<128x128xf32, #tpu.memory_space<vmem>>, vector<1x16xf32>,
        %swap3A_1385 = vector.shape_cast %swap3A_1384 : vector<1x16xf32> to vector<16xf32>
        %swap3A_1386 = vector.shape_cast %mul3A_1381 : vector<16xf32> to vector<1x16xf32>
        tpu.vector_store %arg10[%swap3A_1382, %swap3A_1383], %swap3A_1386 {strides = array<i32>} : memref<128x128xf32, #tpu.memory_space<vmem>>, vector<1x16xf32>,
        %get3A_1387 = arith.index_cast %add3A_1316 : i32 to index
        %get3A_1388 = arith.constant 112 : index
        %get3A_1389 = tpu.vector_load %arg10[%get3A_1387, %get3A_1388] {strides = array<i32>} : memref<128x128xf32, #tpu.memory_space<vmem>>, vector<1x16xf32>,
        %get3A_1390 = vector.shape_cast %get3A_1389 : vector<1x16xf32> to vector<16xf32>
        %mul3A_1391 = arith.mulf %get3A_1390, %gather3A_1312 : vector<16xf32>
        %swap3A_1392 = arith.index_cast %add3A_1316 : i32 to index
        %swap3A_1393 = arith.constant 112 : index
        %swap3A_1394 = tpu.vector_load %arg10[%swap3A_1392, %swap3A_1393] {strides = array<i32>} : memref<128x128xf32, #tpu.memory_space<vmem>>, vector<1x16xf32>,
        %swap3A_1395 = vector.shape_cast %swap3A_1394 : vector<1x16xf32> to vector<16xf32>
        %swap3A_1396 = vector.shape_cast %mul3A_1391 : vector<16xf32> to vector<1x16xf32>
        tpu.vector_store %arg10[%swap3A_1392, %swap3A_1393], %swap3A_1396 {strides = array<i32>} : memref<128x128xf32, #tpu.memory_space<vmem>>, vector<1x16xf32>,
        %broadcast_in_dim3A_1397 = arith.constant 14 : i32
        %broadcast_in_dim3A_1398 = vector.broadcast %broadcast_in_dim3A_1397 : i32 to vector<16x1xi32>
        %gather3A_1399 = vector.shape_cast %broadcast_in_dim3A_1398 : vector<16x1xi32> to vector<16xi32>
        %gather3A_1400 = tpu.dynamic_gather %get3A_166[%gather3A_1399] in [0] : vector<16xf32>, vector<16xi32> -> vector<16xf32>
        %mul3A_1401 = arith.constant 16 : i32
        %mul3A_1402 = arith.muli %scan3A_159, %mul3A_1401 : i32
        %add3A_1403 = arith.constant 14 : i32
        %add3A_1404 = arith.addi %mul3A_1402, %add3A_1403 : i32
        %get3A_1405 = arith.index_cast %add3A_1404 : i32 to index
        %get3A_1406 = arith.constant 0 : index
        %get3A_1407 = tpu.vector_load %arg10[%get3A_1405, %get3A_1406] {strides = array<i32>} : memref<128x128xf32, #tpu.memory_space<vmem>>, vector<1x16xf32>,
        %get3A_1408 = vector.shape_cast %get3A_1407 : vector<1x16xf32> to vector<16xf32>
        %mul3A_1409 = arith.mulf %get3A_1408, %gather3A_1400 : vector<16xf32>
        %swap3A_1410 = arith.index_cast %add3A_1404 : i32 to index
        %swap3A_1411 = arith.constant 0 : index
        %swap3A_1412 = tpu.vector_load %arg10[%swap3A_1410, %swap3A_1411] {strides = array<i32>} : memref<128x128xf32, #tpu.memory_space<vmem>>, vector<1x16xf32>,
        %swap3A_1413 = vector.shape_cast %swap3A_1412 : vector<1x16xf32> to vector<16xf32>
        %swap3A_1414 = vector.shape_cast %mul3A_1409 : vector<16xf32> to vector<1x16xf32>
        tpu.vector_store %arg10[%swap3A_1410, %swap3A_1411], %swap3A_1414 {strides = array<i32>} : memref<128x128xf32, #tpu.memory_space<vmem>>, vector<1x16xf32>,
        %get3A_1415 = arith.index_cast %add3A_1404 : i32 to index
        %get3A_1416 = arith.constant 16 : index
        %get3A_1417 = tpu.vector_load %arg10[%get3A_1415, %get3A_1416] {strides = array<i32>} : memref<128x128xf32, #tpu.memory_space<vmem>>, vector<1x16xf32>,
        %get3A_1418 = vector.shape_cast %get3A_1417 : vector<1x16xf32> to vector<16xf32>
        %mul3A_1419 = arith.mulf %get3A_1418, %gather3A_1400 : vector<16xf32>
        %swap3A_1420 = arith.index_cast %add3A_1404 : i32 to index
        %swap3A_1421 = arith.constant 16 : index
        %swap3A_1422 = tpu.vector_load %arg10[%swap3A_1420, %swap3A_1421] {strides = array<i32>} : memref<128x128xf32, #tpu.memory_space<vmem>>, vector<1x16xf32>,
        %swap3A_1423 = vector.shape_cast %swap3A_1422 : vector<1x16xf32> to vector<16xf32>
        %swap3A_1424 = vector.shape_cast %mul3A_1419 : vector<16xf32> to vector<1x16xf32>
        tpu.vector_store %arg10[%swap3A_1420, %swap3A_1421], %swap3A_1424 {strides = array<i32>} : memref<128x128xf32, #tpu.memory_space<vmem>>, vector<1x16xf32>,
        %get3A_1425 = arith.index_cast %add3A_1404 : i32 to index
        %get3A_1426 = arith.constant 32 : index
        %get3A_1427 = tpu.vector_load %arg10[%get3A_1425, %get3A_1426] {strides = array<i32>} : memref<128x128xf32, #tpu.memory_space<vmem>>, vector<1x16xf32>,
        %get3A_1428 = vector.shape_cast %get3A_1427 : vector<1x16xf32> to vector<16xf32>
        %mul3A_1429 = arith.mulf %get3A_1428, %gather3A_1400 : vector<16xf32>
        %swap3A_1430 = arith.index_cast %add3A_1404 : i32 to index
        %swap3A_1431 = arith.constant 32 : index
        %swap3A_1432 = tpu.vector_load %arg10[%swap3A_1430, %swap3A_1431] {strides = array<i32>} : memref<128x128xf32, #tpu.memory_space<vmem>>, vector<1x16xf32>,
        %swap3A_1433 = vector.shape_cast %swap3A_1432 : vector<1x16xf32> to vector<16xf32>
        %swap3A_1434 = vector.shape_cast %mul3A_1429 : vector<16xf32> to vector<1x16xf32>
        tpu.vector_store %arg10[%swap3A_1430, %swap3A_1431], %swap3A_1434 {strides = array<i32>} : memref<128x128xf32, #tpu.memory_space<vmem>>, vector<1x16xf32>,
        %get3A_1435 = arith.index_cast %add3A_1404 : i32 to index
        %get3A_1436 = arith.constant 48 : index
        %get3A_1437 = tpu.vector_load %arg10[%get3A_1435, %get3A_1436] {strides = array<i32>} : memref<128x128xf32, #tpu.memory_space<vmem>>, vector<1x16xf32>,
        %get3A_1438 = vector.shape_cast %get3A_1437 : vector<1x16xf32> to vector<16xf32>
        %mul3A_1439 = arith.mulf %get3A_1438, %gather3A_1400 : vector<16xf32>
        %swap3A_1440 = arith.index_cast %add3A_1404 : i32 to index
        %swap3A_1441 = arith.constant 48 : index
        %swap3A_1442 = tpu.vector_load %arg10[%swap3A_1440, %swap3A_1441] {strides = array<i32>} : memref<128x128xf32, #tpu.memory_space<vmem>>, vector<1x16xf32>,
        %swap3A_1443 = vector.shape_cast %swap3A_1442 : vector<1x16xf32> to vector<16xf32>
        %swap3A_1444 = vector.shape_cast %mul3A_1439 : vector<16xf32> to vector<1x16xf32>
        tpu.vector_store %arg10[%swap3A_1440, %swap3A_1441], %swap3A_1444 {strides = array<i32>} : memref<128x128xf32, #tpu.memory_space<vmem>>, vector<1x16xf32>,
        %get3A_1445 = arith.index_cast %add3A_1404 : i32 to index
        %get3A_1446 = arith.constant 64 : index
        %get3A_1447 = tpu.vector_load %arg10[%get3A_1445, %get3A_1446] {strides = array<i32>} : memref<128x128xf32, #tpu.memory_space<vmem>>, vector<1x16xf32>,
        %get3A_1448 = vector.shape_cast %get3A_1447 : vector<1x16xf32> to vector<16xf32>
        %mul3A_1449 = arith.mulf %get3A_1448, %gather3A_1400 : vector<16xf32>
        %swap3A_1450 = arith.index_cast %add3A_1404 : i32 to index
        %swap3A_1451 = arith.constant 64 : index
        %swap3A_1452 = tpu.vector_load %arg10[%swap3A_1450, %swap3A_1451] {strides = array<i32>} : memref<128x128xf32, #tpu.memory_space<vmem>>, vector<1x16xf32>,
        %swap3A_1453 = vector.shape_cast %swap3A_1452 : vector<1x16xf32> to vector<16xf32>
        %swap3A_1454 = vector.shape_cast %mul3A_1449 : vector<16xf32> to vector<1x16xf32>
        tpu.vector_store %arg10[%swap3A_1450, %swap3A_1451], %swap3A_1454 {strides = array<i32>} : memref<128x128xf32, #tpu.memory_space<vmem>>, vector<1x16xf32>,
        %get3A_1455 = arith.index_cast %add3A_1404 : i32 to index
        %get3A_1456 = arith.constant 80 : index
        %get3A_1457 = tpu.vector_load %arg10[%get3A_1455, %get3A_1456] {strides = array<i32>} : memref<128x128xf32, #tpu.memory_space<vmem>>, vector<1x16xf32>,
        %get3A_1458 = vector.shape_cast %get3A_1457 : vector<1x16xf32> to vector<16xf32>
        %mul3A_1459 = arith.mulf %get3A_1458, %gather3A_1400 : vector<16xf32>
        %swap3A_1460 = arith.index_cast %add3A_1404 : i32 to index
        %swap3A_1461 = arith.constant 80 : index
        %swap3A_1462 = tpu.vector_load %arg10[%swap3A_1460, %swap3A_1461] {strides = array<i32>} : memref<128x128xf32, #tpu.memory_space<vmem>>, vector<1x16xf32>,
        %swap3A_1463 = vector.shape_cast %swap3A_1462 : vector<1x16xf32> to vector<16xf32>
        %swap3A_1464 = vector.shape_cast %mul3A_1459 : vector<16xf32> to vector<1x16xf32>
        tpu.vector_store %arg10[%swap3A_1460, %swap3A_1461], %swap3A_1464 {strides = array<i32>} : memref<128x128xf32, #tpu.memory_space<vmem>>, vector<1x16xf32>,
        %get3A_1465 = arith.index_cast %add3A_1404 : i32 to index
        %get3A_1466 = arith.constant 96 : index
        %get3A_1467 = tpu.vector_load %arg10[%get3A_1465, %get3A_1466] {strides = array<i32>} : memref<128x128xf32, #tpu.memory_space<vmem>>, vector<1x16xf32>,
        %get3A_1468 = vector.shape_cast %get3A_1467 : vector<1x16xf32> to vector<16xf32>
        %mul3A_1469 = arith.mulf %get3A_1468, %gather3A_1400 : vector<16xf32>
        %swap3A_1470 = arith.index_cast %add3A_1404 : i32 to index
        %swap3A_1471 = arith.constant 96 : index
        %swap3A_1472 = tpu.vector_load %arg10[%swap3A_1470, %swap3A_1471] {strides = array<i32>} : memref<128x128xf32, #tpu.memory_space<vmem>>, vector<1x16xf32>,
        %swap3A_1473 = vector.shape_cast %swap3A_1472 : vector<1x16xf32> to vector<16xf32>
        %swap3A_1474 = vector.shape_cast %mul3A_1469 : vector<16xf32> to vector<1x16xf32>
        tpu.vector_store %arg10[%swap3A_1470, %swap3A_1471], %swap3A_1474 {strides = array<i32>} : memref<128x128xf32, #tpu.memory_space<vmem>>, vector<1x16xf32>,
        %get3A_1475 = arith.index_cast %add3A_1404 : i32 to index
        %get3A_1476 = arith.constant 112 : index
        %get3A_1477 = tpu.vector_load %arg10[%get3A_1475, %get3A_1476] {strides = array<i32>} : memref<128x128xf32, #tpu.memory_space<vmem>>, vector<1x16xf32>,
        %get3A_1478 = vector.shape_cast %get3A_1477 : vector<1x16xf32> to vector<16xf32>
        %mul3A_1479 = arith.mulf %get3A_1478, %gather3A_1400 : vector<16xf32>
        %swap3A_1480 = arith.index_cast %add3A_1404 : i32 to index
        %swap3A_1481 = arith.constant 112 : index
        %swap3A_1482 = tpu.vector_load %arg10[%swap3A_1480, %swap3A_1481] {strides = array<i32>} : memref<128x128xf32, #tpu.memory_space<vmem>>, vector<1x16xf32>,
        %swap3A_1483 = vector.shape_cast %swap3A_1482 : vector<1x16xf32> to vector<16xf32>
        %swap3A_1484 = vector.shape_cast %mul3A_1479 : vector<16xf32> to vector<1x16xf32>
        tpu.vector_store %arg10[%swap3A_1480, %swap3A_1481], %swap3A_1484 {strides = array<i32>} : memref<128x128xf32, #tpu.memory_space<vmem>>, vector<1x16xf32>,
        %broadcast_in_dim3A_1485 = arith.constant 15 : i32
        %broadcast_in_dim3A_1486 = vector.broadcast %broadcast_in_dim3A_1485 : i32 to vector<16x1xi32>
        %gather3A_1487 = vector.shape_cast %broadcast_in_dim3A_1486 : vector<16x1xi32> to vector<16xi32>
        %gather3A_1488 = tpu.dynamic_gather %get3A_166[%gather3A_1487] in [0] : vector<16xf32>, vector<16xi32> -> vector<16xf32>
        %mul3A_1489 = arith.constant 16 : i32
        %mul3A_1490 = arith.muli %scan3A_159, %mul3A_1489 : i32
        %add3A_1491 = arith.constant 15 : i32
        %add3A_1492 = arith.addi %mul3A_1490, %add3A_1491 : i32
        %get3A_1493 = arith.index_cast %add3A_1492 : i32 to index
        %get3A_1494 = arith.constant 0 : index
        %get3A_1495 = tpu.vector_load %arg10[%get3A_1493, %get3A_1494] {strides = array<i32>} : memref<128x128xf32, #tpu.memory_space<vmem>>, vector<1x16xf32>,
        %get3A_1496 = vector.shape_cast %get3A_1495 : vector<1x16xf32> to vector<16xf32>
        %mul3A_1497 = arith.mulf %get3A_1496, %gather3A_1488 : vector<16xf32>
        %swap3A_1498 = arith.index_cast %add3A_1492 : i32 to index
        %swap3A_1499 = arith.constant 0 : index
        %swap3A_1500 = tpu.vector_load %arg10[%swap3A_1498, %swap3A_1499] {strides = array<i32>} : memref<128x128xf32, #tpu.memory_space<vmem>>, vector<1x16xf32>,
        %swap3A_1501 = vector.shape_cast %swap3A_1500 : vector<1x16xf32> to vector<16xf32>
        %swap3A_1502 = vector.shape_cast %mul3A_1497 : vector<16xf32> to vector<1x16xf32>
        tpu.vector_store %arg10[%swap3A_1498, %swap3A_1499], %swap3A_1502 {strides = array<i32>} : memref<128x128xf32, #tpu.memory_space<vmem>>, vector<1x16xf32>,
        %get3A_1503 = arith.index_cast %add3A_1492 : i32 to index
        %get3A_1504 = arith.constant 16 : index
        %get3A_1505 = tpu.vector_load %arg10[%get3A_1503, %get3A_1504] {strides = array<i32>} : memref<128x128xf32, #tpu.memory_space<vmem>>, vector<1x16xf32>,
        %get3A_1506 = vector.shape_cast %get3A_1505 : vector<1x16xf32> to vector<16xf32>
        %mul3A_1507 = arith.mulf %get3A_1506, %gather3A_1488 : vector<16xf32>
        %swap3A_1508 = arith.index_cast %add3A_1492 : i32 to index
        %swap3A_1509 = arith.constant 16 : index
        %swap3A_1510 = tpu.vector_load %arg10[%swap3A_1508, %swap3A_1509] {strides = array<i32>} : memref<128x128xf32, #tpu.memory_space<vmem>>, vector<1x16xf32>,
        %swap3A_1511 = vector.shape_cast %swap3A_1510 : vector<1x16xf32> to vector<16xf32>
        %swap3A_1512 = vector.shape_cast %mul3A_1507 : vector<16xf32> to vector<1x16xf32>
        tpu.vector_store %arg10[%swap3A_1508, %swap3A_1509], %swap3A_1512 {strides = array<i32>} : memref<128x128xf32, #tpu.memory_space<vmem>>, vector<1x16xf32>,
        %get3A_1513 = arith.index_cast %add3A_1492 : i32 to index
        %get3A_1514 = arith.constant 32 : index
        %get3A_1515 = tpu.vector_load %arg10[%get3A_1513, %get3A_1514] {strides = array<i32>} : memref<128x128xf32, #tpu.memory_space<vmem>>, vector<1x16xf32>,
        %get3A_1516 = vector.shape_cast %get3A_1515 : vector<1x16xf32> to vector<16xf32>
        %mul3A_1517 = arith.mulf %get3A_1516, %gather3A_1488 : vector<16xf32>
        %swap3A_1518 = arith.index_cast %add3A_1492 : i32 to index
        %swap3A_1519 = arith.constant 32 : index
        %swap3A_1520 = tpu.vector_load %arg10[%swap3A_1518, %swap3A_1519] {strides = array<i32>} : memref<128x128xf32, #tpu.memory_space<vmem>>, vector<1x16xf32>,
        %swap3A_1521 = vector.shape_cast %swap3A_1520 : vector<1x16xf32> to vector<16xf32>
        %swap3A_1522 = vector.shape_cast %mul3A_1517 : vector<16xf32> to vector<1x16xf32>
        tpu.vector_store %arg10[%swap3A_1518, %swap3A_1519], %swap3A_1522 {strides = array<i32>} : memref<128x128xf32, #tpu.memory_space<vmem>>, vector<1x16xf32>,
        %get3A_1523 = arith.index_cast %add3A_1492 : i32 to index
        %get3A_1524 = arith.constant 48 : index
        %get3A_1525 = tpu.vector_load %arg10[%get3A_1523, %get3A_1524] {strides = array<i32>} : memref<128x128xf32, #tpu.memory_space<vmem>>, vector<1x16xf32>,
        %get3A_1526 = vector.shape_cast %get3A_1525 : vector<1x16xf32> to vector<16xf32>
        %mul3A_1527 = arith.mulf %get3A_1526, %gather3A_1488 : vector<16xf32>
        %swap3A_1528 = arith.index_cast %add3A_1492 : i32 to index
        %swap3A_1529 = arith.constant 48 : index
        %swap3A_1530 = tpu.vector_load %arg10[%swap3A_1528, %swap3A_1529] {strides = array<i32>} : memref<128x128xf32, #tpu.memory_space<vmem>>, vector<1x16xf32>,
        %swap3A_1531 = vector.shape_cast %swap3A_1530 : vector<1x16xf32> to vector<16xf32>
        %swap3A_1532 = vector.shape_cast %mul3A_1527 : vector<16xf32> to vector<1x16xf32>
        tpu.vector_store %arg10[%swap3A_1528, %swap3A_1529], %swap3A_1532 {strides = array<i32>} : memref<128x128xf32, #tpu.memory_space<vmem>>, vector<1x16xf32>,
        %get3A_1533 = arith.index_cast %add3A_1492 : i32 to index
        %get3A_1534 = arith.constant 64 : index
        %get3A_1535 = tpu.vector_load %arg10[%get3A_1533, %get3A_1534] {strides = array<i32>} : memref<128x128xf32, #tpu.memory_space<vmem>>, vector<1x16xf32>,
        %get3A_1536 = vector.shape_cast %get3A_1535 : vector<1x16xf32> to vector<16xf32>
        %mul3A_1537 = arith.mulf %get3A_1536, %gather3A_1488 : vector<16xf32>
        %swap3A_1538 = arith.index_cast %add3A_1492 : i32 to index
        %swap3A_1539 = arith.constant 64 : index
        %swap3A_1540 = tpu.vector_load %arg10[%swap3A_1538, %swap3A_1539] {strides = array<i32>} : memref<128x128xf32, #tpu.memory_space<vmem>>, vector<1x16xf32>,
        %swap3A_1541 = vector.shape_cast %swap3A_1540 : vector<1x16xf32> to vector<16xf32>
        %swap3A_1542 = vector.shape_cast %mul3A_1537 : vector<16xf32> to vector<1x16xf32>
        tpu.vector_store %arg10[%swap3A_1538, %swap3A_1539], %swap3A_1542 {strides = array<i32>} : memref<128x128xf32, #tpu.memory_space<vmem>>, vector<1x16xf32>,
        %get3A_1543 = arith.index_cast %add3A_1492 : i32 to index
        %get3A_1544 = arith.constant 80 : index
        %get3A_1545 = tpu.vector_load %arg10[%get3A_1543, %get3A_1544] {strides = array<i32>} : memref<128x128xf32, #tpu.memory_space<vmem>>, vector<1x16xf32>,
        %get3A_1546 = vector.shape_cast %get3A_1545 : vector<1x16xf32> to vector<16xf32>
        %mul3A_1547 = arith.mulf %get3A_1546, %gather3A_1488 : vector<16xf32>
        %swap3A_1548 = arith.index_cast %add3A_1492 : i32 to index
        %swap3A_1549 = arith.constant 80 : index
        %swap3A_1550 = tpu.vector_load %arg10[%swap3A_1548, %swap3A_1549] {strides = array<i32>} : memref<128x128xf32, #tpu.memory_space<vmem>>, vector<1x16xf32>,
        %swap3A_1551 = vector.shape_cast %swap3A_1550 : vector<1x16xf32> to vector<16xf32>
        %swap3A_1552 = vector.shape_cast %mul3A_1547 : vector<16xf32> to vector<1x16xf32>
        tpu.vector_store %arg10[%swap3A_1548, %swap3A_1549], %swap3A_1552 {strides = array<i32>} : memref<128x128xf32, #tpu.memory_space<vmem>>, vector<1x16xf32>,
        %get3A_1553 = arith.index_cast %add3A_1492 : i32 to index
        %get3A_1554 = arith.constant 96 : index
        %get3A_1555 = tpu.vector_load %arg10[%get3A_1553, %get3A_1554] {strides = array<i32>} : memref<128x128xf32, #tpu.memory_space<vmem>>, vector<1x16xf32>,
        %get3A_1556 = vector.shape_cast %get3A_1555 : vector<1x16xf32> to vector<16xf32>
        %mul3A_1557 = arith.mulf %get3A_1556, %gather3A_1488 : vector<16xf32>
        %swap3A_1558 = arith.index_cast %add3A_1492 : i32 to index
        %swap3A_1559 = arith.constant 96 : index
        %swap3A_1560 = tpu.vector_load %arg10[%swap3A_1558, %swap3A_1559] {strides = array<i32>} : memref<128x128xf32, #tpu.memory_space<vmem>>, vector<1x16xf32>,
        %swap3A_1561 = vector.shape_cast %swap3A_1560 : vector<1x16xf32> to vector<16xf32>
        %swap3A_1562 = vector.shape_cast %mul3A_1557 : vector<16xf32> to vector<1x16xf32>
        tpu.vector_store %arg10[%swap3A_1558, %swap3A_1559], %swap3A_1562 {strides = array<i32>} : memref<128x128xf32, #tpu.memory_space<vmem>>, vector<1x16xf32>,
        %get3A_1563 = arith.index_cast %add3A_1492 : i32 to index
        %get3A_1564 = arith.constant 112 : index
        %get3A_1565 = tpu.vector_load %arg10[%get3A_1563, %get3A_1564] {strides = array<i32>} : memref<128x128xf32, #tpu.memory_space<vmem>>, vector<1x16xf32>,
        %get3A_1566 = vector.shape_cast %get3A_1565 : vector<1x16xf32> to vector<16xf32>
        %mul3A_1567 = arith.mulf %get3A_1566, %gather3A_1488 : vector<16xf32>
        %swap3A_1568 = arith.index_cast %add3A_1492 : i32 to index
        %swap3A_1569 = arith.constant 112 : index
        %swap3A_1570 = tpu.vector_load %arg10[%swap3A_1568, %swap3A_1569] {strides = array<i32>} : memref<128x128xf32, #tpu.memory_space<vmem>>, vector<1x16xf32>,
        %swap3A_1571 = vector.shape_cast %swap3A_1570 : vector<1x16xf32> to vector<16xf32>
        %swap3A_1572 = vector.shape_cast %mul3A_1567 : vector<16xf32> to vector<1x16xf32>
        tpu.vector_store %arg10[%swap3A_1568, %swap3A_1569], %swap3A_1572 {strides = array<i32>} : memref<128x128xf32, #tpu.memory_space<vmem>>, vector<1x16xf32>,
      }
      %scan3A_152 = arith.constant 8 : i32
      %dma_start3A_153 = arith.constant 0 : i32
      %dma_start3A_154 = tpu.memref_slice %arg7[%rem3A_119, %dma_start3A_153] : memref<40x128xi32, #tpu.memory_space<vmem>> -> memref<1x128xi32, #tpu.memory_space<vmem>>
      %dma_start3A_155 = tpu.memref_squeeze %dma_start3A_154 : memref<1x128xi32, #tpu.memory_space<vmem>> -> memref<128xi32, #tpu.memory_space<vmem>>
      %dma_start3A_156 = arith.constant 0 : i32
      %dma_start3A_157 = arith.constant 0 : i32
      %dma_start3A_158 = tpu.memref_slice %arg11[%dma_start3A_156, %dma_start3A_157] : memref<10000x128xf32, #tpu.memory_space<vmem_shared>> -> memref<10000x128xf32, #tpu.memory_space<vmem_shared>>
      tpu.enqueue_indirect_dma source(%arg10 : memref<128x128xf32, #tpu.memory_space<vmem>>) target(%dma_start3A_158 : memref<10000x128xf32, #tpu.memory_space<vmem_shared>>) offsets(%dma_start3A_155 : memref<128xi32, #tpu.memory_space<vmem>>) semaphore(%arg13 : memref<!tpu.dma_semaphore, #tpu.memory_space<semaphore_mem>>) {add = true}
    }
    %scan3A_48 = arith.constant 40 : i32
    %dma_wait3A = arith.constant 39 : i32
    %dma_wait3A_49 = arith.constant 0 : i32
    %dma_wait3A_50 = tpu.memref_slice %arg7[%dma_wait3A, %dma_wait3A_49] : memref<40x128xi32, #tpu.memory_space<vmem>> -> memref<1x128xi32, #tpu.memory_space<vmem>>
    %dma_wait3A_51 = tpu.memref_squeeze %dma_wait3A_50 : memref<1x128xi32, #tpu.memory_space<vmem>> -> memref<128xi32, #tpu.memory_space<vmem>>
    %dma_wait3A_52 = arith.constant 0 : i32
    %dma_wait3A_53 = arith.constant 0 : i32
    %dma_wait3A_54 = tpu.memref_slice %arg11[%dma_wait3A_52, %dma_wait3A_53] : memref<10000x128xf32, #tpu.memory_space<vmem_shared>> -> memref<10000x128xf32, #tpu.memory_space<vmem_shared>>
    tpu.wait_indirect_dma semaphore(%arg13 : memref<!tpu.dma_semaphore, #tpu.memory_space<semaphore_mem>>) src(%arg10 : memref<128x128xf32, #tpu.memory_space<vmem>>) dst(%dma_wait3A_54 : memref<10000x128xf32, #tpu.memory_space<vmem_shared>>)
    %barrier3A_55 = arith.constant 0 : index
    tpu.barrier barrier_id(%barrier3A_55)
    %mul3A_56 = arith.constant 624 : i32
    %mul3A_57 = arith.muli %arg1, %mul3A_56 : i32
    %mul3A_58 = arith.constant 624 : i32
    %mul3A_59 = arith.muli %arg1, %mul3A_58 : i32
    %mul3A_60 = arith.constant 128 : i32
    %mul3A_61 = arith.muli %arg0, %mul3A_60 : i32
    "tpu.region"() ({
      %run_scoped3A_67 = tpu.sem_alloc : memref<!tpu.dma_semaphore, #tpu.memory_space<semaphore_mem>>
      %dma_start3A_68 = tpu.memref_slice %arg5[%mul3A_59, %mul3A_61] : memref<10000x256xf32, #tpu.memory_space<hbm>> -> memref<624x128xf32, #tpu.memory_space<hbm>>
      %dma_start3A_69 = arith.constant 0 : i32
      %dma_start3A_70 = tpu.memref_slice %arg11[%mul3A_57, %dma_start3A_69] : memref<10000x128xf32, #tpu.memory_space<vmem_shared>> -> memref<624x128xf32, #tpu.memory_space<vmem_shared>>
      tpu.enqueue_dma source(%dma_start3A_70 : memref<624x128xf32, #tpu.memory_space<vmem_shared>>) target(%dma_start3A_68 : memref<624x128xf32, #tpu.memory_space<hbm>>) target_semaphore(%run_scoped3A_67 : memref<!tpu.dma_semaphore, #tpu.memory_space<semaphore_mem>>)
      %dma_wait3A_71 = tpu.memref_slice %arg5[%mul3A_59, %mul3A_61] : memref<10000x256xf32, #tpu.memory_space<hbm>> -> memref<624x128xf32, #tpu.memory_space<hbm>>
      %dma_wait3A_72 = arith.constant 0 : i32
      %dma_wait3A_73 = tpu.memref_slice %arg11[%mul3A_57, %dma_wait3A_72] : memref<10000x128xf32, #tpu.memory_space<vmem_shared>> -> memref<624x128xf32, #tpu.memory_space<vmem_shared>>
      tpu.wait_dma2 semaphore(%run_scoped3A_67 : memref<!tpu.dma_semaphore, #tpu.memory_space<semaphore_mem>>) src(%dma_wait3A_73 : memref<624x128xf32, #tpu.memory_space<vmem_shared>>) dst(%dma_wait3A_71 : memref<624x128xf32, #tpu.memory_space<hbm>>)
      tpu.yield
    }) : () -> ()
    %eq3A_62 = arith.constant 0 : i32
    %eq3A_63 = arith.cmpi eq, %arg1, %eq3A_62 : i32
    %convert_element_type3A_64 = arith.extui %eq3A_63 : i1 to i32
    %cond3A_65 = arith.constant 0 : i32
    %cond3A_66 = arith.cmpi ne, %convert_element_type3A_64, %cond3A_65 : i32
    scf.if %cond3A_66 {
      %mul3A_67 = arith.constant 128 : i32
      %mul3A_68 = arith.muli %arg0, %mul3A_67 : i32
      "tpu.region"() ({
        %run_scoped3A_69 = tpu.sem_alloc : memref<!tpu.dma_semaphore, #tpu.memory_space<semaphore_mem>>
        %dma_start3A_70 = arith.constant 9984 : i32
        %dma_start3A_71 = tpu.memref_slice %arg5[%dma_start3A_70, %mul3A_68] : memref<10000x256xf32, #tpu.memory_space<hbm>> -> memref<16x128xf32, #tpu.memory_space<hbm>>
        %dma_start3A_72 = arith.constant 9984 : i32
        %dma_start3A_73 = arith.constant 0 : i32
        %dma_start3A_74 = tpu.memref_slice %arg11[%dma_start3A_72, %dma_start3A_73] : memref<10000x128xf32, #tpu.memory_space<vmem_shared>> -> memref<16x128xf32, #tpu.memory_space<vmem_shared>>
        tpu.enqueue_dma source(%dma_start3A_74 : memref<16x128xf32, #tpu.memory_space<vmem_shared>>) target(%dma_start3A_71 : memref<16x128xf32, #tpu.memory_space<hbm>>) target_semaphore(%run_scoped3A_69 : memref<!tpu.dma_semaphore, #tpu.memory_space<semaphore_mem>>)
        %dma_wait3A_75 = arith.constant 9984 : i32
        %dma_wait3A_76 = tpu.memref_slice %arg5[%dma_wait3A_75, %mul3A_68] : memref<10000x256xf32, #tpu.memory_space<hbm>> -> memref<16x128xf32, #tpu.memory_space<hbm>>
        %dma_wait3A_77 = arith.constant 9984 : i32
        %dma_wait3A_78 = arith.constant 0 : i32
        %dma_wait3A_79 = tpu.memref_slice %arg11[%dma_wait3A_77, %dma_wait3A_78] : memref<10000x128xf32, #tpu.memory_space<vmem_shared>> -> memref<16x128xf32, #tpu.memory_space<vmem_shared>>
        tpu.wait_dma2 semaphore(%run_scoped3A_69 : memref<!tpu.dma_semaphore, #tpu.memory_space<semaphore_mem>>) src(%dma_wait3A_79 : memref<16x128xf32, #tpu.memory_space<vmem_shared>>) dst(%dma_wait3A_76 : memref<16x128xf32, #tpu.memory_space<hbm>>)
        tpu.yield
      }) : () -> ()
    } else {
    }
    return
  }
}

module attributes {stable_mosaic.version = 14 : i64} {
  func.func @_mm_body(%arg0: i32, %arg1: memref<2000x256xf32, #tpu.memory_space<vmem>>, %arg2: memref<256x256xf32, #tpu.memory_space<vmem>>, %arg3: memref<2000x256xf32, #tpu.memory_space<vmem>>) attributes {dimension_semantics = [#tpu.dimension_semantics<arbitrary>], iteration_bounds = array<i64: 5>, scalar_prefetch = 0 : i64, scratch_operands = 0 : i64, tpu.core_type = #tpu.core_type<tc>, window_params = [{transform_indices = @transform_0, window_bounds = array<i64: 2000, 256>}, {pipeline_mode = #tpu.pipeline_mode<synchronous>, transform_indices = @transform_1, window_bounds = array<i64: 256, 256>}, {transform_indices = @transform_2, window_bounds = array<i64: 2000, 256>}]} {
    %get3A = arith.constant 0 : index
    %get3A_0 = arith.constant 0 : index
    %get3A_1 = vector.load %arg1[%get3A, %get3A_0] : memref<2000x256xf32, #tpu.memory_space<vmem>>, vector<2000x256xf32>
    %get3A_2 = arith.constant 0 : index
    %get3A_3 = arith.constant 0 : index
    %get3A_4 = vector.load %arg2[%get3A_2, %get3A_3] : memref<256x256xf32, #tpu.memory_space<vmem>>, vector<256x256xf32>
    %dot_general3A = arith.constant dense<0.000000e+00> : vector<2000x256xf32>
    %dot_general3A_5 = tpu.matmul %get3A_1, %get3A_4, %dot_general3A {dimension_numbers = #tpu.dot_dimension_numbers<[1], [0], [0], [1], [0, 0, 1, 1], [], []>, transpose_lhs_hint = false} : vector<2000x256xf32>, vector<256x256xf32>, vector<2000x256xf32> -> vector<2000x256xf32>
    %ge3A = arith.constant 0.000000e+00 : f32
    %ge3A_6 = vector.broadcast %ge3A : f32 to vector<2000x256xf32>
    %ge3A_7 = arith.cmpf oge, %dot_general3A_5, %ge3A_6 : vector<2000x256xf32>
    %mul3A = arith.constant 2.000000e-01 : f32
    %mul3A_8 = vector.broadcast %mul3A : f32 to vector<2000x256xf32>
    %mul3A_9 = arith.mulf %mul3A_8, %dot_general3A_5 : vector<2000x256xf32>
    %select_n3A = arith.select %ge3A_7, %dot_general3A_5, %mul3A_9 : vector<2000x256xi1>, vector<2000x256xf32>
    %swap3A = arith.constant 0 : index
    %swap3A_10 = arith.constant 0 : index
    %swap3A_11 = vector.load %arg3[%swap3A, %swap3A_10] : memref<2000x256xf32, #tpu.memory_space<vmem>>, vector<2000x256xf32>
    tpu.vector_store %arg3[%swap3A, %swap3A_10], %select_n3A {strides = array<i32>} : memref<2000x256xf32, #tpu.memory_space<vmem>>, vector<2000x256xf32>,
    return
  }
  func.func @transform_0(%arg0: i32) -> (i32, i32) {
    %c0_i32 = arith.constant 0 : i32
    %c0_i32_0 = arith.constant 0 : i32
    return %arg0, %c0_i32 : i32, i32
  }
  func.func @transform_1(%arg0: i32) -> (i32, i32) {
    %c0_i32 = arith.constant 0 : i32
    %c0_i32_0 = arith.constant 0 : i32
    %c0_i32_1 = arith.constant 0 : i32
    return %c0_i32, %c0_i32_0 : i32, i32
  }
  func.func @transform_2(%arg0: i32) -> (i32, i32) {
    %c0_i32 = arith.constant 0 : i32
    %c0_i32_0 = arith.constant 0 : i32
    return %arg0, %c0_i32 : i32, i32
  }
}

</mosaic_0001>

<sc_bundles>
// kernel: kernel.4.cloned.1.call-start
scs
__scs_entry_jumppad:
0x0: {  	(pc) =	sbr.rel $0x88, $3  }
0x1: {  	(tag) =	ssettag $0x0;
	lr =	simm.s32 $0x1  }
0x2: {  	[smem:$0x3F9D] =	sst lr;
	_ =	strace $0xD0000000  }
0x3: {  	_ = 	snop  }
0x4: {  	_ = 	snop  }
0x5: {  	_ = 	snop  }
0x6: {  	_ = 	snop  }
0x7: {  	_ = 	snop  }
__scs_overlays_trampoline_lowered:
0x8: {  	[smem:$0x3FAC] =	sst s0  }
0x9: {  	[smem:$0x3FAD] =	sst s1  }
0xa: {  	[smem:$0x3FAE] =	sst s2  }
0xb: {  	[smem:$0x3FAF] =	sst s3  }
0xc: {  	[smem:$0x3FB0] =	sst s4  }
0xd: {  	[smem:$0x3FB1] =	sst s5  }
0xe: {  	[smem:$0x3FB2] =	sst s6  }
0xf: {  	[smem:$0x3FB3] =	sst s7  }
0x10: {  	[smem:$0x3FB4] =	sst s8  }
0x11: {  	[smem:$0x3FB5] =	sst s9;
	s0 =	simm.s32 @!p0 $0x0  }
0x12: {  	s1 =	sld [smem:$0x3F9B];
	s0 =	simm.s32 @p0 $0x1  }
0x13: {  	[smem:$0x3FB6] =	sst s0;
	s0 =	simm.s32 @!p1 $0x0  }
0x14: {  	s2 =	sld [smem:$0x3F9A];
	s0 =	simm.s32 @p1 $0x1  }
0x15: {  	[smem:$0x3FB7] =	sst s0;
	s0 =	simm.s32 @!p2 $0x0  }
0x16: {  	s3 =	sld [smem:$0x3FDB];
	s0 =	simm.s32 @p2 $0x1  }
0x17: {  	s4 =	simm.s32 $0x1BF5;
	[smem:$0x3FB9] =	sst s0  }
0x18: {  	s0 =	sld [smem:$0x3F9C];
	_ =	swait.ge [sflag:s4], $0x0  }
0x19: {  	s7 =	sld [smem:$0x3F9D]  }
0x1a: {  	s8 =	sadd.s32 $0xFFFFE003, lr  }
0x1b: {  	s9 =	sadd.s32 $0xFFFFFEF7, lr;
	s5 =	simm.s32 $0xFFFFFFFF;
	p2 =	slt.u32 s8, $0xFFFFF086  }
0x1c: {  	p1 =	slt.u32 s9, $0xF7A;
	s5 =	simm.s32 @!p2 $0x0  }
0x1d: {  	s5 =	simm.s32 @p1 $0x1;
	p0 =	seq.s32 s7, s2  }
0x1e: {  	s7 =	smul.u32 @!p0 $0xF7A, s2;
	p2 =	seq.s32 @!p0 s5, $0x0  }
0x1f: {  	s9 =	smul.u32 $0xF7A, s1;
	s8 =	simm.s32 @!p0 $0x1BF5;
	p2 =	por !p2, p0  }
0x20: {  	[sflag:s8] =	ssyncset.s32 @!p0 $0xFFFFF086;
	s6 =	sadd.s32 @!p0 s3, s7;
	s7 =	simm.s32 @!p0 $0x108  }
0x21: {  	s3 =	sadd.s32 s3, s9;
	s6 =	sadd.s32 @!p0 $0x88, s6;
	s7 =	simm.s32 @p2 $0x1082  }
0x22: {  	[simem:s7], [sflag:s8] =	dma.local @!p0 [hbm:s6], $0xF7A  }
0x23: {  	s9 =	sor.u32 $0xD0000000, s2;
	s6 =	simm.s32 $0x108;
	_ =	swait.ge @!p0 [sflag:s8], $0x0  }
0x24: {  	s3 =	sadd.s32 $0x88, s3;
	s6 =	simm.s32 @!p1 $0x1082;
	[sflag:s4] =	ssyncset.s32 $0xFFFFF086  }
0x25: {  	[simem:s6], [sflag:s4] =	dma.local [hbm:s3], $0xF7A  }
0x26: {  	[smem:$0x3F9D] =	sst s1;
	(tag) =	ssettag s2;
	_ =	strace s9  }
0x27: {  	s1 =	sld [smem:$0x3FAD]  }
0x28: {  	s2 =	sld [smem:$0x3FAE]  }
0x29: {  	s4 =	sld [smem:$0x3FB0]  }
0x2a: {  	p0 =	seq.s32 s5, $0x0;
	s5 =	sld [smem:$0x3FB1]  }
0x2b: {  	s6 =	sld [smem:$0x3FB2]  }
0x2c: {  	s7 =	sld [smem:$0x3FB3]  }
0x2d: {  	s3 =	simm.s32 $0x108;
	s8 =	sld [smem:$0x3FB4]  }
0x2e: {  	s3 =	simm.s32 @!p0 $0x1082;
	s9 =	sld [smem:$0x3FB5]  }
0x2f: {  	lr =	sadd.s32 s0, s3;
	s0 =	sld [smem:$0x3FAC]  }
0x30: {  	s3 =	sld [smem:$0x3FAF]  }
0x31: {  	[smem:$0x3FB8] =	sst s10  }
0x32: {  	s10 =	sld [smem:$0x3FB6];
	_ =	sdelay $0x3  }
0x33: {  	p0 =	seq.s32 s10, $0x1;
	s10 =	sld [smem:$0x3FB8];
	_ =	sdelay $0x3  }
0x34: {  	[smem:$0x3FB8] =	sst s10  }
0x35: {  	s10 =	sld [smem:$0x3FB7];
	_ =	sdelay $0x3  }
0x36: {  	p1 =	seq.s32 s10, $0x1;
	s10 =	sld [smem:$0x3FB8];
	_ =	sdelay $0x3  }
0x37: {  	[smem:$0x3FB8] =	sst s10  }
0x38: {  	s10 =	sld [smem:$0x3FB9]  }
0x39: {  	_ = 	snop;
	(pc) =	sbr.ind lr, $3  }
0x3a: {  	_ = 	snop  }
0x3b: {  	_ = 	snop  }
0x3c: {  	p2 =	seq.s32 s10, $0x1;
	s10 =	sld [smem:$0x3FB8]  }
0x3d: {  	_ =	shalt  }
0x3e: {  	_ =	shalt  }
0x3f: {  	_ =	shalt  }
0x40: {  	_ =	shalt  }
0x41: {  	_ =	shalt  }
0x42: {  	_ =	shalt  }
0x43: {  	_ =	shalt  }
0x44: {  	_ =	shalt  }
0x45: {  	_ =	shalt  }
0x46: {  	_ =	shalt  }
0x47: {  	_ =	shalt  }
0x48: {  	_ =	shalt  }
0x49: {  	_ =	shalt  }
0x4a: {  	_ =	shalt  }
0x4b: {  	_ =	shalt  }
0x4c: {  	_ =	shalt  }
0x4d: {  	_ =	shalt  }
0x4e: {  	_ =	shalt  }
0x4f: {  	_ =	shalt  }
0x50: {  	_ =	shalt  }
0x51: {  	_ =	shalt  }
0x52: {  	_ =	shalt  }
0x53: {  	_ =	shalt  }
0x54: {  	_ =	shalt  }
0x55: {  	_ =	shalt  }
0x56: {  	_ =	shalt  }
0x57: {  	_ =	shalt  }
0x58: {  	_ =	shalt  }
0x59: {  	_ =	shalt  }
0x5a: {  	_ =	shalt  }
0x5b: {  	_ =	shalt  }
0x5c: {  	_ =	shalt  }
0x5d: {  	_ =	shalt  }
0x5e: {  	_ =	shalt  }
0x5f: {  	_ =	shalt  }
0x60: {  	_ =	shalt  }
0x61: {  	_ =	shalt  }
0x62: {  	_ =	shalt  }
0x63: {  	_ =	shalt  }
0x64: {  	_ =	shalt  }
0x65: {  	_ =	shalt  }
0x66: {  	_ =	shalt  }
0x67: {  	_ =	shalt  }
0x68: {  	_ =	shalt  }
0x69: {  	_ =	shalt  }
0x6a: {  	_ =	shalt  }
0x6b: {  	_ =	shalt  }
0x6c: {  	_ =	shalt  }
0x6d: {  	_ =	shalt  }
0x6e: {  	_ =	shalt  }
0x6f: {  	_ =	shalt  }
0x70: {  	_ =	shalt  }
0x71: {  	_ =	shalt  }
0x72: {  	_ =	shalt  }
0x73: {  	_ =	shalt  }
0x74: {  	_ =	shalt  }
0x75: {  	_ =	shalt  }
0x76: {  	_ =	shalt  }
0x77: {  	_ =	shalt  }
0x78: {  	_ =	shalt  }
0x79: {  	_ =	shalt  }
0x7a: {  	_ =	shalt  }
0x7b: {  	_ =	shalt  }
0x7c: {  	_ =	shalt  }
0x7d: {  	_ =	shalt  }
0x7e: {  	_ =	shalt  }
0x7f: {  	_ =	shalt  }
0x80: {  	_ =	shalt  }
0x81: {  	_ =	shalt  }
0x82: {  	_ =	shalt  }
0x83: {  	_ =	shalt  }
0x84: {  	_ =	shalt  }
0x85: {  	_ =	shalt  }
0x86: {  	_ =	shalt  }
0x87: {  	_ =	shalt  }
.Lfunc_end0:
.L_simem_size_0:
called_computation_lowered:
.L_overlay_start_0:
0x88: {  	s2 =	sld [smem:$0x3FD9]  }
0x89: {  	s3 =	sld [smem:$0x3FFE];
	_ =	sdelay $0x1  }
0x8a: {  	s1 =	srdreg.scid  }
0x8b: {  	s0 =	sand.u32 $0x1, s1  }
0x8c: {  	s17 =	sshll.u32 s0, $0xA;
	s2 =	sadd.s32 s3, s2  }
0x8d: {  	s2 =	sadd.s32 s2, s17  }
0x8e: {  	[smem:$0x3FC4] =	sst s2  }
0x8f: {  	_ = 	snop  }
0x90: {  	s2 =	sld [smem:$0x3FD0];
	(tm) =	ssettm $0x1  }
0x91: {  	s18 =	sld [smem:$0x3FFB];
	_ =	sdelay $0x3  }
0x92: {  	_ =	strace s18  }
0x93: {  	s3 =	sld [smem:$0x3FFC];
	_ =	sdelay $0x3  }
0x94: {  	_ =	strace s3  }
0x95: {  	s3 =	sld [smem:$0x3FFD];
	_ =	sdelay $0x3  }
0x96: {  	_ =	strace s3  }
0x97: {  	_ =	strace $0x8FFFFFFF  }
0x98: {  	s19 =	sld [smem:$0x3FDB];
	_ =	sdelay $0x1  }
0x99: {  	s4 =	simm.s32 $_scs_section_size  }
0x9a: {  	s5 =	simm.s32 $_size__tile_overlayer_lowered;
	s6 =	simm.s32 $_tile_overlayer_lowered  }
0x9b: {  	s22 =	simm.s32 $0x1BFF;
	s21 =	sshll.u32 s6, $0x1;
	s3 =	sadd.s32 s4, s19  }
0x9c: {  	s7 =	simm.s32 $0x0;
	s20 =	sshll.u32 s5, $0x1;
	s5 =	sadd.s32 s21, s3  }
0x9d: {  	[timem:s7], [sflag:s22] =	dma.local [hbm:s5], s20  }
0x9e: {  	_ =	swait.ge [sflag:s22], s20  }
0x9f: {  	s4 =	ssub.s32 $0x0, s20;
	[sflag:s22] =	ssyncset.done $0x0  }
0xa0: {  	[sflag:s22] =	ssyncadd.s32 s4;
	_ =	sdelay $0x1  }
0xa1: {  	s23 =	simm.s32 $0x1B8B  }
0xa2: {  	_ =	swait.ge [sflag:s23], $0x1  }
0xa3: {  	[sflag:s23] =	ssyncset.done $0x0  }
0xa4: {  	s25 =	simm.s32 $0x1B8E;
	s24 =	sld [smem:$0x3FFE];
	[sflag:s23] =	ssyncadd.s32 $0xFFFFFFFF  }
0xa5: {  	s26 =	simm.s32 $execute0_lowered;
	[smem:$0x3FD2] =	sst s25  }
0xa6: {  	s5 =	sshll.u32 s26, $0x1;
	_ =	strace $0x80000046;
	[dreg:$0x1] =	wrdreg $0xFFFFFFFF  }
0xa7: {  	s28 =	simm.s32 $_size_execute0_lowered;
	s3 =	sadd.s32 s3, s5;
	[dreg:$0x0] =	wrdreg $0x0  }
0xa8: {  	s5 =	sshll.u32 s28, $0x1;
	[dreg:$0x2] =	wrdreg s3  }
0xa9: {  	[dreg:$0x3] =	wrdreg s5  }
0xaa: {  	[dreg:$0x4] =	wrdreg $0xC0  }
0xab: {  	_ =	task [dreg:s7], $0x5FFFF  }
0xac: {  	[dreg:$0x1] =	wrdreg $0xFFFFFFFF  }
0xad: {  	[dreg:$0x0] =	wrdreg $0x60  }
0xae: {  	[dreg:$0x2] =	wrdreg s24  }
0xaf: {  	[dreg:$0x3] =	wrdreg s2  }
0xb0: {  	[dreg:$0x4] =	wrdreg $0xBC000  }
0xb1: {  	[dreg:$0x5] =	wrdreg $0x9  }
0xb2: {  	_ =	task.clear_ibuf [dreg:s7], $0x6FFFF;
	_ =	strace $0x90000046  }
0xb3: {  	s29 =	simm.s32 $0x9;
	_ =	strace $0x80000048  }
0xb4: {  	_ =	swait.ge [sflag:s29], $0x1  }
0xb5: {  	[sflag:s29] =	ssyncadd.s32 $0xFFFFFFFF  }
0xb6: {  	_ =	strace $0x90000048  }
0xb7: {  	_ =	sfence  }
0xb8: {  	s30 =	sld [smem:$0x0];
	_ =	sdelay $0x2  }
0xb9: {  	s31 =	sshll.u32 s1, $0xD;
	s1 =	sshrl.u32 s1, $0x2  }
0xba: {  	s3 =	sand.u32 $0x4000, s31;
	s1 =	sadd.s32 s1, s30  }
0xbb: {  	s0 =	sor.u32 s3, s0;
	s1 =	sshll.u32 s1, $0x11  }
0xbc: {  	s0 =	sor.u32 s1, s0  }
0xbd: {  	s0 =	sadd.s32 $0x8F2B, s0  }
0xbe: {  	[sflag:s0] =	ssyncadd.remote.s32 $0x1  }
0xbf: {  	_ =	sfence.sel $0xFFFF  }
0xc0: {  	[dreg:$0x0] =	wrdreg $0xFFFFFFFF;
	(pc) =	sbr.abs _section_cstart, $3  }
0xc1: {  	[dreg:$0x1] =	wrdreg $0xFFFFFFFF  }
0xc2: {  	_ =	task.clear_ibuf [dreg:s7], $0x2FFFF;
	_ =	strace $0x9FFFFFFF  }
0xc3: {  	(tm) =	ssettm $0x7FFFFFFF  }
tec
execute0_lowered:
.L_overlay_start_1:
0x0: {  	(tag) =	ssettag $0x1  }
0x1: {  	s0 =	rddreg [dreg:$0x0]  }
0x2: {  	s3 =	rddreg [dreg:$0x1]  }
0x3: {  	s1 =	rddreg [dreg:$0x2];
	s2 =	simm.s32 $0x0  }
0x4: {  	s11 =	stileid.u32;
	s4 =	srdreg.scid;
	s13 =	simm.s32 $0x3  }
0x5: {  	s12 =	simm.s32 $0xB380;
	s30 =	simm.s32 $0x0;
	s8 =	smul.u32 $0x500, s11  }
0x6: {  	[smem:$0x7FF] =	sst s2;
	s5 =	sshrl.u32 s11, $0x3;
	s15 =	smul.u32 $0x4E000, s11  }
0x7: {  	s4 =	sand.u32 $0x1, s4;
	s6 =	sshll.u32 s11, $0x7;
	s21 =	smul.u32 $0x27000, s11  }
0x8: {  	s29 =	sadd.s32 $0x138000, s1;
	p0 =	sne.s32 s11, $0x0;
	s11 =	simm.s32 $0xB300  }
0x9: {  	_ =	strace $0x80000047;
	s5 =	smul.u32 $0x14000, s5;
	s7 =	sshll.u32 s4, $0x7  }
0xa: {  	s6 =	sand.u32 $0x380, s6;
	s10 =	ssub.s32 $0x2, s4;
	s4 =	sshll.u32 s4, $0xA  }
0xb: {  	[dreg:$0xd] =	wrdreg s29;
	s9 =	sadd.s32 s7, s0;
	s8 =	sadd.s32 s8, s0  }
0xc: {  	s16 =	sshrl.u32 s10, $0x1;
	s23 =	sadd.s32 s7, s3;
	s7 =	simm.s32 $0x2  }
0xd: {  	s5 =	sor.u32 s6, s5;
	s6 =	sshrl.u32 s15, $0x2;
	s17 =	sadd.s32 $0x5C00, s8  }
0xe: {  	s25 =	sadd.s32 $0xC00, s8;
	s14 =	sadd.s32 $0xFC00, s9;
	s15 =	sadd.s32 $0x5E80, s8  }
0xf: {  	s24 =	sadd.s32 $0x4E000, s23;
	s23 =	simm.s32 $0xB680;
	[dreg:$0x4] =	wrdreg s17  }
0x10: {  	s8 =	simm.s32 $0xB400;
	s9 =	simm.s32 $0xB200;
	[dreg:$0xf] =	wrdreg s24  }
0x11: {  	s5 =	sshrl.u32 s5, $0x3;
	s28 =	sadd.s32 s6, s1;
	[dreg:$0x6] =	wrdreg s25  }
0x12: {  	s24 =	simm.s32 $0x3C00;
	s18 =	sadd.s32 $0x3400, s28;
	[dreg:$0x5] =	wrdreg s28  }
0x13: {  	s17 =	simm.s32 $0xBA80;
	s19 =	sadd.s32 $0x6800, s28;
	[dreg:$0x8] =	wrdreg s18  }
0x14: {  	s0 =	sadd.s32 s5, s0;
	s20 =	sadd.s32 $0x9C00, s28;
	[dreg:$0x9] =	wrdreg s19  }
0x15: {  	s5 =	ssub.s32 s10, s16;
	s6 =	sadd.s32 $0xD000, s28;
	[dreg:$0xa] =	wrdreg s20  }
0x16: {  	v0 =	vimm.f32 $0.0e+00;
	v1 =	vimm.s32 $0x7;
	s22 =	sadd.s32 $0x10400, s28;
	s10 =	simm.s32 $0xB280;
	[dreg:$0xb] =	wrdreg s6  }
0x17: {  	v2 =	vimm.s32 $0x1;
	v3 =	vimm.s32 $0x0;
	v4 =	vlaneseq.u32;
	s16 =	simm.s32 $0xBA00;
	s26 =	sadd.s32 $0xAC00, s0;
	[dreg:$0xc] =	wrdreg s22  }
0x18: {  	vm0 =	vmmov $0x1;
	v5 =	vimm.s32 $0x2;
	v6 =	vimm.s32 $0x3;
	s0 =	sor.u32 s4, s21;
	s31 =	smax.u32 s5, $0x1;
	s21 =	simm.s32 $0x80  }
0x19: {  	v7 =	vimm.s32 $0x4;
	v8 =	vimm.s32 $0x5;
	v9 =	vimm.s32 $0x6;
	s20 =	simm.s32 $0x1;
	s22 =	simm.s32 $0x7C00;
	s19 =	simm.s32 $0xB600  }
0x1a: {  	v10 =	vimm.s32 $0x8;
	v11 =	vimm.s32 $0x9;
	v12 =	vimm.s32 $0xA;
	s4 =	simm.s32 $0xB480;
	s0 =	sshrl.u32 s0, $0x3;
	[dreg:$0x10] =	wrdreg s31  }
0x1b: {  	v13 =	vimm.s32 $0xB;
	v14 =	vimm.s32 $0xC;
	v15 =	vimm.s32 $0xD;
	s18 =	simm.s32 $0xBB00;
	[dreg:$0x7] =	wrdreg s26;
	s0 =	sadd.s32 s3, s0  }
0x1c: {  	v16 =	vimm.s32 $0xE;
	v17 =	vimm.s32 $0xF;
	v4 =	vmul.u32 $0x8, v4;
	s6 =	simm.s32 $0xBB80;
	s3 =	simm.s32 $0xB500;
	[dreg:$0xe] =	wrdreg s0  }
.LBB2_1:
0x1d: {  	s0 =	rddreg [dreg:$0x4]  }
0x1e: {  	[tilespmem:s2], [sflag:$0x3] =	stream.linear.gather [hbm4b:s0+s2], $0x1400, $0x38;
	[tilespmem:$0x1F480] =	vst v63  }
0x1f: {  	_ =	swait.ge [sflag:s13], $0x1400  }
0x20: {  	[sflag:s13] =	ssyncset.done $0x0  }
0x21: {  	s5 =	simm.s32 $0x1400;
	[sflag:s13] =	ssyncadd.s32 $0xFFFFEC00  }
0x22: {  	[tilespmem:s5], [sflag:$0x3] =	stream.linear.gather [hbm4b:s25+s2], $0x1400, $0x38;
	[tilespmem:$0x1F480] =	vst v63  }
0x23: {  	_ =	swait.ge [sflag:s13], $0x1400  }
0x24: {  	[sflag:s13] =	ssyncset.done $0x0  }
0x25: {  	s31 =	simm.s32 $0x400;
	s5 =	simm.s32 $0x2800;
	[sflag:s13] =	ssyncadd.s32 $0xFFFFEC00  }
0x26: {  	[tilespmem:s5], [sflag:$0x3] =	stream.strided.gather [hbm4b:s26+s21], $0x1400, s31, s21, $0x38;
	[tilespmem:$0x1F480] =	vst v63  }
0x27: {  	_ =	swait.ge [sflag:s13], $0x1400  }
0x28: {  	[sflag:s13] =	ssyncset.done $0x0  }
0x29: {  	s0 =	simm.s32 $0x0;
	s5 =	simm.s32 $0x200;
	[sflag:s13] =	ssyncadd.s32 $0xFFFFEC00  }
.LBB2_2:
0x2a: {  	p1 =	sne.s32 s5, $0xFE00;
	[tilespmem:s0+$0x3C70] =	vst v0  }
0x2b: {  	[tilespmem:s0+$0x3C00] =	vst v0  }
0x2c: {  	[tilespmem:s0+$0x3C10] =	vst v0  }
.Ltmp0:
0x2d: {  	[tilespmem:s0+$0x3C20] =	vst v0;
	(pc) =	sbr.rel @p1 .LBB2_2-.Ltmp0, $4  }
0x2e: {  	[tilespmem:s0+$0x3C30] =	vst v0  }
0x2f: {  	[tilespmem:s0+$0x3C40] =	vst v0  }
0x30: {  	[tilespmem:s0+$0x3C50] =	vst v0  }
0x31: {  	[tilespmem:s0+$0x3C60] =	vst v0;
	s0 =	sshra.s32 s5, $0x2;
	s5 =	sadd.s32 $0x200, s5  }
0x32: {  	[tilespmem:s0+$0x3C70] =	vst v0  }
0x33: {  	[tilespmem:s0+$0x3C00] =	vst v0  }
0x34: {  	[tilespmem:s0+$0x3C10] =	vst v0  }
0x35: {  	[tilespmem:s0+$0x3C20] =	vst v0  }
0x36: {  	[tilespmem:s0+$0x3C30] =	vst v0  }
0x37: {  	[tilespmem:s0+$0x3C40] =	vst v0  }
0x38: {  	[tilespmem:s0+$0x3C50] =	vst v0  }
0x39: {  	[dreg:$0x11] =	wrdreg s30;
	[tilespmem:s0+$0x3C60] =	vst v0  }
0x3a: {  	[spmem:s28] =	stream.linear.scatter [tilespmem:s24], [sflag:$0x3], $0x3400, $0x38;
	[tilespmem:$0x1F480] =	vst v63  }
0x3b: {  	_ =	swait.ge [sflag:s13], $0x3400  }
0x3c: {  	[sflag:s13] =	ssyncset.done $0x0  }
0x3d: {  	s28 =	rddreg [dreg:$0x8];
	[sflag:s13] =	ssyncadd.s32 $0xFFFFCC00  }
0x3e: {  	[spmem:s28] =	stream.linear.scatter [tilespmem:s24], [sflag:$0x3], $0x3400, $0x38;
	[tilespmem:$0x1F480] =	vst v63  }
0x3f: {  	_ =	swait.ge [sflag:s13], $0x3400  }
0x40: {  	[sflag:s13] =	ssyncset.done $0x0  }
0x41: {  	s30 =	rddreg [dreg:$0x9];
	[sflag:s13] =	ssyncadd.s32 $0xFFFFCC00  }
0x42: {  	[spmem:s30] =	stream.linear.scatter [tilespmem:s24], [sflag:$0x3], $0x3400, $0x38;
	[tilespmem:$0x1F480] =	vst v63  }
0x43: {  	_ =	swait.ge [sflag:s13], $0x3400  }
0x44: {  	[sflag:s13] =	ssyncset.done $0x0  }
0x45: {  	s31 =	rddreg [dreg:$0xa];
	[sflag:s13] =	ssyncadd.s32 $0xFFFFCC00  }
0x46: {  	[spmem:s31] =	stream.linear.scatter [tilespmem:s24], [sflag:$0x3], $0x3400, $0x38;
	[tilespmem:$0x1F480] =	vst v63  }
0x47: {  	_ =	swait.ge [sflag:s13], $0x3400  }
0x48: {  	[sflag:s13] =	ssyncset.done $0x0  }
0x49: {  	s5 =	rddreg [dreg:$0xb];
	[sflag:s13] =	ssyncadd.s32 $0xFFFFCC00  }
0x4a: {  	[spmem:s5] =	stream.linear.scatter [tilespmem:s24], [sflag:$0x3], $0x3400, $0x38;
	[tilespmem:$0x1F480] =	vst v63  }
0x4b: {  	_ =	swait.ge [sflag:s13], $0x3400  }
0x4c: {  	[sflag:s13] =	ssyncset.done $0x0  }
0x4d: {  	s28 =	rddreg [dreg:$0xc];
	[sflag:s13] =	ssyncadd.s32 $0xFFFFCC00  }
0x4e: {  	[spmem:s28] =	stream.linear.scatter [tilespmem:s24], [sflag:$0x3], $0x3400, $0x38;
	[tilespmem:$0x1F480] =	vst v63  }
0x4f: {  	_ =	swait.ge [sflag:s13], $0x3400  }
0x50: {  	[sflag:s13] =	ssyncset.done $0x0  }
0x51: {  	s0 =	simm.s32 @!p0 $0x3C00;
	[sflag:s13] =	ssyncadd.s32 $0xFFFFCC00  }
0x52: {  	[spmem:s29] =	stream.linear.scatter @!p0 [tilespmem:s0], [sflag:$0x3], $0x800, $0x38;
	[tilespmem:$0x1F480] =	vst v63  }
0x53: {  	s0 =	simm.s32 @!p0 $0x3  }
0x54: {  	_ =	swait.ge @!p0 [sflag:s0], $0x800  }
0x55: {  	[sflag:s0] =	ssyncset.done @!p0 $0x0  }
0x56: {  	[sflag:s0] =	ssyncadd.s32 @!p0 $0xFFFFF800  }
0x57: {  	[bflag:$0x0] =	sbarrier.arrive $0xFFFF  }
0x58: {  	v18 =	vld [tilespmem:$0x0];
	_ =	sdelay $0x4  }
0x59: {  	v19 =	vshll.u32 v18, $0x1  }
0x5a: {  	v18 =	vand.u32 $0x7, v18;
	v19 =	vand.u32 $0xFFFFFFF0, v19  }
0x5b: {  	v18 =	vor.u32 v18, v19  }
0x5c: {  	v19 =	vperm.xlane v18, v3;
	_ =	sdelay $0x1  }
0x5d: {  	v20 =	vperm.xlane v18, v2;
	v19 =	vadd.s32 v4, v19;
	_ =	sdelay $0x1  }
0x5e: {  	v21 =	vperm.xlane v18, v5;
	v20 =	vadd.s32 v4, v20;
	_ =	sdelay $0x1  }
0x5f: {  	s13 =	simm.s32 $0x0;
	v22 =	vperm.xlane v18, v6;
	v21 =	vadd.s32 v4, v21  }
0x60: {  	[tilespmem:s24], [sflag:$0x1] =	stream.indirect_vreg.gather [hbm4b:s14+s13], $0x80, v19, vm0, $0xb8;
	[tilespmem:$0x1F480] =	vst v63  }
0x61: {  	s30 =	simm.s32 $0x3C80;
	v51 =	vperm.xlane v18, v7;
	v19 =	vadd.s32 v4, v22  }
0x62: {  	[tilespmem:s30], [sflag:$0x1] =	stream.indirect_vreg.gather [hbm4b:s14+s13], $0x80, v20, vm0, $0xb8;
	[tilespmem:$0x1F480] =	vst v63  }
0x63: {  	s31 =	simm.s32 $0x3D00;
	v53 =	vperm.xlane v18, v8;
	v52 =	vadd.s32 v4, v51  }
0x64: {  	[tilespmem:s31], [sflag:$0x1] =	stream.indirect_vreg.gather [hbm4b:s14+s13], $0x80, v21, vm0, $0xb8;
	[tilespmem:$0x1F480] =	vst v63  }
0x65: {  	s5 =	simm.s32 $0x3D80;
	v55 =	vperm.xlane v18, v9;
	v54 =	vadd.s32 v4, v53  }
0x66: {  	[tilespmem:s5], [sflag:$0x1] =	stream.indirect_vreg.gather [hbm4b:s14+s13], $0x80, v19, vm0, $0xb8;
	[tilespmem:$0x1F480] =	vst v63  }
0x67: {  	s28 =	simm.s32 $0x3E00;
	v56 =	vperm.xlane v18, v1;
	v19 =	vadd.s32 v4, v55  }
0x68: {  	[tilespmem:s28], [sflag:$0x1] =	stream.indirect_vreg.gather [hbm4b:s14+s13], $0x80, v52, vm0, $0xb8;
	[tilespmem:$0x1F480] =	vst v63  }
0x69: {  	s29 =	simm.s32 $0x3E80;
	v58 =	vperm.xlane v18, v10;
	v57 =	vadd.s32 v4, v56  }
0x6a: {  	[tilespmem:s29], [sflag:$0x1] =	stream.indirect_vreg.gather [hbm4b:s14+s13], $0x80, v54, vm0, $0xb8;
	[tilespmem:$0x1F480] =	vst v63  }
0x6b: {  	v60 =	vperm.xlane v18, v11;
	v59 =	vadd.s32 v4, v58;
	s30 =	simm.s32 $0x3F00  }
0x6c: {  	[tilespmem:s30], [sflag:$0x1] =	stream.indirect_vreg.gather [hbm4b:s14+s13], $0x80, v19, vm0, $0xb8;
	[tilespmem:$0x1F480] =	vst v63  }
0x6d: {  	v61 =	vperm.xlane v18, v12;
	s31 =	simm.s32 $0x3F80;
	v19 =	vadd.s32 v4, v60  }
0x6e: {  	[tilespmem:s31], [sflag:$0x1] =	stream.indirect_vreg.gather [hbm4b:s14+s13], $0x80, v57, vm0, $0xb8;
	[tilespmem:$0x1F480] =	vst v63  }
0x6f: {  	v63 =	vperm.xlane v18, v13;
	v62 =	vadd.s32 v4, v61;
	s5 =	simm.s32 $0x4000  }
0x70: {  	[tilespmem:s5], [sflag:$0x1] =	stream.indirect_vreg.gather [hbm4b:s14+s13], $0x80, v59, vm0, $0xb8;
	[tilespmem:$0x1F480] =	vst v63  }
0x71: {  	v25 =	vperm.xlane v18, v14;
	v24 =	vadd.s32 v4, v63;
	s28 =	simm.s32 $0x4080  }
0x72: {  	[tilespmem:s28], [sflag:$0x1] =	stream.indirect_vreg.gather [hbm4b:s14+s13], $0x80, v19, vm0, $0xb8;
	[tilespmem:$0x1F480] =	vst v63  }
0x73: {  	v26 =	vperm.xlane v18, v15;
	s29 =	simm.s32 $0x4100;
	v19 =	vadd.s32 v4, v25  }
0x74: {  	[tilespmem:s29], [sflag:$0x1] =	stream.indirect_vreg.gather [hbm4b:s14+s13], $0x80, v62, vm0, $0xb8;
	[tilespmem:$0x1F480] =	vst v63  }
0x75: {  	v28 =	vperm.xlane v18, v16;
	v27 =	vadd.s32 v4, v26;
	s30 =	simm.s32 $0x4180  }
0x76: {  	[tilespmem:s30], [sflag:$0x1] =	stream.indirect_vreg.gather [hbm4b:s14+s13], $0x80, v24, vm0, $0xb8;
	[tilespmem:$0x1F480] =	vst v63  }
0x77: {  	v18 =	vperm.xlane v18, v17;
	v29 =	vadd.s32 v4, v28;
	s31 =	simm.s32 $0x4200  }
0x78: {  	[tilespmem:s31], [sflag:$0x1] =	stream.indirect_vreg.gather [hbm4b:s14+s13], $0x80, v19, vm0, $0xb8;
	[tilespmem:$0x1F480] =	vst v63  }
0x79: {  	v18 =	vadd.s32 v4, v18;
	s5 =	simm.s32 $0x4280  }
0x7a: {  	[tilespmem:s5], [sflag:$0x1] =	stream.indirect_vreg.gather [hbm4b:s14+s13], $0x80, v27, vm0, $0xb8;
	[tilespmem:$0x1F480] =	vst v63  }
0x7b: {  	s28 =	simm.s32 $0x4300  }
0x7c: {  	[tilespmem:s28], [sflag:$0x1] =	stream.indirect_vreg.gather [hbm4b:s14+s13], $0x80, v29, vm0, $0xb8;
	[tilespmem:$0x1F480] =	vst v63  }
0x7d: {  	s29 =	simm.s32 $0x4380  }
0x7e: {  	[tilespmem:s29], [sflag:$0x1] =	stream.indirect_vreg.gather [hbm4b:s14+s13], $0x80, v18, vm0, $0xb8;
	[tilespmem:$0x1F480] =	vst v63  }
0x7f: {  	v18 =	vld [tilespmem:$0x10];
	_ =	sdelay $0x4  }
0x80: {  	v19 =	vshll.u32 v18, $0x1  }
0x81: {  	v18 =	vand.u32 $0x7, v18;
	v19 =	vand.u32 $0xFFFFFFF0, v19  }
0x82: {  	v18 =	vor.u32 v18, v19  }
0x83: {  	v19 =	vperm.xlane v18, v3;
	_ =	sdelay $0x1  }
0x84: {  	v30 =	vperm.xlane v18, v2;
	v19 =	vadd.s32 v4, v19;
	_ =	sdelay $0x1  }
0x85: {  	v31 =	vperm.xlane v18, v5;
	v20 =	vadd.s32 v4, v30;
	_ =	sdelay $0x1  }
0x86: {  	s30 =	simm.s32 $0x4400;
	v32 =	vperm.xlane v18, v6;
	v21 =	vadd.s32 v4, v31  }
0x87: {  	[tilespmem:s30], [sflag:$0x1] =	stream.indirect_vreg.gather [hbm4b:s14+s13], $0x80, v19, vm0, $0xb8;
	[tilespmem:$0x1F480] =	vst v63  }
0x88: {  	s31 =	simm.s32 $0x4480;
	v33 =	vperm.xlane v18, v7;
	v19 =	vadd.s32 v4, v32  }
0x89: {  	[tilespmem:s31], [sflag:$0x1] =	stream.indirect_vreg.gather [hbm4b:s14+s13], $0x80, v20, vm0, $0xb8;
	[tilespmem:$0x1F480] =	vst v63  }
0x8a: {  	s5 =	simm.s32 $0x4500;
	v35 =	vperm.xlane v18, v8;
	v34 =	vadd.s32 v4, v33  }
0x8b: {  	[tilespmem:s5], [sflag:$0x1] =	stream.indirect_vreg.gather [hbm4b:s14+s13], $0x80, v21, vm0, $0xb8;
	[tilespmem:$0x1F480] =	vst v63  }
0x8c: {  	s28 =	simm.s32 $0x4580;
	v37 =	vperm.xlane v18, v9;
	v36 =	vadd.s32 v4, v35  }
0x8d: {  	[tilespmem:s28], [sflag:$0x1] =	stream.indirect_vreg.gather [hbm4b:s14+s13], $0x80, v19, vm0, $0xb8;
	[tilespmem:$0x1F480] =	vst v63  }
0x8e: {  	s29 =	simm.s32 $0x4600;
	v38 =	vperm.xlane v18, v1;
	v19 =	vadd.s32 v4, v37  }
0x8f: {  	[tilespmem:s29], [sflag:$0x1] =	stream.indirect_vreg.gather [hbm4b:s14+s13], $0x80, v34, vm0, $0xb8;
	[tilespmem:$0x1F480] =	vst v63  }
0x90: {  	v40 =	vperm.xlane v18, v10;
	v39 =	vadd.s32 v4, v38;
	s30 =	simm.s32 $0x4680  }
0x91: {  	[tilespmem:s30], [sflag:$0x1] =	stream.indirect_vreg.gather [hbm4b:s14+s13], $0x80, v36, vm0, $0xb8;
	[tilespmem:$0x1F480] =	vst v63  }
0x92: {  	v42 =	vperm.xlane v18, v11;
	v41 =	vadd.s32 v4, v40;
	s31 =	simm.s32 $0x4700  }
0x93: {  	[tilespmem:s31], [sflag:$0x1] =	stream.indirect_vreg.gather [hbm4b:s14+s13], $0x80, v19, vm0, $0xb8;
	[tilespmem:$0x1F480] =	vst v63  }
0x94: {  	v43 =	vperm.xlane v18, v12;
	s5 =	simm.s32 $0x4780;
	v19 =	vadd.s32 v4, v42  }
0x95: {  	[tilespmem:s5], [sflag:$0x1] =	stream.indirect_vreg.gather [hbm4b:s14+s13], $0x80, v39, vm0, $0xb8;
	[tilespmem:$0x1F480] =	vst v63  }
0x96: {  	v45 =	vperm.xlane v18, v13;
	v44 =	vadd.s32 v4, v43;
	s28 =	simm.s32 $0x4800  }
0x97: {  	[tilespmem:s28], [sflag:$0x1] =	stream.indirect_vreg.gather [hbm4b:s14+s13], $0x80, v41, vm0, $0xb8;
	[tilespmem:$0x1F480] =	vst v63  }
0x98: {  	v47 =	vperm.xlane v18, v14;
	v46 =	vadd.s32 v4, v45;
	s29 =	simm.s32 $0x4880  }
0x99: {  	[tilespmem:s29], [sflag:$0x1] =	stream.indirect_vreg.gather [hbm4b:s14+s13], $0x80, v19, vm0, $0xb8;
	[tilespmem:$0x1F480] =	vst v63  }
0x9a: {  	v48 =	vperm.xlane v18, v15;
	s30 =	simm.s32 $0x4900;
	v19 =	vadd.s32 v4, v47  }
0x9b: {  	[tilespmem:s30], [sflag:$0x1] =	stream.indirect_vreg.gather [hbm4b:s14+s13], $0x80, v44, vm0, $0xb8;
	[tilespmem:$0x1F480] =	vst v63  }
0x9c: {  	v50 =	vperm.xlane v18, v16;
	v49 =	vadd.s32 v4, v48;
	s31 =	simm.s32 $0x4980  }
0x9d: {  	[tilespmem:s31], [sflag:$0x1] =	stream.indirect_vreg.gather [hbm4b:s14+s13], $0x80, v46, vm0, $0xb8;
	[tilespmem:$0x1F480] =	vst v63  }
0x9e: {  	v18 =	vperm.xlane v18, v17;
	v51 =	vadd.s32 v4, v50;
	s5 =	simm.s32 $0x4A00  }
0x9f: {  	[tilespmem:s5], [sflag:$0x1] =	stream.indirect_vreg.gather [hbm4b:s14+s13], $0x80, v19, vm0, $0xb8;
	[tilespmem:$0x1F480] =	vst v63  }
0xa0: {  	v18 =	vadd.s32 v4, v18;
	s28 =	simm.s32 $0x4A80  }
0xa1: {  	[tilespmem:s28], [sflag:$0x1] =	stream.indirect_vreg.gather [hbm4b:s14+s13], $0x80, v49, vm0, $0xb8;
	[tilespmem:$0x1F480] =	vst v63  }
0xa2: {  	s29 =	simm.s32 $0x4B00  }
0xa3: {  	[tilespmem:s29], [sflag:$0x1] =	stream.indirect_vreg.gather [hbm4b:s14+s13], $0x80, v51, vm0, $0xb8;
	[tilespmem:$0x1F480] =	vst v63  }
0xa4: {  	s30 =	simm.s32 $0x4B80  }
0xa5: {  	[tilespmem:s30], [sflag:$0x1] =	stream.indirect_vreg.gather [hbm4b:s14+s13], $0x80, v18, vm0, $0xb8;
	[tilespmem:$0x1F480] =	vst v63  }
0xa6: {  	v18 =	vld [tilespmem:$0x20];
	_ =	sdelay $0x4  }
0xa7: {  	v19 =	vshll.u32 v18, $0x1  }
0xa8: {  	v18 =	vand.u32 $0x7, v18;
	v19 =	vand.u32 $0xFFFFFFF0, v19  }
0xa9: {  	v18 =	vor.u32 v18, v19  }
0xaa: {  	v19 =	vperm.xlane v18, v3;
	_ =	sdelay $0x1  }
0xab: {  	v52 =	vperm.xlane v18, v2;
	v19 =	vadd.s32 v4, v19;
	_ =	sdelay $0x1  }
0xac: {  	v53 =	vperm.xlane v18, v5;
	v20 =	vadd.s32 v4, v52;
	_ =	sdelay $0x1  }
0xad: {  	s31 =	simm.s32 $0x4C00;
	v54 =	vperm.xlane v18, v6;
	v21 =	vadd.s32 v4, v53  }
0xae: {  	[tilespmem:s31], [sflag:$0x1] =	stream.indirect_vreg.gather [hbm4b:s14+s13], $0x80, v19, vm0, $0xb8;
	[tilespmem:$0x1F480] =	vst v63  }
0xaf: {  	s5 =	simm.s32 $0x4C80;
	v55 =	vperm.xlane v18, v7;
	v19 =	vadd.s32 v4, v54  }
0xb0: {  	[tilespmem:s5], [sflag:$0x1] =	stream.indirect_vreg.gather [hbm4b:s14+s13], $0x80, v20, vm0, $0xb8;
	[tilespmem:$0x1F480] =	vst v63  }
0xb1: {  	s28 =	simm.s32 $0x4D00;
	v57 =	vperm.xlane v18, v8;
	v56 =	vadd.s32 v4, v55  }
0xb2: {  	[tilespmem:s28], [sflag:$0x1] =	stream.indirect_vreg.gather [hbm4b:s14+s13], $0x80, v21, vm0, $0xb8;
	[tilespmem:$0x1F480] =	vst v63  }
0xb3: {  	s29 =	simm.s32 $0x4D80;
	v59 =	vperm.xlane v18, v9;
	v58 =	vadd.s32 v4, v57  }
0xb4: {  	[tilespmem:s29], [sflag:$0x1] =	stream.indirect_vreg.gather [hbm4b:s14+s13], $0x80, v19, vm0, $0xb8;
	[tilespmem:$0x1F480] =	vst v63  }
0xb5: {  	s30 =	simm.s32 $0x4E00;
	v60 =	vperm.xlane v18, v1;
	v19 =	vadd.s32 v4, v59  }
0xb6: {  	[tilespmem:s30], [sflag:$0x1] =	stream.indirect_vreg.gather [hbm4b:s14+s13], $0x80, v56, vm0, $0xb8;
	[tilespmem:$0x1F480] =	vst v63  }
0xb7: {  	v62 =	vperm.xlane v18, v10;
	v61 =	vadd.s32 v4, v60;
	s31 =	simm.s32 $0x4E80  }
0xb8: {  	[tilespmem:s31], [sflag:$0x1] =	stream.indirect_vreg.gather [hbm4b:s14+s13], $0x80, v58, vm0, $0xb8;
	[tilespmem:$0x1F480] =	vst v63  }
0xb9: {  	v24 =	vperm.xlane v18, v11;
	v63 =	vadd.s32 v4, v62;
	s5 =	simm.s32 $0x4F00  }
0xba: {  	[tilespmem:s5], [sflag:$0x1] =	stream.indirect_vreg.gather [hbm4b:s14+s13], $0x80, v19, vm0, $0xb8;
	[tilespmem:$0x1F480] =	vst v63  }
0xbb: {  	v25 =	vperm.xlane v18, v12;
	s28 =	simm.s32 $0x4F80;
	v19 =	vadd.s32 v4, v24  }
0xbc: {  	[tilespmem:s28], [sflag:$0x1] =	stream.indirect_vreg.gather [hbm4b:s14+s13], $0x80, v61, vm0, $0xb8;
	[tilespmem:$0x1F480] =	vst v63  }
0xbd: {  	v27 =	vperm.xlane v18, v13;
	v26 =	vadd.s32 v4, v25;
	s29 =	simm.s32 $0x5000  }
0xbe: {  	[tilespmem:s29], [sflag:$0x1] =	stream.indirect_vreg.gather [hbm4b:s14+s13], $0x80, v63, vm0, $0xb8;
	[tilespmem:$0x1F480] =	vst v63  }
0xbf: {  	v29 =	vperm.xlane v18, v14;
	v28 =	vadd.s32 v4, v27;
	s30 =	simm.s32 $0x5080  }
0xc0: {  	[tilespmem:s30], [sflag:$0x1] =	stream.indirect_vreg.gather [hbm4b:s14+s13], $0x80, v19, vm0, $0xb8;
	[tilespmem:$0x1F480] =	vst v63  }
0xc1: {  	v30 =	vperm.xlane v18, v15;
	s31 =	simm.s32 $0x5100;
	v19 =	vadd.s32 v4, v29  }
0xc2: {  	[tilespmem:s31], [sflag:$0x1] =	stream.indirect_vreg.gather [hbm4b:s14+s13], $0x80, v26, vm0, $0xb8;
	[tilespmem:$0x1F480] =	vst v63  }
0xc3: {  	v32 =	vperm.xlane v18, v16;
	v31 =	vadd.s32 v4, v30;
	s5 =	simm.s32 $0x5180  }
0xc4: {  	[tilespmem:s5], [sflag:$0x1] =	stream.indirect_vreg.gather [hbm4b:s14+s13], $0x80, v28, vm0, $0xb8;
	[tilespmem:$0x1F480] =	vst v63  }
0xc5: {  	v18 =	vperm.xlane v18, v17;
	v33 =	vadd.s32 v4, v32;
	s28 =	simm.s32 $0x5200  }
0xc6: {  	[tilespmem:s28], [sflag:$0x1] =	stream.indirect_vreg.gather [hbm4b:s14+s13], $0x80, v19, vm0, $0xb8;
	[tilespmem:$0x1F480] =	vst v63  }
0xc7: {  	v18 =	vadd.s32 v4, v18;
	s29 =	simm.s32 $0x5280  }
0xc8: {  	[tilespmem:s29], [sflag:$0x1] =	stream.indirect_vreg.gather [hbm4b:s14+s13], $0x80, v31, vm0, $0xb8;
	[tilespmem:$0x1F480] =	vst v63  }
0xc9: {  	s30 =	simm.s32 $0x5300  }
0xca: {  	[tilespmem:s30], [sflag:$0x1] =	stream.indirect_vreg.gather [hbm4b:s14+s13], $0x80, v33, vm0, $0xb8;
	[tilespmem:$0x1F480] =	vst v63  }
0xcb: {  	s31 =	simm.s32 $0x5380  }
0xcc: {  	[tilespmem:s31], [sflag:$0x1] =	stream.indirect_vreg.gather [hbm4b:s14+s13], $0x80, v18, vm0, $0xb8;
	[tilespmem:$0x1F480] =	vst v63  }
0xcd: {  	v18 =	vld [tilespmem:$0x30];
	_ =	sdelay $0x4  }
0xce: {  	v19 =	vshll.u32 v18, $0x1  }
0xcf: {  	v18 =	vand.u32 $0x7, v18;
	v19 =	vand.u32 $0xFFFFFFF0, v19  }
0xd0: {  	v18 =	vor.u32 v18, v19  }
0xd1: {  	v19 =	vperm.xlane v18, v3;
	_ =	sdelay $0x1  }
0xd2: {  	v34 =	vperm.xlane v18, v2;
	v19 =	vadd.s32 v4, v19;
	_ =	sdelay $0x1  }
0xd3: {  	v35 =	vperm.xlane v18, v5;
	v20 =	vadd.s32 v4, v34;
	_ =	sdelay $0x1  }
0xd4: {  	s5 =	simm.s32 $0x5400;
	v36 =	vperm.xlane v18, v6;
	v21 =	vadd.s32 v4, v35  }
0xd5: {  	[tilespmem:s5], [sflag:$0x1] =	stream.indirect_vreg.gather [hbm4b:s14+s13], $0x80, v19, vm0, $0xb8;
	[tilespmem:$0x1F480] =	vst v63  }
0xd6: {  	s28 =	simm.s32 $0x5480;
	v37 =	vperm.xlane v18, v7;
	v19 =	vadd.s32 v4, v36  }
0xd7: {  	[tilespmem:s28], [sflag:$0x1] =	stream.indirect_vreg.gather [hbm4b:s14+s13], $0x80, v20, vm0, $0xb8;
	[tilespmem:$0x1F480] =	vst v63  }
0xd8: {  	s29 =	simm.s32 $0x5500;
	v39 =	vperm.xlane v18, v8;
	v38 =	vadd.s32 v4, v37  }
0xd9: {  	[tilespmem:s29], [sflag:$0x1] =	stream.indirect_vreg.gather [hbm4b:s14+s13], $0x80, v21, vm0, $0xb8;
	[tilespmem:$0x1F480] =	vst v63  }
0xda: {  	s30 =	simm.s32 $0x5580;
	v41 =	vperm.xlane v18, v9;
	v40 =	vadd.s32 v4, v39  }
0xdb: {  	[tilespmem:s30], [sflag:$0x1] =	stream.indirect_vreg.gather [hbm4b:s14+s13], $0x80, v19, vm0, $0xb8;
	[tilespmem:$0x1F480] =	vst v63  }
0xdc: {  	s31 =	simm.s32 $0x5600;
	v42 =	vperm.xlane v18, v1;
	v19 =	vadd.s32 v4, v41  }
0xdd: {  	[tilespmem:s31], [sflag:$0x1] =	stream.indirect_vreg.gather [hbm4b:s14+s13], $0x80, v38, vm0, $0xb8;
	[tilespmem:$0x1F480] =	vst v63  }
0xde: {  	v44 =	vperm.xlane v18, v10;
	v43 =	vadd.s32 v4, v42;
	s5 =	simm.s32 $0x5680  }
0xdf: {  	[tilespmem:s5], [sflag:$0x1] =	stream.indirect_vreg.gather [hbm4b:s14+s13], $0x80, v40, vm0, $0xb8;
	[tilespmem:$0x1F480] =	vst v63  }
0xe0: {  	v46 =	vperm.xlane v18, v11;
	v45 =	vadd.s32 v4, v44;
	s28 =	simm.s32 $0x5700  }
0xe1: {  	[tilespmem:s28], [sflag:$0x1] =	stream.indirect_vreg.gather [hbm4b:s14+s13], $0x80, v19, vm0, $0xb8;
	[tilespmem:$0x1F480] =	vst v63  }
0xe2: {  	v47 =	vperm.xlane v18, v12;
	s29 =	simm.s32 $0x5780;
	v19 =	vadd.s32 v4, v46  }
0xe3: {  	[tilespmem:s29], [sflag:$0x1] =	stream.indirect_vreg.gather [hbm4b:s14+s13], $0x80, v43, vm0, $0xb8;
	[tilespmem:$0x1F480] =	vst v63  }
0xe4: {  	v49 =	vperm.xlane v18, v13;
	v48 =	vadd.s32 v4, v47;
	s30 =	simm.s32 $0x5800  }
0xe5: {  	[tilespmem:s30], [sflag:$0x1] =	stream.indirect_vreg.gather [hbm4b:s14+s13], $0x80, v45, vm0, $0xb8;
	[tilespmem:$0x1F480] =	vst v63  }
0xe6: {  	v51 =	vperm.xlane v18, v14;
	v50 =	vadd.s32 v4, v49;
	s31 =	simm.s32 $0x5880  }
0xe7: {  	[tilespmem:s31], [sflag:$0x1] =	stream.indirect_vreg.gather [hbm4b:s14+s13], $0x80, v19, vm0, $0xb8;
	[tilespmem:$0x1F480] =	vst v63  }
0xe8: {  	v52 =	vperm.xlane v18, v15;
	s5 =	simm.s32 $0x5900;
	v19 =	vadd.s32 v4, v51  }
0xe9: {  	[tilespmem:s5], [sflag:$0x1] =	stream.indirect_vreg.gather [hbm4b:s14+s13], $0x80, v48, vm0, $0xb8;
	[tilespmem:$0x1F480] =	vst v63  }
0xea: {  	v54 =	vperm.xlane v18, v16;
	v53 =	vadd.s32 v4, v52;
	s28 =	simm.s32 $0x5980  }
0xeb: {  	[tilespmem:s28], [sflag:$0x1] =	stream.indirect_vreg.gather [hbm4b:s14+s13], $0x80, v50, vm0, $0xb8;
	[tilespmem:$0x1F480] =	vst v63  }
0xec: {  	v18 =	vperm.xlane v18, v17;
	v55 =	vadd.s32 v4, v54;
	s29 =	simm.s32 $0x5A00  }
0xed: {  	[tilespmem:s29], [sflag:$0x1] =	stream.indirect_vreg.gather [hbm4b:s14+s13], $0x80, v19, vm0, $0xb8;
	[tilespmem:$0x1F480] =	vst v63  }
0xee: {  	v18 =	vadd.s32 v4, v18;
	s30 =	simm.s32 $0x5A80  }
0xef: {  	[tilespmem:s30], [sflag:$0x1] =	stream.indirect_vreg.gather [hbm4b:s14+s13], $0x80, v53, vm0, $0xb8;
	[tilespmem:$0x1F480] =	vst v63  }
0xf0: {  	s31 =	simm.s32 $0x5B00  }
0xf1: {  	[tilespmem:s31], [sflag:$0x1] =	stream.indirect_vreg.gather [hbm4b:s14+s13], $0x80, v55, vm0, $0xb8;
	[tilespmem:$0x1F480] =	vst v63  }
0xf2: {  	s5 =	simm.s32 $0x5B80  }
0xf3: {  	[tilespmem:s5], [sflag:$0x1] =	stream.indirect_vreg.gather [hbm4b:s14+s13], $0x80, v18, vm0, $0xb8;
	[tilespmem:$0x1F480] =	vst v63  }
0xf4: {  	v18 =	vld [tilespmem:$0x40];
	_ =	sdelay $0x4  }
0xf5: {  	v19 =	vshll.u32 v18, $0x1  }
0xf6: {  	v18 =	vand.u32 $0x7, v18;
	v19 =	vand.u32 $0xFFFFFFF0, v19  }
0xf7: {  	v18 =	vor.u32 v18, v19  }
0xf8: {  	v19 =	vperm.xlane v18, v3;
	_ =	sdelay $0x1  }
0xf9: {  	v56 =	vperm.xlane v18, v2;
	v19 =	vadd.s32 v4, v19;
	_ =	sdelay $0x1  }
0xfa: {  	v57 =	vperm.xlane v18, v5;
	v20 =	vadd.s32 v4, v56;
	_ =	sdelay $0x1  }
0xfb: {  	s28 =	simm.s32 $0x5C00;
	v58 =	vperm.xlane v18, v6;
	v21 =	vadd.s32 v4, v57  }
0xfc: {  	[tilespmem:s28], [sflag:$0x1] =	stream.indirect_vreg.gather [hbm4b:s14+s13], $0x80, v19, vm0, $0xb8;
	[tilespmem:$0x1F480] =	vst v63  }
0xfd: {  	s29 =	simm.s32 $0x5C80;
	v59 =	vperm.xlane v18, v7;
	v19 =	vadd.s32 v4, v58  }
0xfe: {  	[tilespmem:s29], [sflag:$0x1] =	stream.indirect_vreg.gather [hbm4b:s14+s13], $0x80, v20, vm0, $0xb8;
	[tilespmem:$0x1F480] =	vst v63  }
0xff: {  	s30 =	simm.s32 $0x5D00;
	v61 =	vperm.xlane v18, v8;
	v60 =	vadd.s32 v4, v59  }
0x100: {  	[tilespmem:s30], [sflag:$0x1] =	stream.indirect_vreg.gather [hbm4b:s14+s13], $0x80, v21, vm0, $0xb8;
	[tilespmem:$0x1F480] =	vst v63  }
0x101: {  	s31 =	simm.s32 $0x5D80;
	v63 =	vperm.xlane v18, v9;
	v62 =	vadd.s32 v4, v61  }
0x102: {  	[tilespmem:s31], [sflag:$0x1] =	stream.indirect_vreg.gather [hbm4b:s14+s13], $0x80, v19, vm0, $0xb8;
	[tilespmem:$0x1F480] =	vst v63  }
0x103: {  	s5 =	simm.s32 $0x5E00;
	v24 =	vperm.xlane v18, v1;
	v19 =	vadd.s32 v4, v63  }
0x104: {  	[tilespmem:s5], [sflag:$0x1] =	stream.indirect_vreg.gather [hbm4b:s14+s13], $0x80, v60, vm0, $0xb8;
	[tilespmem:$0x1F480] =	vst v63  }
0x105: {  	v26 =	vperm.xlane v18, v10;
	v25 =	vadd.s32 v4, v24;
	s28 =	simm.s32 $0x5E80  }
0x106: {  	[tilespmem:s28], [sflag:$0x1] =	stream.indirect_vreg.gather [hbm4b:s14+s13], $0x80, v62, vm0, $0xb8;
	[tilespmem:$0x1F480] =	vst v63  }
0x107: {  	v28 =	vperm.xlane v18, v11;
	v27 =	vadd.s32 v4, v26;
	s29 =	simm.s32 $0x5F00  }
0x108: {  	[tilespmem:s29], [sflag:$0x1] =	stream.indirect_vreg.gather [hbm4b:s14+s13], $0x80, v19, vm0, $0xb8;
	[tilespmem:$0x1F480] =	vst v63  }
0x109: {  	v29 =	vperm.xlane v18, v12;
	s30 =	simm.s32 $0x5F80;
	v19 =	vadd.s32 v4, v28  }
0x10a: {  	[tilespmem:s30], [sflag:$0x1] =	stream.indirect_vreg.gather [hbm4b:s14+s13], $0x80, v25, vm0, $0xb8;
	[tilespmem:$0x1F480] =	vst v63  }
0x10b: {  	v31 =	vperm.xlane v18, v13;
	v30 =	vadd.s32 v4, v29;
	s31 =	simm.s32 $0x6000  }
0x10c: {  	[tilespmem:s31], [sflag:$0x1] =	stream.indirect_vreg.gather [hbm4b:s14+s13], $0x80, v27, vm0, $0xb8;
	[tilespmem:$0x1F480] =	vst v63  }
0x10d: {  	v33 =	vperm.xlane v18, v14;
	v32 =	vadd.s32 v4, v31;
	s5 =	simm.s32 $0x6080  }
0x10e: {  	[tilespmem:s5], [sflag:$0x1] =	stream.indirect_vreg.gather [hbm4b:s14+s13], $0x80, v19, vm0, $0xb8;
	[tilespmem:$0x1F480] =	vst v63  }
0x10f: {  	v34 =	vperm.xlane v18, v15;
	s28 =	simm.s32 $0x6100;
	v19 =	vadd.s32 v4, v33  }
0x110: {  	[tilespmem:s28], [sflag:$0x1] =	stream.indirect_vreg.gather [hbm4b:s14+s13], $0x80, v30, vm0, $0xb8;
	[tilespmem:$0x1F480] =	vst v63  }
0x111: {  	v36 =	vperm.xlane v18, v16;
	v35 =	vadd.s32 v4, v34;
	s29 =	simm.s32 $0x6180  }
0x112: {  	[tilespmem:s29], [sflag:$0x1] =	stream.indirect_vreg.gather [hbm4b:s14+s13], $0x80, v32, vm0, $0xb8;
	[tilespmem:$0x1F480] =	vst v63  }
0x113: {  	v18 =	vperm.xlane v18, v17;
	v37 =	vadd.s32 v4, v36;
	s30 =	simm.s32 $0x6200  }
0x114: {  	[tilespmem:s30], [sflag:$0x1] =	stream.indirect_vreg.gather [hbm4b:s14+s13], $0x80, v19, vm0, $0xb8;
	[tilespmem:$0x1F480] =	vst v63  }
0x115: {  	v18 =	vadd.s32 v4, v18;
	s31 =	simm.s32 $0x6280  }
0x116: {  	[tilespmem:s31], [sflag:$0x1] =	stream.indirect_vreg.gather [hbm4b:s14+s13], $0x80, v35, vm0, $0xb8;
	[tilespmem:$0x1F480] =	vst v63  }
0x117: {  	s5 =	simm.s32 $0x6300  }
0x118: {  	[tilespmem:s5], [sflag:$0x1] =	stream.indirect_vreg.gather [hbm4b:s14+s13], $0x80, v37, vm0, $0xb8;
	[tilespmem:$0x1F480] =	vst v63  }
0x119: {  	s28 =	simm.s32 $0x6380  }
0x11a: {  	[tilespmem:s28], [sflag:$0x1] =	stream.indirect_vreg.gather [hbm4b:s14+s13], $0x80, v18, vm0, $0xb8;
	[tilespmem:$0x1F480] =	vst v63  }
0x11b: {  	v18 =	vld [tilespmem:$0x50];
	_ =	sdelay $0x4  }
0x11c: {  	v19 =	vshll.u32 v18, $0x1  }
0x11d: {  	v18 =	vand.u32 $0x7, v18;
	v19 =	vand.u32 $0xFFFFFFF0, v19  }
0x11e: {  	v18 =	vor.u32 v18, v19  }
0x11f: {  	v19 =	vperm.xlane v18, v3;
	_ =	sdelay $0x1  }
0x120: {  	v38 =	vperm.xlane v18, v2;
	v19 =	vadd.s32 v4, v19;
	_ =	sdelay $0x1  }
0x121: {  	v39 =	vperm.xlane v18, v5;
	v20 =	vadd.s32 v4, v38;
	_ =	sdelay $0x1  }
0x122: {  	s29 =	simm.s32 $0x6400;
	v40 =	vperm.xlane v18, v6;
	v21 =	vadd.s32 v4, v39  }
0x123: {  	[tilespmem:s29], [sflag:$0x1] =	stream.indirect_vreg.gather [hbm4b:s14+s13], $0x80, v19, vm0, $0xb8;
	[tilespmem:$0x1F480] =	vst v63  }
0x124: {  	s30 =	simm.s32 $0x6480;
	v41 =	vperm.xlane v18, v7;
	v19 =	vadd.s32 v4, v40  }
0x125: {  	[tilespmem:s30], [sflag:$0x1] =	stream.indirect_vreg.gather [hbm4b:s14+s13], $0x80, v20, vm0, $0xb8;
	[tilespmem:$0x1F480] =	vst v63  }
0x126: {  	s31 =	simm.s32 $0x6500;
	v43 =	vperm.xlane v18, v8;
	v42 =	vadd.s32 v4, v41  }
0x127: {  	[tilespmem:s31], [sflag:$0x1] =	stream.indirect_vreg.gather [hbm4b:s14+s13], $0x80, v21, vm0, $0xb8;
	[tilespmem:$0x1F480] =	vst v63  }
0x128: {  	s5 =	simm.s32 $0x6580;
	v45 =	vperm.xlane v18, v9;
	v44 =	vadd.s32 v4, v43  }
0x129: {  	[tilespmem:s5], [sflag:$0x1] =	stream.indirect_vreg.gather [hbm4b:s14+s13], $0x80, v19, vm0, $0xb8;
	[tilespmem:$0x1F480] =	vst v63  }
0x12a: {  	s28 =	simm.s32 $0x6600;
	v46 =	vperm.xlane v18, v1;
	v19 =	vadd.s32 v4, v45  }
0x12b: {  	[tilespmem:s28], [sflag:$0x1] =	stream.indirect_vreg.gather [hbm4b:s14+s13], $0x80, v42, vm0, $0xb8;
	[tilespmem:$0x1F480] =	vst v63  }
0x12c: {  	v48 =	vperm.xlane v18, v10;
	v47 =	vadd.s32 v4, v46;
	s29 =	simm.s32 $0x6680  }
0x12d: {  	[tilespmem:s29], [sflag:$0x1] =	stream.indirect_vreg.gather [hbm4b:s14+s13], $0x80, v44, vm0, $0xb8;
	[tilespmem:$0x1F480] =	vst v63  }
0x12e: {  	v50 =	vperm.xlane v18, v11;
	v49 =	vadd.s32 v4, v48;
	s30 =	simm.s32 $0x6700  }
0x12f: {  	[tilespmem:s30], [sflag:$0x1] =	stream.indirect_vreg.gather [hbm4b:s14+s13], $0x80, v19, vm0, $0xb8;
	[tilespmem:$0x1F480] =	vst v63  }
0x130: {  	v51 =	vperm.xlane v18, v12;
	s31 =	simm.s32 $0x6780;
	v19 =	vadd.s32 v4, v50  }
0x131: {  	[tilespmem:s31], [sflag:$0x1] =	stream.indirect_vreg.gather [hbm4b:s14+s13], $0x80, v47, vm0, $0xb8;
	[tilespmem:$0x1F480] =	vst v63  }
0x132: {  	v53 =	vperm.xlane v18, v13;
	v52 =	vadd.s32 v4, v51;
	s5 =	simm.s32 $0x6800  }
0x133: {  	[tilespmem:s5], [sflag:$0x1] =	stream.indirect_vreg.gather [hbm4b:s14+s13], $0x80, v49, vm0, $0xb8;
	[tilespmem:$0x1F480] =	vst v63  }
0x134: {  	v55 =	vperm.xlane v18, v14;
	v54 =	vadd.s32 v4, v53;
	s28 =	simm.s32 $0x6880  }
0x135: {  	[tilespmem:s28], [sflag:$0x1] =	stream.indirect_vreg.gather [hbm4b:s14+s13], $0x80, v19, vm0, $0xb8;
	[tilespmem:$0x1F480] =	vst v63  }
0x136: {  	v56 =	vperm.xlane v18, v15;
	s29 =	simm.s32 $0x6900;
	v19 =	vadd.s32 v4, v55  }
0x137: {  	[tilespmem:s29], [sflag:$0x1] =	stream.indirect_vreg.gather [hbm4b:s14+s13], $0x80, v52, vm0, $0xb8;
	[tilespmem:$0x1F480] =	vst v63  }
0x138: {  	v58 =	vperm.xlane v18, v16;
	v57 =	vadd.s32 v4, v56;
	s30 =	simm.s32 $0x6980  }
0x139: {  	[tilespmem:s30], [sflag:$0x1] =	stream.indirect_vreg.gather [hbm4b:s14+s13], $0x80, v54, vm0, $0xb8;
	[tilespmem:$0x1F480] =	vst v63  }
0x13a: {  	v18 =	vperm.xlane v18, v17;
	v59 =	vadd.s32 v4, v58;
	s31 =	simm.s32 $0x6A00  }
0x13b: {  	[tilespmem:s31], [sflag:$0x1] =	stream.indirect_vreg.gather [hbm4b:s14+s13], $0x80, v19, vm0, $0xb8;
	[tilespmem:$0x1F480] =	vst v63  }
0x13c: {  	v18 =	vadd.s32 v4, v18;
	s5 =	simm.s32 $0x6A80  }
0x13d: {  	[tilespmem:s5], [sflag:$0x1] =	stream.indirect_vreg.gather [hbm4b:s14+s13], $0x80, v57, vm0, $0xb8;
	[tilespmem:$0x1F480] =	vst v63  }
0x13e: {  	s28 =	simm.s32 $0x6B00  }
0x13f: {  	[tilespmem:s28], [sflag:$0x1] =	stream.indirect_vreg.gather [hbm4b:s14+s13], $0x80, v59, vm0, $0xb8;
	[tilespmem:$0x1F480] =	vst v63  }
0x140: {  	s29 =	simm.s32 $0x6B80  }
0x141: {  	[tilespmem:s29], [sflag:$0x1] =	stream.indirect_vreg.gather [hbm4b:s14+s13], $0x80, v18, vm0, $0xb8;
	[tilespmem:$0x1F480] =	vst v63  }
0x142: {  	v18 =	vld [tilespmem:$0x60];
	_ =	sdelay $0x4  }
0x143: {  	v19 =	vshll.u32 v18, $0x1  }
0x144: {  	v18 =	vand.u32 $0x7, v18;
	v19 =	vand.u32 $0xFFFFFFF0, v19  }
0x145: {  	v18 =	vor.u32 v18, v19  }
0x146: {  	v19 =	vperm.xlane v18, v3;
	_ =	sdelay $0x1  }
0x147: {  	v60 =	vperm.xlane v18, v2;
	v19 =	vadd.s32 v4, v19;
	_ =	sdelay $0x1  }
0x148: {  	v61 =	vperm.xlane v18, v5;
	v20 =	vadd.s32 v4, v60;
	_ =	sdelay $0x1  }
0x149: {  	s30 =	simm.s32 $0x6C00;
	v62 =	vperm.xlane v18, v6;
	v21 =	vadd.s32 v4, v61  }
0x14a: {  	[tilespmem:s30], [sflag:$0x1] =	stream.indirect_vreg.gather [hbm4b:s14+s13], $0x80, v19, vm0, $0xb8;
	[tilespmem:$0x1F480] =	vst v63  }
0x14b: {  	s31 =	simm.s32 $0x6C80;
	v63 =	vperm.xlane v18, v7;
	v19 =	vadd.s32 v4, v62  }
0x14c: {  	[tilespmem:s31], [sflag:$0x1] =	stream.indirect_vreg.gather [hbm4b:s14+s13], $0x80, v20, vm0, $0xb8;
	[tilespmem:$0x1F480] =	vst v63  }
0x14d: {  	s5 =	simm.s32 $0x6D00;
	v25 =	vperm.xlane v18, v8;
	v24 =	vadd.s32 v4, v63  }
0x14e: {  	[tilespmem:s5], [sflag:$0x1] =	stream.indirect_vreg.gather [hbm4b:s14+s13], $0x80, v21, vm0, $0xb8;
	[tilespmem:$0x1F480] =	vst v63  }
0x14f: {  	s28 =	simm.s32 $0x6D80;
	v27 =	vperm.xlane v18, v9;
	v26 =	vadd.s32 v4, v25  }
0x150: {  	[tilespmem:s28], [sflag:$0x1] =	stream.indirect_vreg.gather [hbm4b:s14+s13], $0x80, v19, vm0, $0xb8;
	[tilespmem:$0x1F480] =	vst v63  }
0x151: {  	s29 =	simm.s32 $0x6E00;
	v28 =	vperm.xlane v18, v1;
	v19 =	vadd.s32 v4, v27  }
0x152: {  	[tilespmem:s29], [sflag:$0x1] =	stream.indirect_vreg.gather [hbm4b:s14+s13], $0x80, v24, vm0, $0xb8;
	[tilespmem:$0x1F480] =	vst v63  }
0x153: {  	v30 =	vperm.xlane v18, v10;
	v29 =	vadd.s32 v4, v28;
	s30 =	simm.s32 $0x6E80  }
0x154: {  	[tilespmem:s30], [sflag:$0x1] =	stream.indirect_vreg.gather [hbm4b:s14+s13], $0x80, v26, vm0, $0xb8;
	[tilespmem:$0x1F480] =	vst v63  }
0x155: {  	v32 =	vperm.xlane v18, v11;
	v31 =	vadd.s32 v4, v30;
	s31 =	simm.s32 $0x6F00  }
0x156: {  	[tilespmem:s31], [sflag:$0x1] =	stream.indirect_vreg.gather [hbm4b:s14+s13], $0x80, v19, vm0, $0xb8;
	[tilespmem:$0x1F480] =	vst v63  }
0x157: {  	v33 =	vperm.xlane v18, v12;
	s5 =	simm.s32 $0x6F80;
	v19 =	vadd.s32 v4, v32  }
0x158: {  	[tilespmem:s5], [sflag:$0x1] =	stream.indirect_vreg.gather [hbm4b:s14+s13], $0x80, v29, vm0, $0xb8;
	[tilespmem:$0x1F480] =	vst v63  }
0x159: {  	v35 =	vperm.xlane v18, v13;
	v34 =	vadd.s32 v4, v33;
	s28 =	simm.s32 $0x7000  }
0x15a: {  	[tilespmem:s28], [sflag:$0x1] =	stream.indirect_vreg.gather [hbm4b:s14+s13], $0x80, v31, vm0, $0xb8;
	[tilespmem:$0x1F480] =	vst v63  }
0x15b: {  	v37 =	vperm.xlane v18, v14;
	v36 =	vadd.s32 v4, v35;
	s29 =	simm.s32 $0x7080  }
0x15c: {  	[tilespmem:s29], [sflag:$0x1] =	stream.indirect_vreg.gather [hbm4b:s14+s13], $0x80, v19, vm0, $0xb8;
	[tilespmem:$0x1F480] =	vst v63  }
0x15d: {  	v38 =	vperm.xlane v18, v15;
	s30 =	simm.s32 $0x7100;
	v19 =	vadd.s32 v4, v37  }
0x15e: {  	[tilespmem:s30], [sflag:$0x1] =	stream.indirect_vreg.gather [hbm4b:s14+s13], $0x80, v34, vm0, $0xb8;
	[tilespmem:$0x1F480] =	vst v63  }
0x15f: {  	v40 =	vperm.xlane v18, v16;
	v39 =	vadd.s32 v4, v38;
	s31 =	simm.s32 $0x7180  }
0x160: {  	[tilespmem:s31], [sflag:$0x1] =	stream.indirect_vreg.gather [hbm4b:s14+s13], $0x80, v36, vm0, $0xb8;
	[tilespmem:$0x1F480] =	vst v63  }
0x161: {  	v18 =	vperm.xlane v18, v17;
	v41 =	vadd.s32 v4, v40;
	s5 =	simm.s32 $0x7200  }
0x162: {  	[tilespmem:s5], [sflag:$0x1] =	stream.indirect_vreg.gather [hbm4b:s14+s13], $0x80, v19, vm0, $0xb8;
	[tilespmem:$0x1F480] =	vst v63  }
0x163: {  	v18 =	vadd.s32 v4, v18;
	s28 =	simm.s32 $0x7280  }
0x164: {  	[tilespmem:s28], [sflag:$0x1] =	stream.indirect_vreg.gather [hbm4b:s14+s13], $0x80, v39, vm0, $0xb8;
	[tilespmem:$0x1F480] =	vst v63  }
0x165: {  	s29 =	simm.s32 $0x7300  }
0x166: {  	[tilespmem:s29], [sflag:$0x1] =	stream.indirect_vreg.gather [hbm4b:s14+s13], $0x80, v41, vm0, $0xb8;
	[tilespmem:$0x1F480] =	vst v63  }
0x167: {  	s30 =	simm.s32 $0x7380  }
0x168: {  	[tilespmem:s30], [sflag:$0x1] =	stream.indirect_vreg.gather [hbm4b:s14+s13], $0x80, v18, vm0, $0xb8;
	[tilespmem:$0x1F480] =	vst v63  }
0x169: {  	v18 =	vld [tilespmem:$0x70];
	_ =	sdelay $0x4  }
0x16a: {  	v19 =	vshll.u32 v18, $0x1  }
0x16b: {  	v18 =	vand.u32 $0x7, v18;
	v19 =	vand.u32 $0xFFFFFFF0, v19  }
0x16c: {  	v18 =	vor.u32 v18, v19  }
0x16d: {  	v19 =	vperm.xlane v18, v3;
	_ =	sdelay $0x1  }
0x16e: {  	v42 =	vperm.xlane v18, v2;
	v19 =	vadd.s32 v4, v19;
	_ =	sdelay $0x1  }
0x16f: {  	v43 =	vperm.xlane v18, v5;
	v20 =	vadd.s32 v4, v42;
	_ =	sdelay $0x1  }
0x170: {  	s31 =	simm.s32 $0x7400;
	v44 =	vperm.xlane v18, v6;
	v21 =	vadd.s32 v4, v43  }
0x171: {  	[tilespmem:s31], [sflag:$0x1] =	stream.indirect_vreg.gather [hbm4b:s14+s13], $0x80, v19, vm0, $0xb8;
	[tilespmem:$0x1F480] =	vst v63  }
0x172: {  	s5 =	simm.s32 $0x7480;
	v45 =	vperm.xlane v18, v7;
	v19 =	vadd.s32 v4, v44  }
0x173: {  	[tilespmem:s5], [sflag:$0x1] =	stream.indirect_vreg.gather [hbm4b:s14+s13], $0x80, v20, vm0, $0xb8;
	[tilespmem:$0x1F480] =	vst v63  }
0x174: {  	s28 =	simm.s32 $0x7500;
	v47 =	vperm.xlane v18, v8;
	v46 =	vadd.s32 v4, v45  }
0x175: {  	[tilespmem:s28], [sflag:$0x1] =	stream.indirect_vreg.gather [hbm4b:s14+s13], $0x80, v21, vm0, $0xb8;
	[tilespmem:$0x1F480] =	vst v63  }
0x176: {  	s29 =	simm.s32 $0x7580;
	v49 =	vperm.xlane v18, v9;
	v48 =	vadd.s32 v4, v47  }
0x177: {  	[tilespmem:s29], [sflag:$0x1] =	stream.indirect_vreg.gather [hbm4b:s14+s13], $0x80, v19, vm0, $0xb8;
	[tilespmem:$0x1F480] =	vst v63  }
0x178: {  	s30 =	simm.s32 $0x7600;
	v50 =	vperm.xlane v18, v1;
	v19 =	vadd.s32 v4, v49  }
0x179: {  	[tilespmem:s30], [sflag:$0x1] =	stream.indirect_vreg.gather [hbm4b:s14+s13], $0x80, v46, vm0, $0xb8;
	[tilespmem:$0x1F480] =	vst v63  }
0x17a: {  	v52 =	vperm.xlane v18, v10;
	v51 =	vadd.s32 v4, v50;
	s31 =	simm.s32 $0x7680  }
0x17b: {  	[tilespmem:s31], [sflag:$0x1] =	stream.indirect_vreg.gather [hbm4b:s14+s13], $0x80, v48, vm0, $0xb8;
	[tilespmem:$0x1F480] =	vst v63  }
0x17c: {  	v54 =	vperm.xlane v18, v11;
	v53 =	vadd.s32 v4, v52;
	s5 =	simm.s32 $0x7700  }
0x17d: {  	[tilespmem:s5], [sflag:$0x1] =	stream.indirect_vreg.gather [hbm4b:s14+s13], $0x80, v19, vm0, $0xb8;
	[tilespmem:$0x1F480] =	vst v63  }
0x17e: {  	v55 =	vperm.xlane v18, v12;
	s28 =	simm.s32 $0x7780;
	v19 =	vadd.s32 v4, v54  }
0x17f: {  	[tilespmem:s28], [sflag:$0x1] =	stream.indirect_vreg.gather [hbm4b:s14+s13], $0x80, v51, vm0, $0xb8;
	[tilespmem:$0x1F480] =	vst v63  }
0x180: {  	v57 =	vperm.xlane v18, v13;
	v56 =	vadd.s32 v4, v55;
	s29 =	simm.s32 $0x7800  }
0x181: {  	[tilespmem:s29], [sflag:$0x1] =	stream.indirect_vreg.gather [hbm4b:s14+s13], $0x80, v53, vm0, $0xb8;
	[tilespmem:$0x1F480] =	vst v63  }
0x182: {  	v59 =	vperm.xlane v18, v14;
	v58 =	vadd.s32 v4, v57;
	s30 =	simm.s32 $0x7880  }
0x183: {  	[tilespmem:s30], [sflag:$0x1] =	stream.indirect_vreg.gather [hbm4b:s14+s13], $0x80, v19, vm0, $0xb8;
	[tilespmem:$0x1F480] =	vst v63  }
0x184: {  	v60 =	vperm.xlane v18, v15;
	s31 =	simm.s32 $0x7900;
	v19 =	vadd.s32 v4, v59  }
0x185: {  	[tilespmem:s31], [sflag:$0x1] =	stream.indirect_vreg.gather [hbm4b:s14+s13], $0x80, v56, vm0, $0xb8;
	[tilespmem:$0x1F480] =	vst v63  }
0x186: {  	v62 =	vperm.xlane v18, v16;
	v61 =	vadd.s32 v4, v60;
	s5 =	simm.s32 $0x7980  }
0x187: {  	[tilespmem:s5], [sflag:$0x1] =	stream.indirect_vreg.gather [hbm4b:s14+s13], $0x80, v58, vm0, $0xb8;
	[tilespmem:$0x1F480] =	vst v63  }
0x188: {  	v18 =	vperm.xlane v18, v17;
	v63 =	vadd.s32 v4, v62;
	s28 =	simm.s32 $0x7A00  }
0x189: {  	[tilespmem:s28], [sflag:$0x1] =	stream.indirect_vreg.gather [hbm4b:s14+s13], $0x80, v19, vm0, $0xb8;
	[tilespmem:$0x1F480] =	vst v63  }
0x18a: {  	v18 =	vadd.s32 v4, v18;
	s29 =	simm.s32 $0x7A80  }
0x18b: {  	[tilespmem:s29], [sflag:$0x1] =	stream.indirect_vreg.gather [hbm4b:s14+s13], $0x80, v61, vm0, $0xb8;
	[tilespmem:$0x1F480] =	vst v63  }
0x18c: {  	s30 =	simm.s32 $0x7B00;
	s31 =	simm.s32 $0x7B80  }
0x18d: {  	[tilespmem:s30], [sflag:$0x1] =	stream.indirect_vreg.gather [hbm4b:s14+s13], $0x80, v63, vm0, $0xb8;
	[tilespmem:$0x1F480] =	vst v63  }
0x18e: {  	s5 =	sadd.s32 $0x280, s25;
	s25 =	sadd.s32 $0x1400, s26;
	s26 =	simm.s32 $0x0  }
0x18f: {  	[tilespmem:s31], [sflag:$0x1] =	stream.indirect_vreg.gather [hbm4b:s14+s13], $0x80, v18, vm0, $0xb8;
	[tilespmem:$0x1F480] =	vst v63  }
.LBB2_4:
0x190: {  	_ =	swait.ge [sflag:s20], $0x4000  }
0x191: {  	p1 =	seq.s32 s26, $0x0;
	[sflag:s20] =	ssyncset.done $0x0  }
0x192: {  	s0 =	simm.s32 @!p1 $0x2;
	[sflag:s20] =	ssyncadd.s32 $0xFFFFC000  }
0x193: {  	p2 =	sne.s32 @!p1 s26, $0x14;
	_ =	swait.ge @!p1 [sflag:s0], $0x4000  }
0x194: {  	p2 =	por p2, p1;
	[sflag:s0] =	ssyncset.done @!p1 $0x0  }
0x195: {  	s28 =	simm.s32 @!p2 $0x1400;
	[sflag:s0] =	ssyncadd.s32 @!p1 $0xFFFFC000;
	s0 =	simm.s32 @!p2 $0x0  }
0x196: {  	[tilespmem:s28], [sflag:$0x3] =	stream.linear.gather @!p2 [hbm4b:s5+s0], $0x1400, $0x38;
	[tilespmem:$0x1F480] =	vst v63  }
0x197: {  	s0 =	simm.s32 @!p2 $0x3  }
0x198: {  	_ =	swait.ge @!p2 [sflag:s0], $0x1400  }
0x199: {  	s29 =	simm.s32 @!p2 $0x400;
	[sflag:s0] =	ssyncset.done @!p2 $0x0  }
0x19a: {  	s30 =	simm.s32 @!p2 $0x2800;
	s28 =	simm.s32 @!p2 $0x80;
	[sflag:s0] =	ssyncadd.s32 @!p2 $0xFFFFEC00  }
0x19b: {  	[tilespmem:s30], [sflag:$0x3] =	stream.strided.gather @!p2 [hbm4b:s25+s28], $0x1400, s29, s28, $0x38;
	[tilespmem:$0x1F480] =	vst v63  }
0x19c: {  	p1 =	slt.u32 s26, $0x14;
	s29 =	sshll.u32 s26, $0x1  }
0x19d: {  	s28 =	sshllo.u32 s26, $0x1;
	s30 =	sadd.s32 $0xFFFFFFD9, s29;
	_ =	swait.ge @!p2 [sflag:s0], $0x1400  }
0x19e: {  	s30 =	smov.u32 @p1 s28;
	[sflag:s0] =	ssyncset.done @!p2 $0x0  }
0x19f: {  	[sflag:s0] =	ssyncadd.s32 @!p2 $0xFFFFEC00;
	s28 =	sshll.u32 s30, $0x7  }
0x1a0: {  	v18 =	vld [tilespmem:s28+$0x0];
	_ =	sdelay $0x4  }
0x1a1: {  	v19 =	vshll.u32 v18, $0x1  }
0x1a2: {  	v18 =	vand.u32 $0x7, v18;
	v19 =	vand.u32 $0xFFFFFFF0, v19  }
0x1a3: {  	v18 =	vor.u32 v18, v19  }
0x1a4: {  	v19 =	vperm.xlane v18, v3;
	_ =	sdelay $0x1  }
0x1a5: {  	v20 =	vperm.xlane v18, v2;
	v19 =	vadd.s32 v4, v19;
	_ =	sdelay $0x1  }
0x1a6: {  	v21 =	vperm.xlane v18, v5;
	v20 =	vadd.s32 v4, v20;
	_ =	sdelay $0x1  }
0x1a7: {  	v22 =	vperm.xlane v18, v6;
	v21 =	vadd.s32 v4, v21  }
0x1a8: {  	[tilespmem:s22], [sflag:$0x1] =	stream.indirect_vreg.gather [hbm4b:s14+s13], $0x80, v19, vm0, $0xb8;
	[tilespmem:$0x1F480] =	vst v63  }
0x1a9: {  	s0 =	simm.s32 $0x7C80;
	v50 =	vperm.xlane v18, v7;
	v19 =	vadd.s32 v4, v22  }
0x1aa: {  	[tilespmem:s0], [sflag:$0x1] =	stream.indirect_vreg.gather [hbm4b:s14+s13], $0x80, v20, vm0, $0xb8;
	[tilespmem:$0x1F480] =	vst v63  }
0x1ab: {  	v51 =	vperm.xlane v18, v8;
	v20 =	vadd.s32 v4, v50;
	s0 =	simm.s32 $0x7D00  }
0x1ac: {  	[tilespmem:s0], [sflag:$0x1] =	stream.indirect_vreg.gather [hbm4b:s14+s13], $0x80, v21, vm0, $0xb8;
	[tilespmem:$0x1F480] =	vst v63  }
0x1ad: {  	v53 =	vperm.xlane v18, v9;
	v52 =	vadd.s32 v4, v51;
	s0 =	simm.s32 $0x7D80  }
0x1ae: {  	[tilespmem:s0], [sflag:$0x1] =	stream.indirect_vreg.gather [hbm4b:s14+s13], $0x80, v19, vm0, $0xb8;
	[tilespmem:$0x1F480] =	vst v63  }
0x1af: {  	v54 =	vperm.xlane v18, v1;
	v19 =	vadd.s32 v4, v53;
	s0 =	simm.s32 $0x7E00  }
0x1b0: {  	[tilespmem:s0], [sflag:$0x1] =	stream.indirect_vreg.gather [hbm4b:s14+s13], $0x80, v20, vm0, $0xb8;
	[tilespmem:$0x1F480] =	vst v63  }
0x1b1: {  	v55 =	vperm.xlane v18, v10;
	v20 =	vadd.s32 v4, v54;
	s0 =	simm.s32 $0x7E80  }
0x1b2: {  	[tilespmem:s0], [sflag:$0x1] =	stream.indirect_vreg.gather [hbm4b:s14+s13], $0x80, v52, vm0, $0xb8;
	[tilespmem:$0x1F480] =	vst v63  }
0x1b3: {  	v57 =	vperm.xlane v18, v11;
	v56 =	vadd.s32 v4, v55;
	s0 =	simm.s32 $0x7F00  }
0x1b4: {  	[tilespmem:s0], [sflag:$0x1] =	stream.indirect_vreg.gather [hbm4b:s14+s13], $0x80, v19, vm0, $0xb8;
	[tilespmem:$0x1F480] =	vst v63  }
0x1b5: {  	v58 =	vperm.xlane v18, v12;
	v19 =	vadd.s32 v4, v57;
	s0 =	simm.s32 $0x7F80  }
0x1b6: {  	[tilespmem:s0], [sflag:$0x1] =	stream.indirect_vreg.gather [hbm4b:s14+s13], $0x80, v20, vm0, $0xb8;
	[tilespmem:$0x1F480] =	vst v63  }
0x1b7: {  	v59 =	vperm.xlane v18, v13;
	v20 =	vadd.s32 v4, v58;
	s0 =	simm.s32 $0x8000  }
0x1b8: {  	[tilespmem:s0], [sflag:$0x1] =	stream.indirect_vreg.gather [hbm4b:s14+s13], $0x80, v56, vm0, $0xb8;
	[tilespmem:$0x1F480] =	vst v63  }
0x1b9: {  	v61 =	vperm.xlane v18, v14;
	v60 =	vadd.s32 v4, v59;
	s0 =	simm.s32 $0x8080  }
0x1ba: {  	[tilespmem:s0], [sflag:$0x1] =	stream.indirect_vreg.gather [hbm4b:s14+s13], $0x80, v19, vm0, $0xb8;
	[tilespmem:$0x1F480] =	vst v63  }
0x1bb: {  	v62 =	vperm.xlane v18, v15;
	v19 =	vadd.s32 v4, v61;
	s0 =	simm.s32 $0x8100  }
0x1bc: {  	[tilespmem:s0], [sflag:$0x1] =	stream.indirect_vreg.gather [hbm4b:s14+s13], $0x80, v20, vm0, $0xb8;
	[tilespmem:$0x1F480] =	vst v63  }
0x1bd: {  	v63 =	vperm.xlane v18, v16;
	v20 =	vadd.s32 v4, v62;
	s0 =	simm.s32 $0x8180  }
0x1be: {  	[tilespmem:s0], [sflag:$0x1] =	stream.indirect_vreg.gather [hbm4b:s14+s13], $0x80, v60, vm0, $0xb8;
	[tilespmem:$0x1F480] =	vst v63  }
0x1bf: {  	v18 =	vperm.xlane v18, v17;
	v24 =	vadd.s32 v4, v63;
	s0 =	simm.s32 $0x8200  }
0x1c0: {  	[tilespmem:s0], [sflag:$0x1] =	stream.indirect_vreg.gather [hbm4b:s14+s13], $0x80, v19, vm0, $0xb8;
	[tilespmem:$0x1F480] =	vst v63  }
0x1c1: {  	v18 =	vadd.s32 v4, v18;
	s0 =	simm.s32 $0x8280  }
0x1c2: {  	[tilespmem:s0], [sflag:$0x1] =	stream.indirect_vreg.gather [hbm4b:s14+s13], $0x80, v20, vm0, $0xb8;
	[tilespmem:$0x1F480] =	vst v63  }
0x1c3: {  	s0 =	simm.s32 $0x8300  }
0x1c4: {  	[tilespmem:s0], [sflag:$0x1] =	stream.indirect_vreg.gather [hbm4b:s14+s13], $0x80, v24, vm0, $0xb8;
	[tilespmem:$0x1F480] =	vst v63  }
0x1c5: {  	s0 =	simm.s32 $0x8380  }
0x1c6: {  	[tilespmem:s0], [sflag:$0x1] =	stream.indirect_vreg.gather [hbm4b:s14+s13], $0x80, v18, vm0, $0xb8;
	[tilespmem:$0x1F480] =	vst v63  }
0x1c7: {  	v18 =	vld [tilespmem:s28+$0x10];
	_ =	sdelay $0x4  }
0x1c8: {  	v19 =	vshll.u32 v18, $0x1  }
0x1c9: {  	v18 =	vand.u32 $0x7, v18;
	v19 =	vand.u32 $0xFFFFFFF0, v19  }
0x1ca: {  	v18 =	vor.u32 v18, v19  }
0x1cb: {  	v19 =	vperm.xlane v18, v3;
	_ =	sdelay $0x1  }
0x1cc: {  	v20 =	vperm.xlane v18, v2;
	v19 =	vadd.s32 v4, v19;
	_ =	sdelay $0x1  }
0x1cd: {  	v25 =	vperm.xlane v18, v5;
	v20 =	vadd.s32 v4, v20;
	_ =	sdelay $0x1  }
0x1ce: {  	s0 =	simm.s32 $0x8400;
	v26 =	vperm.xlane v18, v6;
	v21 =	vadd.s32 v4, v25  }
0x1cf: {  	[tilespmem:s0], [sflag:$0x1] =	stream.indirect_vreg.gather [hbm4b:s14+s13], $0x80, v19, vm0, $0xb8;
	[tilespmem:$0x1F480] =	vst v63  }
0x1d0: {  	v27 =	vperm.xlane v18, v7;
	v19 =	vadd.s32 v4, v26;
	s0 =	simm.s32 $0x8480  }
0x1d1: {  	[tilespmem:s0], [sflag:$0x1] =	stream.indirect_vreg.gather [hbm4b:s14+s13], $0x80, v20, vm0, $0xb8;
	[tilespmem:$0x1F480] =	vst v63  }
0x1d2: {  	v28 =	vperm.xlane v18, v8;
	v20 =	vadd.s32 v4, v27;
	s0 =	simm.s32 $0x8500  }
0x1d3: {  	[tilespmem:s0], [sflag:$0x1] =	stream.indirect_vreg.gather [hbm4b:s14+s13], $0x80, v21, vm0, $0xb8;
	[tilespmem:$0x1F480] =	vst v63  }
0x1d4: {  	v30 =	vperm.xlane v18, v9;
	v29 =	vadd.s32 v4, v28;
	s0 =	simm.s32 $0x8580  }
0x1d5: {  	[tilespmem:s0], [sflag:$0x1] =	stream.indirect_vreg.gather [hbm4b:s14+s13], $0x80, v19, vm0, $0xb8;
	[tilespmem:$0x1F480] =	vst v63  }
0x1d6: {  	v31 =	vperm.xlane v18, v1;
	v19 =	vadd.s32 v4, v30;
	s0 =	simm.s32 $0x8600  }
0x1d7: {  	[tilespmem:s0], [sflag:$0x1] =	stream.indirect_vreg.gather [hbm4b:s14+s13], $0x80, v20, vm0, $0xb8;
	[tilespmem:$0x1F480] =	vst v63  }
0x1d8: {  	v32 =	vperm.xlane v18, v10;
	v20 =	vadd.s32 v4, v31;
	s0 =	simm.s32 $0x8680  }
0x1d9: {  	[tilespmem:s0], [sflag:$0x1] =	stream.indirect_vreg.gather [hbm4b:s14+s13], $0x80, v29, vm0, $0xb8;
	[tilespmem:$0x1F480] =	vst v63  }
0x1da: {  	v34 =	vperm.xlane v18, v11;
	v33 =	vadd.s32 v4, v32;
	s0 =	simm.s32 $0x8700  }
0x1db: {  	[tilespmem:s0], [sflag:$0x1] =	stream.indirect_vreg.gather [hbm4b:s14+s13], $0x80, v19, vm0, $0xb8;
	[tilespmem:$0x1F480] =	vst v63  }
0x1dc: {  	v35 =	vperm.xlane v18, v12;
	v19 =	vadd.s32 v4, v34;
	s0 =	simm.s32 $0x8780  }
0x1dd: {  	[tilespmem:s0], [sflag:$0x1] =	stream.indirect_vreg.gather [hbm4b:s14+s13], $0x80, v20, vm0, $0xb8;
	[tilespmem:$0x1F480] =	vst v63  }
0x1de: {  	v36 =	vperm.xlane v18, v13;
	v20 =	vadd.s32 v4, v35;
	s0 =	simm.s32 $0x8800  }
0x1df: {  	[tilespmem:s0], [sflag:$0x1] =	stream.indirect_vreg.gather [hbm4b:s14+s13], $0x80, v33, vm0, $0xb8;
	[tilespmem:$0x1F480] =	vst v63  }
0x1e0: {  	v38 =	vperm.xlane v18, v14;
	v37 =	vadd.s32 v4, v36;
	s0 =	simm.s32 $0x8880  }
0x1e1: {  	[tilespmem:s0], [sflag:$0x1] =	stream.indirect_vreg.gather [hbm4b:s14+s13], $0x80, v19, vm0, $0xb8;
	[tilespmem:$0x1F480] =	vst v63  }
0x1e2: {  	v39 =	vperm.xlane v18, v15;
	v19 =	vadd.s32 v4, v38;
	s0 =	simm.s32 $0x8900  }
0x1e3: {  	[tilespmem:s0], [sflag:$0x1] =	stream.indirect_vreg.gather [hbm4b:s14+s13], $0x80, v20, vm0, $0xb8;
	[tilespmem:$0x1F480] =	vst v63  }
0x1e4: {  	v40 =	vperm.xlane v18, v16;
	v20 =	vadd.s32 v4, v39;
	s0 =	simm.s32 $0x8980  }
0x1e5: {  	[tilespmem:s0], [sflag:$0x1] =	stream.indirect_vreg.gather [hbm4b:s14+s13], $0x80, v37, vm0, $0xb8;
	[tilespmem:$0x1F480] =	vst v63  }
0x1e6: {  	v18 =	vperm.xlane v18, v17;
	v41 =	vadd.s32 v4, v40;
	s0 =	simm.s32 $0x8A00  }
0x1e7: {  	[tilespmem:s0], [sflag:$0x1] =	stream.indirect_vreg.gather [hbm4b:s14+s13], $0x80, v19, vm0, $0xb8;
	[tilespmem:$0x1F480] =	vst v63  }
0x1e8: {  	v18 =	vadd.s32 v4, v18;
	s0 =	simm.s32 $0x8A80  }
0x1e9: {  	[tilespmem:s0], [sflag:$0x1] =	stream.indirect_vreg.gather [hbm4b:s14+s13], $0x80, v20, vm0, $0xb8;
	[tilespmem:$0x1F480] =	vst v63  }
0x1ea: {  	s0 =	simm.s32 $0x8B00  }
0x1eb: {  	[tilespmem:s0], [sflag:$0x1] =	stream.indirect_vreg.gather [hbm4b:s14+s13], $0x80, v41, vm0, $0xb8;
	[tilespmem:$0x1F480] =	vst v63  }
0x1ec: {  	s0 =	simm.s32 $0x8B80  }
0x1ed: {  	[tilespmem:s0], [sflag:$0x1] =	stream.indirect_vreg.gather [hbm4b:s14+s13], $0x80, v18, vm0, $0xb8;
	[tilespmem:$0x1F480] =	vst v63  }
0x1ee: {  	v18 =	vld [tilespmem:s28+$0x20];
	_ =	sdelay $0x4  }
0x1ef: {  	v19 =	vshll.u32 v18, $0x1  }
0x1f0: {  	v18 =	vand.u32 $0x7, v18;
	v19 =	vand.u32 $0xFFFFFFF0, v19  }
0x1f1: {  	v18 =	vor.u32 v18, v19  }
0x1f2: {  	v19 =	vperm.xlane v18, v3;
	_ =	sdelay $0x1  }
0x1f3: {  	v20 =	vperm.xlane v18, v2;
	v19 =	vadd.s32 v4, v19;
	_ =	sdelay $0x1  }
0x1f4: {  	v42 =	vperm.xlane v18, v5;
	v20 =	vadd.s32 v4, v20;
	_ =	sdelay $0x1  }
0x1f5: {  	s0 =	simm.s32 $0x8C00;
	v43 =	vperm.xlane v18, v6;
	v21 =	vadd.s32 v4, v42  }
0x1f6: {  	[tilespmem:s0], [sflag:$0x1] =	stream.indirect_vreg.gather [hbm4b:s14+s13], $0x80, v19, vm0, $0xb8;
	[tilespmem:$0x1F480] =	vst v63  }
0x1f7: {  	v44 =	vperm.xlane v18, v7;
	v19 =	vadd.s32 v4, v43;
	s0 =	simm.s32 $0x8C80  }
0x1f8: {  	[tilespmem:s0], [sflag:$0x1] =	stream.indirect_vreg.gather [hbm4b:s14+s13], $0x80, v20, vm0, $0xb8;
	[tilespmem:$0x1F480] =	vst v63  }
0x1f9: {  	v45 =	vperm.xlane v18, v8;
	v20 =	vadd.s32 v4, v44;
	s0 =	simm.s32 $0x8D00  }
0x1fa: {  	[tilespmem:s0], [sflag:$0x1] =	stream.indirect_vreg.gather [hbm4b:s14+s13], $0x80, v21, vm0, $0xb8;
	[tilespmem:$0x1F480] =	vst v63  }
0x1fb: {  	v47 =	vperm.xlane v18, v9;
	v46 =	vadd.s32 v4, v45;
	s0 =	simm.s32 $0x8D80  }
0x1fc: {  	[tilespmem:s0], [sflag:$0x1] =	stream.indirect_vreg.gather [hbm4b:s14+s13], $0x80, v19, vm0, $0xb8;
	[tilespmem:$0x1F480] =	vst v63  }
0x1fd: {  	v48 =	vperm.xlane v18, v1;
	v19 =	vadd.s32 v4, v47;
	s0 =	simm.s32 $0x8E00  }
0x1fe: {  	[tilespmem:s0], [sflag:$0x1] =	stream.indirect_vreg.gather [hbm4b:s14+s13], $0x80, v20, vm0, $0xb8;
	[tilespmem:$0x1F480] =	vst v63  }
0x1ff: {  	v49 =	vperm.xlane v18, v10;
	v20 =	vadd.s32 v4, v48;
	s0 =	simm.s32 $0x8E80  }
0x200: {  	[tilespmem:s0], [sflag:$0x1] =	stream.indirect_vreg.gather [hbm4b:s14+s13], $0x80, v46, vm0, $0xb8;
	[tilespmem:$0x1F480] =	vst v63  }
0x201: {  	v51 =	vperm.xlane v18, v11;
	v50 =	vadd.s32 v4, v49;
	s0 =	simm.s32 $0x8F00  }
0x202: {  	[tilespmem:s0], [sflag:$0x1] =	stream.indirect_vreg.gather [hbm4b:s14+s13], $0x80, v19, vm0, $0xb8;
	[tilespmem:$0x1F480] =	vst v63  }
0x203: {  	v52 =	vperm.xlane v18, v12;
	v19 =	vadd.s32 v4, v51;
	s0 =	simm.s32 $0x8F80  }
0x204: {  	[tilespmem:s0], [sflag:$0x1] =	stream.indirect_vreg.gather [hbm4b:s14+s13], $0x80, v20, vm0, $0xb8;
	[tilespmem:$0x1F480] =	vst v63  }
0x205: {  	v53 =	vperm.xlane v18, v13;
	v20 =	vadd.s32 v4, v52;
	s0 =	simm.s32 $0x9000  }
0x206: {  	[tilespmem:s0], [sflag:$0x1] =	stream.indirect_vreg.gather [hbm4b:s14+s13], $0x80, v50, vm0, $0xb8;
	[tilespmem:$0x1F480] =	vst v63  }
0x207: {  	v55 =	vperm.xlane v18, v14;
	v54 =	vadd.s32 v4, v53;
	s0 =	simm.s32 $0x9080  }
0x208: {  	[tilespmem:s0], [sflag:$0x1] =	stream.indirect_vreg.gather [hbm4b:s14+s13], $0x80, v19, vm0, $0xb8;
	[tilespmem:$0x1F480] =	vst v63  }
0x209: {  	v56 =	vperm.xlane v18, v15;
	v19 =	vadd.s32 v4, v55;
	s0 =	simm.s32 $0x9100  }
0x20a: {  	[tilespmem:s0], [sflag:$0x1] =	stream.indirect_vreg.gather [hbm4b:s14+s13], $0x80, v20, vm0, $0xb8;
	[tilespmem:$0x1F480] =	vst v63  }
0x20b: {  	v57 =	vperm.xlane v18, v16;
	v20 =	vadd.s32 v4, v56;
	s0 =	simm.s32 $0x9180  }
0x20c: {  	[tilespmem:s0], [sflag:$0x1] =	stream.indirect_vreg.gather [hbm4b:s14+s13], $0x80, v54, vm0, $0xb8;
	[tilespmem:$0x1F480] =	vst v63  }
0x20d: {  	v18 =	vperm.xlane v18, v17;
	v58 =	vadd.s32 v4, v57;
	s0 =	simm.s32 $0x9200  }
0x20e: {  	[tilespmem:s0], [sflag:$0x1] =	stream.indirect_vreg.gather [hbm4b:s14+s13], $0x80, v19, vm0, $0xb8;
	[tilespmem:$0x1F480] =	vst v63  }
0x20f: {  	v18 =	vadd.s32 v4, v18;
	s0 =	simm.s32 $0x9280  }
0x210: {  	[tilespmem:s0], [sflag:$0x1] =	stream.indirect_vreg.gather [hbm4b:s14+s13], $0x80, v20, vm0, $0xb8;
	[tilespmem:$0x1F480] =	vst v63  }
0x211: {  	s0 =	simm.s32 $0x9300  }
0x212: {  	[tilespmem:s0], [sflag:$0x1] =	stream.indirect_vreg.gather [hbm4b:s14+s13], $0x80, v58, vm0, $0xb8;
	[tilespmem:$0x1F480] =	vst v63  }
0x213: {  	s0 =	simm.s32 $0x9380  }
0x214: {  	[tilespmem:s0], [sflag:$0x1] =	stream.indirect_vreg.gather [hbm4b:s14+s13], $0x80, v18, vm0, $0xb8;
	[tilespmem:$0x1F480] =	vst v63  }
0x215: {  	v18 =	vld [tilespmem:s28+$0x30];
	_ =	sdelay $0x4  }
0x216: {  	v19 =	vshll.u32 v18, $0x1  }
0x217: {  	v18 =	vand.u32 $0x7, v18;
	v19 =	vand.u32 $0xFFFFFFF0, v19  }
0x218: {  	v18 =	vor.u32 v18, v19  }
0x219: {  	v19 =	vperm.xlane v18, v3;
	_ =	sdelay $0x1  }
0x21a: {  	v20 =	vperm.xlane v18, v2;
	v19 =	vadd.s32 v4, v19;
	_ =	sdelay $0x1  }
0x21b: {  	v59 =	vperm.xlane v18, v5;
	v20 =	vadd.s32 v4, v20;
	_ =	sdelay $0x1  }
0x21c: {  	s0 =	simm.s32 $0x9400;
	v60 =	vperm.xlane v18, v6;
	v21 =	vadd.s32 v4, v59  }
0x21d: {  	[tilespmem:s0], [sflag:$0x1] =	stream.indirect_vreg.gather [hbm4b:s14+s13], $0x80, v19, vm0, $0xb8;
	[tilespmem:$0x1F480] =	vst v63  }
0x21e: {  	v61 =	vperm.xlane v18, v7;
	v19 =	vadd.s32 v4, v60;
	s0 =	simm.s32 $0x9480  }
0x21f: {  	[tilespmem:s0], [sflag:$0x1] =	stream.indirect_vreg.gather [hbm4b:s14+s13], $0x80, v20, vm0, $0xb8;
	[tilespmem:$0x1F480] =	vst v63  }
0x220: {  	v62 =	vperm.xlane v18, v8;
	v20 =	vadd.s32 v4, v61;
	s0 =	simm.s32 $0x9500  }
0x221: {  	[tilespmem:s0], [sflag:$0x1] =	stream.indirect_vreg.gather [hbm4b:s14+s13], $0x80, v21, vm0, $0xb8;
	[tilespmem:$0x1F480] =	vst v63  }
0x222: {  	v24 =	vperm.xlane v18, v9;
	v63 =	vadd.s32 v4, v62;
	s0 =	simm.s32 $0x9580  }
0x223: {  	[tilespmem:s0], [sflag:$0x1] =	stream.indirect_vreg.gather [hbm4b:s14+s13], $0x80, v19, vm0, $0xb8;
	[tilespmem:$0x1F480] =	vst v63  }
0x224: {  	v25 =	vperm.xlane v18, v1;
	v19 =	vadd.s32 v4, v24;
	s0 =	simm.s32 $0x9600  }
0x225: {  	[tilespmem:s0], [sflag:$0x1] =	stream.indirect_vreg.gather [hbm4b:s14+s13], $0x80, v20, vm0, $0xb8;
	[tilespmem:$0x1F480] =	vst v63  }
0x226: {  	v26 =	vperm.xlane v18, v10;
	v20 =	vadd.s32 v4, v25;
	s0 =	simm.s32 $0x9680  }
0x227: {  	[tilespmem:s0], [sflag:$0x1] =	stream.indirect_vreg.gather [hbm4b:s14+s13], $0x80, v63, vm0, $0xb8;
	[tilespmem:$0x1F480] =	vst v63  }
0x228: {  	v28 =	vperm.xlane v18, v11;
	v27 =	vadd.s32 v4, v26;
	s0 =	simm.s32 $0x9700  }
0x229: {  	[tilespmem:s0], [sflag:$0x1] =	stream.indirect_vreg.gather [hbm4b:s14+s13], $0x80, v19, vm0, $0xb8;
	[tilespmem:$0x1F480] =	vst v63  }
0x22a: {  	v29 =	vperm.xlane v18, v12;
	v19 =	vadd.s32 v4, v28;
	s0 =	simm.s32 $0x9780  }
0x22b: {  	[tilespmem:s0], [sflag:$0x1] =	stream.indirect_vreg.gather [hbm4b:s14+s13], $0x80, v20, vm0, $0xb8;
	[tilespmem:$0x1F480] =	vst v63  }
0x22c: {  	v30 =	vperm.xlane v18, v13;
	v20 =	vadd.s32 v4, v29;
	s0 =	simm.s32 $0x9800  }
0x22d: {  	[tilespmem:s0], [sflag:$0x1] =	stream.indirect_vreg.gather [hbm4b:s14+s13], $0x80, v27, vm0, $0xb8;
	[tilespmem:$0x1F480] =	vst v63  }
0x22e: {  	v32 =	vperm.xlane v18, v14;
	v31 =	vadd.s32 v4, v30;
	s0 =	simm.s32 $0x9880  }
0x22f: {  	[tilespmem:s0], [sflag:$0x1] =	stream.indirect_vreg.gather [hbm4b:s14+s13], $0x80, v19, vm0, $0xb8;
	[tilespmem:$0x1F480] =	vst v63  }
0x230: {  	v33 =	vperm.xlane v18, v15;
	v19 =	vadd.s32 v4, v32;
	s0 =	simm.s32 $0x9900  }
0x231: {  	[tilespmem:s0], [sflag:$0x1] =	stream.indirect_vreg.gather [hbm4b:s14+s13], $0x80, v20, vm0, $0xb8;
	[tilespmem:$0x1F480] =	vst v63  }
0x232: {  	v34 =	vperm.xlane v18, v16;
	v20 =	vadd.s32 v4, v33;
	s0 =	simm.s32 $0x9980  }
0x233: {  	[tilespmem:s0], [sflag:$0x1] =	stream.indirect_vreg.gather [hbm4b:s14+s13], $0x80, v31, vm0, $0xb8;
	[tilespmem:$0x1F480] =	vst v63  }
0x234: {  	v18 =	vperm.xlane v18, v17;
	v35 =	vadd.s32 v4, v34;
	s0 =	simm.s32 $0x9A00  }
0x235: {  	[tilespmem:s0], [sflag:$0x1] =	stream.indirect_vreg.gather [hbm4b:s14+s13], $0x80, v19, vm0, $0xb8;
	[tilespmem:$0x1F480] =	vst v63  }
0x236: {  	v18 =	vadd.s32 v4, v18;
	s0 =	simm.s32 $0x9A80  }
0x237: {  	[tilespmem:s0], [sflag:$0x1] =	stream.indirect_vreg.gather [hbm4b:s14+s13], $0x80, v20, vm0, $0xb8;
	[tilespmem:$0x1F480] =	vst v63  }
0x238: {  	s0 =	simm.s32 $0x9B00  }
0x239: {  	[tilespmem:s0], [sflag:$0x1] =	stream.indirect_vreg.gather [hbm4b:s14+s13], $0x80, v35, vm0, $0xb8;
	[tilespmem:$0x1F480] =	vst v63  }
0x23a: {  	s0 =	simm.s32 $0x9B80  }
0x23b: {  	[tilespmem:s0], [sflag:$0x1] =	stream.indirect_vreg.gather [hbm4b:s14+s13], $0x80, v18, vm0, $0xb8;
	[tilespmem:$0x1F480] =	vst v63  }
0x23c: {  	v18 =	vld [tilespmem:s28+$0x40];
	_ =	sdelay $0x4  }
0x23d: {  	v19 =	vshll.u32 v18, $0x1  }
0x23e: {  	v18 =	vand.u32 $0x7, v18;
	v19 =	vand.u32 $0xFFFFFFF0, v19  }
0x23f: {  	v18 =	vor.u32 v18, v19  }
0x240: {  	v19 =	vperm.xlane v18, v3;
	_ =	sdelay $0x1  }
0x241: {  	v20 =	vperm.xlane v18, v2;
	v19 =	vadd.s32 v4, v19;
	_ =	sdelay $0x1  }
0x242: {  	v36 =	vperm.xlane v18, v5;
	v20 =	vadd.s32 v4, v20;
	_ =	sdelay $0x1  }
0x243: {  	s0 =	simm.s32 $0x9C00;
	v37 =	vperm.xlane v18, v6;
	v21 =	vadd.s32 v4, v36  }
0x244: {  	[tilespmem:s0], [sflag:$0x1] =	stream.indirect_vreg.gather [hbm4b:s14+s13], $0x80, v19, vm0, $0xb8;
	[tilespmem:$0x1F480] =	vst v63  }
0x245: {  	v38 =	vperm.xlane v18, v7;
	v19 =	vadd.s32 v4, v37;
	s0 =	simm.s32 $0x9C80  }
0x246: {  	[tilespmem:s0], [sflag:$0x1] =	stream.indirect_vreg.gather [hbm4b:s14+s13], $0x80, v20, vm0, $0xb8;
	[tilespmem:$0x1F480] =	vst v63  }
0x247: {  	v39 =	vperm.xlane v18, v8;
	v20 =	vadd.s32 v4, v38;
	s0 =	simm.s32 $0x9D00  }
0x248: {  	[tilespmem:s0], [sflag:$0x1] =	stream.indirect_vreg.gather [hbm4b:s14+s13], $0x80, v21, vm0, $0xb8;
	[tilespmem:$0x1F480] =	vst v63  }
0x249: {  	v41 =	vperm.xlane v18, v9;
	v40 =	vadd.s32 v4, v39;
	s0 =	simm.s32 $0x9D80  }
0x24a: {  	[tilespmem:s0], [sflag:$0x1] =	stream.indirect_vreg.gather [hbm4b:s14+s13], $0x80, v19, vm0, $0xb8;
	[tilespmem:$0x1F480] =	vst v63  }
0x24b: {  	v42 =	vperm.xlane v18, v1;
	v19 =	vadd.s32 v4, v41;
	s0 =	simm.s32 $0x9E00  }
0x24c: {  	[tilespmem:s0], [sflag:$0x1] =	stream.indirect_vreg.gather [hbm4b:s14+s13], $0x80, v20, vm0, $0xb8;
	[tilespmem:$0x1F480] =	vst v63  }
0x24d: {  	v43 =	vperm.xlane v18, v10;
	v20 =	vadd.s32 v4, v42;
	s0 =	simm.s32 $0x9E80  }
0x24e: {  	[tilespmem:s0], [sflag:$0x1] =	stream.indirect_vreg.gather [hbm4b:s14+s13], $0x80, v40, vm0, $0xb8;
	[tilespmem:$0x1F480] =	vst v63  }
0x24f: {  	v45 =	vperm.xlane v18, v11;
	v44 =	vadd.s32 v4, v43;
	s0 =	simm.s32 $0x9F00  }
0x250: {  	[tilespmem:s0], [sflag:$0x1] =	stream.indirect_vreg.gather [hbm4b:s14+s13], $0x80, v19, vm0, $0xb8;
	[tilespmem:$0x1F480] =	vst v63  }
0x251: {  	v46 =	vperm.xlane v18, v12;
	v19 =	vadd.s32 v4, v45;
	s0 =	simm.s32 $0x9F80  }
0x252: {  	[tilespmem:s0], [sflag:$0x1] =	stream.indirect_vreg.gather [hbm4b:s14+s13], $0x80, v20, vm0, $0xb8;
	[tilespmem:$0x1F480] =	vst v63  }
0x253: {  	v47 =	vperm.xlane v18, v13;
	v20 =	vadd.s32 v4, v46;
	s0 =	simm.s32 $0xA000  }
0x254: {  	[tilespmem:s0], [sflag:$0x1] =	stream.indirect_vreg.gather [hbm4b:s14+s13], $0x80, v44, vm0, $0xb8;
	[tilespmem:$0x1F480] =	vst v63  }
0x255: {  	v49 =	vperm.xlane v18, v14;
	v48 =	vadd.s32 v4, v47;
	s0 =	simm.s32 $0xA080  }
0x256: {  	[tilespmem:s0], [sflag:$0x1] =	stream.indirect_vreg.gather [hbm4b:s14+s13], $0x80, v19, vm0, $0xb8;
	[tilespmem:$0x1F480] =	vst v63  }
0x257: {  	v50 =	vperm.xlane v18, v15;
	v19 =	vadd.s32 v4, v49;
	s0 =	simm.s32 $0xA100  }
0x258: {  	[tilespmem:s0], [sflag:$0x1] =	stream.indirect_vreg.gather [hbm4b:s14+s13], $0x80, v20, vm0, $0xb8;
	[tilespmem:$0x1F480] =	vst v63  }
0x259: {  	v51 =	vperm.xlane v18, v16;
	v20 =	vadd.s32 v4, v50;
	s0 =	simm.s32 $0xA180  }
0x25a: {  	[tilespmem:s0], [sflag:$0x1] =	stream.indirect_vreg.gather [hbm4b:s14+s13], $0x80, v48, vm0, $0xb8;
	[tilespmem:$0x1F480] =	vst v63  }
0x25b: {  	v18 =	vperm.xlane v18, v17;
	v52 =	vadd.s32 v4, v51;
	s0 =	simm.s32 $0xA200  }
0x25c: {  	[tilespmem:s0], [sflag:$0x1] =	stream.indirect_vreg.gather [hbm4b:s14+s13], $0x80, v19, vm0, $0xb8;
	[tilespmem:$0x1F480] =	vst v63  }
0x25d: {  	v18 =	vadd.s32 v4, v18;
	s0 =	simm.s32 $0xA280  }
0x25e: {  	[tilespmem:s0], [sflag:$0x1] =	stream.indirect_vreg.gather [hbm4b:s14+s13], $0x80, v20, vm0, $0xb8;
	[tilespmem:$0x1F480] =	vst v63  }
0x25f: {  	s0 =	simm.s32 $0xA300  }
0x260: {  	[tilespmem:s0], [sflag:$0x1] =	stream.indirect_vreg.gather [hbm4b:s14+s13], $0x80, v52, vm0, $0xb8;
	[tilespmem:$0x1F480] =	vst v63  }
0x261: {  	s0 =	simm.s32 $0xA380  }
0x262: {  	[tilespmem:s0], [sflag:$0x1] =	stream.indirect_vreg.gather [hbm4b:s14+s13], $0x80, v18, vm0, $0xb8;
	[tilespmem:$0x1F480] =	vst v63  }
0x263: {  	v18 =	vld [tilespmem:s28+$0x50];
	_ =	sdelay $0x4  }
0x264: {  	v19 =	vshll.u32 v18, $0x1  }
0x265: {  	v18 =	vand.u32 $0x7, v18;
	v19 =	vand.u32 $0xFFFFFFF0, v19  }
0x266: {  	v18 =	vor.u32 v18, v19  }
0x267: {  	v19 =	vperm.xlane v18, v3;
	_ =	sdelay $0x1  }
0x268: {  	v20 =	vperm.xlane v18, v2;
	v19 =	vadd.s32 v4, v19;
	_ =	sdelay $0x1  }
0x269: {  	v53 =	vperm.xlane v18, v5;
	v20 =	vadd.s32 v4, v20;
	_ =	sdelay $0x1  }
0x26a: {  	s0 =	simm.s32 $0xA400;
	v54 =	vperm.xlane v18, v6;
	v21 =	vadd.s32 v4, v53  }
0x26b: {  	[tilespmem:s0], [sflag:$0x1] =	stream.indirect_vreg.gather [hbm4b:s14+s13], $0x80, v19, vm0, $0xb8;
	[tilespmem:$0x1F480] =	vst v63  }
0x26c: {  	v55 =	vperm.xlane v18, v7;
	v19 =	vadd.s32 v4, v54;
	s0 =	simm.s32 $0xA480  }
0x26d: {  	[tilespmem:s0], [sflag:$0x1] =	stream.indirect_vreg.gather [hbm4b:s14+s13], $0x80, v20, vm0, $0xb8;
	[tilespmem:$0x1F480] =	vst v63  }
0x26e: {  	v56 =	vperm.xlane v18, v8;
	v20 =	vadd.s32 v4, v55;
	s0 =	simm.s32 $0xA500  }
0x26f: {  	[tilespmem:s0], [sflag:$0x1] =	stream.indirect_vreg.gather [hbm4b:s14+s13], $0x80, v21, vm0, $0xb8;
	[tilespmem:$0x1F480] =	vst v63  }
0x270: {  	v58 =	vperm.xlane v18, v9;
	v57 =	vadd.s32 v4, v56;
	s0 =	simm.s32 $0xA580  }
0x271: {  	[tilespmem:s0], [sflag:$0x1] =	stream.indirect_vreg.gather [hbm4b:s14+s13], $0x80, v19, vm0, $0xb8;
	[tilespmem:$0x1F480] =	vst v63  }
0x272: {  	v59 =	vperm.xlane v18, v1;
	v19 =	vadd.s32 v4, v58;
	s0 =	simm.s32 $0xA600  }
0x273: {  	[tilespmem:s0], [sflag:$0x1] =	stream.indirect_vreg.gather [hbm4b:s14+s13], $0x80, v20, vm0, $0xb8;
	[tilespmem:$0x1F480] =	vst v63  }
0x274: {  	v60 =	vperm.xlane v18, v10;
	v20 =	vadd.s32 v4, v59;
	s0 =	simm.s32 $0xA680  }
0x275: {  	[tilespmem:s0], [sflag:$0x1] =	stream.indirect_vreg.gather [hbm4b:s14+s13], $0x80, v57, vm0, $0xb8;
	[tilespmem:$0x1F480] =	vst v63  }
0x276: {  	v62 =	vperm.xlane v18, v11;
	v61 =	vadd.s32 v4, v60;
	s0 =	simm.s32 $0xA700  }
0x277: {  	[tilespmem:s0], [sflag:$0x1] =	stream.indirect_vreg.gather [hbm4b:s14+s13], $0x80, v19, vm0, $0xb8;
	[tilespmem:$0x1F480] =	vst v63  }
0x278: {  	v63 =	vperm.xlane v18, v12;
	v19 =	vadd.s32 v4, v62;
	s0 =	simm.s32 $0xA780  }
0x279: {  	[tilespmem:s0], [sflag:$0x1] =	stream.indirect_vreg.gather [hbm4b:s14+s13], $0x80, v20, vm0, $0xb8;
	[tilespmem:$0x1F480] =	vst v63  }
0x27a: {  	v24 =	vperm.xlane v18, v13;
	v20 =	vadd.s32 v4, v63;
	s0 =	simm.s32 $0xA800  }
0x27b: {  	[tilespmem:s0], [sflag:$0x1] =	stream.indirect_vreg.gather [hbm4b:s14+s13], $0x80, v61, vm0, $0xb8;
	[tilespmem:$0x1F480] =	vst v63  }
0x27c: {  	v26 =	vperm.xlane v18, v14;
	v25 =	vadd.s32 v4, v24;
	s0 =	simm.s32 $0xA880  }
0x27d: {  	[tilespmem:s0], [sflag:$0x1] =	stream.indirect_vreg.gather [hbm4b:s14+s13], $0x80, v19, vm0, $0xb8;
	[tilespmem:$0x1F480] =	vst v63  }
0x27e: {  	v27 =	vperm.xlane v18, v15;
	v19 =	vadd.s32 v4, v26;
	s0 =	simm.s32 $0xA900  }
0x27f: {  	[tilespmem:s0], [sflag:$0x1] =	stream.indirect_vreg.gather [hbm4b:s14+s13], $0x80, v20, vm0, $0xb8;
	[tilespmem:$0x1F480] =	vst v63  }
0x280: {  	v28 =	vperm.xlane v18, v16;
	v20 =	vadd.s32 v4, v27;
	s0 =	simm.s32 $0xA980  }
0x281: {  	[tilespmem:s0], [sflag:$0x1] =	stream.indirect_vreg.gather [hbm4b:s14+s13], $0x80, v25, vm0, $0xb8;
	[tilespmem:$0x1F480] =	vst v63  }
0x282: {  	v18 =	vperm.xlane v18, v17;
	v29 =	vadd.s32 v4, v28;
	s0 =	simm.s32 $0xAA00  }
0x283: {  	[tilespmem:s0], [sflag:$0x1] =	stream.indirect_vreg.gather [hbm4b:s14+s13], $0x80, v19, vm0, $0xb8;
	[tilespmem:$0x1F480] =	vst v63  }
0x284: {  	v18 =	vadd.s32 v4, v18;
	s0 =	simm.s32 $0xAA80  }
0x285: {  	[tilespmem:s0], [sflag:$0x1] =	stream.indirect_vreg.gather [hbm4b:s14+s13], $0x80, v20, vm0, $0xb8;
	[tilespmem:$0x1F480] =	vst v63  }
0x286: {  	s0 =	simm.s32 $0xAB00  }
0x287: {  	[tilespmem:s0], [sflag:$0x1] =	stream.indirect_vreg.gather [hbm4b:s14+s13], $0x80, v29, vm0, $0xb8;
	[tilespmem:$0x1F480] =	vst v63  }
0x288: {  	s0 =	simm.s32 $0xAB80  }
0x289: {  	[tilespmem:s0], [sflag:$0x1] =	stream.indirect_vreg.gather [hbm4b:s14+s13], $0x80, v18, vm0, $0xb8;
	[tilespmem:$0x1F480] =	vst v63  }
0x28a: {  	v18 =	vld [tilespmem:s28+$0x60];
	_ =	sdelay $0x4  }
0x28b: {  	v19 =	vshll.u32 v18, $0x1  }
0x28c: {  	v18 =	vand.u32 $0x7, v18;
	v19 =	vand.u32 $0xFFFFFFF0, v19  }
0x28d: {  	v18 =	vor.u32 v18, v19  }
0x28e: {  	v19 =	vperm.xlane v18, v3;
	_ =	sdelay $0x1  }
0x28f: {  	v20 =	vperm.xlane v18, v2;
	v19 =	vadd.s32 v4, v19;
	_ =	sdelay $0x1  }
0x290: {  	v30 =	vperm.xlane v18, v5;
	v20 =	vadd.s32 v4, v20;
	_ =	sdelay $0x1  }
0x291: {  	s0 =	simm.s32 $0xAC00;
	v31 =	vperm.xlane v18, v6;
	v21 =	vadd.s32 v4, v30  }
0x292: {  	[tilespmem:s0], [sflag:$0x1] =	stream.indirect_vreg.gather [hbm4b:s14+s13], $0x80, v19, vm0, $0xb8;
	[tilespmem:$0x1F480] =	vst v63  }
0x293: {  	v32 =	vperm.xlane v18, v7;
	v19 =	vadd.s32 v4, v31;
	s0 =	simm.s32 $0xAC80  }
0x294: {  	[tilespmem:s0], [sflag:$0x1] =	stream.indirect_vreg.gather [hbm4b:s14+s13], $0x80, v20, vm0, $0xb8;
	[tilespmem:$0x1F480] =	vst v63  }
0x295: {  	v33 =	vperm.xlane v18, v8;
	v20 =	vadd.s32 v4, v32;
	s0 =	simm.s32 $0xAD00  }
0x296: {  	[tilespmem:s0], [sflag:$0x1] =	stream.indirect_vreg.gather [hbm4b:s14+s13], $0x80, v21, vm0, $0xb8;
	[tilespmem:$0x1F480] =	vst v63  }
0x297: {  	v35 =	vperm.xlane v18, v9;
	v34 =	vadd.s32 v4, v33;
	s0 =	simm.s32 $0xAD80  }
0x298: {  	[tilespmem:s0], [sflag:$0x1] =	stream.indirect_vreg.gather [hbm4b:s14+s13], $0x80, v19, vm0, $0xb8;
	[tilespmem:$0x1F480] =	vst v63  }
0x299: {  	v36 =	vperm.xlane v18, v1;
	v19 =	vadd.s32 v4, v35;
	s0 =	simm.s32 $0xAE00  }
0x29a: {  	[tilespmem:s0], [sflag:$0x1] =	stream.indirect_vreg.gather [hbm4b:s14+s13], $0x80, v20, vm0, $0xb8;
	[tilespmem:$0x1F480] =	vst v63  }
0x29b: {  	v37 =	vperm.xlane v18, v10;
	v20 =	vadd.s32 v4, v36;
	s0 =	simm.s32 $0xAE80  }
0x29c: {  	[tilespmem:s0], [sflag:$0x1] =	stream.indirect_vreg.gather [hbm4b:s14+s13], $0x80, v34, vm0, $0xb8;
	[tilespmem:$0x1F480] =	vst v63  }
0x29d: {  	v39 =	vperm.xlane v18, v11;
	v38 =	vadd.s32 v4, v37;
	s0 =	simm.s32 $0xAF00  }
0x29e: {  	[tilespmem:s0], [sflag:$0x1] =	stream.indirect_vreg.gather [hbm4b:s14+s13], $0x80, v19, vm0, $0xb8;
	[tilespmem:$0x1F480] =	vst v63  }
0x29f: {  	v40 =	vperm.xlane v18, v12;
	v19 =	vadd.s32 v4, v39;
	s0 =	simm.s32 $0xAF80  }
0x2a0: {  	[tilespmem:s0], [sflag:$0x1] =	stream.indirect_vreg.gather [hbm4b:s14+s13], $0x80, v20, vm0, $0xb8;
	[tilespmem:$0x1F480] =	vst v63  }
0x2a1: {  	v41 =	vperm.xlane v18, v13;
	v20 =	vadd.s32 v4, v40;
	s0 =	simm.s32 $0xB000  }
0x2a2: {  	[tilespmem:s0], [sflag:$0x1] =	stream.indirect_vreg.gather [hbm4b:s14+s13], $0x80, v38, vm0, $0xb8;
	[tilespmem:$0x1F480] =	vst v63  }
0x2a3: {  	v43 =	vperm.xlane v18, v14;
	v42 =	vadd.s32 v4, v41;
	s0 =	simm.s32 $0xB080  }
0x2a4: {  	[tilespmem:s0], [sflag:$0x1] =	stream.indirect_vreg.gather [hbm4b:s14+s13], $0x80, v19, vm0, $0xb8;
	[tilespmem:$0x1F480] =	vst v63  }
0x2a5: {  	v44 =	vperm.xlane v18, v15;
	v19 =	vadd.s32 v4, v43;
	s0 =	simm.s32 $0xB100  }
0x2a6: {  	[tilespmem:s0], [sflag:$0x1] =	stream.indirect_vreg.gather [hbm4b:s14+s13], $0x80, v20, vm0, $0xb8;
	[tilespmem:$0x1F480] =	vst v63  }
0x2a7: {  	v45 =	vperm.xlane v18, v16;
	v20 =	vadd.s32 v4, v44;
	s0 =	simm.s32 $0xB180  }
0x2a8: {  	[tilespmem:s0], [sflag:$0x1] =	stream.indirect_vreg.gather [hbm4b:s14+s13], $0x80, v42, vm0, $0xb8;
	[tilespmem:$0x1F480] =	vst v63  }
0x2a9: {  	v18 =	vperm.xlane v18, v17;
	v46 =	vadd.s32 v4, v45  }
0x2aa: {  	[tilespmem:s9], [sflag:$0x1] =	stream.indirect_vreg.gather [hbm4b:s14+s13], $0x80, v19, vm0, $0xb8;
	[tilespmem:$0x1F480] =	vst v63  }
0x2ab: {  	v18 =	vadd.s32 v4, v18  }
0x2ac: {  	[tilespmem:s10], [sflag:$0x1] =	stream.indirect_vreg.gather [hbm4b:s14+s13], $0x80, v20, vm0, $0xb8;
	[tilespmem:$0x1F480] =	vst v63  }
0x2ad: {  	_ = 	snop  }
0x2ae: {  	[tilespmem:s11], [sflag:$0x1] =	stream.indirect_vreg.gather [hbm4b:s14+s13], $0x80, v46, vm0, $0xb8;
	[tilespmem:$0x1F480] =	vst v63  }
0x2af: {  	_ = 	snop  }
0x2b0: {  	[tilespmem:s12], [sflag:$0x1] =	stream.indirect_vreg.gather [hbm4b:s14+s13], $0x80, v18, vm0, $0xb8;
	[tilespmem:$0x1F480] =	vst v63  }
0x2b1: {  	v18 =	vld [tilespmem:s28+$0x70];
	_ =	sdelay $0x4  }
0x2b2: {  	v19 =	vshll.u32 v18, $0x1  }
0x2b3: {  	v18 =	vand.u32 $0x7, v18;
	v19 =	vand.u32 $0xFFFFFFF0, v19  }
0x2b4: {  	v18 =	vor.u32 v18, v19  }
0x2b5: {  	v19 =	vperm.xlane v18, v3;
	_ =	sdelay $0x1  }
0x2b6: {  	v20 =	vperm.xlane v18, v2;
	v19 =	vadd.s32 v4, v19;
	_ =	sdelay $0x1  }
0x2b7: {  	v47 =	vperm.xlane v18, v5;
	v20 =	vadd.s32 v4, v20;
	_ =	sdelay $0x1  }
0x2b8: {  	v48 =	vperm.xlane v18, v6;
	v21 =	vadd.s32 v4, v47  }
0x2b9: {  	[tilespmem:s8], [sflag:$0x1] =	stream.indirect_vreg.gather [hbm4b:s14+s13], $0x80, v19, vm0, $0xb8;
	[tilespmem:$0x1F480] =	vst v63  }
0x2ba: {  	v49 =	vperm.xlane v18, v7;
	v19 =	vadd.s32 v4, v48  }
0x2bb: {  	[tilespmem:s4], [sflag:$0x1] =	stream.indirect_vreg.gather [hbm4b:s14+s13], $0x80, v20, vm0, $0xb8;
	[tilespmem:$0x1F480] =	vst v63  }
0x2bc: {  	v50 =	vperm.xlane v18, v8;
	v20 =	vadd.s32 v4, v49  }
0x2bd: {  	[tilespmem:s3], [sflag:$0x1] =	stream.indirect_vreg.gather [hbm4b:s14+s13], $0x80, v21, vm0, $0xb8;
	[tilespmem:$0x1F480] =	vst v63  }
0x2be: {  	s0 =	simm.s32 $0xB580;
	v52 =	vperm.xlane v18, v9;
	v51 =	vadd.s32 v4, v50  }
0x2bf: {  	[tilespmem:s0], [sflag:$0x1] =	stream.indirect_vreg.gather [hbm4b:s14+s13], $0x80, v19, vm0, $0xb8;
	[tilespmem:$0x1F480] =	vst v63  }
0x2c0: {  	v53 =	vperm.xlane v18, v1;
	v19 =	vadd.s32 v4, v52  }
0x2c1: {  	[tilespmem:s19], [sflag:$0x1] =	stream.indirect_vreg.gather [hbm4b:s14+s13], $0x80, v20, vm0, $0xb8;
	[tilespmem:$0x1F480] =	vst v63  }
0x2c2: {  	v54 =	vperm.xlane v18, v10;
	v20 =	vadd.s32 v4, v53  }
0x2c3: {  	[tilespmem:s23], [sflag:$0x1] =	stream.indirect_vreg.gather [hbm4b:s14+s13], $0x80, v51, vm0, $0xb8;
	[tilespmem:$0x1F480] =	vst v63  }
0x2c4: {  	v56 =	vperm.xlane v18, v11;
	v55 =	vadd.s32 v4, v54;
	s0 =	simm.s32 $0xB700  }
0x2c5: {  	[tilespmem:s0], [sflag:$0x1] =	stream.indirect_vreg.gather [hbm4b:s14+s13], $0x80, v19, vm0, $0xb8;
	[tilespmem:$0x1F480] =	vst v63  }
0x2c6: {  	v57 =	vperm.xlane v18, v12;
	v19 =	vadd.s32 v4, v56;
	s0 =	simm.s32 $0xB780  }
0x2c7: {  	[tilespmem:s0], [sflag:$0x1] =	stream.indirect_vreg.gather [hbm4b:s14+s13], $0x80, v20, vm0, $0xb8;
	[tilespmem:$0x1F480] =	vst v63  }
0x2c8: {  	v58 =	vperm.xlane v18, v13;
	v20 =	vadd.s32 v4, v57;
	s0 =	simm.s32 $0xB800  }
0x2c9: {  	[tilespmem:s0], [sflag:$0x1] =	stream.indirect_vreg.gather [hbm4b:s14+s13], $0x80, v55, vm0, $0xb8;
	[tilespmem:$0x1F480] =	vst v63  }
0x2ca: {  	v59 =	vadd.s32 v4, v58;
	s0 =	simm.s32 $0xB880  }
0x2cb: {  	v60 =	vperm.xlane v18, v14;
	[tilespmem:s0], [sflag:$0x1] =	stream.indirect_vreg.gather [hbm4b:s14+s13], $0x80, v19, vm0, $0xb8;
	[tilespmem:$0x1F480] =	vst v63  }
0x2cc: {  	s0 =	simm.s32 $0xB900  }
0x2cd: {  	v61 =	vperm.xlane v18, v15;
	v19 =	vadd.s32 v4, v60;
	[tilespmem:s0], [sflag:$0x1] =	stream.indirect_vreg.gather [hbm4b:s14+s13], $0x80, v20, vm0, $0xb8;
	[tilespmem:$0x1F480] =	vst v63  }
0x2ce: {  	s0 =	simm.s32 $0xB980  }
0x2cf: {  	v62 =	vperm.xlane v18, v16;
	v20 =	vadd.s32 v4, v61;
	[tilespmem:s0], [sflag:$0x1] =	stream.indirect_vreg.gather [hbm4b:s14+s13], $0x80, v59, vm0, $0xb8;
	[tilespmem:$0x1F480] =	vst v63  }
0x2d0: {  	s0 =	sshll.u32 s26, $0xA  }
0x2d1: {  	v18 =	vperm.xlane v18, v17;
	v63 =	vadd.s32 v4, v62;
	s30 =	sadd.s32 $0xFFFFB000, s0  }
0x2d2: {  	[tilespmem:s16], [sflag:$0x1] =	stream.indirect_vreg.gather [hbm4b:s14+s13], $0x80, v19, vm0, $0xb8;
	[tilespmem:$0x1F480] =	vst v63  }
0x2d3: {  	v18 =	vadd.s32 v4, v18;
	s30 =	smov.u32 @p1 s0  }
0x2d4: {  	[tilespmem:s17], [sflag:$0x1] =	stream.indirect_vreg.gather [hbm4b:s14+s13], $0x80, v20, vm0, $0xb8;
	[tilespmem:$0x1F480] =	vst v63  }
0x2d5: {  	s30 =	sshra.s32 s30, $0x2  }
0x2d6: {  	[tilespmem:s18], [sflag:$0x1] =	stream.indirect_vreg.gather [hbm4b:s14+s13], $0x80, v63, vm0, $0xb8;
	[tilespmem:$0x1F480] =	vst v63  }
0x2d7: {  	s0 =	sadd.s32 $0x2800, s30  }
0x2d8: {  	[tilespmem:s6], [sflag:$0x1] =	stream.indirect_vreg.gather [hbm4b:s14+s13], $0x80, v18, vm0, $0xb8;
	v18 =	vmov s0;
	[tilespmem:$0x1F480] =	vst v63  }
0x2d9: {  	_ = 	snop  }
0x2da: {  	s31 =	simm.s32 $0x0  }
.LBB2_5:
0x2db: {  	s0 =	sshll.u32 s31, $0x4  }
0x2dc: {  	s0 =	sand.u32 $0x3FFFFFF0, s0  }
0x2dd: {  	v19 =	vld.idx.msk [tilespmem:v18+s0+$0x0 ss:$0x1], $0xffff;
	s0 =	sshll.u32 s31, $0xB  }
0x2de: {  	s0 =	sand.u32 $0x3FFFF800, s0  }
0x2df: {  	v20 =	vld [tilespmem:s0+$0x3C00]  }
0x2e0: {  	v21 =	vld [tilespmem:s0+$0x3C10]  }
0x2e1: {  	v22 =	vld [tilespmem:s0+$0x3C20]  }
0x2e2: {  	v24 =	vld [tilespmem:s0+$0x3C30]  }
0x2e3: {  	v25 =	vld [tilespmem:s0+$0x3C40];
	v23 =	vperm.xlane v19, v3  }
0x2e4: {  	v26 =	vld [tilespmem:s0+$0x3C50]  }
0x2e5: {  	v27 =	vld [tilespmem:s0+$0x3C60];
	v20 =	vmul.f32 v20, v23  }
0x2e6: {  	v63 =	vld [tilespmem:s0+$0x3C70];
	v21 =	vmul.f32 v21, v23  }
0x2e7: {  	v33 =	vld [tilespmem:s0+$0x3C80];
	[tilespmem:s0+$0x3C00] =	vst v20;
	v20 =	vmul.f32 v22, v23  }
0x2e8: {  	v34 =	vld [tilespmem:s0+$0x3C90];
	v32 =	vmul.f32 v24, v23;
	[tilespmem:s0+$0x3C10] =	vst v21  }
0x2e9: {  	v36 =	vld [tilespmem:s0+$0x3CA0];
	[tilespmem:s0+$0x3C20] =	vst v20;
	v20 =	vmul.f32 v25, v23  }
0x2ea: {  	v28 =	vld [tilespmem:s0+$0x3CB0];
	v35 =	vmul.f32 v26, v23;
	[tilespmem:s0+$0x3C30] =	vst v32  }
0x2eb: {  	v39 =	vld [tilespmem:s0+$0x3CC0];
	v37 =	vperm.xlane v19, v2;
	[tilespmem:s0+$0x3C40] =	vst v20;
	v20 =	vmul.f32 v27, v23  }
0x2ec: {  	v40 =	vld [tilespmem:s0+$0x3CD0];
	v38 =	vmul.f32 v63, v23;
	[tilespmem:s0+$0x3C50] =	vst v35  }
0x2ed: {  	v42 =	vld [tilespmem:s0+$0x3CE0];
	[tilespmem:s0+$0x3C60] =	vst v20;
	v20 =	vmul.f32 v33, v37  }
0x2ee: {  	v43 =	vld [tilespmem:s0+$0x3CF0];
	v41 =	vmul.f32 v34, v37;
	[tilespmem:s0+$0x3C70] =	vst v38  }
0x2ef: {  	v45 =	vld [tilespmem:s0+$0x3D00];
	[tilespmem:s0+$0x3C80] =	vst v20;
	v20 =	vmul.f32 v36, v37  }
0x2f0: {  	v46 =	vld [tilespmem:s0+$0x3D10];
	v44 =	vmul.f32 v28, v37;
	[tilespmem:s0+$0x3C90] =	vst v41  }
0x2f1: {  	v48 =	vld [tilespmem:s0+$0x3D20];
	[tilespmem:s0+$0x3CA0] =	vst v20;
	v20 =	vmul.f32 v39, v37  }
0x2f2: {  	v50 =	vld [tilespmem:s0+$0x3D30];
	v47 =	vmul.f32 v40, v37;
	[tilespmem:s0+$0x3CB0] =	vst v44  }
0x2f3: {  	v52 =	vld [tilespmem:s0+$0x3D40];
	v49 =	vperm.xlane v19, v5;
	[tilespmem:s0+$0x3CC0] =	vst v20;
	v20 =	vmul.f32 v42, v37  }
0x2f4: {  	v53 =	vld [tilespmem:s0+$0x3D50];
	v51 =	vmul.f32 v43, v37;
	[tilespmem:s0+$0x3CD0] =	vst v47  }
0x2f5: {  	v55 =	vld [tilespmem:s0+$0x3D60];
	[tilespmem:s0+$0x3CE0] =	vst v20;
	v20 =	vmul.f32 v45, v49  }
0x2f6: {  	v56 =	vld [tilespmem:s0+$0x3D70];
	v54 =	vmul.f32 v46, v49;
	[tilespmem:s0+$0x3CF0] =	vst v51  }
0x2f7: {  	v58 =	vld [tilespmem:s0+$0x3D80];
	[tilespmem:s0+$0x3D00] =	vst v20;
	v20 =	vmul.f32 v48, v49  }
0x2f8: {  	v59 =	vld [tilespmem:s0+$0x3D90];
	v57 =	vmul.f32 v50, v49;
	[tilespmem:s0+$0x3D10] =	vst v54  }
0x2f9: {  	v61 =	vld [tilespmem:s0+$0x3DA0];
	[tilespmem:s0+$0x3D20] =	vst v20;
	v20 =	vmul.f32 v52, v49  }
0x2fa: {  	v60 =	vmul.f32 v53, v49;
	v63 =	vld [tilespmem:s0+$0x3DB0];
	[tilespmem:s0+$0x3D30] =	vst v57  }
0x2fb: {  	v62 =	vperm.xlane v19, v6;
	v34 =	vld [tilespmem:s0+$0x3DD0];
	[tilespmem:s0+$0x3D40] =	vst v20;
	v20 =	vmul.f32 v55, v49  }
0x2fc: {  	[tilespmem:s0+$0x3D50] =	vst v60;
	v32 =	vmul.f32 v56, v49;
	v33 =	vld [tilespmem:s0+$0x3DC0]  }
0x2fd: {  	v40 =	vld [tilespmem:s0+$0x3E10];
	[tilespmem:s0+$0x3D60] =	vst v20;
	v20 =	vmul.f32 v58, v62  }
0x2fe: {  	v35 =	vmul.f32 v59, v62;
	[tilespmem:s0+$0x3D70] =	vst v32;
	v36 =	vld [tilespmem:s0+$0x3DE0]  }
0x2ff: {  	v44 =	vld [tilespmem:s0+$0x3E30];
	[tilespmem:s0+$0x3D80] =	vst v20;
	v20 =	vmul.f32 v61, v62  }
0x300: {  	[tilespmem:s0+$0x3D90] =	vst v35;
	v38 =	vmul.f32 v63, v62;
	v39 =	vld [tilespmem:s0+$0x3E00]  }
0x301: {  	v47 =	vld [tilespmem:s0+$0x3E50];
	[tilespmem:s0+$0x3DA0] =	vst v20;
	v20 =	vmul.f32 v33, v62  }
0x302: {  	v43 =	vperm.xlane v19, v7;
	v41 =	vmul.f32 v34, v62;
	[tilespmem:s0+$0x3DB0] =	vst v38;
	v42 =	vld [tilespmem:s0+$0x3E20]  }
0x303: {  	v57 =	vld [tilespmem:s0+$0x3EB0];
	[tilespmem:s0+$0x3DC0] =	vst v20;
	v20 =	vmul.f32 v36, v62  }
0x304: {  	v46 =	vld [tilespmem:s0+$0x3E40];
	[tilespmem:s0+$0x3DD0] =	vst v41;
	v51 =	vmul.f32 v44, v43  }
0x305: {  	v60 =	vld [tilespmem:s0+$0x3ED0];
	[tilespmem:s0+$0x3DE0] =	vst v20;
	v20 =	vmul.f32 v39, v43  }
0x306: {  	v56 =	vperm.xlane v19, v8;
	v54 =	vmul.f32 v47, v43;
	[tilespmem:s0+$0x3E30] =	vst v51;
	v49 =	vld [tilespmem:s0+$0x3E60]  }
0x307: {  	v63 =	vld [tilespmem:s0+$0x3EF0];
	[tilespmem:s0+$0x3E00] =	vst v20;
	v20 =	vmul.f32 v42, v43  }
0x308: {  	v31 =	vmul.f32 v57, v56;
	[tilespmem:s0+$0x3E50] =	vst v54;
	v52 =	vld [tilespmem:s0+$0x3E80]  }
0x309: {  	v37 =	vld [tilespmem:s0+$0x3DF0];
	[tilespmem:s0+$0x3E20] =	vst v20;
	v20 =	vmul.f32 v46, v43  }
0x30a: {  	v34 =	vmul.f32 v60, v56;
	[tilespmem:s0+$0x3EB0] =	vst v31;
	v55 =	vld [tilespmem:s0+$0x3EA0]  }
0x30b: {  	[tilespmem:s0+$0x3E40] =	vst v20;
	v20 =	vmul.f32 v49, v43  }
0x30c: {  	v59 =	vld [tilespmem:s0+$0x3EC0];
	[tilespmem:s0+$0x3ED0] =	vst v34;
	v38 =	vmul.f32 v63, v56  }
0x30d: {  	v50 =	vld [tilespmem:s0+$0x3E70];
	[tilespmem:s0+$0x3E60] =	vst v20;
	v20 =	vmul.f32 v52, v56  }
0x30e: {  	[tilespmem:s0+$0x3EF0] =	vst v38;
	v48 =	vmul.f32 v40, v43;
	v45 =	vmul.f32 v37, v62;
	v62 =	vld [tilespmem:s0+$0x3EE0]  }
0x30f: {  	v53 =	vld [tilespmem:s0+$0x3E90];
	[tilespmem:s0+$0x3E80] =	vst v20;
	v20 =	vmul.f32 v55, v56  }
0x310: {  	v32 =	vld [tilespmem:s0+$0x3F00];
	[tilespmem:s0+$0x3E10] =	vst v48  }
0x311: {  	v37 =	vld [tilespmem:s0+$0x3F30];
	[tilespmem:s0+$0x3EA0] =	vst v20;
	v20 =	vmul.f32 v59, v56  }
0x312: {  	v35 =	vld [tilespmem:s0+$0x3F20];
	[tilespmem:s0+$0x3DF0] =	vst v45;
	v58 =	vmul.f32 v50, v43  }
0x313: {  	v40 =	vld [tilespmem:s0+$0x3F50];
	v36 =	vperm.xlane v19, v9;
	[tilespmem:s0+$0x3EC0] =	vst v20;
	v20 =	vmul.f32 v62, v56  }
0x314: {  	[tilespmem:s0+$0x3E70] =	vst v58;
	v61 =	vmul.f32 v53, v56;
	v39 =	vld [tilespmem:s0+$0x3F40]  }
0x315: {  	v33 =	vld [tilespmem:s0+$0x3F10];
	[tilespmem:s0+$0x3EE0] =	vst v20;
	v20 =	vmul.f32 v32, v36  }
0x316: {  	[tilespmem:s0+$0x3E90] =	vst v61;
	v44 =	vmul.f32 v37, v36;
	v42 =	vld [tilespmem:s0+$0x3F60]  }
0x317: {  	v50 =	vld [tilespmem:s0+$0x3FB0];
	[tilespmem:s0+$0x3F00] =	vst v20;
	v20 =	vmul.f32 v35, v36  }
0x318: {  	v45 =	vld [tilespmem:s0+$0x3F80];
	v47 =	vmul.f32 v40, v36;
	[tilespmem:s0+$0x3F30] =	vst v44  }
0x319: {  	v53 =	vld [tilespmem:s0+$0x3FD0];
	[tilespmem:s0+$0x3F20] =	vst v20;
	v20 =	vmul.f32 v39, v36  }
0x31a: {  	v48 =	vld [tilespmem:s0+$0x3FA0];
	v41 =	vmul.f32 v33, v36;
	[tilespmem:s0+$0x3F50] =	vst v47;
	v49 =	vperm.xlane v19, v1  }
0x31b: {  	v46 =	vld [tilespmem:s0+$0x3F90];
	[tilespmem:s0+$0x3F40] =	vst v20;
	v20 =	vmul.f32 v42, v36  }
0x31c: {  	[tilespmem:s0+$0x3F10] =	vst v41;
	v52 =	vld [tilespmem:s0+$0x3FC0];
	v57 =	vmul.f32 v50, v49  }
0x31d: {  	v43 =	vld [tilespmem:s0+$0x3F70];
	[tilespmem:s0+$0x3F60] =	vst v20;
	v20 =	vmul.f32 v45, v49  }
0x31e: {  	v60 =	vmul.f32 v53, v49;
	v55 =	vld [tilespmem:s0+$0x3FE0];
	[tilespmem:s0+$0x3FB0] =	vst v57  }
0x31f: {  	v44 =	vld [tilespmem:s0+$0x40B0];
	[tilespmem:s0+$0x3F80] =	vst v20;
	v20 =	vmul.f32 v48, v49  }
0x320: {  	v58 =	vld [tilespmem:s0+$0x4000];
	v54 =	vmul.f32 v46, v49;
	[tilespmem:s0+$0x3FD0] =	vst v60  }
0x321: {  	v47 =	vld [tilespmem:s0+$0x40D0];
	[tilespmem:s0+$0x3FA0] =	vst v20;
	v20 =	vmul.f32 v52, v49  }
0x322: {  	v61 =	vld [tilespmem:s0+$0x4020];
	v51 =	vmul.f32 v43, v36;
	[tilespmem:s0+$0x3F90] =	vst v54;
	v43 =	vperm.xlane v19, v11  }
0x323: {  	v63 =	vld [tilespmem:s0+$0x4030];
	v62 =	vperm.xlane v19, v10;
	[tilespmem:s0+$0x3FC0] =	vst v20;
	v20 =	vmul.f32 v55, v49  }
0x324: {  	v33 =	vld [tilespmem:s0+$0x4040];
	[tilespmem:s0+$0x3F70] =	vst v51;
	v51 =	vmul.f32 v44, v43  }
0x325: {  	v34 =	vld [tilespmem:s0+$0x4050];
	[tilespmem:s0+$0x3FE0] =	vst v20;
	v20 =	vmul.f32 v58, v62  }
0x326: {  	v54 =	vmul.f32 v47, v43;
	[tilespmem:s0+$0x40B0] =	vst v51;
	v36 =	vld [tilespmem:s0+$0x4060]  }
0x327: {  	v59 =	vld [tilespmem:s0+$0x4010];
	[tilespmem:s0+$0x4000] =	vst v20;
	v20 =	vmul.f32 v61, v62  }
0x328: {  	[tilespmem:s0+$0x40D0] =	vst v54;
	v38 =	vmul.f32 v63, v62;
	v39 =	vld [tilespmem:s0+$0x4080]  }
0x329: {  	v56 =	vld [tilespmem:s0+$0x3FF0];
	[tilespmem:s0+$0x4020] =	vst v20;
	v20 =	vmul.f32 v33, v62  }
0x32a: {  	v41 =	vmul.f32 v34, v62;
	[tilespmem:s0+$0x4030] =	vst v38;
	v42 =	vld [tilespmem:s0+$0x40A0]  }
0x32b: {  	v57 =	vld [tilespmem:s0+$0x4130];
	[tilespmem:s0+$0x4040] =	vst v20;
	v20 =	vmul.f32 v36, v62  }
0x32c: {  	v46 =	vld [tilespmem:s0+$0x40C0];
	v35 =	vmul.f32 v59, v62;
	[tilespmem:s0+$0x4050] =	vst v41  }
0x32d: {  	v60 =	vld [tilespmem:s0+$0x4150];
	[tilespmem:s0+$0x4060] =	vst v20;
	v20 =	vmul.f32 v39, v43  }
0x32e: {  	v32 =	vmul.f32 v56, v49;
	v56 =	vperm.xlane v19, v12;
	[tilespmem:s0+$0x4010] =	vst v35;
	v49 =	vld [tilespmem:s0+$0x40E0]  }
0x32f: {  	v63 =	vld [tilespmem:s0+$0x4170];
	[tilespmem:s0+$0x4080] =	vst v20;
	v20 =	vmul.f32 v42, v43  }
0x330: {  	[tilespmem:s0+$0x3FF0] =	vst v32;
	v31 =	vmul.f32 v57, v56;
	v52 =	vld [tilespmem:s0+$0x4100]  }
0x331: {  	v37 =	vld [tilespmem:s0+$0x4070];
	[tilespmem:s0+$0x40A0] =	vst v20;
	v20 =	vmul.f32 v46, v43  }
0x332: {  	v34 =	vmul.f32 v60, v56;
	[tilespmem:s0+$0x4130] =	vst v31;
	v55 =	vld [tilespmem:s0+$0x4120]  }
0x333: {  	v40 =	vld [tilespmem:s0+$0x4090];
	[tilespmem:s0+$0x40C0] =	vst v20;
	v20 =	vmul.f32 v49, v43  }
0x334: {  	v59 =	vld [tilespmem:s0+$0x4140];
	v38 =	vmul.f32 v63, v56;
	[tilespmem:s0+$0x4150] =	vst v34  }
0x335: {  	v50 =	vld [tilespmem:s0+$0x40F0];
	[tilespmem:s0+$0x40E0] =	vst v20;
	v20 =	vmul.f32 v52, v56  }
0x336: {  	[tilespmem:s0+$0x4170] =	vst v38;
	v45 =	vmul.f32 v37, v62;
	v62 =	vld [tilespmem:s0+$0x4160]  }
0x337: {  	v53 =	vld [tilespmem:s0+$0x4110];
	[tilespmem:s0+$0x4100] =	vst v20;
	v20 =	vmul.f32 v55, v56  }
0x338: {  	v32 =	vld [tilespmem:s0+$0x4180];
	[tilespmem:s0+$0x4070] =	vst v45;
	v48 =	vmul.f32 v40, v43  }
0x339: {  	v37 =	vld [tilespmem:s0+$0x41B0];
	[tilespmem:s0+$0x4120] =	vst v20;
	v20 =	vmul.f32 v59, v56  }
0x33a: {  	v35 =	vld [tilespmem:s0+$0x41A0];
	[tilespmem:s0+$0x4090] =	vst v48;
	v58 =	vmul.f32 v50, v43  }
0x33b: {  	v40 =	vld [tilespmem:s0+$0x41D0];
	v36 =	vperm.xlane v19, v13;
	[tilespmem:s0+$0x4140] =	vst v20;
	v20 =	vmul.f32 v62, v56  }
0x33c: {  	[tilespmem:s0+$0x40F0] =	vst v58;
	v61 =	vmul.f32 v53, v56;
	v39 =	vld [tilespmem:s0+$0x41C0]  }
0x33d: {  	v33 =	vld [tilespmem:s0+$0x4190];
	[tilespmem:s0+$0x4160] =	vst v20;
	v20 =	vmul.f32 v32, v36  }
0x33e: {  	[tilespmem:s0+$0x4110] =	vst v61;
	v44 =	vmul.f32 v37, v36;
	v42 =	vld [tilespmem:s0+$0x41E0]  }
0x33f: {  	v50 =	vld [tilespmem:s0+$0x4230];
	[tilespmem:s0+$0x4180] =	vst v20;
	v20 =	vmul.f32 v35, v36  }
0x340: {  	v45 =	vld [tilespmem:s0+$0x4200];
	v47 =	vmul.f32 v40, v36;
	[tilespmem:s0+$0x41B0] =	vst v44  }
0x341: {  	v53 =	vld [tilespmem:s0+$0x4250];
	[tilespmem:s0+$0x41A0] =	vst v20;
	v20 =	vmul.f32 v39, v36  }
0x342: {  	v48 =	vld [tilespmem:s0+$0x4220];
	v41 =	vmul.f32 v33, v36;
	[tilespmem:s0+$0x41D0] =	vst v47;
	v49 =	vperm.xlane v19, v14  }
0x343: {  	v46 =	vld [tilespmem:s0+$0x4210];
	[tilespmem:s0+$0x41C0] =	vst v20;
	v20 =	vmul.f32 v42, v36  }
0x344: {  	[tilespmem:s0+$0x4190] =	vst v41;
	v52 =	vld [tilespmem:s0+$0x4240];
	v57 =	vmul.f32 v50, v49  }
0x345: {  	v43 =	vld [tilespmem:s0+$0x41F0];
	[tilespmem:s0+$0x41E0] =	vst v20;
	v20 =	vmul.f32 v45, v49  }
0x346: {  	v60 =	vmul.f32 v53, v49;
	v55 =	vld [tilespmem:s0+$0x4260];
	[tilespmem:s0+$0x4230] =	vst v57  }
0x347: {  	v63 =	vld [tilespmem:s0+$0x42B0];
	[tilespmem:s0+$0x4200] =	vst v20;
	v20 =	vmul.f32 v48, v49  }
0x348: {  	v58 =	vld [tilespmem:s0+$0x4280];
	v54 =	vmul.f32 v46, v49;
	[tilespmem:s0+$0x4250] =	vst v60  }
0x349: {  	v33 =	vld [tilespmem:s0+$0x42D0];
	[tilespmem:s0+$0x4220] =	vst v20;
	v20 =	vmul.f32 v52, v49  }
0x34a: {  	v61 =	vld [tilespmem:s0+$0x42A0];
	v51 =	vmul.f32 v43, v36;
	[tilespmem:s0+$0x4210] =	vst v54;
	v62 =	vperm.xlane v19, v15  }
0x34b: {  	v59 =	vld [tilespmem:s0+$0x4290];
	[tilespmem:s0+$0x4240] =	vst v20;
	v20 =	vmul.f32 v55, v49  }
0x34c: {  	[tilespmem:s0+$0x41F0] =	vst v51;
	v32 =	vld [tilespmem:s0+$0x42C0];
	v37 =	vmul.f32 v63, v62  }
0x34d: {  	v56 =	vld [tilespmem:s0+$0x4270];
	[tilespmem:s0+$0x4260] =	vst v20;
	v20 =	vmul.f32 v58, v62  }
0x34e: {  	v40 =	vmul.f32 v33, v62;
	v35 =	vld [tilespmem:s0+$0x42E0];
	[tilespmem:s0+$0x42B0] =	vst v37  }
0x34f: {  	v43 =	vld [tilespmem:s0+$0x4330];
	[tilespmem:s0+$0x4280] =	vst v20;
	v20 =	vmul.f32 v61, v62  }
0x350: {  	v38 =	vld [tilespmem:s0+$0x4300];
	v34 =	vmul.f32 v59, v62;
	[tilespmem:s0+$0x42D0] =	vst v40  }
0x351: {  	v46 =	vld [tilespmem:s0+$0x4350];
	[tilespmem:s0+$0x42A0] =	vst v20;
	v20 =	vmul.f32 v32, v62  }
0x352: {  	v41 =	vld [tilespmem:s0+$0x4320];
	v31 =	vmul.f32 v56, v49;
	[tilespmem:s0+$0x4290] =	vst v34;
	v42 =	vperm.xlane v19, v16  }
0x353: {  	v39 =	vld [tilespmem:s0+$0x4310];
	[tilespmem:s0+$0x42C0] =	vst v20;
	v20 =	vmul.f32 v35, v62  }
0x354: {  	[tilespmem:s0+$0x4270] =	vst v31;
	v45 =	vld [tilespmem:s0+$0x4340];
	v50 =	vmul.f32 v43, v42  }
0x355: {  	v36 =	vld [tilespmem:s0+$0x42F0];
	[tilespmem:s0+$0x42E0] =	vst v20;
	v20 =	vmul.f32 v38, v42  }
0x356: {  	v53 =	vmul.f32 v46, v42;
	v48 =	vld [tilespmem:s0+$0x4360];
	[tilespmem:s0+$0x4330] =	vst v50  }
0x357: {  	v52 =	vld [tilespmem:s0+$0x4390];
	[tilespmem:s0+$0x4300] =	vst v20;
	v20 =	vmul.f32 v41, v42  }
0x358: {  	v51 =	vld [tilespmem:s0+$0x4380];
	v47 =	vmul.f32 v39, v42;
	[tilespmem:s0+$0x4350] =	vst v53  }
0x359: {  	v49 =	vld [tilespmem:s0+$0x4370];
	[tilespmem:s0+$0x4320] =	vst v20;
	v20 =	vmul.f32 v45, v42  }
0x35a: {  	v54 =	vld [tilespmem:s0+$0x43A0];
	v19 =	vperm.xlane v19, v17;
	v44 =	vmul.f32 v36, v62;
	[tilespmem:s0+$0x4310] =	vst v47  }
0x35b: {  	v58 =	vld [tilespmem:s0+$0x43D0];
	[tilespmem:s0+$0x4340] =	vst v20;
	v20 =	vmul.f32 v48, v42  }
0x35c: {  	v57 =	vld [tilespmem:s0+$0x43C0];
	[tilespmem:s0+$0x42F0] =	vst v44;
	v59 =	vmul.f32 v52, v19  }
0x35d: {  	v55 =	vld [tilespmem:s0+$0x43B0];
	[tilespmem:s0+$0x4360] =	vst v20;
	v20 =	vmul.f32 v51, v19  }
0x35e: {  	v60 =	vld [tilespmem:s0+$0x43E0];
	v56 =	vmul.f32 v49, v42;
	[tilespmem:s0+$0x4390] =	vst v59  }
0x35f: {  	v61 =	vld [tilespmem:s0+$0x43F0];
	[tilespmem:s0+$0x4380] =	vst v20;
	v20 =	vmul.f32 v54, v19  }
0x360: {  	[tilespmem:s0+$0x4370] =	vst v56;
	v63 =	vmul.f32 v58, v19  }
0x361: {  	p1 =	sne.s32 s31, $0x7;
	[tilespmem:s0+$0x43A0] =	vst v20;
	v20 =	vmul.f32 v57, v19  }
.Ltmp1:
0x362: {  	v62 =	vmul.f32 v55, v19;
	[tilespmem:s0+$0x43D0] =	vst v63;
	(pc) =	sbr.rel @p1 .LBB2_5-.Ltmp1, $4  }
0x363: {  	[tilespmem:s0+$0x43C0] =	vst v20;
	v20 =	vmul.f32 v60, v19  }
0x364: {  	[tilespmem:s0+$0x43B0] =	vst v62;
	v19 =	vmul.f32 v61, v19  }
0x365: {  	[tilespmem:s0+$0x43E0] =	vst v20  }
0x366: {  	s31 =	sadd.s32 $0x1, s31;
	[tilespmem:s0+$0x43F0] =	vst v19  }
0x367: {  	s0 =	sadd.s32 $0x1400, s30  }
0x368: {  	[spmem:s1] =	stream.indirect.scatter.add.f32 [tilespmem:s24], [sflag:$0x2], $0x80, s0, s21, $0xb8;
	[tilespmem:$0x1F480] =	vst v63  }
0x369: {  	p1 =	seq.s32 s26, $0x27;
	_ =	swait.ge [sflag:s20], $0x4000  }
.Ltmp2:
0x36a: {  	[sflag:s20] =	ssyncset.done $0x0;
	(pc) =	sbr.rel @p1 .LBB2_8-.Ltmp2, $4  }
0x36b: {  	[sflag:s20] =	ssyncadd.s32 $0xFFFFC000  }
0x36c: {  	_ =	swait.ge [sflag:s7], $0x4000  }
0x36d: {  	[sflag:s7] =	ssyncset.done $0x0  }
0x36e: {  	[sflag:s7] =	ssyncadd.s32 $0xFFFFC000  }
0x36f: {  	s0 =	sadd.s32 $0x2, s29;
	p1 =	sne.s32 s26, $0x13  }
0x370: {  	s29 =	smulhi.u32 $0x66666667, s0;
	s30 =	simm.s32 @!p1 $0x0  }
0x371: {  	[tilespmem:s30], [sflag:$0x3] =	stream.linear.gather @!p1 [hbm4b:s15+s30], $0x1400, $0x38;
	[tilespmem:$0x1F480] =	vst v63  }
0x372: {  	s29 =	sshrl.u32 s29, $0x4  }
0x373: {  	s29 =	smul.u32 $0x28, s29  }
0x374: {  	s30 =	simm.s32 @!p1 $0x3  }
0x375: {  	_ =	swait.ge @!p1 [sflag:s30], $0x1400;
	s0 =	ssub.s32 s0, s29  }
0x376: {  	[sflag:s30] =	ssyncset.done @!p1 $0x0;
	s0 =	sshll.u32 s0, $0x7  }
0x377: {  	[sflag:s30] =	ssyncadd.s32 @!p1 $0xFFFFEC00;
	s0 =	sand.u32 $0x3FFFFF80, s0  }
0x378: {  	v18 =	vld [tilespmem:s0+$0x0];
	_ =	sdelay $0x4  }
0x379: {  	v19 =	vshll.u32 v18, $0x1  }
0x37a: {  	v18 =	vand.u32 $0x7, v18;
	v19 =	vand.u32 $0xFFFFFFF0, v19  }
0x37b: {  	v18 =	vor.u32 v18, v19  }
0x37c: {  	v19 =	vperm.xlane v18, v3;
	_ =	sdelay $0x1  }
0x37d: {  	v20 =	vperm.xlane v18, v2;
	v19 =	vadd.s32 v4, v19;
	_ =	sdelay $0x1  }
0x37e: {  	v21 =	vperm.xlane v18, v5;
	v20 =	vadd.s32 v4, v20;
	_ =	sdelay $0x1  }
0x37f: {  	v22 =	vperm.xlane v18, v6;
	v21 =	vadd.s32 v4, v21  }
0x380: {  	[tilespmem:s24], [sflag:$0x1] =	stream.indirect_vreg.gather [hbm4b:s14+s2], $0x80, v19, vm0, $0xb8;
	[tilespmem:$0x1F480] =	vst v63  }
0x381: {  	s30 =	simm.s32 $0x3C80;
	v51 =	vperm.xlane v18, v7;
	v19 =	vadd.s32 v4, v22  }
0x382: {  	[tilespmem:s30], [sflag:$0x1] =	stream.indirect_vreg.gather [hbm4b:s14+s2], $0x80, v20, vm0, $0xb8;
	[tilespmem:$0x1F480] =	vst v63  }
0x383: {  	s31 =	simm.s32 $0x3D00;
	v53 =	vperm.xlane v18, v8;
	v52 =	vadd.s32 v4, v51  }
0x384: {  	[tilespmem:s31], [sflag:$0x1] =	stream.indirect_vreg.gather [hbm4b:s14+s2], $0x80, v21, vm0, $0xb8;
	[tilespmem:$0x1F480] =	vst v63  }
0x385: {  	v55 =	vperm.xlane v18, v9;
	v54 =	vadd.s32 v4, v53;
	s30 =	simm.s32 $0x3D80  }
0x386: {  	[tilespmem:s30], [sflag:$0x1] =	stream.indirect_vreg.gather [hbm4b:s14+s2], $0x80, v19, vm0, $0xb8;
	[tilespmem:$0x1F480] =	vst v63  }
0x387: {  	v56 =	vperm.xlane v18, v1;
	s31 =	simm.s32 $0x3E00;
	v19 =	vadd.s32 v4, v55  }
0x388: {  	[tilespmem:s31], [sflag:$0x1] =	stream.indirect_vreg.gather [hbm4b:s14+s2], $0x80, v52, vm0, $0xb8;
	[tilespmem:$0x1F480] =	vst v63  }
0x389: {  	v58 =	vperm.xlane v18, v10;
	v57 =	vadd.s32 v4, v56;
	s30 =	simm.s32 $0x3E80  }
0x38a: {  	[tilespmem:s30], [sflag:$0x1] =	stream.indirect_vreg.gather [hbm4b:s14+s2], $0x80, v54, vm0, $0xb8;
	[tilespmem:$0x1F480] =	vst v63  }
0x38b: {  	v60 =	vperm.xlane v18, v11;
	v59 =	vadd.s32 v4, v58;
	s31 =	simm.s32 $0x3F00  }
0x38c: {  	[tilespmem:s31], [sflag:$0x1] =	stream.indirect_vreg.gather [hbm4b:s14+s2], $0x80, v19, vm0, $0xb8;
	[tilespmem:$0x1F480] =	vst v63  }
0x38d: {  	v61 =	vperm.xlane v18, v12;
	s30 =	simm.s32 $0x3F80;
	v19 =	vadd.s32 v4, v60  }
0x38e: {  	[tilespmem:s30], [sflag:$0x1] =	stream.indirect_vreg.gather [hbm4b:s14+s2], $0x80, v57, vm0, $0xb8;
	[tilespmem:$0x1F480] =	vst v63  }
0x38f: {  	v63 =	vperm.xlane v18, v13;
	v62 =	vadd.s32 v4, v61;
	s31 =	simm.s32 $0x4000  }
0x390: {  	[tilespmem:s31], [sflag:$0x1] =	stream.indirect_vreg.gather [hbm4b:s14+s2], $0x80, v59, vm0, $0xb8;
	[tilespmem:$0x1F480] =	vst v63  }
0x391: {  	v25 =	vperm.xlane v18, v14;
	v24 =	vadd.s32 v4, v63;
	s30 =	simm.s32 $0x4080  }
0x392: {  	[tilespmem:s30], [sflag:$0x1] =	stream.indirect_vreg.gather [hbm4b:s14+s2], $0x80, v19, vm0, $0xb8;
	[tilespmem:$0x1F480] =	vst v63  }
0x393: {  	v26 =	vperm.xlane v18, v15;
	s31 =	simm.s32 $0x4100;
	v19 =	vadd.s32 v4, v25  }
0x394: {  	[tilespmem:s31], [sflag:$0x1] =	stream.indirect_vreg.gather [hbm4b:s14+s2], $0x80, v62, vm0, $0xb8;
	[tilespmem:$0x1F480] =	vst v63  }
0x395: {  	v28 =	vperm.xlane v18, v16;
	v27 =	vadd.s32 v4, v26;
	s30 =	simm.s32 $0x4180  }
0x396: {  	[tilespmem:s30], [sflag:$0x1] =	stream.indirect_vreg.gather [hbm4b:s14+s2], $0x80, v24, vm0, $0xb8;
	[tilespmem:$0x1F480] =	vst v63  }
0x397: {  	v18 =	vperm.xlane v18, v17;
	v29 =	vadd.s32 v4, v28;
	s31 =	simm.s32 $0x4200  }
0x398: {  	[tilespmem:s31], [sflag:$0x1] =	stream.indirect_vreg.gather [hbm4b:s14+s2], $0x80, v19, vm0, $0xb8;
	[tilespmem:$0x1F480] =	vst v63  }
0x399: {  	v18 =	vadd.s32 v4, v18;
	s30 =	simm.s32 $0x4280  }
0x39a: {  	[tilespmem:s30], [sflag:$0x1] =	stream.indirect_vreg.gather [hbm4b:s14+s2], $0x80, v27, vm0, $0xb8;
	[tilespmem:$0x1F480] =	vst v63  }
0x39b: {  	s31 =	simm.s32 $0x4300  }
0x39c: {  	[tilespmem:s31], [sflag:$0x1] =	stream.indirect_vreg.gather [hbm4b:s14+s2], $0x80, v29, vm0, $0xb8;
	[tilespmem:$0x1F480] =	vst v63  }
0x39d: {  	s30 =	simm.s32 $0x4380  }
0x39e: {  	[tilespmem:s30], [sflag:$0x1] =	stream.indirect_vreg.gather [hbm4b:s14+s2], $0x80, v18, vm0, $0xb8;
	[tilespmem:$0x1F480] =	vst v63  }
0x39f: {  	v18 =	vld [tilespmem:s0+$0x10];
	_ =	sdelay $0x4  }
0x3a0: {  	v19 =	vshll.u32 v18, $0x1  }
0x3a1: {  	v18 =	vand.u32 $0x7, v18;
	v19 =	vand.u32 $0xFFFFFFF0, v19  }
0x3a2: {  	v18 =	vor.u32 v18, v19  }
0x3a3: {  	v19 =	vperm.xlane v18, v3;
	_ =	sdelay $0x1  }
0x3a4: {  	v30 =	vperm.xlane v18, v2;
	v19 =	vadd.s32 v4, v19;
	_ =	sdelay $0x1  }
0x3a5: {  	v31 =	vperm.xlane v18, v5;
	v20 =	vadd.s32 v4, v30;
	_ =	sdelay $0x1  }
0x3a6: {  	s31 =	simm.s32 $0x4400;
	v32 =	vperm.xlane v18, v6;
	v21 =	vadd.s32 v4, v31  }
0x3a7: {  	[tilespmem:s31], [sflag:$0x1] =	stream.indirect_vreg.gather [hbm4b:s14+s2], $0x80, v19, vm0, $0xb8;
	[tilespmem:$0x1F480] =	vst v63  }
0x3a8: {  	s30 =	simm.s32 $0x4480;
	v33 =	vperm.xlane v18, v7;
	v19 =	vadd.s32 v4, v32  }
0x3a9: {  	[tilespmem:s30], [sflag:$0x1] =	stream.indirect_vreg.gather [hbm4b:s14+s2], $0x80, v20, vm0, $0xb8;
	[tilespmem:$0x1F480] =	vst v63  }
0x3aa: {  	v35 =	vperm.xlane v18, v8;
	v34 =	vadd.s32 v4, v33;
	s31 =	simm.s32 $0x4500  }
0x3ab: {  	[tilespmem:s31], [sflag:$0x1] =	stream.indirect_vreg.gather [hbm4b:s14+s2], $0x80, v21, vm0, $0xb8;
	[tilespmem:$0x1F480] =	vst v63  }
0x3ac: {  	v37 =	vperm.xlane v18, v9;
	v36 =	vadd.s32 v4, v35;
	s30 =	simm.s32 $0x4580  }
0x3ad: {  	[tilespmem:s30], [sflag:$0x1] =	stream.indirect_vreg.gather [hbm4b:s14+s2], $0x80, v19, vm0, $0xb8;
	[tilespmem:$0x1F480] =	vst v63  }
0x3ae: {  	v38 =	vperm.xlane v18, v1;
	s31 =	simm.s32 $0x4600;
	v19 =	vadd.s32 v4, v37  }
0x3af: {  	[tilespmem:s31], [sflag:$0x1] =	stream.indirect_vreg.gather [hbm4b:s14+s2], $0x80, v34, vm0, $0xb8;
	[tilespmem:$0x1F480] =	vst v63  }
0x3b0: {  	v40 =	vperm.xlane v18, v10;
	v39 =	vadd.s32 v4, v38;
	s30 =	simm.s32 $0x4680  }
0x3b1: {  	[tilespmem:s30], [sflag:$0x1] =	stream.indirect_vreg.gather [hbm4b:s14+s2], $0x80, v36, vm0, $0xb8;
	[tilespmem:$0x1F480] =	vst v63  }
0x3b2: {  	v42 =	vperm.xlane v18, v11;
	v41 =	vadd.s32 v4, v40;
	s31 =	simm.s32 $0x4700  }
0x3b3: {  	[tilespmem:s31], [sflag:$0x1] =	stream.indirect_vreg.gather [hbm4b:s14+s2], $0x80, v19, vm0, $0xb8;
	[tilespmem:$0x1F480] =	vst v63  }
0x3b4: {  	v43 =	vperm.xlane v18, v12;
	s30 =	simm.s32 $0x4780;
	v19 =	vadd.s32 v4, v42  }
0x3b5: {  	[tilespmem:s30], [sflag:$0x1] =	stream.indirect_vreg.gather [hbm4b:s14+s2], $0x80, v39, vm0, $0xb8;
	[tilespmem:$0x1F480] =	vst v63  }
0x3b6: {  	v45 =	vperm.xlane v18, v13;
	v44 =	vadd.s32 v4, v43;
	s31 =	simm.s32 $0x4800  }
0x3b7: {  	[tilespmem:s31], [sflag:$0x1] =	stream.indirect_vreg.gather [hbm4b:s14+s2], $0x80, v41, vm0, $0xb8;
	[tilespmem:$0x1F480] =	vst v63  }
0x3b8: {  	v47 =	vperm.xlane v18, v14;
	v46 =	vadd.s32 v4, v45;
	s30 =	simm.s32 $0x4880  }
0x3b9: {  	[tilespmem:s30], [sflag:$0x1] =	stream.indirect_vreg.gather [hbm4b:s14+s2], $0x80, v19, vm0, $0xb8;
	[tilespmem:$0x1F480] =	vst v63  }
0x3ba: {  	v48 =	vperm.xlane v18, v15;
	s31 =	simm.s32 $0x4900;
	v19 =	vadd.s32 v4, v47  }
0x3bb: {  	[tilespmem:s31], [sflag:$0x1] =	stream.indirect_vreg.gather [hbm4b:s14+s2], $0x80, v44, vm0, $0xb8;
	[tilespmem:$0x1F480] =	vst v63  }
0x3bc: {  	v50 =	vperm.xlane v18, v16;
	v49 =	vadd.s32 v4, v48;
	s30 =	simm.s32 $0x4980  }
0x3bd: {  	[tilespmem:s30], [sflag:$0x1] =	stream.indirect_vreg.gather [hbm4b:s14+s2], $0x80, v46, vm0, $0xb8;
	[tilespmem:$0x1F480] =	vst v63  }
0x3be: {  	v18 =	vperm.xlane v18, v17;
	v51 =	vadd.s32 v4, v50;
	s31 =	simm.s32 $0x4A00  }
0x3bf: {  	[tilespmem:s31], [sflag:$0x1] =	stream.indirect_vreg.gather [hbm4b:s14+s2], $0x80, v19, vm0, $0xb8;
	[tilespmem:$0x1F480] =	vst v63  }
0x3c0: {  	v18 =	vadd.s32 v4, v18;
	s30 =	simm.s32 $0x4A80  }
0x3c1: {  	[tilespmem:s30], [sflag:$0x1] =	stream.indirect_vreg.gather [hbm4b:s14+s2], $0x80, v49, vm0, $0xb8;
	[tilespmem:$0x1F480] =	vst v63  }
0x3c2: {  	s31 =	simm.s32 $0x4B00  }
0x3c3: {  	[tilespmem:s31], [sflag:$0x1] =	stream.indirect_vreg.gather [hbm4b:s14+s2], $0x80, v51, vm0, $0xb8;
	[tilespmem:$0x1F480] =	vst v63  }
0x3c4: {  	s30 =	simm.s32 $0x4B80  }
0x3c5: {  	[tilespmem:s30], [sflag:$0x1] =	stream.indirect_vreg.gather [hbm4b:s14+s2], $0x80, v18, vm0, $0xb8;
	[tilespmem:$0x1F480] =	vst v63  }
0x3c6: {  	v18 =	vld [tilespmem:s0+$0x20];
	_ =	sdelay $0x4  }
0x3c7: {  	v19 =	vshll.u32 v18, $0x1  }
0x3c8: {  	v18 =	vand.u32 $0x7, v18;
	v19 =	vand.u32 $0xFFFFFFF0, v19  }
0x3c9: {  	v18 =	vor.u32 v18, v19  }
0x3ca: {  	v19 =	vperm.xlane v18, v3;
	_ =	sdelay $0x1  }
0x3cb: {  	v52 =	vperm.xlane v18, v2;
	v19 =	vadd.s32 v4, v19;
	_ =	sdelay $0x1  }
0x3cc: {  	v53 =	vperm.xlane v18, v5;
	v20 =	vadd.s32 v4, v52;
	_ =	sdelay $0x1  }
0x3cd: {  	s31 =	simm.s32 $0x4C00;
	v54 =	vperm.xlane v18, v6;
	v21 =	vadd.s32 v4, v53  }
0x3ce: {  	[tilespmem:s31], [sflag:$0x1] =	stream.indirect_vreg.gather [hbm4b:s14+s2], $0x80, v19, vm0, $0xb8;
	[tilespmem:$0x1F480] =	vst v63  }
0x3cf: {  	s30 =	simm.s32 $0x4C80;
	v55 =	vperm.xlane v18, v7;
	v19 =	vadd.s32 v4, v54  }
0x3d0: {  	[tilespmem:s30], [sflag:$0x1] =	stream.indirect_vreg.gather [hbm4b:s14+s2], $0x80, v20, vm0, $0xb8;
	[tilespmem:$0x1F480] =	vst v63  }
0x3d1: {  	v57 =	vperm.xlane v18, v8;
	v56 =	vadd.s32 v4, v55;
	s31 =	simm.s32 $0x4D00  }
0x3d2: {  	[tilespmem:s31], [sflag:$0x1] =	stream.indirect_vreg.gather [hbm4b:s14+s2], $0x80, v21, vm0, $0xb8;
	[tilespmem:$0x1F480] =	vst v63  }
0x3d3: {  	v59 =	vperm.xlane v18, v9;
	v58 =	vadd.s32 v4, v57;
	s30 =	simm.s32 $0x4D80  }
0x3d4: {  	[tilespmem:s30], [sflag:$0x1] =	stream.indirect_vreg.gather [hbm4b:s14+s2], $0x80, v19, vm0, $0xb8;
	[tilespmem:$0x1F480] =	vst v63  }
0x3d5: {  	v60 =	vperm.xlane v18, v1;
	s31 =	simm.s32 $0x4E00;
	v19 =	vadd.s32 v4, v59  }
0x3d6: {  	[tilespmem:s31], [sflag:$0x1] =	stream.indirect_vreg.gather [hbm4b:s14+s2], $0x80, v56, vm0, $0xb8;
	[tilespmem:$0x1F480] =	vst v63  }
0x3d7: {  	v62 =	vperm.xlane v18, v10;
	v61 =	vadd.s32 v4, v60;
	s30 =	simm.s32 $0x4E80  }
0x3d8: {  	[tilespmem:s30], [sflag:$0x1] =	stream.indirect_vreg.gather [hbm4b:s14+s2], $0x80, v58, vm0, $0xb8;
	[tilespmem:$0x1F480] =	vst v63  }
0x3d9: {  	v24 =	vperm.xlane v18, v11;
	v63 =	vadd.s32 v4, v62;
	s31 =	simm.s32 $0x4F00  }
0x3da: {  	[tilespmem:s31], [sflag:$0x1] =	stream.indirect_vreg.gather [hbm4b:s14+s2], $0x80, v19, vm0, $0xb8;
	[tilespmem:$0x1F480] =	vst v63  }
0x3db: {  	v25 =	vperm.xlane v18, v12;
	s30 =	simm.s32 $0x4F80;
	v19 =	vadd.s32 v4, v24  }
0x3dc: {  	[tilespmem:s30], [sflag:$0x1] =	stream.indirect_vreg.gather [hbm4b:s14+s2], $0x80, v61, vm0, $0xb8;
	[tilespmem:$0x1F480] =	vst v63  }
0x3dd: {  	v27 =	vperm.xlane v18, v13;
	v26 =	vadd.s32 v4, v25;
	s31 =	simm.s32 $0x5000  }
0x3de: {  	[tilespmem:s31], [sflag:$0x1] =	stream.indirect_vreg.gather [hbm4b:s14+s2], $0x80, v63, vm0, $0xb8;
	[tilespmem:$0x1F480] =	vst v63  }
0x3df: {  	v29 =	vperm.xlane v18, v14;
	v28 =	vadd.s32 v4, v27;
	s30 =	simm.s32 $0x5080  }
0x3e0: {  	[tilespmem:s30], [sflag:$0x1] =	stream.indirect_vreg.gather [hbm4b:s14+s2], $0x80, v19, vm0, $0xb8;
	[tilespmem:$0x1F480] =	vst v63  }
0x3e1: {  	v30 =	vperm.xlane v18, v15;
	s31 =	simm.s32 $0x5100;
	v19 =	vadd.s32 v4, v29  }
0x3e2: {  	[tilespmem:s31], [sflag:$0x1] =	stream.indirect_vreg.gather [hbm4b:s14+s2], $0x80, v26, vm0, $0xb8;
	[tilespmem:$0x1F480] =	vst v63  }
0x3e3: {  	v32 =	vperm.xlane v18, v16;
	v31 =	vadd.s32 v4, v30;
	s30 =	simm.s32 $0x5180  }
0x3e4: {  	[tilespmem:s30], [sflag:$0x1] =	stream.indirect_vreg.gather [hbm4b:s14+s2], $0x80, v28, vm0, $0xb8;
	[tilespmem:$0x1F480] =	vst v63  }
0x3e5: {  	v18 =	vperm.xlane v18, v17;
	v33 =	vadd.s32 v4, v32;
	s31 =	simm.s32 $0x5200  }
0x3e6: {  	[tilespmem:s31], [sflag:$0x1] =	stream.indirect_vreg.gather [hbm4b:s14+s2], $0x80, v19, vm0, $0xb8;
	[tilespmem:$0x1F480] =	vst v63  }
0x3e7: {  	v18 =	vadd.s32 v4, v18;
	s30 =	simm.s32 $0x5280  }
0x3e8: {  	[tilespmem:s30], [sflag:$0x1] =	stream.indirect_vreg.gather [hbm4b:s14+s2], $0x80, v31, vm0, $0xb8;
	[tilespmem:$0x1F480] =	vst v63  }
0x3e9: {  	s31 =	simm.s32 $0x5300  }
0x3ea: {  	[tilespmem:s31], [sflag:$0x1] =	stream.indirect_vreg.gather [hbm4b:s14+s2], $0x80, v33, vm0, $0xb8;
	[tilespmem:$0x1F480] =	vst v63  }
0x3eb: {  	s30 =	simm.s32 $0x5380  }
0x3ec: {  	[tilespmem:s30], [sflag:$0x1] =	stream.indirect_vreg.gather [hbm4b:s14+s2], $0x80, v18, vm0, $0xb8;
	[tilespmem:$0x1F480] =	vst v63  }
0x3ed: {  	v18 =	vld [tilespmem:s0+$0x30];
	_ =	sdelay $0x4  }
0x3ee: {  	v19 =	vshll.u32 v18, $0x1  }
0x3ef: {  	v18 =	vand.u32 $0x7, v18;
	v19 =	vand.u32 $0xFFFFFFF0, v19  }
0x3f0: {  	v18 =	vor.u32 v18, v19  }
0x3f1: {  	v19 =	vperm.xlane v18, v3;
	_ =	sdelay $0x1  }
0x3f2: {  	v34 =	vperm.xlane v18, v2;
	v19 =	vadd.s32 v4, v19;
	_ =	sdelay $0x1  }
0x3f3: {  	v35 =	vperm.xlane v18, v5;
	v20 =	vadd.s32 v4, v34;
	_ =	sdelay $0x1  }
0x3f4: {  	s31 =	simm.s32 $0x5400;
	v36 =	vperm.xlane v18, v6;
	v21 =	vadd.s32 v4, v35  }
0x3f5: {  	[tilespmem:s31], [sflag:$0x1] =	stream.indirect_vreg.gather [hbm4b:s14+s2], $0x80, v19, vm0, $0xb8;
	[tilespmem:$0x1F480] =	vst v63  }
0x3f6: {  	s30 =	simm.s32 $0x5480;
	v37 =	vperm.xlane v18, v7;
	v19 =	vadd.s32 v4, v36  }
0x3f7: {  	[tilespmem:s30], [sflag:$0x1] =	stream.indirect_vreg.gather [hbm4b:s14+s2], $0x80, v20, vm0, $0xb8;
	[tilespmem:$0x1F480] =	vst v63  }
0x3f8: {  	v39 =	vperm.xlane v18, v8;
	v38 =	vadd.s32 v4, v37;
	s31 =	simm.s32 $0x5500  }
0x3f9: {  	[tilespmem:s31], [sflag:$0x1] =	stream.indirect_vreg.gather [hbm4b:s14+s2], $0x80, v21, vm0, $0xb8;
	[tilespmem:$0x1F480] =	vst v63  }
0x3fa: {  	v41 =	vperm.xlane v18, v9;
	v40 =	vadd.s32 v4, v39;
	s30 =	simm.s32 $0x5580  }
0x3fb: {  	[tilespmem:s30], [sflag:$0x1] =	stream.indirect_vreg.gather [hbm4b:s14+s2], $0x80, v19, vm0, $0xb8;
	[tilespmem:$0x1F480] =	vst v63  }
0x3fc: {  	v42 =	vperm.xlane v18, v1;
	s31 =	simm.s32 $0x5600;
	v19 =	vadd.s32 v4, v41  }
0x3fd: {  	[tilespmem:s31], [sflag:$0x1] =	stream.indirect_vreg.gather [hbm4b:s14+s2], $0x80, v38, vm0, $0xb8;
	[tilespmem:$0x1F480] =	vst v63  }
0x3fe: {  	v44 =	vperm.xlane v18, v10;
	v43 =	vadd.s32 v4, v42;
	s30 =	simm.s32 $0x5680  }
0x3ff: {  	[tilespmem:s30], [sflag:$0x1] =	stream.indirect_vreg.gather [hbm4b:s14+s2], $0x80, v40, vm0, $0xb8;
	[tilespmem:$0x1F480] =	vst v63  }
0x400: {  	v46 =	vperm.xlane v18, v11;
	v45 =	vadd.s32 v4, v44;
	s31 =	simm.s32 $0x5700  }
0x401: {  	[tilespmem:s31], [sflag:$0x1] =	stream.indirect_vreg.gather [hbm4b:s14+s2], $0x80, v19, vm0, $0xb8;
	[tilespmem:$0x1F480] =	vst v63  }
0x402: {  	v47 =	vperm.xlane v18, v12;
	s30 =	simm.s32 $0x5780;
	v19 =	vadd.s32 v4, v46  }
0x403: {  	[tilespmem:s30], [sflag:$0x1] =	stream.indirect_vreg.gather [hbm4b:s14+s2], $0x80, v43, vm0, $0xb8;
	[tilespmem:$0x1F480] =	vst v63  }
0x404: {  	v49 =	vperm.xlane v18, v13;
	v48 =	vadd.s32 v4, v47;
	s31 =	simm.s32 $0x5800  }
0x405: {  	[tilespmem:s31], [sflag:$0x1] =	stream.indirect_vreg.gather [hbm4b:s14+s2], $0x80, v45, vm0, $0xb8;
	[tilespmem:$0x1F480] =	vst v63  }
0x406: {  	v51 =	vperm.xlane v18, v14;
	v50 =	vadd.s32 v4, v49;
	s30 =	simm.s32 $0x5880  }
0x407: {  	[tilespmem:s30], [sflag:$0x1] =	stream.indirect_vreg.gather [hbm4b:s14+s2], $0x80, v19, vm0, $0xb8;
	[tilespmem:$0x1F480] =	vst v63  }
0x408: {  	v52 =	vperm.xlane v18, v15;
	s31 =	simm.s32 $0x5900;
	v19 =	vadd.s32 v4, v51  }
0x409: {  	[tilespmem:s31], [sflag:$0x1] =	stream.indirect_vreg.gather [hbm4b:s14+s2], $0x80, v48, vm0, $0xb8;
	[tilespmem:$0x1F480] =	vst v63  }
0x40a: {  	v54 =	vperm.xlane v18, v16;
	v53 =	vadd.s32 v4, v52;
	s30 =	simm.s32 $0x5980  }
0x40b: {  	[tilespmem:s30], [sflag:$0x1] =	stream.indirect_vreg.gather [hbm4b:s14+s2], $0x80, v50, vm0, $0xb8;
	[tilespmem:$0x1F480] =	vst v63  }
0x40c: {  	v18 =	vperm.xlane v18, v17;
	v55 =	vadd.s32 v4, v54;
	s31 =	simm.s32 $0x5A00  }
0x40d: {  	[tilespmem:s31], [sflag:$0x1] =	stream.indirect_vreg.gather [hbm4b:s14+s2], $0x80, v19, vm0, $0xb8;
	[tilespmem:$0x1F480] =	vst v63  }
0x40e: {  	v18 =	vadd.s32 v4, v18;
	s30 =	simm.s32 $0x5A80  }
0x40f: {  	[tilespmem:s30], [sflag:$0x1] =	stream.indirect_vreg.gather [hbm4b:s14+s2], $0x80, v53, vm0, $0xb8;
	[tilespmem:$0x1F480] =	vst v63  }
0x410: {  	s31 =	simm.s32 $0x5B00  }
0x411: {  	[tilespmem:s31], [sflag:$0x1] =	stream.indirect_vreg.gather [hbm4b:s14+s2], $0x80, v55, vm0, $0xb8;
	[tilespmem:$0x1F480] =	vst v63  }
0x412: {  	s30 =	simm.s32 $0x5B80  }
0x413: {  	[tilespmem:s30], [sflag:$0x1] =	stream.indirect_vreg.gather [hbm4b:s14+s2], $0x80, v18, vm0, $0xb8;
	[tilespmem:$0x1F480] =	vst v63  }
0x414: {  	v18 =	vld [tilespmem:s0+$0x40];
	_ =	sdelay $0x4  }
0x415: {  	v19 =	vshll.u32 v18, $0x1  }
0x416: {  	v18 =	vand.u32 $0x7, v18;
	v19 =	vand.u32 $0xFFFFFFF0, v19  }
0x417: {  	v18 =	vor.u32 v18, v19  }
0x418: {  	v19 =	vperm.xlane v18, v3;
	_ =	sdelay $0x1  }
0x419: {  	v56 =	vperm.xlane v18, v2;
	v19 =	vadd.s32 v4, v19;
	_ =	sdelay $0x1  }
0x41a: {  	v57 =	vperm.xlane v18, v5;
	v20 =	vadd.s32 v4, v56;
	_ =	sdelay $0x1  }
0x41b: {  	s31 =	simm.s32 $0x5C00;
	v58 =	vperm.xlane v18, v6;
	v21 =	vadd.s32 v4, v57  }
0x41c: {  	[tilespmem:s31], [sflag:$0x1] =	stream.indirect_vreg.gather [hbm4b:s14+s2], $0x80, v19, vm0, $0xb8;
	[tilespmem:$0x1F480] =	vst v63  }
0x41d: {  	s30 =	simm.s32 $0x5C80;
	v59 =	vperm.xlane v18, v7;
	v19 =	vadd.s32 v4, v58  }
0x41e: {  	[tilespmem:s30], [sflag:$0x1] =	stream.indirect_vreg.gather [hbm4b:s14+s2], $0x80, v20, vm0, $0xb8;
	[tilespmem:$0x1F480] =	vst v63  }
0x41f: {  	v61 =	vperm.xlane v18, v8;
	v60 =	vadd.s32 v4, v59;
	s31 =	simm.s32 $0x5D00  }
0x420: {  	[tilespmem:s31], [sflag:$0x1] =	stream.indirect_vreg.gather [hbm4b:s14+s2], $0x80, v21, vm0, $0xb8;
	[tilespmem:$0x1F480] =	vst v63  }
0x421: {  	v63 =	vperm.xlane v18, v9;
	v62 =	vadd.s32 v4, v61;
	s30 =	simm.s32 $0x5D80  }
0x422: {  	[tilespmem:s30], [sflag:$0x1] =	stream.indirect_vreg.gather [hbm4b:s14+s2], $0x80, v19, vm0, $0xb8;
	[tilespmem:$0x1F480] =	vst v63  }
0x423: {  	v24 =	vperm.xlane v18, v1;
	s31 =	simm.s32 $0x5E00;
	v19 =	vadd.s32 v4, v63  }
0x424: {  	[tilespmem:s31], [sflag:$0x1] =	stream.indirect_vreg.gather [hbm4b:s14+s2], $0x80, v60, vm0, $0xb8;
	[tilespmem:$0x1F480] =	vst v63  }
0x425: {  	v26 =	vperm.xlane v18, v10;
	v25 =	vadd.s32 v4, v24;
	s30 =	simm.s32 $0x5E80  }
0x426: {  	[tilespmem:s30], [sflag:$0x1] =	stream.indirect_vreg.gather [hbm4b:s14+s2], $0x80, v62, vm0, $0xb8;
	[tilespmem:$0x1F480] =	vst v63  }
0x427: {  	v28 =	vperm.xlane v18, v11;
	v27 =	vadd.s32 v4, v26;
	s31 =	simm.s32 $0x5F00  }
0x428: {  	[tilespmem:s31], [sflag:$0x1] =	stream.indirect_vreg.gather [hbm4b:s14+s2], $0x80, v19, vm0, $0xb8;
	[tilespmem:$0x1F480] =	vst v63  }
0x429: {  	v29 =	vperm.xlane v18, v12;
	s30 =	simm.s32 $0x5F80;
	v19 =	vadd.s32 v4, v28  }
0x42a: {  	[tilespmem:s30], [sflag:$0x1] =	stream.indirect_vreg.gather [hbm4b:s14+s2], $0x80, v25, vm0, $0xb8;
	[tilespmem:$0x1F480] =	vst v63  }
0x42b: {  	v31 =	vperm.xlane v18, v13;
	v30 =	vadd.s32 v4, v29;
	s31 =	simm.s32 $0x6000  }
0x42c: {  	[tilespmem:s31], [sflag:$0x1] =	stream.indirect_vreg.gather [hbm4b:s14+s2], $0x80, v27, vm0, $0xb8;
	[tilespmem:$0x1F480] =	vst v63  }
0x42d: {  	v33 =	vperm.xlane v18, v14;
	v32 =	vadd.s32 v4, v31;
	s30 =	simm.s32 $0x6080  }
0x42e: {  	[tilespmem:s30], [sflag:$0x1] =	stream.indirect_vreg.gather [hbm4b:s14+s2], $0x80, v19, vm0, $0xb8;
	[tilespmem:$0x1F480] =	vst v63  }
0x42f: {  	v34 =	vperm.xlane v18, v15;
	s31 =	simm.s32 $0x6100;
	v19 =	vadd.s32 v4, v33  }
0x430: {  	[tilespmem:s31], [sflag:$0x1] =	stream.indirect_vreg.gather [hbm4b:s14+s2], $0x80, v30, vm0, $0xb8;
	[tilespmem:$0x1F480] =	vst v63  }
0x431: {  	v36 =	vperm.xlane v18, v16;
	v35 =	vadd.s32 v4, v34;
	s30 =	simm.s32 $0x6180  }
0x432: {  	[tilespmem:s30], [sflag:$0x1] =	stream.indirect_vreg.gather [hbm4b:s14+s2], $0x80, v32, vm0, $0xb8;
	[tilespmem:$0x1F480] =	vst v63  }
0x433: {  	v18 =	vperm.xlane v18, v17;
	v37 =	vadd.s32 v4, v36;
	s31 =	simm.s32 $0x6200  }
0x434: {  	[tilespmem:s31], [sflag:$0x1] =	stream.indirect_vreg.gather [hbm4b:s14+s2], $0x80, v19, vm0, $0xb8;
	[tilespmem:$0x1F480] =	vst v63  }
0x435: {  	v18 =	vadd.s32 v4, v18;
	s30 =	simm.s32 $0x6280  }
0x436: {  	[tilespmem:s30], [sflag:$0x1] =	stream.indirect_vreg.gather [hbm4b:s14+s2], $0x80, v35, vm0, $0xb8;
	[tilespmem:$0x1F480] =	vst v63  }
0x437: {  	s31 =	simm.s32 $0x6300  }
0x438: {  	[tilespmem:s31], [sflag:$0x1] =	stream.indirect_vreg.gather [hbm4b:s14+s2], $0x80, v37, vm0, $0xb8;
	[tilespmem:$0x1F480] =	vst v63  }
0x439: {  	s30 =	simm.s32 $0x6380  }
0x43a: {  	[tilespmem:s30], [sflag:$0x1] =	stream.indirect_vreg.gather [hbm4b:s14+s2], $0x80, v18, vm0, $0xb8;
	[tilespmem:$0x1F480] =	vst v63  }
0x43b: {  	v18 =	vld [tilespmem:s0+$0x50];
	_ =	sdelay $0x4  }
0x43c: {  	v19 =	vshll.u32 v18, $0x1  }
0x43d: {  	v18 =	vand.u32 $0x7, v18;
	v19 =	vand.u32 $0xFFFFFFF0, v19  }
0x43e: {  	v18 =	vor.u32 v18, v19  }
0x43f: {  	v19 =	vperm.xlane v18, v3;
	_ =	sdelay $0x1  }
0x440: {  	v38 =	vperm.xlane v18, v2;
	v19 =	vadd.s32 v4, v19;
	_ =	sdelay $0x1  }
0x441: {  	v39 =	vperm.xlane v18, v5;
	v20 =	vadd.s32 v4, v38;
	_ =	sdelay $0x1  }
0x442: {  	s31 =	simm.s32 $0x6400;
	v40 =	vperm.xlane v18, v6;
	v21 =	vadd.s32 v4, v39  }
0x443: {  	[tilespmem:s31], [sflag:$0x1] =	stream.indirect_vreg.gather [hbm4b:s14+s2], $0x80, v19, vm0, $0xb8;
	[tilespmem:$0x1F480] =	vst v63  }
0x444: {  	s30 =	simm.s32 $0x6480;
	v41 =	vperm.xlane v18, v7;
	v19 =	vadd.s32 v4, v40  }
0x445: {  	[tilespmem:s30], [sflag:$0x1] =	stream.indirect_vreg.gather [hbm4b:s14+s2], $0x80, v20, vm0, $0xb8;
	[tilespmem:$0x1F480] =	vst v63  }
0x446: {  	v43 =	vperm.xlane v18, v8;
	v42 =	vadd.s32 v4, v41;
	s31 =	simm.s32 $0x6500  }
0x447: {  	[tilespmem:s31], [sflag:$0x1] =	stream.indirect_vreg.gather [hbm4b:s14+s2], $0x80, v21, vm0, $0xb8;
	[tilespmem:$0x1F480] =	vst v63  }
0x448: {  	v45 =	vperm.xlane v18, v9;
	v44 =	vadd.s32 v4, v43;
	s30 =	simm.s32 $0x6580  }
0x449: {  	[tilespmem:s30], [sflag:$0x1] =	stream.indirect_vreg.gather [hbm4b:s14+s2], $0x80, v19, vm0, $0xb8;
	[tilespmem:$0x1F480] =	vst v63  }
0x44a: {  	v46 =	vperm.xlane v18, v1;
	s31 =	simm.s32 $0x6600;
	v19 =	vadd.s32 v4, v45  }
0x44b: {  	[tilespmem:s31], [sflag:$0x1] =	stream.indirect_vreg.gather [hbm4b:s14+s2], $0x80, v42, vm0, $0xb8;
	[tilespmem:$0x1F480] =	vst v63  }
0x44c: {  	v48 =	vperm.xlane v18, v10;
	v47 =	vadd.s32 v4, v46;
	s30 =	simm.s32 $0x6680  }
0x44d: {  	[tilespmem:s30], [sflag:$0x1] =	stream.indirect_vreg.gather [hbm4b:s14+s2], $0x80, v44, vm0, $0xb8;
	[tilespmem:$0x1F480] =	vst v63  }
0x44e: {  	v50 =	vperm.xlane v18, v11;
	v49 =	vadd.s32 v4, v48;
	s31 =	simm.s32 $0x6700  }
0x44f: {  	[tilespmem:s31], [sflag:$0x1] =	stream.indirect_vreg.gather [hbm4b:s14+s2], $0x80, v19, vm0, $0xb8;
	[tilespmem:$0x1F480] =	vst v63  }
0x450: {  	v51 =	vperm.xlane v18, v12;
	s30 =	simm.s32 $0x6780;
	v19 =	vadd.s32 v4, v50  }
0x451: {  	[tilespmem:s30], [sflag:$0x1] =	stream.indirect_vreg.gather [hbm4b:s14+s2], $0x80, v47, vm0, $0xb8;
	[tilespmem:$0x1F480] =	vst v63  }
0x452: {  	v53 =	vperm.xlane v18, v13;
	v52 =	vadd.s32 v4, v51;
	s31 =	simm.s32 $0x6800  }
0x453: {  	[tilespmem:s31], [sflag:$0x1] =	stream.indirect_vreg.gather [hbm4b:s14+s2], $0x80, v49, vm0, $0xb8;
	[tilespmem:$0x1F480] =	vst v63  }
0x454: {  	v55 =	vperm.xlane v18, v14;
	v54 =	vadd.s32 v4, v53;
	s30 =	simm.s32 $0x6880  }
0x455: {  	[tilespmem:s30], [sflag:$0x1] =	stream.indirect_vreg.gather [hbm4b:s14+s2], $0x80, v19, vm0, $0xb8;
	[tilespmem:$0x1F480] =	vst v63  }
0x456: {  	v56 =	vperm.xlane v18, v15;
	s31 =	simm.s32 $0x6900;
	v19 =	vadd.s32 v4, v55  }
0x457: {  	[tilespmem:s31], [sflag:$0x1] =	stream.indirect_vreg.gather [hbm4b:s14+s2], $0x80, v52, vm0, $0xb8;
	[tilespmem:$0x1F480] =	vst v63  }
0x458: {  	v58 =	vperm.xlane v18, v16;
	v57 =	vadd.s32 v4, v56;
	s30 =	simm.s32 $0x6980  }
0x459: {  	[tilespmem:s30], [sflag:$0x1] =	stream.indirect_vreg.gather [hbm4b:s14+s2], $0x80, v54, vm0, $0xb8;
	[tilespmem:$0x1F480] =	vst v63  }
0x45a: {  	v18 =	vperm.xlane v18, v17;
	v59 =	vadd.s32 v4, v58;
	s31 =	simm.s32 $0x6A00  }
0x45b: {  	[tilespmem:s31], [sflag:$0x1] =	stream.indirect_vreg.gather [hbm4b:s14+s2], $0x80, v19, vm0, $0xb8;
	[tilespmem:$0x1F480] =	vst v63  }
0x45c: {  	v18 =	vadd.s32 v4, v18;
	s30 =	simm.s32 $0x6A80  }
0x45d: {  	[tilespmem:s30], [sflag:$0x1] =	stream.indirect_vreg.gather [hbm4b:s14+s2], $0x80, v57, vm0, $0xb8;
	[tilespmem:$0x1F480] =	vst v63  }
0x45e: {  	s31 =	simm.s32 $0x6B00  }
0x45f: {  	[tilespmem:s31], [sflag:$0x1] =	stream.indirect_vreg.gather [hbm4b:s14+s2], $0x80, v59, vm0, $0xb8;
	[tilespmem:$0x1F480] =	vst v63  }
0x460: {  	s30 =	simm.s32 $0x6B80  }
0x461: {  	[tilespmem:s30], [sflag:$0x1] =	stream.indirect_vreg.gather [hbm4b:s14+s2], $0x80, v18, vm0, $0xb8;
	[tilespmem:$0x1F480] =	vst v63  }
0x462: {  	v18 =	vld [tilespmem:s0+$0x60];
	_ =	sdelay $0x4  }
0x463: {  	v19 =	vshll.u32 v18, $0x1  }
0x464: {  	v18 =	vand.u32 $0x7, v18;
	v19 =	vand.u32 $0xFFFFFFF0, v19  }
0x465: {  	v18 =	vor.u32 v18, v19  }
0x466: {  	v19 =	vperm.xlane v18, v3;
	_ =	sdelay $0x1  }
0x467: {  	v60 =	vperm.xlane v18, v2;
	v19 =	vadd.s32 v4, v19;
	_ =	sdelay $0x1  }
0x468: {  	v61 =	vperm.xlane v18, v5;
	v20 =	vadd.s32 v4, v60;
	_ =	sdelay $0x1  }
0x469: {  	s31 =	simm.s32 $0x6C00;
	v62 =	vperm.xlane v18, v6;
	v21 =	vadd.s32 v4, v61  }
0x46a: {  	[tilespmem:s31], [sflag:$0x1] =	stream.indirect_vreg.gather [hbm4b:s14+s2], $0x80, v19, vm0, $0xb8;
	[tilespmem:$0x1F480] =	vst v63  }
0x46b: {  	s30 =	simm.s32 $0x6C80;
	v63 =	vperm.xlane v18, v7;
	v19 =	vadd.s32 v4, v62  }
0x46c: {  	[tilespmem:s30], [sflag:$0x1] =	stream.indirect_vreg.gather [hbm4b:s14+s2], $0x80, v20, vm0, $0xb8;
	[tilespmem:$0x1F480] =	vst v63  }
0x46d: {  	v25 =	vperm.xlane v18, v8;
	v24 =	vadd.s32 v4, v63;
	s31 =	simm.s32 $0x6D00  }
0x46e: {  	[tilespmem:s31], [sflag:$0x1] =	stream.indirect_vreg.gather [hbm4b:s14+s2], $0x80, v21, vm0, $0xb8;
	[tilespmem:$0x1F480] =	vst v63  }
0x46f: {  	v27 =	vperm.xlane v18, v9;
	v26 =	vadd.s32 v4, v25;
	s30 =	simm.s32 $0x6D80  }
0x470: {  	[tilespmem:s30], [sflag:$0x1] =	stream.indirect_vreg.gather [hbm4b:s14+s2], $0x80, v19, vm0, $0xb8;
	[tilespmem:$0x1F480] =	vst v63  }
0x471: {  	v28 =	vperm.xlane v18, v1;
	s31 =	simm.s32 $0x6E00;
	v19 =	vadd.s32 v4, v27  }
0x472: {  	[tilespmem:s31], [sflag:$0x1] =	stream.indirect_vreg.gather [hbm4b:s14+s2], $0x80, v24, vm0, $0xb8;
	[tilespmem:$0x1F480] =	vst v63  }
0x473: {  	v30 =	vperm.xlane v18, v10;
	v29 =	vadd.s32 v4, v28;
	s30 =	simm.s32 $0x6E80  }
0x474: {  	[tilespmem:s30], [sflag:$0x1] =	stream.indirect_vreg.gather [hbm4b:s14+s2], $0x80, v26, vm0, $0xb8;
	[tilespmem:$0x1F480] =	vst v63  }
0x475: {  	v32 =	vperm.xlane v18, v11;
	v31 =	vadd.s32 v4, v30;
	s31 =	simm.s32 $0x6F00  }
0x476: {  	[tilespmem:s31], [sflag:$0x1] =	stream.indirect_vreg.gather [hbm4b:s14+s2], $0x80, v19, vm0, $0xb8;
	[tilespmem:$0x1F480] =	vst v63  }
0x477: {  	v33 =	vperm.xlane v18, v12;
	s30 =	simm.s32 $0x6F80;
	v19 =	vadd.s32 v4, v32  }
0x478: {  	[tilespmem:s30], [sflag:$0x1] =	stream.indirect_vreg.gather [hbm4b:s14+s2], $0x80, v29, vm0, $0xb8;
	[tilespmem:$0x1F480] =	vst v63  }
0x479: {  	v35 =	vperm.xlane v18, v13;
	v34 =	vadd.s32 v4, v33;
	s31 =	simm.s32 $0x7000  }
0x47a: {  	[tilespmem:s31], [sflag:$0x1] =	stream.indirect_vreg.gather [hbm4b:s14+s2], $0x80, v31, vm0, $0xb8;
	[tilespmem:$0x1F480] =	vst v63  }
0x47b: {  	v37 =	vperm.xlane v18, v14;
	v36 =	vadd.s32 v4, v35;
	s30 =	simm.s32 $0x7080  }
0x47c: {  	[tilespmem:s30], [sflag:$0x1] =	stream.indirect_vreg.gather [hbm4b:s14+s2], $0x80, v19, vm0, $0xb8;
	[tilespmem:$0x1F480] =	vst v63  }
0x47d: {  	v38 =	vperm.xlane v18, v15;
	s31 =	simm.s32 $0x7100;
	v19 =	vadd.s32 v4, v37  }
0x47e: {  	[tilespmem:s31], [sflag:$0x1] =	stream.indirect_vreg.gather [hbm4b:s14+s2], $0x80, v34, vm0, $0xb8;
	[tilespmem:$0x1F480] =	vst v63  }
0x47f: {  	v40 =	vperm.xlane v18, v16;
	v39 =	vadd.s32 v4, v38;
	s30 =	simm.s32 $0x7180  }
0x480: {  	[tilespmem:s30], [sflag:$0x1] =	stream.indirect_vreg.gather [hbm4b:s14+s2], $0x80, v36, vm0, $0xb8;
	[tilespmem:$0x1F480] =	vst v63  }
0x481: {  	v18 =	vperm.xlane v18, v17;
	v41 =	vadd.s32 v4, v40;
	s31 =	simm.s32 $0x7200  }
0x482: {  	[tilespmem:s31], [sflag:$0x1] =	stream.indirect_vreg.gather [hbm4b:s14+s2], $0x80, v19, vm0, $0xb8;
	[tilespmem:$0x1F480] =	vst v63  }
0x483: {  	v18 =	vadd.s32 v4, v18;
	s30 =	simm.s32 $0x7280  }
0x484: {  	[tilespmem:s30], [sflag:$0x1] =	stream.indirect_vreg.gather [hbm4b:s14+s2], $0x80, v39, vm0, $0xb8;
	[tilespmem:$0x1F480] =	vst v63  }
0x485: {  	s31 =	simm.s32 $0x7300  }
0x486: {  	[tilespmem:s31], [sflag:$0x1] =	stream.indirect_vreg.gather [hbm4b:s14+s2], $0x80, v41, vm0, $0xb8;
	[tilespmem:$0x1F480] =	vst v63  }
0x487: {  	s30 =	simm.s32 $0x7380  }
0x488: {  	[tilespmem:s30], [sflag:$0x1] =	stream.indirect_vreg.gather [hbm4b:s14+s2], $0x80, v18, vm0, $0xb8;
	[tilespmem:$0x1F480] =	vst v63  }
0x489: {  	v18 =	vld [tilespmem:s0+$0x70];
	_ =	sdelay $0x4  }
0x48a: {  	v19 =	vshll.u32 v18, $0x1  }
0x48b: {  	v18 =	vand.u32 $0x7, v18;
	v19 =	vand.u32 $0xFFFFFFF0, v19  }
0x48c: {  	v18 =	vor.u32 v18, v19  }
0x48d: {  	v19 =	vperm.xlane v18, v3;
	_ =	sdelay $0x1  }
0x48e: {  	v42 =	vperm.xlane v18, v2;
	v19 =	vadd.s32 v4, v19;
	_ =	sdelay $0x1  }
0x48f: {  	v43 =	vperm.xlane v18, v5;
	v20 =	vadd.s32 v4, v42;
	_ =	sdelay $0x1  }
0x490: {  	s31 =	simm.s32 $0x7400;
	v44 =	vperm.xlane v18, v6;
	v21 =	vadd.s32 v4, v43  }
0x491: {  	[tilespmem:s31], [sflag:$0x1] =	stream.indirect_vreg.gather [hbm4b:s14+s2], $0x80, v19, vm0, $0xb8;
	[tilespmem:$0x1F480] =	vst v63  }
0x492: {  	s29 =	simm.s32 $0x7480;
	v45 =	vperm.xlane v18, v7;
	v19 =	vadd.s32 v4, v44  }
0x493: {  	[tilespmem:s29], [sflag:$0x1] =	stream.indirect_vreg.gather [hbm4b:s14+s2], $0x80, v20, vm0, $0xb8;
	[tilespmem:$0x1F480] =	vst v63  }
0x494: {  	s30 =	simm.s32 $0x7500;
	v47 =	vperm.xlane v18, v8;
	v46 =	vadd.s32 v4, v45  }
0x495: {  	[tilespmem:s30], [sflag:$0x1] =	stream.indirect_vreg.gather [hbm4b:s14+s2], $0x80, v21, vm0, $0xb8;
	[tilespmem:$0x1F480] =	vst v63  }
0x496: {  	v49 =	vperm.xlane v18, v9;
	v48 =	vadd.s32 v4, v47;
	s31 =	simm.s32 $0x7580  }
0x497: {  	[tilespmem:s31], [sflag:$0x1] =	stream.indirect_vreg.gather [hbm4b:s14+s2], $0x80, v19, vm0, $0xb8;
	[tilespmem:$0x1F480] =	vst v63  }
0x498: {  	v50 =	vperm.xlane v18, v1;
	s29 =	simm.s32 $0x7600;
	v19 =	vadd.s32 v4, v49  }
0x499: {  	[tilespmem:s29], [sflag:$0x1] =	stream.indirect_vreg.gather [hbm4b:s14+s2], $0x80, v46, vm0, $0xb8;
	[tilespmem:$0x1F480] =	vst v63  }
0x49a: {  	v52 =	vperm.xlane v18, v10;
	v51 =	vadd.s32 v4, v50;
	s30 =	simm.s32 $0x7680  }
0x49b: {  	[tilespmem:s30], [sflag:$0x1] =	stream.indirect_vreg.gather [hbm4b:s14+s2], $0x80, v48, vm0, $0xb8;
	[tilespmem:$0x1F480] =	vst v63  }
0x49c: {  	v54 =	vperm.xlane v18, v11;
	v53 =	vadd.s32 v4, v52;
	s31 =	simm.s32 $0x7700  }
0x49d: {  	[tilespmem:s31], [sflag:$0x1] =	stream.indirect_vreg.gather [hbm4b:s14+s2], $0x80, v19, vm0, $0xb8;
	[tilespmem:$0x1F480] =	vst v63  }
0x49e: {  	v55 =	vperm.xlane v18, v12;
	s29 =	simm.s32 $0x7780;
	v19 =	vadd.s32 v4, v54  }
0x49f: {  	[tilespmem:s29], [sflag:$0x1] =	stream.indirect_vreg.gather [hbm4b:s14+s2], $0x80, v51, vm0, $0xb8;
	[tilespmem:$0x1F480] =	vst v63  }
0x4a0: {  	v57 =	vperm.xlane v18, v13;
	v56 =	vadd.s32 v4, v55;
	s30 =	simm.s32 $0x7800  }
0x4a1: {  	[tilespmem:s30], [sflag:$0x1] =	stream.indirect_vreg.gather [hbm4b:s14+s2], $0x80, v53, vm0, $0xb8;
	[tilespmem:$0x1F480] =	vst v63  }
0x4a2: {  	v59 =	vperm.xlane v18, v14;
	v58 =	vadd.s32 v4, v57;
	s31 =	simm.s32 $0x7880  }
0x4a3: {  	[tilespmem:s31], [sflag:$0x1] =	stream.indirect_vreg.gather [hbm4b:s14+s2], $0x80, v19, vm0, $0xb8;
	[tilespmem:$0x1F480] =	vst v63  }
0x4a4: {  	v60 =	vperm.xlane v18, v15;
	s29 =	simm.s32 $0x7900;
	v19 =	vadd.s32 v4, v59  }
0x4a5: {  	[tilespmem:s29], [sflag:$0x1] =	stream.indirect_vreg.gather [hbm4b:s14+s2], $0x80, v56, vm0, $0xb8;
	[tilespmem:$0x1F480] =	vst v63  }
0x4a6: {  	v62 =	vperm.xlane v18, v16;
	v61 =	vadd.s32 v4, v60;
	s30 =	simm.s32 $0x7980  }
0x4a7: {  	[tilespmem:s30], [sflag:$0x1] =	stream.indirect_vreg.gather [hbm4b:s14+s2], $0x80, v58, vm0, $0xb8;
	[tilespmem:$0x1F480] =	vst v63  }
0x4a8: {  	v18 =	vperm.xlane v18, v17;
	v63 =	vadd.s32 v4, v62;
	s31 =	simm.s32 $0x7A00  }
0x4a9: {  	[tilespmem:s31], [sflag:$0x1] =	stream.indirect_vreg.gather [hbm4b:s14+s2], $0x80, v19, vm0, $0xb8;
	[tilespmem:$0x1F480] =	vst v63  }
0x4aa: {  	v18 =	vadd.s32 v4, v18;
	s29 =	simm.s32 $0x7A80  }
0x4ab: {  	[tilespmem:s29], [sflag:$0x1] =	stream.indirect_vreg.gather [hbm4b:s14+s2], $0x80, v61, vm0, $0xb8;
	[tilespmem:$0x1F480] =	vst v63  }
0x4ac: {  	s30 =	simm.s32 $0x7B00  }
0x4ad: {  	[tilespmem:s30], [sflag:$0x1] =	stream.indirect_vreg.gather [hbm4b:s14+s2], $0x80, v63, vm0, $0xb8;
	[tilespmem:$0x1F480] =	vst v63  }
0x4ae: {  	s31 =	simm.s32 $0x7B80  }
0x4af: {  	[tilespmem:s31], [sflag:$0x1] =	stream.indirect_vreg.gather [hbm4b:s14+s2], $0x80, v18, vm0, $0xb8;
	[tilespmem:$0x1F480] =	vst v63  }
.LBB2_8:
0x4b0: {  	s0 =	sadd.s32 $0x2800, s28  }
0x4b1: {  	v18 =	vmov s0;
	_ =	sdelay $0x1  }
0x4b2: {  	s29 =	simm.s32 $0x0  }
.LBB2_9:
0x4b3: {  	s0 =	sshll.u32 s29, $0x4  }
0x4b4: {  	s31 =	sshll.u32 s29, $0xB;
	s0 =	sand.u32 $0x3FFFFFF0, s0  }
0x4b5: {  	v19 =	vld.idx.msk [tilespmem:v18+s0+$0x0 ss:$0x1], $0xffff;
	s0 =	sand.u32 $0x3FFFF800, s31  }
0x4b6: {  	v20 =	vld [tilespmem:s0+$0x7C00]  }
0x4b7: {  	v21 =	vld [tilespmem:s0+$0x7C10]  }
0x4b8: {  	v22 =	vld [tilespmem:s0+$0x7C20]  }
0x4b9: {  	v24 =	vld [tilespmem:s0+$0x7C30]  }
0x4ba: {  	v25 =	vld [tilespmem:s0+$0x7C40];
	v23 =	vperm.xlane v19, v3  }
0x4bb: {  	v26 =	vld [tilespmem:s0+$0x7C50]  }
0x4bc: {  	v27 =	vld [tilespmem:s0+$0x7C60];
	v20 =	vmul.f32 v20, v23  }
0x4bd: {  	v63 =	vld [tilespmem:s0+$0x7C70];
	v21 =	vmul.f32 v21, v23  }
0x4be: {  	v33 =	vld [tilespmem:s0+$0x7C80];
	[tilespmem:s0+$0x7C00] =	vst v20;
	v20 =	vmul.f32 v22, v23  }
0x4bf: {  	v34 =	vld [tilespmem:s0+$0x7C90];
	v32 =	vmul.f32 v24, v23;
	[tilespmem:s0+$0x7C10] =	vst v21  }
0x4c0: {  	v36 =	vld [tilespmem:s0+$0x7CA0];
	[tilespmem:s0+$0x7C20] =	vst v20;
	v20 =	vmul.f32 v25, v23  }
0x4c1: {  	v28 =	vld [tilespmem:s0+$0x7CB0];
	v35 =	vmul.f32 v26, v23;
	[tilespmem:s0+$0x7C30] =	vst v32  }
0x4c2: {  	v39 =	vld [tilespmem:s0+$0x7CC0];
	v37 =	vperm.xlane v19, v2;
	[tilespmem:s0+$0x7C40] =	vst v20;
	v20 =	vmul.f32 v27, v23  }
0x4c3: {  	v40 =	vld [tilespmem:s0+$0x7CD0];
	v38 =	vmul.f32 v63, v23;
	[tilespmem:s0+$0x7C50] =	vst v35  }
0x4c4: {  	v42 =	vld [tilespmem:s0+$0x7CE0];
	[tilespmem:s0+$0x7C60] =	vst v20;
	v20 =	vmul.f32 v33, v37  }
0x4c5: {  	v43 =	vld [tilespmem:s0+$0x7CF0];
	v41 =	vmul.f32 v34, v37;
	[tilespmem:s0+$0x7C70] =	vst v38  }
0x4c6: {  	v45 =	vld [tilespmem:s0+$0x7D00];
	[tilespmem:s0+$0x7C80] =	vst v20;
	v20 =	vmul.f32 v36, v37  }
0x4c7: {  	v46 =	vld [tilespmem:s0+$0x7D10];
	v44 =	vmul.f32 v28, v37;
	[tilespmem:s0+$0x7C90] =	vst v41  }
0x4c8: {  	v48 =	vld [tilespmem:s0+$0x7D20];
	[tilespmem:s0+$0x7CA0] =	vst v20;
	v20 =	vmul.f32 v39, v37  }
0x4c9: {  	v50 =	vld [tilespmem:s0+$0x7D30];
	v47 =	vmul.f32 v40, v37;
	[tilespmem:s0+$0x7CB0] =	vst v44  }
0x4ca: {  	v52 =	vld [tilespmem:s0+$0x7D40];
	v49 =	vperm.xlane v19, v5;
	[tilespmem:s0+$0x7CC0] =	vst v20;
	v20 =	vmul.f32 v42, v37  }
0x4cb: {  	v53 =	vld [tilespmem:s0+$0x7D50];
	v51 =	vmul.f32 v43, v37;
	[tilespmem:s0+$0x7CD0] =	vst v47  }
0x4cc: {  	v55 =	vld [tilespmem:s0+$0x7D60];
	[tilespmem:s0+$0x7CE0] =	vst v20;
	v20 =	vmul.f32 v45, v49  }
0x4cd: {  	v56 =	vld [tilespmem:s0+$0x7D70];
	v54 =	vmul.f32 v46, v49;
	[tilespmem:s0+$0x7CF0] =	vst v51  }
0x4ce: {  	v58 =	vld [tilespmem:s0+$0x7D80];
	[tilespmem:s0+$0x7D00] =	vst v20;
	v20 =	vmul.f32 v48, v49  }
0x4cf: {  	v59 =	vld [tilespmem:s0+$0x7D90];
	v57 =	vmul.f32 v50, v49;
	[tilespmem:s0+$0x7D10] =	vst v54  }
0x4d0: {  	v61 =	vld [tilespmem:s0+$0x7DA0];
	[tilespmem:s0+$0x7D20] =	vst v20;
	v20 =	vmul.f32 v52, v49  }
0x4d1: {  	v60 =	vmul.f32 v53, v49;
	v63 =	vld [tilespmem:s0+$0x7DB0];
	[tilespmem:s0+$0x7D30] =	vst v57  }
0x4d2: {  	v62 =	vperm.xlane v19, v6;
	v34 =	vld [tilespmem:s0+$0x7DD0];
	[tilespmem:s0+$0x7D40] =	vst v20;
	v20 =	vmul.f32 v55, v49  }
0x4d3: {  	[tilespmem:s0+$0x7D50] =	vst v60;
	v32 =	vmul.f32 v56, v49;
	v33 =	vld [tilespmem:s0+$0x7DC0]  }
0x4d4: {  	v40 =	vld [tilespmem:s0+$0x7E10];
	[tilespmem:s0+$0x7D60] =	vst v20;
	v20 =	vmul.f32 v58, v62  }
0x4d5: {  	v35 =	vmul.f32 v59, v62;
	[tilespmem:s0+$0x7D70] =	vst v32;
	v36 =	vld [tilespmem:s0+$0x7DE0]  }
0x4d6: {  	v44 =	vld [tilespmem:s0+$0x7E30];
	[tilespmem:s0+$0x7D80] =	vst v20;
	v20 =	vmul.f32 v61, v62  }
0x4d7: {  	[tilespmem:s0+$0x7D90] =	vst v35;
	v38 =	vmul.f32 v63, v62;
	v39 =	vld [tilespmem:s0+$0x7E00]  }
0x4d8: {  	v47 =	vld [tilespmem:s0+$0x7E50];
	[tilespmem:s0+$0x7DA0] =	vst v20;
	v20 =	vmul.f32 v33, v62  }
0x4d9: {  	v43 =	vperm.xlane v19, v7;
	v41 =	vmul.f32 v34, v62;
	[tilespmem:s0+$0x7DB0] =	vst v38;
	v42 =	vld [tilespmem:s0+$0x7E20]  }
0x4da: {  	v57 =	vld [tilespmem:s0+$0x7EB0];
	[tilespmem:s0+$0x7DC0] =	vst v20;
	v20 =	vmul.f32 v36, v62  }
0x4db: {  	v46 =	vld [tilespmem:s0+$0x7E40];
	[tilespmem:s0+$0x7DD0] =	vst v41;
	v51 =	vmul.f32 v44, v43  }
0x4dc: {  	v60 =	vld [tilespmem:s0+$0x7ED0];
	[tilespmem:s0+$0x7DE0] =	vst v20;
	v20 =	vmul.f32 v39, v43  }
0x4dd: {  	v56 =	vperm.xlane v19, v8;
	v54 =	vmul.f32 v47, v43;
	[tilespmem:s0+$0x7E30] =	vst v51;
	v49 =	vld [tilespmem:s0+$0x7E60]  }
0x4de: {  	v63 =	vld [tilespmem:s0+$0x7EF0];
	[tilespmem:s0+$0x7E00] =	vst v20;
	v20 =	vmul.f32 v42, v43  }
0x4df: {  	v31 =	vmul.f32 v57, v56;
	[tilespmem:s0+$0x7E50] =	vst v54;
	v52 =	vld [tilespmem:s0+$0x7E80]  }
0x4e0: {  	v37 =	vld [tilespmem:s0+$0x7DF0];
	[tilespmem:s0+$0x7E20] =	vst v20;
	v20 =	vmul.f32 v46, v43  }
0x4e1: {  	v34 =	vmul.f32 v60, v56;
	[tilespmem:s0+$0x7EB0] =	vst v31;
	v55 =	vld [tilespmem:s0+$0x7EA0]  }
0x4e2: {  	[tilespmem:s0+$0x7E40] =	vst v20;
	v20 =	vmul.f32 v49, v43  }
0x4e3: {  	v59 =	vld [tilespmem:s0+$0x7EC0];
	[tilespmem:s0+$0x7ED0] =	vst v34;
	v38 =	vmul.f32 v63, v56  }
0x4e4: {  	v50 =	vld [tilespmem:s0+$0x7E70];
	[tilespmem:s0+$0x7E60] =	vst v20;
	v20 =	vmul.f32 v52, v56  }
0x4e5: {  	[tilespmem:s0+$0x7EF0] =	vst v38;
	v48 =	vmul.f32 v40, v43;
	v45 =	vmul.f32 v37, v62;
	v62 =	vld [tilespmem:s0+$0x7EE0]  }
0x4e6: {  	v53 =	vld [tilespmem:s0+$0x7E90];
	[tilespmem:s0+$0x7E80] =	vst v20;
	v20 =	vmul.f32 v55, v56  }
0x4e7: {  	v32 =	vld [tilespmem:s0+$0x7F00];
	[tilespmem:s0+$0x7E10] =	vst v48  }
0x4e8: {  	v37 =	vld [tilespmem:s0+$0x7F30];
	[tilespmem:s0+$0x7EA0] =	vst v20;
	v20 =	vmul.f32 v59, v56  }
0x4e9: {  	v35 =	vld [tilespmem:s0+$0x7F20];
	[tilespmem:s0+$0x7DF0] =	vst v45;
	v58 =	vmul.f32 v50, v43  }
0x4ea: {  	v40 =	vld [tilespmem:s0+$0x7F50];
	v36 =	vperm.xlane v19, v9;
	[tilespmem:s0+$0x7EC0] =	vst v20;
	v20 =	vmul.f32 v62, v56  }
0x4eb: {  	[tilespmem:s0+$0x7E70] =	vst v58;
	v61 =	vmul.f32 v53, v56;
	v39 =	vld [tilespmem:s0+$0x7F40]  }
0x4ec: {  	v33 =	vld [tilespmem:s0+$0x7F10];
	[tilespmem:s0+$0x7EE0] =	vst v20;
	v20 =	vmul.f32 v32, v36  }
0x4ed: {  	[tilespmem:s0+$0x7E90] =	vst v61;
	v44 =	vmul.f32 v37, v36;
	v42 =	vld [tilespmem:s0+$0x7F60]  }
0x4ee: {  	v50 =	vld [tilespmem:s0+$0x7FB0];
	[tilespmem:s0+$0x7F00] =	vst v20;
	v20 =	vmul.f32 v35, v36  }
0x4ef: {  	v45 =	vld [tilespmem:s0+$0x7F80];
	v47 =	vmul.f32 v40, v36;
	[tilespmem:s0+$0x7F30] =	vst v44  }
0x4f0: {  	v53 =	vld [tilespmem:s0+$0x7FD0];
	[tilespmem:s0+$0x7F20] =	vst v20;
	v20 =	vmul.f32 v39, v36  }
0x4f1: {  	v48 =	vld [tilespmem:s0+$0x7FA0];
	v41 =	vmul.f32 v33, v36;
	[tilespmem:s0+$0x7F50] =	vst v47;
	v49 =	vperm.xlane v19, v1  }
0x4f2: {  	v46 =	vld [tilespmem:s0+$0x7F90];
	[tilespmem:s0+$0x7F40] =	vst v20;
	v20 =	vmul.f32 v42, v36  }
0x4f3: {  	[tilespmem:s0+$0x7F10] =	vst v41;
	v52 =	vld [tilespmem:s0+$0x7FC0];
	v57 =	vmul.f32 v50, v49  }
0x4f4: {  	v43 =	vld [tilespmem:s0+$0x7F70];
	[tilespmem:s0+$0x7F60] =	vst v20;
	v20 =	vmul.f32 v45, v49  }
0x4f5: {  	v60 =	vmul.f32 v53, v49;
	v55 =	vld [tilespmem:s0+$0x7FE0];
	[tilespmem:s0+$0x7FB0] =	vst v57  }
0x4f6: {  	v44 =	vld [tilespmem:s0+$0x80B0];
	[tilespmem:s0+$0x7F80] =	vst v20;
	v20 =	vmul.f32 v48, v49  }
0x4f7: {  	v58 =	vld [tilespmem:s0+$0x8000];
	v54 =	vmul.f32 v46, v49;
	[tilespmem:s0+$0x7FD0] =	vst v60  }
0x4f8: {  	v47 =	vld [tilespmem:s0+$0x80D0];
	[tilespmem:s0+$0x7FA0] =	vst v20;
	v20 =	vmul.f32 v52, v49  }
0x4f9: {  	v61 =	vld [tilespmem:s0+$0x8020];
	v51 =	vmul.f32 v43, v36;
	[tilespmem:s0+$0x7F90] =	vst v54;
	v43 =	vperm.xlane v19, v11  }
0x4fa: {  	v63 =	vld [tilespmem:s0+$0x8030];
	v62 =	vperm.xlane v19, v10;
	[tilespmem:s0+$0x7FC0] =	vst v20;
	v20 =	vmul.f32 v55, v49  }
0x4fb: {  	v33 =	vld [tilespmem:s0+$0x8040];
	[tilespmem:s0+$0x7F70] =	vst v51;
	v51 =	vmul.f32 v44, v43  }
0x4fc: {  	v34 =	vld [tilespmem:s0+$0x8050];
	[tilespmem:s0+$0x7FE0] =	vst v20;
	v20 =	vmul.f32 v58, v62  }
0x4fd: {  	v54 =	vmul.f32 v47, v43;
	[tilespmem:s0+$0x80B0] =	vst v51;
	v36 =	vld [tilespmem:s0+$0x8060]  }
0x4fe: {  	v59 =	vld [tilespmem:s0+$0x8010];
	[tilespmem:s0+$0x8000] =	vst v20;
	v20 =	vmul.f32 v61, v62  }
0x4ff: {  	[tilespmem:s0+$0x80D0] =	vst v54;
	v38 =	vmul.f32 v63, v62;
	v39 =	vld [tilespmem:s0+$0x8080]  }
0x500: {  	v56 =	vld [tilespmem:s0+$0x7FF0];
	[tilespmem:s0+$0x8020] =	vst v20;
	v20 =	vmul.f32 v33, v62  }
0x501: {  	v41 =	vmul.f32 v34, v62;
	[tilespmem:s0+$0x8030] =	vst v38;
	v42 =	vld [tilespmem:s0+$0x80A0]  }
0x502: {  	v57 =	vld [tilespmem:s0+$0x8130];
	[tilespmem:s0+$0x8040] =	vst v20;
	v20 =	vmul.f32 v36, v62  }
0x503: {  	v46 =	vld [tilespmem:s0+$0x80C0];
	v35 =	vmul.f32 v59, v62;
	[tilespmem:s0+$0x8050] =	vst v41  }
0x504: {  	v60 =	vld [tilespmem:s0+$0x8150];
	[tilespmem:s0+$0x8060] =	vst v20;
	v20 =	vmul.f32 v39, v43  }
0x505: {  	v32 =	vmul.f32 v56, v49;
	v56 =	vperm.xlane v19, v12;
	[tilespmem:s0+$0x8010] =	vst v35;
	v49 =	vld [tilespmem:s0+$0x80E0]  }
0x506: {  	v63 =	vld [tilespmem:s0+$0x8170];
	[tilespmem:s0+$0x8080] =	vst v20;
	v20 =	vmul.f32 v42, v43  }
0x507: {  	[tilespmem:s0+$0x7FF0] =	vst v32;
	v31 =	vmul.f32 v57, v56;
	v52 =	vld [tilespmem:s0+$0x8100]  }
0x508: {  	v37 =	vld [tilespmem:s0+$0x8070];
	[tilespmem:s0+$0x80A0] =	vst v20;
	v20 =	vmul.f32 v46, v43  }
0x509: {  	v34 =	vmul.f32 v60, v56;
	[tilespmem:s0+$0x8130] =	vst v31;
	v55 =	vld [tilespmem:s0+$0x8120]  }
0x50a: {  	v40 =	vld [tilespmem:s0+$0x8090];
	[tilespmem:s0+$0x80C0] =	vst v20;
	v20 =	vmul.f32 v49, v43  }
0x50b: {  	v59 =	vld [tilespmem:s0+$0x8140];
	v38 =	vmul.f32 v63, v56;
	[tilespmem:s0+$0x8150] =	vst v34  }
0x50c: {  	v50 =	vld [tilespmem:s0+$0x80F0];
	[tilespmem:s0+$0x80E0] =	vst v20;
	v20 =	vmul.f32 v52, v56  }
0x50d: {  	[tilespmem:s0+$0x8170] =	vst v38;
	v45 =	vmul.f32 v37, v62;
	v62 =	vld [tilespmem:s0+$0x8160]  }
0x50e: {  	v53 =	vld [tilespmem:s0+$0x8110];
	[tilespmem:s0+$0x8100] =	vst v20;
	v20 =	vmul.f32 v55, v56  }
0x50f: {  	v32 =	vld [tilespmem:s0+$0x8180];
	[tilespmem:s0+$0x8070] =	vst v45;
	v48 =	vmul.f32 v40, v43  }
0x510: {  	v37 =	vld [tilespmem:s0+$0x81B0];
	[tilespmem:s0+$0x8120] =	vst v20;
	v20 =	vmul.f32 v59, v56  }
0x511: {  	v35 =	vld [tilespmem:s0+$0x81A0];
	[tilespmem:s0+$0x8090] =	vst v48;
	v58 =	vmul.f32 v50, v43  }
0x512: {  	v40 =	vld [tilespmem:s0+$0x81D0];
	v36 =	vperm.xlane v19, v13;
	[tilespmem:s0+$0x8140] =	vst v20;
	v20 =	vmul.f32 v62, v56  }
0x513: {  	[tilespmem:s0+$0x80F0] =	vst v58;
	v61 =	vmul.f32 v53, v56;
	v39 =	vld [tilespmem:s0+$0x81C0]  }
0x514: {  	v33 =	vld [tilespmem:s0+$0x8190];
	[tilespmem:s0+$0x8160] =	vst v20;
	v20 =	vmul.f32 v32, v36  }
0x515: {  	[tilespmem:s0+$0x8110] =	vst v61;
	v44 =	vmul.f32 v37, v36;
	v42 =	vld [tilespmem:s0+$0x81E0]  }
0x516: {  	v50 =	vld [tilespmem:s0+$0x8230];
	[tilespmem:s0+$0x8180] =	vst v20;
	v20 =	vmul.f32 v35, v36  }
0x517: {  	v45 =	vld [tilespmem:s0+$0x8200];
	v47 =	vmul.f32 v40, v36;
	[tilespmem:s0+$0x81B0] =	vst v44  }
0x518: {  	v53 =	vld [tilespmem:s0+$0x8250];
	[tilespmem:s0+$0x81A0] =	vst v20;
	v20 =	vmul.f32 v39, v36  }
0x519: {  	v48 =	vld [tilespmem:s0+$0x8220];
	v41 =	vmul.f32 v33, v36;
	[tilespmem:s0+$0x81D0] =	vst v47;
	v49 =	vperm.xlane v19, v14  }
0x51a: {  	v46 =	vld [tilespmem:s0+$0x8210];
	[tilespmem:s0+$0x81C0] =	vst v20;
	v20 =	vmul.f32 v42, v36  }
0x51b: {  	[tilespmem:s0+$0x8190] =	vst v41;
	v52 =	vld [tilespmem:s0+$0x8240];
	v57 =	vmul.f32 v50, v49  }
0x51c: {  	v43 =	vld [tilespmem:s0+$0x81F0];
	[tilespmem:s0+$0x81E0] =	vst v20;
	v20 =	vmul.f32 v45, v49  }
0x51d: {  	v60 =	vmul.f32 v53, v49;
	v55 =	vld [tilespmem:s0+$0x8260];
	[tilespmem:s0+$0x8230] =	vst v57  }
0x51e: {  	v63 =	vld [tilespmem:s0+$0x82B0];
	[tilespmem:s0+$0x8200] =	vst v20;
	v20 =	vmul.f32 v48, v49  }
0x51f: {  	v58 =	vld [tilespmem:s0+$0x8280];
	v54 =	vmul.f32 v46, v49;
	[tilespmem:s0+$0x8250] =	vst v60  }
0x520: {  	v33 =	vld [tilespmem:s0+$0x82D0];
	[tilespmem:s0+$0x8220] =	vst v20;
	v20 =	vmul.f32 v52, v49  }
0x521: {  	v61 =	vld [tilespmem:s0+$0x82A0];
	v51 =	vmul.f32 v43, v36;
	[tilespmem:s0+$0x8210] =	vst v54;
	v62 =	vperm.xlane v19, v15  }
0x522: {  	v59 =	vld [tilespmem:s0+$0x8290];
	[tilespmem:s0+$0x8240] =	vst v20;
	v20 =	vmul.f32 v55, v49  }
0x523: {  	[tilespmem:s0+$0x81F0] =	vst v51;
	v32 =	vld [tilespmem:s0+$0x82C0];
	v37 =	vmul.f32 v63, v62  }
0x524: {  	v56 =	vld [tilespmem:s0+$0x8270];
	[tilespmem:s0+$0x8260] =	vst v20;
	v20 =	vmul.f32 v58, v62  }
0x525: {  	v40 =	vmul.f32 v33, v62;
	v35 =	vld [tilespmem:s0+$0x82E0];
	[tilespmem:s0+$0x82B0] =	vst v37  }
0x526: {  	v43 =	vld [tilespmem:s0+$0x8330];
	[tilespmem:s0+$0x8280] =	vst v20;
	v20 =	vmul.f32 v61, v62  }
0x527: {  	v38 =	vld [tilespmem:s0+$0x8300];
	v34 =	vmul.f32 v59, v62;
	[tilespmem:s0+$0x82D0] =	vst v40  }
0x528: {  	v46 =	vld [tilespmem:s0+$0x8350];
	[tilespmem:s0+$0x82A0] =	vst v20;
	v20 =	vmul.f32 v32, v62  }
0x529: {  	v41 =	vld [tilespmem:s0+$0x8320];
	v31 =	vmul.f32 v56, v49;
	[tilespmem:s0+$0x8290] =	vst v34;
	v42 =	vperm.xlane v19, v16  }
0x52a: {  	v39 =	vld [tilespmem:s0+$0x8310];
	[tilespmem:s0+$0x82C0] =	vst v20;
	v20 =	vmul.f32 v35, v62  }
0x52b: {  	[tilespmem:s0+$0x8270] =	vst v31;
	v45 =	vld [tilespmem:s0+$0x8340];
	v50 =	vmul.f32 v43, v42  }
0x52c: {  	v36 =	vld [tilespmem:s0+$0x82F0];
	[tilespmem:s0+$0x82E0] =	vst v20;
	v20 =	vmul.f32 v38, v42  }
0x52d: {  	v53 =	vmul.f32 v46, v42;
	v48 =	vld [tilespmem:s0+$0x8360];
	[tilespmem:s0+$0x8330] =	vst v50  }
0x52e: {  	v52 =	vld [tilespmem:s0+$0x8390];
	[tilespmem:s0+$0x8300] =	vst v20;
	v20 =	vmul.f32 v41, v42  }
0x52f: {  	v51 =	vld [tilespmem:s0+$0x8380];
	v47 =	vmul.f32 v39, v42;
	[tilespmem:s0+$0x8350] =	vst v53  }
0x530: {  	v49 =	vld [tilespmem:s0+$0x8370];
	[tilespmem:s0+$0x8320] =	vst v20;
	v20 =	vmul.f32 v45, v42  }
0x531: {  	v54 =	vld [tilespmem:s0+$0x83A0];
	v19 =	vperm.xlane v19, v17;
	v44 =	vmul.f32 v36, v62;
	[tilespmem:s0+$0x8310] =	vst v47  }
0x532: {  	v58 =	vld [tilespmem:s0+$0x83D0];
	[tilespmem:s0+$0x8340] =	vst v20;
	v20 =	vmul.f32 v48, v42  }
0x533: {  	v57 =	vld [tilespmem:s0+$0x83C0];
	[tilespmem:s0+$0x82F0] =	vst v44;
	v59 =	vmul.f32 v52, v19  }
0x534: {  	v55 =	vld [tilespmem:s0+$0x83B0];
	[tilespmem:s0+$0x8360] =	vst v20;
	v20 =	vmul.f32 v51, v19  }
0x535: {  	v60 =	vld [tilespmem:s0+$0x83E0];
	v56 =	vmul.f32 v49, v42;
	[tilespmem:s0+$0x8390] =	vst v59  }
0x536: {  	v61 =	vld [tilespmem:s0+$0x83F0];
	[tilespmem:s0+$0x8380] =	vst v20;
	v20 =	vmul.f32 v54, v19  }
0x537: {  	[tilespmem:s0+$0x8370] =	vst v56;
	v63 =	vmul.f32 v58, v19  }
0x538: {  	p1 =	sne.s32 s29, $0x7;
	[tilespmem:s0+$0x83A0] =	vst v20;
	v20 =	vmul.f32 v57, v19  }
.Ltmp3:
0x539: {  	v62 =	vmul.f32 v55, v19;
	[tilespmem:s0+$0x83D0] =	vst v63;
	(pc) =	sbr.rel @p1 .LBB2_9-.Ltmp3, $4  }
0x53a: {  	[tilespmem:s0+$0x83C0] =	vst v20;
	v20 =	vmul.f32 v60, v19  }
0x53b: {  	[tilespmem:s0+$0x83B0] =	vst v62;
	v19 =	vmul.f32 v61, v19  }
0x53c: {  	[tilespmem:s0+$0x83E0] =	vst v20  }
0x53d: {  	s29 =	sadd.s32 $0x1, s29;
	[tilespmem:s0+$0x83F0] =	vst v19  }
0x53e: {  	s26 =	sadd.s32 $0x1, s26  }
0x53f: {  	p1 =	sne.s32 s26, $0x28  }
.Ltmp4:
0x540: {  	_ = 	snop;
	(pc) =	sbr.rel @p1 .LBB2_4-.Ltmp4, $3  }
0x541: {  	_ =	sdelay $0x1  }
0x542: {  	s0 =	sadd.s32 $0x1400, s28  }
0x543: {  	[spmem:s1] =	stream.indirect.scatter.add.f32 [tilespmem:s22], [sflag:$0x2], $0x80, s0, s21, $0xb8;
	[tilespmem:$0x1F480] =	vst v63  }
0x544: {  	_ =	swait.ge [sflag:s7], $0x4000  }
0x545: {  	[sflag:s7] =	ssyncset.done $0x0  }
0x546: {  	[sflag:s7] =	ssyncadd.s32 $0xFFFFC000  }
0x547: {  	s0 =	stileid.u32;
	s25 =	simm.s32 $0x8;
	[bflag:$0x0] =	sbarrier.arrive $0xFFFF  }
0x548: {  	s26 =	simm.s32 $0x100;
	s0 =	sshll.u32 s0, $0x6;
	s28 =	rddreg [dreg:$0x5]  }
0x549: {  	s0 =	sor.u32 $0x1C03, s0;
	s13 =	rddreg [dreg:$0xe];
	s5 =	sshrl.u32 s28, $0x3  }
0x54a: {  	[hbm:s13@s26], [sflag:s0] =	dma.strided [spmem:s5@s21], $0x2700, s25, $0x10   }
0x54b: {  	s26 =	simm.s32 $0x3  }
0x54c: {  	_ =	swait.ge [sflag:s26], $0x2700  }
0x54d: {  	s13 =	simm.s32 @!p0 $0x8;
	s29 =	rddreg [dreg:$0xd]  }
0x54e: {  	s25 =	simm.s32 @!p0 $0x100;
	[sflag:s26] =	ssyncset.done $0x0;
	s30 =	rddreg [dreg:$0xf]  }
0x54f: {  	[sflag:s26] =	ssyncadd.s32 $0xFFFFD900;
	s5 =	sshrl.u32 @!p0 s29, $0x3;
	s26 =	simm.s32 @!p0 $0x80  }
0x550: {  	[hbm:s30@s25], [sflag:s0] =	dma.strided @!p0 [spmem:s5@s26], $0x100, s13, $0x10   }
0x551: {  	s0 =	simm.s32 @!p0 $0x3  }
0x552: {  	_ =	swait.ge @!p0 [sflag:s0], $0x100  }
0x553: {  	s30 =	rddreg [dreg:$0x11]  }
0x554: {  	s31 =	rddreg [dreg:$0x10];
	s30 =	sadd.s32 $0x1, s30  }
0x555: {  	p1 =	sne.s32 s30, s31  }
.Ltmp5:
0x556: {  	_ = 	snop;
	(pc) =	sbr.rel @p1 .LBB2_1-.Ltmp5, $3  }
0x557: {  	_ =	sdelay $0x1  }
0x558: {  	[sflag:s0] =	ssyncset.done @!p0 $0x0;
	s25 =	rddreg [dreg:$0x6]  }
0x559: {  	s13 =	simm.s32 $0x3;
	s26 =	rddreg [dreg:$0x7];
	[sflag:s0] =	ssyncadd.s32 @!p0 $0xFFFFFF00  }
0x55a: {  	_ =	sfence.sel $0x180000  }
0x55b: {  	[bflag:$0x0] =	sbarrier.arrive $0xFFFF  }
0x55c: {  	_ =	strace $0x90000047  }
0x55d: {  	[bflag:$0x2] =	sbarrier.arrive $0xFFFF  }
0x55e: {  	s0 =	rddreg [dreg:$0x3]  }
0x55f: {  	s0 =	sadd.s32 @!p0 $0x100000, s0  }
0x560: {  	[sflag:s0] =	ssyncadd.tile.s32 @!p0 $0x1;
	_ =	shalt  }
.Lfunc_end2:
_tile_overlayer_lowered:
.L_overlay_start_2:
0x561: {  	(tag) =	ssettag $0x2  }
0x562: {  	s0 =	rddreg [dreg:$0x0];
	s2 =	stileid.u32  }
0x563: {  	s1 =	rddreg [dreg:$0x1];
	p0 =	sne.s32 s2, $0x0  }
0x564: {  	s3 =	rddreg [dreg:$0x2];
	[bflag:$0x3] =	sbarrier.arrive $0xFFFF;
	s2 =	simm.s32 @!p0 $0x1C03  }
0x565: {  	[timem:s3], [sflag:s2] =	dma.local @!p0 [hbm:s0], s1  }
0x566: {  	s0 =	simm.s32 @!p0 $0x3  }
0x567: {  	_ =	swait.ge @!p0 [sflag:s0], s1  }
0x568: {  	s1 =	ssub.s32 @!p0 $0x0, s1;
	[sflag:s0] =	ssyncset.done @!p0 $0x0  }
0x569: {  	[sflag:s0] =	ssyncadd.s32 @!p0 s1  }
0x56a: {  	[bflag:$0x3] =	sbarrier.arrive $0xFFFF  }
0x56b: {  	_ =	shalt  }

</sc_bundles>
